<compile_context>
chip_gen: v7x
topology: tpu7x:2x2x1
jax: 0.10.2.dev20260603
libtpu: 0.0.44.dev20260713+nightly
codegen_flags: <defaults>
</compile_context>

<pallas_src>
import functools

import jax
import jax.numpy as jnp
from jax import lax
from jax.experimental import pallas as pl
from jax.experimental.pallas import tpu as pltpu
from jax.experimental.pallas import tpu_sc as plsc

F32 = jnp.float32

N = 10000
E = 320000
E_IN = 16
D_IN = 128
LAT = 16
D_OUT = 128

CH = 128
NCHUNK = E // CH
NP = 10240
KN = 2048
KE = 2560


def _dot(a, b):
    return lax.dot_general(a, b, (((1,), (0,)), ((), ())),
                           preferred_element_type=F32)


def _prep_body(nf_ref, wcat_ref, bcat_ref, t_ref):
    t_ref[...] = _dot(nf_ref[...], wcat_ref[...]) + bcat_ref[...]


def _emlp_body(ef_ref, g_ref, w1_ref, w2_ref, b2_ref, w3_ref,
               b3_ref, out_ref):
    h = jnp.maximum(_dot(ef_ref[...], w1_ref[...]) + g_ref[...], 0.0)
    h = jnp.maximum(_dot(h, w2_ref[...]) + b2_ref[...], 0.0)
    z = _dot(h, w3_ref[...]) + b3_ref[...]
    out_ref[...] = jax.nn.sigmoid(z)


def _emlp_b_body(na, ef_ref, g_ref, buf_ref, w1_ref, w2_ref, b2_ref, w3_ref,
                 b3_ref, out_ref):
    del na, buf_ref
    _emlp_body(ef_ref, g_ref, w1_ref, w2_ref, b2_ref, w3_ref, b3_ref, out_ref)


def _nmlp_body(nf_ref, ps0_ref, ps1_ref, pd0_ref, pd1_ref, w1t_ref, w1b_ref,
               b1_ref, w2_ref, b2_ref, w3_ref, b3_ref, out_ref):
    s = ps0_ref[...] + ps1_ref[...]
    d = pd0_ref[...] + pd1_ref[...]
    recip = lax.broadcast_in_dim(1.0 / jnp.maximum(d, 1.0), (KN, D_OUT), (0,))
    h_n = s * recip
    h = jnp.maximum(_dot(nf_ref[...], w1t_ref[...]) + _dot(h_n, w1b_ref[...])
                    + b1_ref[...], 0.0)
    h = jnp.maximum(_dot(h, w2_ref[...]) + b2_ref[...], 0.0)
    z = _dot(h, w3_ref[...]) + b3_ref[...]
    out_ref[...] = 1.0 / (1.0 + jnp.exp(-z))


def _gather_body(nc, nw, nfull, rem, c_base,
                 src_hbm, dst_hbm, t_hbm, g_hbm,
                 sv_all, dv_all, bs0, bd0, bs1, bd1, g0, g1,
                 sem_g0, sem_g1, sem_w0, sem_w1):
    assert nfull % 2 == 0
    sid = lax.axis_index("s")
    wid = sid * nc + lax.axis_index("c")
    extra = wid < rem
    c0 = wid * nfull + jnp.minimum(wid, rem)
    c0g = c_base + c0

    pltpu.sync_copy(src_hbm.at[pl.ds(c0g * CH, nfull * CH)],
                    sv_all.at[pl.ds(0, nfull * CH)])
    pltpu.sync_copy(dst_hbm.at[pl.ds(c0g * CH, nfull * CH)],
                    dv_all.at[pl.ds(0, nfull * CH)])

    @pl.when(extra)
    def _():
        pltpu.sync_copy(src_hbm.at[pl.ds((c0g + nfull) * CH, CH)],
                        sv_all.at[pl.ds(nfull * CH, CH)])
        pltpu.sync_copy(dst_hbm.at[pl.ds((c0g + nfull) * CH, CH)],
                        dv_all.at[pl.ds(nfull * CH, CH)])

    bufs = ((bs0, bd0, g0, sem_g0, sem_w0), (bs1, bd1, g1, sem_g1, sem_w1))

    def issue(jl, b):
        bs, bd, _, sem_g, _ = bufs[b]
        pltpu.async_copy(t_hbm.at[sv_all.at[pl.ds(CH * jl, CH)]], bs, sem_g)
        pltpu.async_copy(t_hbm.at[dv_all.at[pl.ds(CH * jl, CH)]], bd, sem_g)

    def wait_g(b):
        bs, bd, _, sem_g, _ = bufs[b]
        pltpu.make_async_copy(t_hbm.at[pl.ds(0, CH)], bs, sem_g).wait()
        pltpu.make_async_copy(t_hbm.at[pl.ds(0, CH)], bd, sem_g).wait()

    def extract(b):
        bs, bd, g, _, _ = bufs[b]

        def row(i0, c):
            for u in range(8):
                i = 8 * i0 + u
                g[i, :] = bs[i, pl.ds(0, LAT)] + bd[i, pl.ds(LAT, LAT)]
            return c

        lax.fori_loop(0, CH // 8, row, 0)

    def writeback(jl, b, p):
        _, _, g, _, sem_w = bufs[b]

        @pl.when(p > 0)
        def _():
            pltpu.make_async_copy(g_hbm.at[pl.ds(0, CH)], g, sem_w).wait()

        pltpu.async_copy(g, g_hbm.at[pl.ds(CH * (c0 + jl), CH)], sem_w)

    issue(0, 0)

    def pair(p, carry):
        j0 = 2 * p
        issue(j0 + 1, 1)
        wait_g(0)
        extract(0)
        writeback(j0, 0, p)
        issue(jnp.minimum(j0 + 2, nfull - 1), 0)
        wait_g(1)
        extract(1)
        writeback(j0 + 1, 1, p)
        return carry

    lax.fori_loop(0, nfull // 2, pair, 0)

    wait_g(0)
    pltpu.make_async_copy(g_hbm.at[pl.ds(0, CH)], g0, sem_w0).wait()
    pltpu.make_async_copy(g_hbm.at[pl.ds(0, CH)], g1, sem_w1).wait()

    @pl.when(extra)
    def _():
        issue(nfull, 0)
        wait_g(0)
        extract(0)
        pltpu.sync_copy(g0, g_hbm.at[pl.ds(CH * (c0 + nfull), CH)])


def _scatter_body(nc, nw, nfull, rem,
                  dst2d_hbm, eo_hbm, z2d_hbm, z1d_hbm, ones_hbm,
                  psum0_hbm, psum1_hbm, pdeg0_hbm, pdeg1_hbm,
                  sums_sp, deg_sp, iv, rb0, rb1, onesv, dzv,
                  sem_r0, sem_r1):
    assert nfull % 2 == 0
    cid = lax.axis_index("c")
    sid = lax.axis_index("s")
    wid = sid * nc + cid
    extra = wid < rem
    c0 = wid * nfull + jnp.minimum(wid, rem)

    for k in range(5):
        pltpu.sync_copy(z2d_hbm, sums_sp.at[pl.ds(640 * sid + 128 * k, 128)])

    pltpu.sync_copy(z1d_hbm, dzv)
    pltpu.sync_copy(dzv.at[pl.ds(0, 640)], deg_sp.at[pl.ds(640 * sid, 640)])

    pltpu.sync_copy(ones_hbm, onesv)
    plsc.subcore_barrier()

    bufs = ((rb0, sem_r0), (rb1, sem_r1))

    def issue(jl, b):
        rb, sem_r = bufs[b]
        pltpu.async_copy(dst2d_hbm.at[c0 + jl], iv.at[b], sem_r)
        pltpu.async_copy(eo_hbm.at[pl.ds(CH * (c0 + jl), CH)], rb, sem_r)

    def wait_r(b):
        rb, sem_r = bufs[b]
        pltpu.make_async_copy(dst2d_hbm.at[0], iv.at[b], sem_r).wait()
        pltpu.make_async_copy(eo_hbm.at[pl.ds(0, CH)], rb, sem_r).wait()

    def scat(b):
        rb, _ = bufs[b]
        pltpu.sync_copy(rb, sums_sp.at[iv.at[b]], add=True)
        pltpu.sync_copy(onesv, deg_sp.at[iv.at[b]], add=True)

    issue(0, 0)

    def pair(p, carry):
        j0 = 2 * p
        issue(j0 + 1, 1)
        wait_r(0)
        scat(0)
        issue(jnp.minimum(j0 + 2, nfull - 1), 0)
        wait_r(1)
        scat(1)
        return carry

    lax.fori_loop(0, nfull // 2, pair, 0)
    wait_r(0)

    @pl.when(extra)
    def _():
        issue(nfull, 0)
        wait_r(0)
        scat(0)

    plsc.subcore_barrier()

    @pl.when(sid < 10)
    def _():
        pltpu.sync_copy(deg_sp.at[pl.ds(1024 * sid, 1024)], dzv)

        @pl.when(cid == 0)
        def _():
            pltpu.sync_copy(sums_sp.at[pl.ds(1024 * sid, 1024)],
                            psum0_hbm.at[pl.ds(1024 * sid, 1024)])
            pltpu.sync_copy(dzv, pdeg0_hbm.at[pl.ds(1024 * sid, 1024)])

        @pl.when(cid == 1)
        def _():
            pltpu.sync_copy(sums_sp.at[pl.ds(1024 * sid, 1024)],
                            psum1_hbm.at[pl.ds(1024 * sid, 1024)])
            pltpu.sync_copy(dzv, pdeg1_hbm.at[pl.ds(1024 * sid, 1024)])


def kernel(n_feats, e_feats, edge_index, W1e, b1e, W2e, b2e, W3e, b3e,
           W1n, b1n, W2n, b2n, W3n, b3n):
    src = edge_index[0]
    dst = edge_index[1]

    wcat = jnp.concatenate(
        [W1e[E_IN:E_IN + D_IN], W1e[E_IN + D_IN:],
         jnp.zeros((D_IN, D_IN - 2 * LAT), F32)], axis=1)
    bcat = jnp.concatenate(
        [jnp.zeros((LAT,), F32), b1e,
         jnp.zeros((D_IN - 2 * LAT,), F32)]).reshape(1, D_IN)

    t_tab = pl.pallas_call(
        _prep_body,
        grid=(1,),
        in_specs=[
            pl.BlockSpec((N, D_IN), lambda i: (0, 0)),
            pl.BlockSpec((D_IN, D_IN), lambda i: (0, 0)),
            pl.BlockSpec((1, D_IN), lambda i: (0, 0)),
        ],
        out_specs=pl.BlockSpec((N, D_IN), lambda i: (0, 0)),
        out_shape=jax.ShapeDtypeStruct((N, D_IN), F32),
    )(n_feats, wcat, bcat)

    info = plsc.get_sparse_core_info()
    nc, ns = info.num_cores, info.num_subcores
    nw = nc * ns
    mesh = plsc.VectorSubcoreMesh(core_axis_name="c", subcore_axis_name="s")

    CA = 1280
    CB = NCHUNK - CA
    EA, EB = CA * CH, CB * CH

    def gather_call(nfull, rem, c_base, n_edges):
        return pl.kernel(
            functools.partial(_gather_body, nc, nw, nfull, rem, c_base),
            out_type=jax.ShapeDtypeStruct((n_edges, LAT), F32),
            mesh=mesh,
            scratch_types=[
                pltpu.VMEM(((nfull + 1) * CH,), jnp.int32),
                pltpu.VMEM(((nfull + 1) * CH,), jnp.int32),
                pltpu.VMEM((CH, D_IN), F32),
                pltpu.VMEM((CH, D_IN), F32),
                pltpu.VMEM((CH, D_IN), F32),
                pltpu.VMEM((CH, D_IN), F32),
                pltpu.VMEM((CH, LAT), F32),
                pltpu.VMEM((CH, LAT), F32),
                pltpu.SemaphoreType.DMA,
                pltpu.SemaphoreType.DMA,
                pltpu.SemaphoreType.DMA,
                pltpu.SemaphoreType.DMA,
            ],
        )(src, dst, t_tab)

    ga = gather_call(CA // nw, 0, 0, EA)
    gb = gather_call(CB // nw, CB % nw, CA, EB)

    emlp_weights = (W1e[:E_IN], W2e, b2e.reshape(1, LAT), W3e,
                    b3e.reshape(1, D_OUT))
    wspecs = [
        pl.BlockSpec((E_IN, LAT), lambda i: (0, 0)),
        pl.BlockSpec((LAT, LAT), lambda i: (0, 0)),
        pl.BlockSpec((1, LAT), lambda i: (0, 0)),
        pl.BlockSpec((LAT, D_OUT), lambda i: (0, 0)),
        pl.BlockSpec((1, D_OUT), lambda i: (0, 0)),
    ]

    e_buf = pl.pallas_call(
        _emlp_body,
        grid=(EA // KE,),
        in_specs=[
            pl.BlockSpec((KE, E_IN), lambda i: (i, 0)),
            pl.BlockSpec((KE, LAT), lambda i: (i, 0)),
        ] + wspecs,
        out_specs=pl.BlockSpec((KE, D_OUT), lambda i: (i, 0)),
        out_shape=jax.ShapeDtypeStruct((E, D_OUT), F32),
    )(e_feats, ga, *emlp_weights)

    na = EA // KE
    e_out = pl.pallas_call(
        functools.partial(_emlp_b_body, na),
        grid=(EB // KE,),
        in_specs=[
            pl.BlockSpec((KE, E_IN), lambda i, na=na: (i + na, 0)),
            pl.BlockSpec((KE, LAT), lambda i: (i, 0)),
            pl.BlockSpec((8, D_OUT), lambda i: (0, 0)),
        ] + wspecs,
        out_specs=pl.BlockSpec((KE, D_OUT), lambda i, na=na: (i + na, 0)),
        out_shape=jax.ShapeDtypeStruct((E, D_OUT), F32),
        input_output_aliases={2: 0},
    )(e_feats, gb, e_buf, *emlp_weights)

    dst2d = dst.reshape(NCHUNK, CH)
    nfull, rem = NCHUNK // nw, NCHUNK % nw
    z2d = jnp.zeros((CH, D_OUT), F32)
    z1d = jnp.zeros((1024,), F32)
    ones = jnp.ones((CH,), F32)

    psum0, psum1, pdeg0, pdeg1 = pl.kernel(
        functools.partial(_scatter_body, nc, nw, nfull, rem),
        out_type=[
            jax.ShapeDtypeStruct((NP, D_OUT), F32),
            jax.ShapeDtypeStruct((NP, D_OUT), F32),
            jax.ShapeDtypeStruct((NP,), F32),
            jax.ShapeDtypeStruct((NP,), F32),
        ],
        mesh=mesh,
        scratch_types=[
            pltpu.VMEM_SHARED((NP, D_OUT), F32),
            pltpu.VMEM_SHARED((NP,), F32),
            pltpu.VMEM((2, CH), jnp.int32),
            pltpu.VMEM((CH, D_OUT), F32),
            pltpu.VMEM((CH, D_OUT), F32),
            pltpu.VMEM((CH,), F32),
            pltpu.VMEM((1024,), F32),
            pltpu.SemaphoreType.DMA,
            pltpu.SemaphoreType.DMA,
        ],
    )(dst2d, e_out, z2d, z1d, ones)

    n_out = pl.pallas_call(
        _nmlp_body,
        grid=(NP // KN,),
        in_specs=[
            pl.BlockSpec((KN, D_IN), lambda i: (i, 0)),
            pl.BlockSpec((KN, D_OUT), lambda i: (i, 0)),
            pl.BlockSpec((KN, D_OUT), lambda i: (i, 0)),
            pl.BlockSpec((KN,), lambda i: (i,)),
            pl.BlockSpec((KN,), lambda i: (i,)),
            pl.BlockSpec((D_IN, LAT), lambda i: (0, 0)),
            pl.BlockSpec((D_OUT, LAT), lambda i: (0, 0)),
            pl.BlockSpec((1, LAT), lambda i: (0, 0)),
            pl.BlockSpec((LAT, LAT), lambda i: (0, 0)),
            pl.BlockSpec((1, LAT), lambda i: (0, 0)),
            pl.BlockSpec((LAT, D_OUT), lambda i: (0, 0)),
            pl.BlockSpec((1, D_OUT), lambda i: (0, 0)),
        ],
        out_specs=pl.BlockSpec((KN, D_OUT), lambda i: (i, 0)),
        out_shape=jax.ShapeDtypeStruct((N, D_OUT), F32),
    )(n_feats, psum0, psum1, pdeg0, pdeg1, W1n[:D_IN], W1n[D_IN:],
      b1n.reshape(1, LAT), W2n, b2n.reshape(1, LAT), W3n,
      b3n.reshape(1, D_OUT))

    return (n_out, e_out)

# --- scband reference (transcript-rebuilt; emitter-appended) ---
"""Pipeline reference for scband-gnblock-12309376270349 (READ-ONLY COPY).

The authoritative reference and input builder live on the scoring server;
editing this copy changes nothing except your own understanding.
"""

import jax, jax.numpy as jnp
import numpy as np

N = 10000
E = 320000
D_IN = 128
E_IN = 16
LATENT = 16
D_OUT = 128


def _mlp(x, W1, b1, W2, b2, W3, b3):
    # Sequential(Linear, ReLU, Linear, ReLU, Linear, Sigmoid)  (make_mlp with num_layers=1 default)
    h = jax.nn.relu(x @ W1 + b1)
    h = jax.nn.relu(h @ W2 + b2)
    return jax.nn.sigmoid(h @ W3 + b3)


def setup_inputs(seed: int = 0):
    key = jax.random.key(seed)
    ks = jax.random.split(key, 16)

    def w(k, shape):
        fan_in = shape[0]
        return (jax.random.normal(k, shape, dtype=jnp.float32) / np.sqrt(fan_in)).astype(jnp.float32)

    inp = {}
    inp["n_feats"] = jax.random.normal(ks[0], (N, D_IN), dtype=jnp.float32)
    inp["e_feats"] = jax.random.normal(ks[1], (E, E_IN), dtype=jnp.float32)
    inp["edge_index"] = jax.random.randint(ks[2], (2, E), 0, N, dtype=jnp.int32)
    # mlp_e: in = e_in + 2*n_in = 16 + 256 = 272 -> latent 16 -> latent 16 -> e_out 128
    inp["W1e"] = w(ks[3], (E_IN + 2 * D_IN, LATENT)); inp["b1e"] = jnp.zeros((LATENT,), jnp.float32)
    inp["W2e"] = w(ks[4], (LATENT, LATENT)); inp["b2e"] = jnp.zeros((LATENT,), jnp.float32)
    inp["W3e"] = w(ks[5], (LATENT, D_OUT)); inp["b3e"] = jnp.zeros((D_OUT,), jnp.float32)
    # mlp_n: in = n_in + e_out = 128 + 128 = 256 -> latent 16 -> latent 16 -> n_out 128
    inp["W1n"] = w(ks[6], (D_IN + D_OUT, LATENT)); inp["b1n"] = jnp.zeros((LATENT,), jnp.float32)
    inp["W2n"] = w(ks[7], (LATENT, LATENT)); inp["b2n"] = jnp.zeros((LATENT,), jnp.float32)
    inp["W3n"] = w(ks[8], (LATENT, D_OUT)); inp["b3n"] = jnp.zeros((D_OUT,), jnp.float32)
    return inp


def reference(n_feats, e_feats, edge_index, W1e, b1e, W2e, b2e, W3e, b3e,
              W1n, b1n, W2n, b2n, W3n, b3n):
    src = edge_index[0]
    dst = edge_index[1]
    # apply_edges: h_e' = mlp_e(cat[e.h, src.h, dst.h])
    eh = jnp.concatenate([e_feats, jnp.take(n_feats, src, axis=0), jnp.take(n_feats, dst, axis=0)], axis=1)
    e_out = _mlp(eh, W1e, b1e, W2e, b2e, W3e, b3e)
    # update_all: copy_edge + mean reduce by destination node (zero-degree nodes get 0)
    sums = jax.ops.segment_sum(e_out, dst, num_segments=N)
    deg = jax.ops.segment_sum(jnp.ones((e_out.shape[0], 1), jnp.float32), dst, num_segments=N)
    h_N = sums / jnp.maximum(deg, 1.0)
    # apply_nodes: h_n' = mlp_n(cat[n.h, h_N])
    nh = jnp.concatenate([n_feats, h_N], axis=1)
    n_out = _mlp(nh, W1n, b1n, W2n, b2n, W3n, b3n)
    return (n_out, e_out)

if __name__ == "__main__":
    import jax
    _d = setup_inputs()
    print(jax.jit(kernel)(*tuple(_d.values())))

</pallas_src>

<mosaic_0001>
#map = affine_map<(d0, d1) -> (0)>
#map1 = affine_map<(d0, d1) -> (0, 0)>
module attributes {stable_mosaic.version = 14 : i64} {
  func.func @_gather_body(%arg0: i32, %arg1: i32, %arg2: memref<320000xi32, #tpu.memory_space<hbm>>, %arg3: memref<320000xi32, #tpu.memory_space<hbm>>, %arg4: memref<10000x128xf32, #tpu.memory_space<hbm>>, %arg5: memref<163840x16xf32, #tpu.memory_space<hbm>>, %arg6: memref<5248xi32, #tpu.memory_space<vmem>>, %arg7: memref<5248xi32, #tpu.memory_space<vmem>>, %arg8: memref<128x128xf32, #tpu.memory_space<vmem>>, %arg9: memref<128x128xf32, #tpu.memory_space<vmem>>, %arg10: memref<128x128xf32, #tpu.memory_space<vmem>>, %arg11: memref<128x128xf32, #tpu.memory_space<vmem>>, %arg12: memref<128x16xf32, #tpu.memory_space<vmem>>, %arg13: memref<128x16xf32, #tpu.memory_space<vmem>>, %arg14: memref<!tpu.dma_semaphore, #tpu.memory_space<semaphore_mem>>, %arg15: memref<!tpu.dma_semaphore, #tpu.memory_space<semaphore_mem>>, %arg16: memref<!tpu.dma_semaphore, #tpu.memory_space<semaphore_mem>>, %arg17: memref<!tpu.dma_semaphore, #tpu.memory_space<semaphore_mem>>) attributes {dimension_semantics = [#tpu.dimension_semantics<core_parallel>, #tpu.dimension_semantics<subcore_parallel>], iteration_bounds = array<i64: 2, 16>, scalar_prefetch = 0 : i64, scratch_operands = 12 : i64, tpu.core_type = #tpu.core_type<sc_vector_subcore>, window_params = [{transform_indices = #map}, {transform_indices = #map}, {transform_indices = #map1}, {transform_indices = #map1}]} {
    %mul3A = arith.constant 2 : i32
    %mul3A_0 = arith.muli %arg1, %mul3A : i32
    %add3A = arith.addi %mul3A_0, %arg0 : i32
    %lt3A = arith.constant 0 : i32
    %lt3A_1 = arith.cmpi slt, %add3A, %lt3A : i32
    %mul3A_2 = arith.constant 40 : i32
    %mul3A_3 = arith.muli %add3A, %mul3A_2 : i32
    %min3A = arith.constant 0 : i32
    %min3A_4 = arith.minsi %add3A, %min3A : i32
    %add3A_5 = arith.addi %mul3A_3, %min3A_4 : i32
    %add3A_6 = arith.constant 0 : i32
    %add3A_7 = arith.addi %add3A_6, %add3A_5 : i32
    %mul3A_8 = arith.constant 128 : i32
    %mul3A_9 = arith.muli %add3A_7, %mul3A_8 : i32
    "tpu.region"() ({
      %run_scoped3A = tpu.sem_alloc : memref<!tpu.dma_semaphore, #tpu.memory_space<semaphore_mem>>
      %dma_start3A_53 = arith.constant 0 : i32
      %dma_start3A_54 = tpu.memref_slice %arg6[%dma_start3A_53] : memref<5248xi32, #tpu.memory_space<vmem>> -> memref<5120xi32, #tpu.memory_space<vmem>>
      %dma_start3A_55 = tpu.memref_slice %arg2[%mul3A_9] : memref<320000xi32, #tpu.memory_space<hbm>> -> memref<5120xi32, #tpu.memory_space<hbm>>
      %dma_start3A_56 = arith.constant 0 : i32
      %dma_start3A_57 = tpu.memref_slice %arg6[%dma_start3A_56] : memref<5248xi32, #tpu.memory_space<vmem>> -> memref<5120xi32, #tpu.memory_space<vmem>>
      %dma_start3A_58 = tpu.memref_slice %arg2[%mul3A_9] : memref<320000xi32, #tpu.memory_space<hbm>> -> memref<5120xi32, #tpu.memory_space<hbm>>
      tpu.enqueue_dma source(%dma_start3A_58 : memref<5120xi32, #tpu.memory_space<hbm>>) target(%dma_start3A_57 : memref<5120xi32, #tpu.memory_space<vmem>>) target_semaphore(%run_scoped3A : memref<!tpu.dma_semaphore, #tpu.memory_space<semaphore_mem>>)
      %dma_wait3A_59 = arith.constant 0 : i32
      %dma_wait3A_60 = tpu.memref_slice %arg6[%dma_wait3A_59] : memref<5248xi32, #tpu.memory_space<vmem>> -> memref<5120xi32, #tpu.memory_space<vmem>>
      %dma_wait3A_61 = tpu.memref_slice %arg2[%mul3A_9] : memref<320000xi32, #tpu.memory_space<hbm>> -> memref<5120xi32, #tpu.memory_space<hbm>>
      %dma_wait3A_62 = arith.constant 0 : i32
      %dma_wait3A_63 = tpu.memref_slice %arg6[%dma_wait3A_62] : memref<5248xi32, #tpu.memory_space<vmem>> -> memref<5120xi32, #tpu.memory_space<vmem>>
      %dma_wait3A_64 = tpu.memref_slice %arg2[%mul3A_9] : memref<320000xi32, #tpu.memory_space<hbm>> -> memref<5120xi32, #tpu.memory_space<hbm>>
      tpu.wait_dma2 semaphore(%run_scoped3A : memref<!tpu.dma_semaphore, #tpu.memory_space<semaphore_mem>>) src(%dma_wait3A_64 : memref<5120xi32, #tpu.memory_space<hbm>>) dst(%dma_wait3A_63 : memref<5120xi32, #tpu.memory_space<vmem>>)
      tpu.yield
    }) : () -> ()
    %mul3A_10 = arith.constant 128 : i32
    %mul3A_11 = arith.muli %add3A_7, %mul3A_10 : i32
    "tpu.region"() ({
      %run_scoped3A = tpu.sem_alloc : memref<!tpu.dma_semaphore, #tpu.memory_space<semaphore_mem>>
      %dma_start3A_53 = arith.constant 0 : i32
      %dma_start3A_54 = tpu.memref_slice %arg7[%dma_start3A_53] : memref<5248xi32, #tpu.memory_space<vmem>> -> memref<5120xi32, #tpu.memory_space<vmem>>
      %dma_start3A_55 = tpu.memref_slice %arg3[%mul3A_11] : memref<320000xi32, #tpu.memory_space<hbm>> -> memref<5120xi32, #tpu.memory_space<hbm>>
      %dma_start3A_56 = arith.constant 0 : i32
      %dma_start3A_57 = tpu.memref_slice %arg7[%dma_start3A_56] : memref<5248xi32, #tpu.memory_space<vmem>> -> memref<5120xi32, #tpu.memory_space<vmem>>
      %dma_start3A_58 = tpu.memref_slice %arg3[%mul3A_11] : memref<320000xi32, #tpu.memory_space<hbm>> -> memref<5120xi32, #tpu.memory_space<hbm>>
      tpu.enqueue_dma source(%dma_start3A_58 : memref<5120xi32, #tpu.memory_space<hbm>>) target(%dma_start3A_57 : memref<5120xi32, #tpu.memory_space<vmem>>) target_semaphore(%run_scoped3A : memref<!tpu.dma_semaphore, #tpu.memory_space<semaphore_mem>>)
      %dma_wait3A_59 = arith.constant 0 : i32
      %dma_wait3A_60 = tpu.memref_slice %arg7[%dma_wait3A_59] : memref<5248xi32, #tpu.memory_space<vmem>> -> memref<5120xi32, #tpu.memory_space<vmem>>
      %dma_wait3A_61 = tpu.memref_slice %arg3[%mul3A_11] : memref<320000xi32, #tpu.memory_space<hbm>> -> memref<5120xi32, #tpu.memory_space<hbm>>
      %dma_wait3A_62 = arith.constant 0 : i32
      %dma_wait3A_63 = tpu.memref_slice %arg7[%dma_wait3A_62] : memref<5248xi32, #tpu.memory_space<vmem>> -> memref<5120xi32, #tpu.memory_space<vmem>>
      %dma_wait3A_64 = tpu.memref_slice %arg3[%mul3A_11] : memref<320000xi32, #tpu.memory_space<hbm>> -> memref<5120xi32, #tpu.memory_space<hbm>>
      tpu.wait_dma2 semaphore(%run_scoped3A : memref<!tpu.dma_semaphore, #tpu.memory_space<semaphore_mem>>) src(%dma_wait3A_64 : memref<5120xi32, #tpu.memory_space<hbm>>) dst(%dma_wait3A_63 : memref<5120xi32, #tpu.memory_space<vmem>>)
      tpu.yield
    }) : () -> ()
    %convert_element_type3A = arith.extui %lt3A_1 : i1 to i32
    %cond3A = arith.constant 0 : i32
    %cond3A_12 = arith.cmpi ne, %convert_element_type3A, %cond3A : i32
    scf.if %cond3A_12 {
      %add3A_53 = arith.constant 40 : i32
      %add3A_54 = arith.addi %add3A_7, %add3A_53 : i32
      %mul3A_55 = arith.constant 128 : i32
      %mul3A_56 = arith.muli %add3A_54, %mul3A_55 : i32
      "tpu.region"() ({
        %run_scoped3A = tpu.sem_alloc : memref<!tpu.dma_semaphore, #tpu.memory_space<semaphore_mem>>
        %dma_start3A_61 = arith.constant 5120 : i32
        %dma_start3A_62 = tpu.memref_slice %arg6[%dma_start3A_61] : memref<5248xi32, #tpu.memory_space<vmem>> -> memref<128xi32, #tpu.memory_space<vmem>>
        %dma_start3A_63 = tpu.memref_slice %arg2[%mul3A_56] : memref<320000xi32, #tpu.memory_space<hbm>> -> memref<128xi32, #tpu.memory_space<hbm>>
        %dma_start3A_64 = arith.constant 5120 : i32
        %dma_start3A_65 = tpu.memref_slice %arg6[%dma_start3A_64] : memref<5248xi32, #tpu.memory_space<vmem>> -> memref<128xi32, #tpu.memory_space<vmem>>
        %dma_start3A_66 = tpu.memref_slice %arg2[%mul3A_56] : memref<320000xi32, #tpu.memory_space<hbm>> -> memref<128xi32, #tpu.memory_space<hbm>>
        tpu.enqueue_dma source(%dma_start3A_66 : memref<128xi32, #tpu.memory_space<hbm>>) target(%dma_start3A_65 : memref<128xi32, #tpu.memory_space<vmem>>) target_semaphore(%run_scoped3A : memref<!tpu.dma_semaphore, #tpu.memory_space<semaphore_mem>>)
        %dma_wait3A_67 = arith.constant 5120 : i32
        %dma_wait3A_68 = tpu.memref_slice %arg6[%dma_wait3A_67] : memref<5248xi32, #tpu.memory_space<vmem>> -> memref<128xi32, #tpu.memory_space<vmem>>
        %dma_wait3A_69 = tpu.memref_slice %arg2[%mul3A_56] : memref<320000xi32, #tpu.memory_space<hbm>> -> memref<128xi32, #tpu.memory_space<hbm>>
        %dma_wait3A_70 = arith.constant 5120 : i32
        %dma_wait3A_71 = tpu.memref_slice %arg6[%dma_wait3A_70] : memref<5248xi32, #tpu.memory_space<vmem>> -> memref<128xi32, #tpu.memory_space<vmem>>
        %dma_wait3A_72 = tpu.memref_slice %arg2[%mul3A_56] : memref<320000xi32, #tpu.memory_space<hbm>> -> memref<128xi32, #tpu.memory_space<hbm>>
        tpu.wait_dma2 semaphore(%run_scoped3A : memref<!tpu.dma_semaphore, #tpu.memory_space<semaphore_mem>>) src(%dma_wait3A_72 : memref<128xi32, #tpu.memory_space<hbm>>) dst(%dma_wait3A_71 : memref<128xi32, #tpu.memory_space<vmem>>)
        tpu.yield
      }) : () -> ()
      %add3A_57 = arith.constant 40 : i32
      %add3A_58 = arith.addi %add3A_7, %add3A_57 : i32
      %mul3A_59 = arith.constant 128 : i32
      %mul3A_60 = arith.muli %add3A_58, %mul3A_59 : i32
      "tpu.region"() ({
        %run_scoped3A = tpu.sem_alloc : memref<!tpu.dma_semaphore, #tpu.memory_space<semaphore_mem>>
        %dma_start3A_61 = arith.constant 5120 : i32
        %dma_start3A_62 = tpu.memref_slice %arg7[%dma_start3A_61] : memref<5248xi32, #tpu.memory_space<vmem>> -> memref<128xi32, #tpu.memory_space<vmem>>
        %dma_start3A_63 = tpu.memref_slice %arg3[%mul3A_60] : memref<320000xi32, #tpu.memory_space<hbm>> -> memref<128xi32, #tpu.memory_space<hbm>>
        %dma_start3A_64 = arith.constant 5120 : i32
        %dma_start3A_65 = tpu.memref_slice %arg7[%dma_start3A_64] : memref<5248xi32, #tpu.memory_space<vmem>> -> memref<128xi32, #tpu.memory_space<vmem>>
        %dma_start3A_66 = tpu.memref_slice %arg3[%mul3A_60] : memref<320000xi32, #tpu.memory_space<hbm>> -> memref<128xi32, #tpu.memory_space<hbm>>
        tpu.enqueue_dma source(%dma_start3A_66 : memref<128xi32, #tpu.memory_space<hbm>>) target(%dma_start3A_65 : memref<128xi32, #tpu.memory_space<vmem>>) target_semaphore(%run_scoped3A : memref<!tpu.dma_semaphore, #tpu.memory_space<semaphore_mem>>)
        %dma_wait3A_67 = arith.constant 5120 : i32
        %dma_wait3A_68 = tpu.memref_slice %arg7[%dma_wait3A_67] : memref<5248xi32, #tpu.memory_space<vmem>> -> memref<128xi32, #tpu.memory_space<vmem>>
        %dma_wait3A_69 = tpu.memref_slice %arg3[%mul3A_60] : memref<320000xi32, #tpu.memory_space<hbm>> -> memref<128xi32, #tpu.memory_space<hbm>>
        %dma_wait3A_70 = arith.constant 5120 : i32
        %dma_wait3A_71 = tpu.memref_slice %arg7[%dma_wait3A_70] : memref<5248xi32, #tpu.memory_space<vmem>> -> memref<128xi32, #tpu.memory_space<vmem>>
        %dma_wait3A_72 = tpu.memref_slice %arg3[%mul3A_60] : memref<320000xi32, #tpu.memory_space<hbm>> -> memref<128xi32, #tpu.memory_space<hbm>>
        tpu.wait_dma2 semaphore(%run_scoped3A : memref<!tpu.dma_semaphore, #tpu.memory_space<semaphore_mem>>) src(%dma_wait3A_72 : memref<128xi32, #tpu.memory_space<hbm>>) dst(%dma_wait3A_71 : memref<128xi32, #tpu.memory_space<vmem>>)
        tpu.yield
      }) : () -> ()
    } else {
    }
    %dma_start3A = arith.constant 0 : i32
    %dma_start3A_13 = tpu.memref_slice %arg6[%dma_start3A] : memref<5248xi32, #tpu.memory_space<vmem>> -> memref<128xi32, #tpu.memory_space<vmem>>
    %dma_start3A_14 = arith.constant 0 : i32
    %dma_start3A_15 = arith.constant 0 : i32
    %dma_start3A_16 = tpu.memref_slice %arg4[%dma_start3A_14, %dma_start3A_15] : memref<10000x128xf32, #tpu.memory_space<hbm>> -> memref<10000x128xf32, #tpu.memory_space<hbm>>
    tpu.enqueue_indirect_dma source(%dma_start3A_16 : memref<10000x128xf32, #tpu.memory_space<hbm>>) target(%arg8 : memref<128x128xf32, #tpu.memory_space<vmem>>) offsets(%dma_start3A_13 : memref<128xi32, #tpu.memory_space<vmem>>) semaphore(%arg14 : memref<!tpu.dma_semaphore, #tpu.memory_space<semaphore_mem>>)
    %dma_start3A_17 = arith.constant 0 : i32
    %dma_start3A_18 = tpu.memref_slice %arg7[%dma_start3A_17] : memref<5248xi32, #tpu.memory_space<vmem>> -> memref<128xi32, #tpu.memory_space<vmem>>
    %dma_start3A_19 = arith.constant 0 : i32
    %dma_start3A_20 = arith.constant 0 : i32
    %dma_start3A_21 = tpu.memref_slice %arg4[%dma_start3A_19, %dma_start3A_20] : memref<10000x128xf32, #tpu.memory_space<hbm>> -> memref<10000x128xf32, #tpu.memory_space<hbm>>
    tpu.enqueue_indirect_dma source(%dma_start3A_21 : memref<10000x128xf32, #tpu.memory_space<hbm>>) target(%arg9 : memref<128x128xf32, #tpu.memory_space<vmem>>) offsets(%dma_start3A_18 : memref<128xi32, #tpu.memory_space<vmem>>) semaphore(%arg14 : memref<!tpu.dma_semaphore, #tpu.memory_space<semaphore_mem>>)
    %scan3A = arith.constant 0 : i32
    %scan3A_22 = arith.constant 0 : i32
    %scan3A_23 = arith.constant 20 : i32
    %scan3A_24 = arith.addi %scan3A_22, %scan3A_23 : i32
    %scan3A_25 = arith.constant 1 : i32
    scf.for %scan3A_53 = %scan3A_22 to %scan3A_24 step %scan3A_25  : i32 {
      %mul3A_54 = arith.constant 2 : i32
      %mul3A_55 = arith.muli %mul3A_54, %scan3A_53 : i32
      %add3A_56 = arith.constant 1 : i32
      %add3A_57 = arith.addi %mul3A_55, %add3A_56 : i32
      %mul3A_58 = arith.constant 128 : i32
      %mul3A_59 = arith.muli %mul3A_58, %add3A_57 : i32
      %dma_start3A_60 = tpu.memref_slice %arg6[%mul3A_59] : memref<5248xi32, #tpu.memory_space<vmem>> -> memref<128xi32, #tpu.memory_space<vmem>>
      %dma_start3A_61 = arith.constant 0 : i32
      %dma_start3A_62 = arith.constant 0 : i32
      %dma_start3A_63 = tpu.memref_slice %arg4[%dma_start3A_61, %dma_start3A_62] : memref<10000x128xf32, #tpu.memory_space<hbm>> -> memref<10000x128xf32, #tpu.memory_space<hbm>>
      tpu.enqueue_indirect_dma source(%dma_start3A_63 : memref<10000x128xf32, #tpu.memory_space<hbm>>) target(%arg10 : memref<128x128xf32, #tpu.memory_space<vmem>>) offsets(%dma_start3A_60 : memref<128xi32, #tpu.memory_space<vmem>>) semaphore(%arg15 : memref<!tpu.dma_semaphore, #tpu.memory_space<semaphore_mem>>)
      %mul3A_64 = arith.constant 128 : i32
      %mul3A_65 = arith.muli %mul3A_64, %add3A_57 : i32
      %dma_start3A_66 = tpu.memref_slice %arg7[%mul3A_65] : memref<5248xi32, #tpu.memory_space<vmem>> -> memref<128xi32, #tpu.memory_space<vmem>>
      %dma_start3A_67 = arith.constant 0 : i32
      %dma_start3A_68 = arith.constant 0 : i32
      %dma_start3A_69 = tpu.memref_slice %arg4[%dma_start3A_67, %dma_start3A_68] : memref<10000x128xf32, #tpu.memory_space<hbm>> -> memref<10000x128xf32, #tpu.memory_space<hbm>>
      tpu.enqueue_indirect_dma source(%dma_start3A_69 : memref<10000x128xf32, #tpu.memory_space<hbm>>) target(%arg11 : memref<128x128xf32, #tpu.memory_space<vmem>>) offsets(%dma_start3A_66 : memref<128xi32, #tpu.memory_space<vmem>>) semaphore(%arg15 : memref<!tpu.dma_semaphore, #tpu.memory_space<semaphore_mem>>)
      %dma_wait3A_70 = arith.constant 0 : i32
      %dma_wait3A_71 = arith.constant 0 : i32
      %dma_wait3A_72 = tpu.memref_slice %arg4[%dma_wait3A_70, %dma_wait3A_71] : memref<10000x128xf32, #tpu.memory_space<hbm>> -> memref<128x128xf32, #tpu.memory_space<hbm>>
      %dma_wait3A_73 = arith.constant 0 : i32
      %dma_wait3A_74 = arith.constant 0 : i32
      %dma_wait3A_75 = tpu.memref_slice %arg4[%dma_wait3A_73, %dma_wait3A_74] : memref<10000x128xf32, #tpu.memory_space<hbm>> -> memref<128x128xf32, #tpu.memory_space<hbm>>
      tpu.wait_dma2 semaphore(%arg14 : memref<!tpu.dma_semaphore, #tpu.memory_space<semaphore_mem>>) src(%dma_wait3A_75 : memref<128x128xf32, #tpu.memory_space<hbm>>) dst(%arg8 : memref<128x128xf32, #tpu.memory_space<vmem>>)
      %dma_wait3A_76 = arith.constant 0 : i32
      %dma_wait3A_77 = arith.constant 0 : i32
      %dma_wait3A_78 = tpu.memref_slice %arg4[%dma_wait3A_76, %dma_wait3A_77] : memref<10000x128xf32, #tpu.memory_space<hbm>> -> memref<128x128xf32, #tpu.memory_space<hbm>>
      %dma_wait3A_79 = arith.constant 0 : i32
      %dma_wait3A_80 = arith.constant 0 : i32
      %dma_wait3A_81 = tpu.memref_slice %arg4[%dma_wait3A_79, %dma_wait3A_80] : memref<10000x128xf32, #tpu.memory_space<hbm>> -> memref<128x128xf32, #tpu.memory_space<hbm>>
      tpu.wait_dma2 semaphore(%arg14 : memref<!tpu.dma_semaphore, #tpu.memory_space<semaphore_mem>>) src(%dma_wait3A_81 : memref<128x128xf32, #tpu.memory_space<hbm>>) dst(%arg9 : memref<128x128xf32, #tpu.memory_space<vmem>>)
      %scan3A_82 = arith.constant 0 : i32
      %scan3A_83 = arith.constant 0 : i32
      %scan3A_84 = arith.constant 16 : i32
      %scan3A_85 = arith.addi %scan3A_83, %scan3A_84 : i32
      %scan3A_86 = arith.constant 1 : i32
      scf.for %scan3A_147 = %scan3A_83 to %scan3A_85 step %scan3A_86  : i32 {
        %mul3A_148 = arith.constant 8 : i32
        %mul3A_149 = arith.muli %mul3A_148, %scan3A_147 : i32
        %add3A_150 = arith.constant 0 : i32
        %add3A_151 = arith.addi %mul3A_149, %add3A_150 : i32
        %get3A = arith.index_cast %add3A_151 : i32 to index
        %get3A_152 = arith.constant 0 : index
        %get3A_153 = tpu.vector_load %arg8[%get3A, %get3A_152] {strides = array<i32>} : memref<128x128xf32, #tpu.memory_space<vmem>>, vector<1x16xf32>,
        %get3A_154 = vector.shape_cast %get3A_153 : vector<1x16xf32> to vector<16xf32>
        %get3A_155 = arith.index_cast %add3A_151 : i32 to index
        %get3A_156 = arith.constant 16 : index
        %get3A_157 = tpu.vector_load %arg9[%get3A_155, %get3A_156] {strides = array<i32>} : memref<128x128xf32, #tpu.memory_space<vmem>>, vector<1x16xf32>,
        %get3A_158 = vector.shape_cast %get3A_157 : vector<1x16xf32> to vector<16xf32>
        %add3A_159 = arith.addf %get3A_154, %get3A_158 : vector<16xf32>
        %swap3A = arith.index_cast %add3A_151 : i32 to index
        %swap3A_160 = arith.constant 0 : index
        %swap3A_161 = tpu.vector_load %arg12[%swap3A, %swap3A_160] {strides = array<i32>} : memref<128x16xf32, #tpu.memory_space<vmem>>, vector<1x16xf32>,
        %swap3A_162 = vector.shape_cast %swap3A_161 : vector<1x16xf32> to vector<16xf32>
        %swap3A_163 = vector.shape_cast %add3A_159 : vector<16xf32> to vector<1x16xf32>
        tpu.vector_store %arg12[%swap3A, %swap3A_160], %swap3A_163 {strides = array<i32>} : memref<128x16xf32, #tpu.memory_space<vmem>>, vector<1x16xf32>,
        %mul3A_164 = arith.constant 8 : i32
        %mul3A_165 = arith.muli %mul3A_164, %scan3A_147 : i32
        %add3A_166 = arith.constant 1 : i32
        %add3A_167 = arith.addi %mul3A_165, %add3A_166 : i32
        %get3A_168 = arith.index_cast %add3A_167 : i32 to index
        %get3A_169 = arith.constant 0 : index
        %get3A_170 = tpu.vector_load %arg8[%get3A_168, %get3A_169] {strides = array<i32>} : memref<128x128xf32, #tpu.memory_space<vmem>>, vector<1x16xf32>,
        %get3A_171 = vector.shape_cast %get3A_170 : vector<1x16xf32> to vector<16xf32>
        %get3A_172 = arith.index_cast %add3A_167 : i32 to index
        %get3A_173 = arith.constant 16 : index
        %get3A_174 = tpu.vector_load %arg9[%get3A_172, %get3A_173] {strides = array<i32>} : memref<128x128xf32, #tpu.memory_space<vmem>>, vector<1x16xf32>,
        %get3A_175 = vector.shape_cast %get3A_174 : vector<1x16xf32> to vector<16xf32>
        %add3A_176 = arith.addf %get3A_171, %get3A_175 : vector<16xf32>
        %swap3A_177 = arith.index_cast %add3A_167 : i32 to index
        %swap3A_178 = arith.constant 0 : index
        %swap3A_179 = tpu.vector_load %arg12[%swap3A_177, %swap3A_178] {strides = array<i32>} : memref<128x16xf32, #tpu.memory_space<vmem>>, vector<1x16xf32>,
        %swap3A_180 = vector.shape_cast %swap3A_179 : vector<1x16xf32> to vector<16xf32>
        %swap3A_181 = vector.shape_cast %add3A_176 : vector<16xf32> to vector<1x16xf32>
        tpu.vector_store %arg12[%swap3A_177, %swap3A_178], %swap3A_181 {strides = array<i32>} : memref<128x16xf32, #tpu.memory_space<vmem>>, vector<1x16xf32>,
        %mul3A_182 = arith.constant 8 : i32
        %mul3A_183 = arith.muli %mul3A_182, %scan3A_147 : i32
        %add3A_184 = arith.constant 2 : i32
        %add3A_185 = arith.addi %mul3A_183, %add3A_184 : i32
        %get3A_186 = arith.index_cast %add3A_185 : i32 to index
        %get3A_187 = arith.constant 0 : index
        %get3A_188 = tpu.vector_load %arg8[%get3A_186, %get3A_187] {strides = array<i32>} : memref<128x128xf32, #tpu.memory_space<vmem>>, vector<1x16xf32>,
        %get3A_189 = vector.shape_cast %get3A_188 : vector<1x16xf32> to vector<16xf32>
        %get3A_190 = arith.index_cast %add3A_185 : i32 to index
        %get3A_191 = arith.constant 16 : index
        %get3A_192 = tpu.vector_load %arg9[%get3A_190, %get3A_191] {strides = array<i32>} : memref<128x128xf32, #tpu.memory_space<vmem>>, vector<1x16xf32>,
        %get3A_193 = vector.shape_cast %get3A_192 : vector<1x16xf32> to vector<16xf32>
        %add3A_194 = arith.addf %get3A_189, %get3A_193 : vector<16xf32>
        %swap3A_195 = arith.index_cast %add3A_185 : i32 to index
        %swap3A_196 = arith.constant 0 : index
        %swap3A_197 = tpu.vector_load %arg12[%swap3A_195, %swap3A_196] {strides = array<i32>} : memref<128x16xf32, #tpu.memory_space<vmem>>, vector<1x16xf32>,
        %swap3A_198 = vector.shape_cast %swap3A_197 : vector<1x16xf32> to vector<16xf32>
        %swap3A_199 = vector.shape_cast %add3A_194 : vector<16xf32> to vector<1x16xf32>
        tpu.vector_store %arg12[%swap3A_195, %swap3A_196], %swap3A_199 {strides = array<i32>} : memref<128x16xf32, #tpu.memory_space<vmem>>, vector<1x16xf32>,
        %mul3A_200 = arith.constant 8 : i32
        %mul3A_201 = arith.muli %mul3A_200, %scan3A_147 : i32
        %add3A_202 = arith.constant 3 : i32
        %add3A_203 = arith.addi %mul3A_201, %add3A_202 : i32
        %get3A_204 = arith.index_cast %add3A_203 : i32 to index
        %get3A_205 = arith.constant 0 : index
        %get3A_206 = tpu.vector_load %arg8[%get3A_204, %get3A_205] {strides = array<i32>} : memref<128x128xf32, #tpu.memory_space<vmem>>, vector<1x16xf32>,
        %get3A_207 = vector.shape_cast %get3A_206 : vector<1x16xf32> to vector<16xf32>
        %get3A_208 = arith.index_cast %add3A_203 : i32 to index
        %get3A_209 = arith.constant 16 : index
        %get3A_210 = tpu.vector_load %arg9[%get3A_208, %get3A_209] {strides = array<i32>} : memref<128x128xf32, #tpu.memory_space<vmem>>, vector<1x16xf32>,
        %get3A_211 = vector.shape_cast %get3A_210 : vector<1x16xf32> to vector<16xf32>
        %add3A_212 = arith.addf %get3A_207, %get3A_211 : vector<16xf32>
        %swap3A_213 = arith.index_cast %add3A_203 : i32 to index
        %swap3A_214 = arith.constant 0 : index
        %swap3A_215 = tpu.vector_load %arg12[%swap3A_213, %swap3A_214] {strides = array<i32>} : memref<128x16xf32, #tpu.memory_space<vmem>>, vector<1x16xf32>,
        %swap3A_216 = vector.shape_cast %swap3A_215 : vector<1x16xf32> to vector<16xf32>
        %swap3A_217 = vector.shape_cast %add3A_212 : vector<16xf32> to vector<1x16xf32>
        tpu.vector_store %arg12[%swap3A_213, %swap3A_214], %swap3A_217 {strides = array<i32>} : memref<128x16xf32, #tpu.memory_space<vmem>>, vector<1x16xf32>,
        %mul3A_218 = arith.constant 8 : i32
        %mul3A_219 = arith.muli %mul3A_218, %scan3A_147 : i32
        %add3A_220 = arith.constant 4 : i32
        %add3A_221 = arith.addi %mul3A_219, %add3A_220 : i32
        %get3A_222 = arith.index_cast %add3A_221 : i32 to index
        %get3A_223 = arith.constant 0 : index
        %get3A_224 = tpu.vector_load %arg8[%get3A_222, %get3A_223] {strides = array<i32>} : memref<128x128xf32, #tpu.memory_space<vmem>>, vector<1x16xf32>,
        %get3A_225 = vector.shape_cast %get3A_224 : vector<1x16xf32> to vector<16xf32>
        %get3A_226 = arith.index_cast %add3A_221 : i32 to index
        %get3A_227 = arith.constant 16 : index
        %get3A_228 = tpu.vector_load %arg9[%get3A_226, %get3A_227] {strides = array<i32>} : memref<128x128xf32, #tpu.memory_space<vmem>>, vector<1x16xf32>,
        %get3A_229 = vector.shape_cast %get3A_228 : vector<1x16xf32> to vector<16xf32>
        %add3A_230 = arith.addf %get3A_225, %get3A_229 : vector<16xf32>
        %swap3A_231 = arith.index_cast %add3A_221 : i32 to index
        %swap3A_232 = arith.constant 0 : index
        %swap3A_233 = tpu.vector_load %arg12[%swap3A_231, %swap3A_232] {strides = array<i32>} : memref<128x16xf32, #tpu.memory_space<vmem>>, vector<1x16xf32>,
        %swap3A_234 = vector.shape_cast %swap3A_233 : vector<1x16xf32> to vector<16xf32>
        %swap3A_235 = vector.shape_cast %add3A_230 : vector<16xf32> to vector<1x16xf32>
        tpu.vector_store %arg12[%swap3A_231, %swap3A_232], %swap3A_235 {strides = array<i32>} : memref<128x16xf32, #tpu.memory_space<vmem>>, vector<1x16xf32>,
        %mul3A_236 = arith.constant 8 : i32
        %mul3A_237 = arith.muli %mul3A_236, %scan3A_147 : i32
        %add3A_238 = arith.constant 5 : i32
        %add3A_239 = arith.addi %mul3A_237, %add3A_238 : i32
        %get3A_240 = arith.index_cast %add3A_239 : i32 to index
        %get3A_241 = arith.constant 0 : index
        %get3A_242 = tpu.vector_load %arg8[%get3A_240, %get3A_241] {strides = array<i32>} : memref<128x128xf32, #tpu.memory_space<vmem>>, vector<1x16xf32>,
        %get3A_243 = vector.shape_cast %get3A_242 : vector<1x16xf32> to vector<16xf32>
        %get3A_244 = arith.index_cast %add3A_239 : i32 to index
        %get3A_245 = arith.constant 16 : index
        %get3A_246 = tpu.vector_load %arg9[%get3A_244, %get3A_245] {strides = array<i32>} : memref<128x128xf32, #tpu.memory_space<vmem>>, vector<1x16xf32>,
        %get3A_247 = vector.shape_cast %get3A_246 : vector<1x16xf32> to vector<16xf32>
        %add3A_248 = arith.addf %get3A_243, %get3A_247 : vector<16xf32>
        %swap3A_249 = arith.index_cast %add3A_239 : i32 to index
        %swap3A_250 = arith.constant 0 : index
        %swap3A_251 = tpu.vector_load %arg12[%swap3A_249, %swap3A_250] {strides = array<i32>} : memref<128x16xf32, #tpu.memory_space<vmem>>, vector<1x16xf32>,
        %swap3A_252 = vector.shape_cast %swap3A_251 : vector<1x16xf32> to vector<16xf32>
        %swap3A_253 = vector.shape_cast %add3A_248 : vector<16xf32> to vector<1x16xf32>
        tpu.vector_store %arg12[%swap3A_249, %swap3A_250], %swap3A_253 {strides = array<i32>} : memref<128x16xf32, #tpu.memory_space<vmem>>, vector<1x16xf32>,
        %mul3A_254 = arith.constant 8 : i32
        %mul3A_255 = arith.muli %mul3A_254, %scan3A_147 : i32
        %add3A_256 = arith.constant 6 : i32
        %add3A_257 = arith.addi %mul3A_255, %add3A_256 : i32
        %get3A_258 = arith.index_cast %add3A_257 : i32 to index
        %get3A_259 = arith.constant 0 : index
        %get3A_260 = tpu.vector_load %arg8[%get3A_258, %get3A_259] {strides = array<i32>} : memref<128x128xf32, #tpu.memory_space<vmem>>, vector<1x16xf32>,
        %get3A_261 = vector.shape_cast %get3A_260 : vector<1x16xf32> to vector<16xf32>
        %get3A_262 = arith.index_cast %add3A_257 : i32 to index
        %get3A_263 = arith.constant 16 : index
        %get3A_264 = tpu.vector_load %arg9[%get3A_262, %get3A_263] {strides = array<i32>} : memref<128x128xf32, #tpu.memory_space<vmem>>, vector<1x16xf32>,
        %get3A_265 = vector.shape_cast %get3A_264 : vector<1x16xf32> to vector<16xf32>
        %add3A_266 = arith.addf %get3A_261, %get3A_265 : vector<16xf32>
        %swap3A_267 = arith.index_cast %add3A_257 : i32 to index
        %swap3A_268 = arith.constant 0 : index
        %swap3A_269 = tpu.vector_load %arg12[%swap3A_267, %swap3A_268] {strides = array<i32>} : memref<128x16xf32, #tpu.memory_space<vmem>>, vector<1x16xf32>,
        %swap3A_270 = vector.shape_cast %swap3A_269 : vector<1x16xf32> to vector<16xf32>
        %swap3A_271 = vector.shape_cast %add3A_266 : vector<16xf32> to vector<1x16xf32>
        tpu.vector_store %arg12[%swap3A_267, %swap3A_268], %swap3A_271 {strides = array<i32>} : memref<128x16xf32, #tpu.memory_space<vmem>>, vector<1x16xf32>,
        %mul3A_272 = arith.constant 8 : i32
        %mul3A_273 = arith.muli %mul3A_272, %scan3A_147 : i32
        %add3A_274 = arith.constant 7 : i32
        %add3A_275 = arith.addi %mul3A_273, %add3A_274 : i32
        %get3A_276 = arith.index_cast %add3A_275 : i32 to index
        %get3A_277 = arith.constant 0 : index
        %get3A_278 = tpu.vector_load %arg8[%get3A_276, %get3A_277] {strides = array<i32>} : memref<128x128xf32, #tpu.memory_space<vmem>>, vector<1x16xf32>,
        %get3A_279 = vector.shape_cast %get3A_278 : vector<1x16xf32> to vector<16xf32>
        %get3A_280 = arith.index_cast %add3A_275 : i32 to index
        %get3A_281 = arith.constant 16 : index
        %get3A_282 = tpu.vector_load %arg9[%get3A_280, %get3A_281] {strides = array<i32>} : memref<128x128xf32, #tpu.memory_space<vmem>>, vector<1x16xf32>,
        %get3A_283 = vector.shape_cast %get3A_282 : vector<1x16xf32> to vector<16xf32>
        %add3A_284 = arith.addf %get3A_279, %get3A_283 : vector<16xf32>
        %swap3A_285 = arith.index_cast %add3A_275 : i32 to index
        %swap3A_286 = arith.constant 0 : index
        %swap3A_287 = tpu.vector_load %arg12[%swap3A_285, %swap3A_286] {strides = array<i32>} : memref<128x16xf32, #tpu.memory_space<vmem>>, vector<1x16xf32>,
        %swap3A_288 = vector.shape_cast %swap3A_287 : vector<1x16xf32> to vector<16xf32>
        %swap3A_289 = vector.shape_cast %add3A_284 : vector<16xf32> to vector<1x16xf32>
        tpu.vector_store %arg12[%swap3A_285, %swap3A_286], %swap3A_289 {strides = array<i32>} : memref<128x16xf32, #tpu.memory_space<vmem>>, vector<1x16xf32>,
      }
      %scan3A_87 = arith.constant 16 : i32
      %gt3A = arith.constant 0 : i32
      %gt3A_88 = arith.cmpi sgt, %scan3A_53, %gt3A : i32
      %convert_element_type3A_89 = arith.extui %gt3A_88 : i1 to i32
      %cond3A_90 = arith.constant 0 : i32
      %cond3A_91 = arith.cmpi ne, %convert_element_type3A_89, %cond3A_90 : i32
      scf.if %cond3A_91 {
        %dma_wait3A_147 = arith.constant 0 : i32
        %dma_wait3A_148 = arith.constant 0 : i32
        %dma_wait3A_149 = tpu.memref_slice %arg5[%dma_wait3A_147, %dma_wait3A_148] : memref<163840x16xf32, #tpu.memory_space<hbm>> -> memref<128x16xf32, #tpu.memory_space<hbm>>
        %dma_wait3A_150 = arith.constant 0 : i32
        %dma_wait3A_151 = arith.constant 0 : i32
        %dma_wait3A_152 = tpu.memref_slice %arg5[%dma_wait3A_150, %dma_wait3A_151] : memref<163840x16xf32, #tpu.memory_space<hbm>> -> memref<128x16xf32, #tpu.memory_space<hbm>>
        tpu.wait_dma2 semaphore(%arg16 : memref<!tpu.dma_semaphore, #tpu.memory_space<semaphore_mem>>) src(%dma_wait3A_152 : memref<128x16xf32, #tpu.memory_space<hbm>>) dst(%arg12 : memref<128x16xf32, #tpu.memory_space<vmem>>)
      } else {
      }
      %add3A_92 = arith.addi %add3A_5, %mul3A_55 : i32
      %mul3A_93 = arith.constant 128 : i32
      %mul3A_94 = arith.muli %mul3A_93, %add3A_92 : i32
      %dma_start3A_95 = arith.constant 0 : i32
      %dma_start3A_96 = tpu.memref_slice %arg5[%mul3A_94, %dma_start3A_95] : memref<163840x16xf32, #tpu.memory_space<hbm>> -> memref<128x16xf32, #tpu.memory_space<hbm>>
      %dma_start3A_97 = arith.constant 0 : i32
      %dma_start3A_98 = tpu.memref_slice %arg5[%mul3A_94, %dma_start3A_97] : memref<163840x16xf32, #tpu.memory_space<hbm>> -> memref<128x16xf32, #tpu.memory_space<hbm>>
      tpu.enqueue_dma source(%arg12 : memref<128x16xf32, #tpu.memory_space<vmem>>) target(%dma_start3A_98 : memref<128x16xf32, #tpu.memory_space<hbm>>) target_semaphore(%arg16 : memref<!tpu.dma_semaphore, #tpu.memory_space<semaphore_mem>>)
      %add3A_99 = arith.constant 2 : i32
      %add3A_100 = arith.addi %mul3A_55, %add3A_99 : i32
      %min3A_101 = arith.constant 39 : i32
      %min3A_102 = arith.minsi %add3A_100, %min3A_101 : i32
      %mul3A_103 = arith.constant 128 : i32
      %mul3A_104 = arith.muli %mul3A_103, %min3A_102 : i32
      %dma_start3A_105 = tpu.memref_slice %arg6[%mul3A_104] : memref<5248xi32, #tpu.memory_space<vmem>> -> memref<128xi32, #tpu.memory_space<vmem>>
      %dma_start3A_106 = arith.constant 0 : i32
      %dma_start3A_107 = arith.constant 0 : i32
      %dma_start3A_108 = tpu.memref_slice %arg4[%dma_start3A_106, %dma_start3A_107] : memref<10000x128xf32, #tpu.memory_space<hbm>> -> memref<10000x128xf32, #tpu.memory_space<hbm>>
      tpu.enqueue_indirect_dma source(%dma_start3A_108 : memref<10000x128xf32, #tpu.memory_space<hbm>>) target(%arg8 : memref<128x128xf32, #tpu.memory_space<vmem>>) offsets(%dma_start3A_105 : memref<128xi32, #tpu.memory_space<vmem>>) semaphore(%arg14 : memref<!tpu.dma_semaphore, #tpu.memory_space<semaphore_mem>>)
      %mul3A_109 = arith.constant 128 : i32
      %mul3A_110 = arith.muli %mul3A_109, %min3A_102 : i32
      %dma_start3A_111 = tpu.memref_slice %arg7[%mul3A_110] : memref<5248xi32, #tpu.memory_space<vmem>> -> memref<128xi32, #tpu.memory_space<vmem>>
      %dma_start3A_112 = arith.constant 0 : i32
      %dma_start3A_113 = arith.constant 0 : i32
      %dma_start3A_114 = tpu.memref_slice %arg4[%dma_start3A_112, %dma_start3A_113] : memref<10000x128xf32, #tpu.memory_space<hbm>> -> memref<10000x128xf32, #tpu.memory_space<hbm>>
      tpu.enqueue_indirect_dma source(%dma_start3A_114 : memref<10000x128xf32, #tpu.memory_space<hbm>>) target(%arg9 : memref<128x128xf32, #tpu.memory_space<vmem>>) offsets(%dma_start3A_111 : memref<128xi32, #tpu.memory_space<vmem>>) semaphore(%arg14 : memref<!tpu.dma_semaphore, #tpu.memory_space<semaphore_mem>>)
      %dma_wait3A_115 = arith.constant 0 : i32
      %dma_wait3A_116 = arith.constant 0 : i32
      %dma_wait3A_117 = tpu.memref_slice %arg4[%dma_wait3A_115, %dma_wait3A_116] : memref<10000x128xf32, #tpu.memory_space<hbm>> -> memref<128x128xf32, #tpu.memory_space<hbm>>
      %dma_wait3A_118 = arith.constant 0 : i32
      %dma_wait3A_119 = arith.constant 0 : i32
      %dma_wait3A_120 = tpu.memref_slice %arg4[%dma_wait3A_118, %dma_wait3A_119] : memref<10000x128xf32, #tpu.memory_space<hbm>> -> memref<128x128xf32, #tpu.memory_space<hbm>>
      tpu.wait_dma2 semaphore(%arg15 : memref<!tpu.dma_semaphore, #tpu.memory_space<semaphore_mem>>) src(%dma_wait3A_120 : memref<128x128xf32, #tpu.memory_space<hbm>>) dst(%arg10 : memref<128x128xf32, #tpu.memory_space<vmem>>)
      %dma_wait3A_121 = arith.constant 0 : i32
      %dma_wait3A_122 = arith.constant 0 : i32
      %dma_wait3A_123 = tpu.memref_slice %arg4[%dma_wait3A_121, %dma_wait3A_122] : memref<10000x128xf32, #tpu.memory_space<hbm>> -> memref<128x128xf32, #tpu.memory_space<hbm>>
      %dma_wait3A_124 = arith.constant 0 : i32
      %dma_wait3A_125 = arith.constant 0 : i32
      %dma_wait3A_126 = tpu.memref_slice %arg4[%dma_wait3A_124, %dma_wait3A_125] : memref<10000x128xf32, #tpu.memory_space<hbm>> -> memref<128x128xf32, #tpu.memory_space<hbm>>
      tpu.wait_dma2 semaphore(%arg15 : memref<!tpu.dma_semaphore, #tpu.memory_space<semaphore_mem>>) src(%dma_wait3A_126 : memref<128x128xf32, #tpu.memory_space<hbm>>) dst(%arg11 : memref<128x128xf32, #tpu.memory_space<vmem>>)
      %scan3A_127 = arith.constant 0 : i32
      %scan3A_128 = arith.constant 0 : i32
      %scan3A_129 = arith.constant 16 : i32
      %scan3A_130 = arith.addi %scan3A_128, %scan3A_129 : i32
      %scan3A_131 = arith.constant 1 : i32
      scf.for %scan3A_147 = %scan3A_128 to %scan3A_130 step %scan3A_131  : i32 {
        %mul3A_148 = arith.constant 8 : i32
        %mul3A_149 = arith.muli %mul3A_148, %scan3A_147 : i32
        %add3A_150 = arith.constant 0 : i32
        %add3A_151 = arith.addi %mul3A_149, %add3A_150 : i32
        %get3A = arith.index_cast %add3A_151 : i32 to index
        %get3A_152 = arith.constant 0 : index
        %get3A_153 = tpu.vector_load %arg10[%get3A, %get3A_152] {strides = array<i32>} : memref<128x128xf32, #tpu.memory_space<vmem>>, vector<1x16xf32>,
        %get3A_154 = vector.shape_cast %get3A_153 : vector<1x16xf32> to vector<16xf32>
        %get3A_155 = arith.index_cast %add3A_151 : i32 to index
        %get3A_156 = arith.constant 16 : index
        %get3A_157 = tpu.vector_load %arg11[%get3A_155, %get3A_156] {strides = array<i32>} : memref<128x128xf32, #tpu.memory_space<vmem>>, vector<1x16xf32>,
        %get3A_158 = vector.shape_cast %get3A_157 : vector<1x16xf32> to vector<16xf32>
        %add3A_159 = arith.addf %get3A_154, %get3A_158 : vector<16xf32>
        %swap3A = arith.index_cast %add3A_151 : i32 to index
        %swap3A_160 = arith.constant 0 : index
        %swap3A_161 = tpu.vector_load %arg13[%swap3A, %swap3A_160] {strides = array<i32>} : memref<128x16xf32, #tpu.memory_space<vmem>>, vector<1x16xf32>,
        %swap3A_162 = vector.shape_cast %swap3A_161 : vector<1x16xf32> to vector<16xf32>
        %swap3A_163 = vector.shape_cast %add3A_159 : vector<16xf32> to vector<1x16xf32>
        tpu.vector_store %arg13[%swap3A, %swap3A_160], %swap3A_163 {strides = array<i32>} : memref<128x16xf32, #tpu.memory_space<vmem>>, vector<1x16xf32>,
        %mul3A_164 = arith.constant 8 : i32
        %mul3A_165 = arith.muli %mul3A_164, %scan3A_147 : i32
        %add3A_166 = arith.constant 1 : i32
        %add3A_167 = arith.addi %mul3A_165, %add3A_166 : i32
        %get3A_168 = arith.index_cast %add3A_167 : i32 to index
        %get3A_169 = arith.constant 0 : index
        %get3A_170 = tpu.vector_load %arg10[%get3A_168, %get3A_169] {strides = array<i32>} : memref<128x128xf32, #tpu.memory_space<vmem>>, vector<1x16xf32>,
        %get3A_171 = vector.shape_cast %get3A_170 : vector<1x16xf32> to vector<16xf32>
        %get3A_172 = arith.index_cast %add3A_167 : i32 to index
        %get3A_173 = arith.constant 16 : index
        %get3A_174 = tpu.vector_load %arg11[%get3A_172, %get3A_173] {strides = array<i32>} : memref<128x128xf32, #tpu.memory_space<vmem>>, vector<1x16xf32>,
        %get3A_175 = vector.shape_cast %get3A_174 : vector<1x16xf32> to vector<16xf32>
        %add3A_176 = arith.addf %get3A_171, %get3A_175 : vector<16xf32>
        %swap3A_177 = arith.index_cast %add3A_167 : i32 to index
        %swap3A_178 = arith.constant 0 : index
        %swap3A_179 = tpu.vector_load %arg13[%swap3A_177, %swap3A_178] {strides = array<i32>} : memref<128x16xf32, #tpu.memory_space<vmem>>, vector<1x16xf32>,
        %swap3A_180 = vector.shape_cast %swap3A_179 : vector<1x16xf32> to vector<16xf32>
        %swap3A_181 = vector.shape_cast %add3A_176 : vector<16xf32> to vector<1x16xf32>
        tpu.vector_store %arg13[%swap3A_177, %swap3A_178], %swap3A_181 {strides = array<i32>} : memref<128x16xf32, #tpu.memory_space<vmem>>, vector<1x16xf32>,
        %mul3A_182 = arith.constant 8 : i32
        %mul3A_183 = arith.muli %mul3A_182, %scan3A_147 : i32
        %add3A_184 = arith.constant 2 : i32
        %add3A_185 = arith.addi %mul3A_183, %add3A_184 : i32
        %get3A_186 = arith.index_cast %add3A_185 : i32 to index
        %get3A_187 = arith.constant 0 : index
        %get3A_188 = tpu.vector_load %arg10[%get3A_186, %get3A_187] {strides = array<i32>} : memref<128x128xf32, #tpu.memory_space<vmem>>, vector<1x16xf32>,
        %get3A_189 = vector.shape_cast %get3A_188 : vector<1x16xf32> to vector<16xf32>
        %get3A_190 = arith.index_cast %add3A_185 : i32 to index
        %get3A_191 = arith.constant 16 : index
        %get3A_192 = tpu.vector_load %arg11[%get3A_190, %get3A_191] {strides = array<i32>} : memref<128x128xf32, #tpu.memory_space<vmem>>, vector<1x16xf32>,
        %get3A_193 = vector.shape_cast %get3A_192 : vector<1x16xf32> to vector<16xf32>
        %add3A_194 = arith.addf %get3A_189, %get3A_193 : vector<16xf32>
        %swap3A_195 = arith.index_cast %add3A_185 : i32 to index
        %swap3A_196 = arith.constant 0 : index
        %swap3A_197 = tpu.vector_load %arg13[%swap3A_195, %swap3A_196] {strides = array<i32>} : memref<128x16xf32, #tpu.memory_space<vmem>>, vector<1x16xf32>,
        %swap3A_198 = vector.shape_cast %swap3A_197 : vector<1x16xf32> to vector<16xf32>
        %swap3A_199 = vector.shape_cast %add3A_194 : vector<16xf32> to vector<1x16xf32>
        tpu.vector_store %arg13[%swap3A_195, %swap3A_196], %swap3A_199 {strides = array<i32>} : memref<128x16xf32, #tpu.memory_space<vmem>>, vector<1x16xf32>,
        %mul3A_200 = arith.constant 8 : i32
        %mul3A_201 = arith.muli %mul3A_200, %scan3A_147 : i32
        %add3A_202 = arith.constant 3 : i32
        %add3A_203 = arith.addi %mul3A_201, %add3A_202 : i32
        %get3A_204 = arith.index_cast %add3A_203 : i32 to index
        %get3A_205 = arith.constant 0 : index
        %get3A_206 = tpu.vector_load %arg10[%get3A_204, %get3A_205] {strides = array<i32>} : memref<128x128xf32, #tpu.memory_space<vmem>>, vector<1x16xf32>,
        %get3A_207 = vector.shape_cast %get3A_206 : vector<1x16xf32> to vector<16xf32>
        %get3A_208 = arith.index_cast %add3A_203 : i32 to index
        %get3A_209 = arith.constant 16 : index
        %get3A_210 = tpu.vector_load %arg11[%get3A_208, %get3A_209] {strides = array<i32>} : memref<128x128xf32, #tpu.memory_space<vmem>>, vector<1x16xf32>,
        %get3A_211 = vector.shape_cast %get3A_210 : vector<1x16xf32> to vector<16xf32>
        %add3A_212 = arith.addf %get3A_207, %get3A_211 : vector<16xf32>
        %swap3A_213 = arith.index_cast %add3A_203 : i32 to index
        %swap3A_214 = arith.constant 0 : index
        %swap3A_215 = tpu.vector_load %arg13[%swap3A_213, %swap3A_214] {strides = array<i32>} : memref<128x16xf32, #tpu.memory_space<vmem>>, vector<1x16xf32>,
        %swap3A_216 = vector.shape_cast %swap3A_215 : vector<1x16xf32> to vector<16xf32>
        %swap3A_217 = vector.shape_cast %add3A_212 : vector<16xf32> to vector<1x16xf32>
        tpu.vector_store %arg13[%swap3A_213, %swap3A_214], %swap3A_217 {strides = array<i32>} : memref<128x16xf32, #tpu.memory_space<vmem>>, vector<1x16xf32>,
        %mul3A_218 = arith.constant 8 : i32
        %mul3A_219 = arith.muli %mul3A_218, %scan3A_147 : i32
        %add3A_220 = arith.constant 4 : i32
        %add3A_221 = arith.addi %mul3A_219, %add3A_220 : i32
        %get3A_222 = arith.index_cast %add3A_221 : i32 to index
        %get3A_223 = arith.constant 0 : index
        %get3A_224 = tpu.vector_load %arg10[%get3A_222, %get3A_223] {strides = array<i32>} : memref<128x128xf32, #tpu.memory_space<vmem>>, vector<1x16xf32>,
        %get3A_225 = vector.shape_cast %get3A_224 : vector<1x16xf32> to vector<16xf32>
        %get3A_226 = arith.index_cast %add3A_221 : i32 to index
        %get3A_227 = arith.constant 16 : index
        %get3A_228 = tpu.vector_load %arg11[%get3A_226, %get3A_227] {strides = array<i32>} : memref<128x128xf32, #tpu.memory_space<vmem>>, vector<1x16xf32>,
        %get3A_229 = vector.shape_cast %get3A_228 : vector<1x16xf32> to vector<16xf32>
        %add3A_230 = arith.addf %get3A_225, %get3A_229 : vector<16xf32>
        %swap3A_231 = arith.index_cast %add3A_221 : i32 to index
        %swap3A_232 = arith.constant 0 : index
        %swap3A_233 = tpu.vector_load %arg13[%swap3A_231, %swap3A_232] {strides = array<i32>} : memref<128x16xf32, #tpu.memory_space<vmem>>, vector<1x16xf32>,
        %swap3A_234 = vector.shape_cast %swap3A_233 : vector<1x16xf32> to vector<16xf32>
        %swap3A_235 = vector.shape_cast %add3A_230 : vector<16xf32> to vector<1x16xf32>
        tpu.vector_store %arg13[%swap3A_231, %swap3A_232], %swap3A_235 {strides = array<i32>} : memref<128x16xf32, #tpu.memory_space<vmem>>, vector<1x16xf32>,
        %mul3A_236 = arith.constant 8 : i32
        %mul3A_237 = arith.muli %mul3A_236, %scan3A_147 : i32
        %add3A_238 = arith.constant 5 : i32
        %add3A_239 = arith.addi %mul3A_237, %add3A_238 : i32
        %get3A_240 = arith.index_cast %add3A_239 : i32 to index
        %get3A_241 = arith.constant 0 : index
        %get3A_242 = tpu.vector_load %arg10[%get3A_240, %get3A_241] {strides = array<i32>} : memref<128x128xf32, #tpu.memory_space<vmem>>, vector<1x16xf32>,
        %get3A_243 = vector.shape_cast %get3A_242 : vector<1x16xf32> to vector<16xf32>
        %get3A_244 = arith.index_cast %add3A_239 : i32 to index
        %get3A_245 = arith.constant 16 : index
        %get3A_246 = tpu.vector_load %arg11[%get3A_244, %get3A_245] {strides = array<i32>} : memref<128x128xf32, #tpu.memory_space<vmem>>, vector<1x16xf32>,
        %get3A_247 = vector.shape_cast %get3A_246 : vector<1x16xf32> to vector<16xf32>
        %add3A_248 = arith.addf %get3A_243, %get3A_247 : vector<16xf32>
        %swap3A_249 = arith.index_cast %add3A_239 : i32 to index
        %swap3A_250 = arith.constant 0 : index
        %swap3A_251 = tpu.vector_load %arg13[%swap3A_249, %swap3A_250] {strides = array<i32>} : memref<128x16xf32, #tpu.memory_space<vmem>>, vector<1x16xf32>,
        %swap3A_252 = vector.shape_cast %swap3A_251 : vector<1x16xf32> to vector<16xf32>
        %swap3A_253 = vector.shape_cast %add3A_248 : vector<16xf32> to vector<1x16xf32>
        tpu.vector_store %arg13[%swap3A_249, %swap3A_250], %swap3A_253 {strides = array<i32>} : memref<128x16xf32, #tpu.memory_space<vmem>>, vector<1x16xf32>,
        %mul3A_254 = arith.constant 8 : i32
        %mul3A_255 = arith.muli %mul3A_254, %scan3A_147 : i32
        %add3A_256 = arith.constant 6 : i32
        %add3A_257 = arith.addi %mul3A_255, %add3A_256 : i32
        %get3A_258 = arith.index_cast %add3A_257 : i32 to index
        %get3A_259 = arith.constant 0 : index
        %get3A_260 = tpu.vector_load %arg10[%get3A_258, %get3A_259] {strides = array<i32>} : memref<128x128xf32, #tpu.memory_space<vmem>>, vector<1x16xf32>,
        %get3A_261 = vector.shape_cast %get3A_260 : vector<1x16xf32> to vector<16xf32>
        %get3A_262 = arith.index_cast %add3A_257 : i32 to index
        %get3A_263 = arith.constant 16 : index
        %get3A_264 = tpu.vector_load %arg11[%get3A_262, %get3A_263] {strides = array<i32>} : memref<128x128xf32, #tpu.memory_space<vmem>>, vector<1x16xf32>,
        %get3A_265 = vector.shape_cast %get3A_264 : vector<1x16xf32> to vector<16xf32>
        %add3A_266 = arith.addf %get3A_261, %get3A_265 : vector<16xf32>
        %swap3A_267 = arith.index_cast %add3A_257 : i32 to index
        %swap3A_268 = arith.constant 0 : index
        %swap3A_269 = tpu.vector_load %arg13[%swap3A_267, %swap3A_268] {strides = array<i32>} : memref<128x16xf32, #tpu.memory_space<vmem>>, vector<1x16xf32>,
        %swap3A_270 = vector.shape_cast %swap3A_269 : vector<1x16xf32> to vector<16xf32>
        %swap3A_271 = vector.shape_cast %add3A_266 : vector<16xf32> to vector<1x16xf32>
        tpu.vector_store %arg13[%swap3A_267, %swap3A_268], %swap3A_271 {strides = array<i32>} : memref<128x16xf32, #tpu.memory_space<vmem>>, vector<1x16xf32>,
        %mul3A_272 = arith.constant 8 : i32
        %mul3A_273 = arith.muli %mul3A_272, %scan3A_147 : i32
        %add3A_274 = arith.constant 7 : i32
        %add3A_275 = arith.addi %mul3A_273, %add3A_274 : i32
        %get3A_276 = arith.index_cast %add3A_275 : i32 to index
        %get3A_277 = arith.constant 0 : index
        %get3A_278 = tpu.vector_load %arg10[%get3A_276, %get3A_277] {strides = array<i32>} : memref<128x128xf32, #tpu.memory_space<vmem>>, vector<1x16xf32>,
        %get3A_279 = vector.shape_cast %get3A_278 : vector<1x16xf32> to vector<16xf32>
        %get3A_280 = arith.index_cast %add3A_275 : i32 to index
        %get3A_281 = arith.constant 16 : index
        %get3A_282 = tpu.vector_load %arg11[%get3A_280, %get3A_281] {strides = array<i32>} : memref<128x128xf32, #tpu.memory_space<vmem>>, vector<1x16xf32>,
        %get3A_283 = vector.shape_cast %get3A_282 : vector<1x16xf32> to vector<16xf32>
        %add3A_284 = arith.addf %get3A_279, %get3A_283 : vector<16xf32>
        %swap3A_285 = arith.index_cast %add3A_275 : i32 to index
        %swap3A_286 = arith.constant 0 : index
        %swap3A_287 = tpu.vector_load %arg13[%swap3A_285, %swap3A_286] {strides = array<i32>} : memref<128x16xf32, #tpu.memory_space<vmem>>, vector<1x16xf32>,
        %swap3A_288 = vector.shape_cast %swap3A_287 : vector<1x16xf32> to vector<16xf32>
        %swap3A_289 = vector.shape_cast %add3A_284 : vector<16xf32> to vector<1x16xf32>
        tpu.vector_store %arg13[%swap3A_285, %swap3A_286], %swap3A_289 {strides = array<i32>} : memref<128x16xf32, #tpu.memory_space<vmem>>, vector<1x16xf32>,
      }
      %scan3A_132 = arith.constant 16 : i32
      %add3A_133 = arith.constant 1 : i32
      %add3A_134 = arith.addi %mul3A_55, %add3A_133 : i32
      %gt3A_135 = arith.constant 0 : i32
      %gt3A_136 = arith.cmpi sgt, %scan3A_53, %gt3A_135 : i32
      %convert_element_type3A_137 = arith.extui %gt3A_136 : i1 to i32
      %cond3A_138 = arith.constant 0 : i32
      %cond3A_139 = arith.cmpi ne, %convert_element_type3A_137, %cond3A_138 : i32
      scf.if %cond3A_139 {
        %dma_wait3A_147 = arith.constant 0 : i32
        %dma_wait3A_148 = arith.constant 0 : i32
        %dma_wait3A_149 = tpu.memref_slice %arg5[%dma_wait3A_147, %dma_wait3A_148] : memref<163840x16xf32, #tpu.memory_space<hbm>> -> memref<128x16xf32, #tpu.memory_space<hbm>>
        %dma_wait3A_150 = arith.constant 0 : i32
        %dma_wait3A_151 = arith.constant 0 : i32
        %dma_wait3A_152 = tpu.memref_slice %arg5[%dma_wait3A_150, %dma_wait3A_151] : memref<163840x16xf32, #tpu.memory_space<hbm>> -> memref<128x16xf32, #tpu.memory_space<hbm>>
        tpu.wait_dma2 semaphore(%arg17 : memref<!tpu.dma_semaphore, #tpu.memory_space<semaphore_mem>>) src(%dma_wait3A_152 : memref<128x16xf32, #tpu.memory_space<hbm>>) dst(%arg13 : memref<128x16xf32, #tpu.memory_space<vmem>>)
      } else {
      }
      %add3A_140 = arith.addi %add3A_5, %add3A_134 : i32
      %mul3A_141 = arith.constant 128 : i32
      %mul3A_142 = arith.muli %mul3A_141, %add3A_140 : i32
      %dma_start3A_143 = arith.constant 0 : i32
      %dma_start3A_144 = tpu.memref_slice %arg5[%mul3A_142, %dma_start3A_143] : memref<163840x16xf32, #tpu.memory_space<hbm>> -> memref<128x16xf32, #tpu.memory_space<hbm>>
      %dma_start3A_145 = arith.constant 0 : i32
      %dma_start3A_146 = tpu.memref_slice %arg5[%mul3A_142, %dma_start3A_145] : memref<163840x16xf32, #tpu.memory_space<hbm>> -> memref<128x16xf32, #tpu.memory_space<hbm>>
      tpu.enqueue_dma source(%arg13 : memref<128x16xf32, #tpu.memory_space<vmem>>) target(%dma_start3A_146 : memref<128x16xf32, #tpu.memory_space<hbm>>) target_semaphore(%arg17 : memref<!tpu.dma_semaphore, #tpu.memory_space<semaphore_mem>>)
    }
    %scan3A_26 = arith.constant 20 : i32
    %dma_wait3A = arith.constant 0 : i32
    %dma_wait3A_27 = arith.constant 0 : i32
    %dma_wait3A_28 = tpu.memref_slice %arg4[%dma_wait3A, %dma_wait3A_27] : memref<10000x128xf32, #tpu.memory_space<hbm>> -> memref<128x128xf32, #tpu.memory_space<hbm>>
    %dma_wait3A_29 = arith.constant 0 : i32
    %dma_wait3A_30 = arith.constant 0 : i32
    %dma_wait3A_31 = tpu.memref_slice %arg4[%dma_wait3A_29, %dma_wait3A_30] : memref<10000x128xf32, #tpu.memory_space<hbm>> -> memref<128x128xf32, #tpu.memory_space<hbm>>
    tpu.wait_dma2 semaphore(%arg14 : memref<!tpu.dma_semaphore, #tpu.memory_space<semaphore_mem>>) src(%dma_wait3A_31 : memref<128x128xf32, #tpu.memory_space<hbm>>) dst(%arg8 : memref<128x128xf32, #tpu.memory_space<vmem>>)
    %dma_wait3A_32 = arith.constant 0 : i32
    %dma_wait3A_33 = arith.constant 0 : i32
    %dma_wait3A_34 = tpu.memref_slice %arg4[%dma_wait3A_32, %dma_wait3A_33] : memref<10000x128xf32, #tpu.memory_space<hbm>> -> memref<128x128xf32, #tpu.memory_space<hbm>>
    %dma_wait3A_35 = arith.constant 0 : i32
    %dma_wait3A_36 = arith.constant 0 : i32
    %dma_wait3A_37 = tpu.memref_slice %arg4[%dma_wait3A_35, %dma_wait3A_36] : memref<10000x128xf32, #tpu.memory_space<hbm>> -> memref<128x128xf32, #tpu.memory_space<hbm>>
    tpu.wait_dma2 semaphore(%arg14 : memref<!tpu.dma_semaphore, #tpu.memory_space<semaphore_mem>>) src(%dma_wait3A_37 : memref<128x128xf32, #tpu.memory_space<hbm>>) dst(%arg9 : memref<128x128xf32, #tpu.memory_space<vmem>>)
    %dma_wait3A_38 = arith.constant 0 : i32
    %dma_wait3A_39 = arith.constant 0 : i32
    %dma_wait3A_40 = tpu.memref_slice %arg5[%dma_wait3A_38, %dma_wait3A_39] : memref<163840x16xf32, #tpu.memory_space<hbm>> -> memref<128x16xf32, #tpu.memory_space<hbm>>
    %dma_wait3A_41 = arith.constant 0 : i32
    %dma_wait3A_42 = arith.constant 0 : i32
    %dma_wait3A_43 = tpu.memref_slice %arg5[%dma_wait3A_41, %dma_wait3A_42] : memref<163840x16xf32, #tpu.memory_space<hbm>> -> memref<128x16xf32, #tpu.memory_space<hbm>>
    tpu.wait_dma2 semaphore(%arg16 : memref<!tpu.dma_semaphore, #tpu.memory_space<semaphore_mem>>) src(%dma_wait3A_43 : memref<128x16xf32, #tpu.memory_space<hbm>>) dst(%arg12 : memref<128x16xf32, #tpu.memory_space<vmem>>)
    %dma_wait3A_44 = arith.constant 0 : i32
    %dma_wait3A_45 = arith.constant 0 : i32
    %dma_wait3A_46 = tpu.memref_slice %arg5[%dma_wait3A_44, %dma_wait3A_45] : memref<163840x16xf32, #tpu.memory_space<hbm>> -> memref<128x16xf32, #tpu.memory_space<hbm>>
    %dma_wait3A_47 = arith.constant 0 : i32
    %dma_wait3A_48 = arith.constant 0 : i32
    %dma_wait3A_49 = tpu.memref_slice %arg5[%dma_wait3A_47, %dma_wait3A_48] : memref<163840x16xf32, #tpu.memory_space<hbm>> -> memref<128x16xf32, #tpu.memory_space<hbm>>
    tpu.wait_dma2 semaphore(%arg17 : memref<!tpu.dma_semaphore, #tpu.memory_space<semaphore_mem>>) src(%dma_wait3A_49 : memref<128x16xf32, #tpu.memory_space<hbm>>) dst(%arg13 : memref<128x16xf32, #tpu.memory_space<vmem>>)
    %convert_element_type3A_50 = arith.extui %lt3A_1 : i1 to i32
    %cond3A_51 = arith.constant 0 : i32
    %cond3A_52 = arith.cmpi ne, %convert_element_type3A_50, %cond3A_51 : i32
    scf.if %cond3A_52 {
      %dma_start3A_53 = arith.constant 5120 : i32
      %dma_start3A_54 = tpu.memref_slice %arg6[%dma_start3A_53] : memref<5248xi32, #tpu.memory_space<vmem>> -> memref<128xi32, #tpu.memory_space<vmem>>
      %dma_start3A_55 = arith.constant 0 : i32
      %dma_start3A_56 = arith.constant 0 : i32
      %dma_start3A_57 = tpu.memref_slice %arg4[%dma_start3A_55, %dma_start3A_56] : memref<10000x128xf32, #tpu.memory_space<hbm>> -> memref<10000x128xf32, #tpu.memory_space<hbm>>
      tpu.enqueue_indirect_dma source(%dma_start3A_57 : memref<10000x128xf32, #tpu.memory_space<hbm>>) target(%arg8 : memref<128x128xf32, #tpu.memory_space<vmem>>) offsets(%dma_start3A_54 : memref<128xi32, #tpu.memory_space<vmem>>) semaphore(%arg14 : memref<!tpu.dma_semaphore, #tpu.memory_space<semaphore_mem>>)
      %dma_start3A_58 = arith.constant 5120 : i32
      %dma_start3A_59 = tpu.memref_slice %arg7[%dma_start3A_58] : memref<5248xi32, #tpu.memory_space<vmem>> -> memref<128xi32, #tpu.memory_space<vmem>>
      %dma_start3A_60 = arith.constant 0 : i32
      %dma_start3A_61 = arith.constant 0 : i32
      %dma_start3A_62 = tpu.memref_slice %arg4[%dma_start3A_60, %dma_start3A_61] : memref<10000x128xf32, #tpu.memory_space<hbm>> -> memref<10000x128xf32, #tpu.memory_space<hbm>>
      tpu.enqueue_indirect_dma source(%dma_start3A_62 : memref<10000x128xf32, #tpu.memory_space<hbm>>) target(%arg9 : memref<128x128xf32, #tpu.memory_space<vmem>>) offsets(%dma_start3A_59 : memref<128xi32, #tpu.memory_space<vmem>>) semaphore(%arg14 : memref<!tpu.dma_semaphore, #tpu.memory_space<semaphore_mem>>)
      %dma_wait3A_63 = arith.constant 0 : i32
      %dma_wait3A_64 = arith.constant 0 : i32
      %dma_wait3A_65 = tpu.memref_slice %arg4[%dma_wait3A_63, %dma_wait3A_64] : memref<10000x128xf32, #tpu.memory_space<hbm>> -> memref<128x128xf32, #tpu.memory_space<hbm>>
      %dma_wait3A_66 = arith.constant 0 : i32
      %dma_wait3A_67 = arith.constant 0 : i32
      %dma_wait3A_68 = tpu.memref_slice %arg4[%dma_wait3A_66, %dma_wait3A_67] : memref<10000x128xf32, #tpu.memory_space<hbm>> -> memref<128x128xf32, #tpu.memory_space<hbm>>
      tpu.wait_dma2 semaphore(%arg14 : memref<!tpu.dma_semaphore, #tpu.memory_space<semaphore_mem>>) src(%dma_wait3A_68 : memref<128x128xf32, #tpu.memory_space<hbm>>) dst(%arg8 : memref<128x128xf32, #tpu.memory_space<vmem>>)
      %dma_wait3A_69 = arith.constant 0 : i32
      %dma_wait3A_70 = arith.constant 0 : i32
      %dma_wait3A_71 = tpu.memref_slice %arg4[%dma_wait3A_69, %dma_wait3A_70] : memref<10000x128xf32, #tpu.memory_space<hbm>> -> memref<128x128xf32, #tpu.memory_space<hbm>>
      %dma_wait3A_72 = arith.constant 0 : i32
      %dma_wait3A_73 = arith.constant 0 : i32
      %dma_wait3A_74 = tpu.memref_slice %arg4[%dma_wait3A_72, %dma_wait3A_73] : memref<10000x128xf32, #tpu.memory_space<hbm>> -> memref<128x128xf32, #tpu.memory_space<hbm>>
      tpu.wait_dma2 semaphore(%arg14 : memref<!tpu.dma_semaphore, #tpu.memory_space<semaphore_mem>>) src(%dma_wait3A_74 : memref<128x128xf32, #tpu.memory_space<hbm>>) dst(%arg9 : memref<128x128xf32, #tpu.memory_space<vmem>>)
      %scan3A_75 = arith.constant 0 : i32
      %scan3A_76 = arith.constant 0 : i32
      %scan3A_77 = arith.constant 16 : i32
      %scan3A_78 = arith.addi %scan3A_76, %scan3A_77 : i32
      %scan3A_79 = arith.constant 1 : i32
      scf.for %scan3A_85 = %scan3A_76 to %scan3A_78 step %scan3A_79  : i32 {
        %mul3A_86 = arith.constant 8 : i32
        %mul3A_87 = arith.muli %mul3A_86, %scan3A_85 : i32
        %add3A_88 = arith.constant 0 : i32
        %add3A_89 = arith.addi %mul3A_87, %add3A_88 : i32
        %get3A = arith.index_cast %add3A_89 : i32 to index
        %get3A_90 = arith.constant 0 : index
        %get3A_91 = tpu.vector_load %arg8[%get3A, %get3A_90] {strides = array<i32>} : memref<128x128xf32, #tpu.memory_space<vmem>>, vector<1x16xf32>,
        %get3A_92 = vector.shape_cast %get3A_91 : vector<1x16xf32> to vector<16xf32>
        %get3A_93 = arith.index_cast %add3A_89 : i32 to index
        %get3A_94 = arith.constant 16 : index
        %get3A_95 = tpu.vector_load %arg9[%get3A_93, %get3A_94] {strides = array<i32>} : memref<128x128xf32, #tpu.memory_space<vmem>>, vector<1x16xf32>,
        %get3A_96 = vector.shape_cast %get3A_95 : vector<1x16xf32> to vector<16xf32>
        %add3A_97 = arith.addf %get3A_92, %get3A_96 : vector<16xf32>
        %swap3A = arith.index_cast %add3A_89 : i32 to index
        %swap3A_98 = arith.constant 0 : index
        %swap3A_99 = tpu.vector_load %arg12[%swap3A, %swap3A_98] {strides = array<i32>} : memref<128x16xf32, #tpu.memory_space<vmem>>, vector<1x16xf32>,
        %swap3A_100 = vector.shape_cast %swap3A_99 : vector<1x16xf32> to vector<16xf32>
        %swap3A_101 = vector.shape_cast %add3A_97 : vector<16xf32> to vector<1x16xf32>
        tpu.vector_store %arg12[%swap3A, %swap3A_98], %swap3A_101 {strides = array<i32>} : memref<128x16xf32, #tpu.memory_space<vmem>>, vector<1x16xf32>,
        %mul3A_102 = arith.constant 8 : i32
        %mul3A_103 = arith.muli %mul3A_102, %scan3A_85 : i32
        %add3A_104 = arith.constant 1 : i32
        %add3A_105 = arith.addi %mul3A_103, %add3A_104 : i32
        %get3A_106 = arith.index_cast %add3A_105 : i32 to index
        %get3A_107 = arith.constant 0 : index
        %get3A_108 = tpu.vector_load %arg8[%get3A_106, %get3A_107] {strides = array<i32>} : memref<128x128xf32, #tpu.memory_space<vmem>>, vector<1x16xf32>,
        %get3A_109 = vector.shape_cast %get3A_108 : vector<1x16xf32> to vector<16xf32>
        %get3A_110 = arith.index_cast %add3A_105 : i32 to index
        %get3A_111 = arith.constant 16 : index
        %get3A_112 = tpu.vector_load %arg9[%get3A_110, %get3A_111] {strides = array<i32>} : memref<128x128xf32, #tpu.memory_space<vmem>>, vector<1x16xf32>,
        %get3A_113 = vector.shape_cast %get3A_112 : vector<1x16xf32> to vector<16xf32>
        %add3A_114 = arith.addf %get3A_109, %get3A_113 : vector<16xf32>
        %swap3A_115 = arith.index_cast %add3A_105 : i32 to index
        %swap3A_116 = arith.constant 0 : index
        %swap3A_117 = tpu.vector_load %arg12[%swap3A_115, %swap3A_116] {strides = array<i32>} : memref<128x16xf32, #tpu.memory_space<vmem>>, vector<1x16xf32>,
        %swap3A_118 = vector.shape_cast %swap3A_117 : vector<1x16xf32> to vector<16xf32>
        %swap3A_119 = vector.shape_cast %add3A_114 : vector<16xf32> to vector<1x16xf32>
        tpu.vector_store %arg12[%swap3A_115, %swap3A_116], %swap3A_119 {strides = array<i32>} : memref<128x16xf32, #tpu.memory_space<vmem>>, vector<1x16xf32>,
        %mul3A_120 = arith.constant 8 : i32
        %mul3A_121 = arith.muli %mul3A_120, %scan3A_85 : i32
        %add3A_122 = arith.constant 2 : i32
        %add3A_123 = arith.addi %mul3A_121, %add3A_122 : i32
        %get3A_124 = arith.index_cast %add3A_123 : i32 to index
        %get3A_125 = arith.constant 0 : index
        %get3A_126 = tpu.vector_load %arg8[%get3A_124, %get3A_125] {strides = array<i32>} : memref<128x128xf32, #tpu.memory_space<vmem>>, vector<1x16xf32>,
        %get3A_127 = vector.shape_cast %get3A_126 : vector<1x16xf32> to vector<16xf32>
        %get3A_128 = arith.index_cast %add3A_123 : i32 to index
        %get3A_129 = arith.constant 16 : index
        %get3A_130 = tpu.vector_load %arg9[%get3A_128, %get3A_129] {strides = array<i32>} : memref<128x128xf32, #tpu.memory_space<vmem>>, vector<1x16xf32>,
        %get3A_131 = vector.shape_cast %get3A_130 : vector<1x16xf32> to vector<16xf32>
        %add3A_132 = arith.addf %get3A_127, %get3A_131 : vector<16xf32>
        %swap3A_133 = arith.index_cast %add3A_123 : i32 to index
        %swap3A_134 = arith.constant 0 : index
        %swap3A_135 = tpu.vector_load %arg12[%swap3A_133, %swap3A_134] {strides = array<i32>} : memref<128x16xf32, #tpu.memory_space<vmem>>, vector<1x16xf32>,
        %swap3A_136 = vector.shape_cast %swap3A_135 : vector<1x16xf32> to vector<16xf32>
        %swap3A_137 = vector.shape_cast %add3A_132 : vector<16xf32> to vector<1x16xf32>
        tpu.vector_store %arg12[%swap3A_133, %swap3A_134], %swap3A_137 {strides = array<i32>} : memref<128x16xf32, #tpu.memory_space<vmem>>, vector<1x16xf32>,
        %mul3A_138 = arith.constant 8 : i32
        %mul3A_139 = arith.muli %mul3A_138, %scan3A_85 : i32
        %add3A_140 = arith.constant 3 : i32
        %add3A_141 = arith.addi %mul3A_139, %add3A_140 : i32
        %get3A_142 = arith.index_cast %add3A_141 : i32 to index
        %get3A_143 = arith.constant 0 : index
        %get3A_144 = tpu.vector_load %arg8[%get3A_142, %get3A_143] {strides = array<i32>} : memref<128x128xf32, #tpu.memory_space<vmem>>, vector<1x16xf32>,
        %get3A_145 = vector.shape_cast %get3A_144 : vector<1x16xf32> to vector<16xf32>
        %get3A_146 = arith.index_cast %add3A_141 : i32 to index
        %get3A_147 = arith.constant 16 : index
        %get3A_148 = tpu.vector_load %arg9[%get3A_146, %get3A_147] {strides = array<i32>} : memref<128x128xf32, #tpu.memory_space<vmem>>, vector<1x16xf32>,
        %get3A_149 = vector.shape_cast %get3A_148 : vector<1x16xf32> to vector<16xf32>
        %add3A_150 = arith.addf %get3A_145, %get3A_149 : vector<16xf32>
        %swap3A_151 = arith.index_cast %add3A_141 : i32 to index
        %swap3A_152 = arith.constant 0 : index
        %swap3A_153 = tpu.vector_load %arg12[%swap3A_151, %swap3A_152] {strides = array<i32>} : memref<128x16xf32, #tpu.memory_space<vmem>>, vector<1x16xf32>,
        %swap3A_154 = vector.shape_cast %swap3A_153 : vector<1x16xf32> to vector<16xf32>
        %swap3A_155 = vector.shape_cast %add3A_150 : vector<16xf32> to vector<1x16xf32>
        tpu.vector_store %arg12[%swap3A_151, %swap3A_152], %swap3A_155 {strides = array<i32>} : memref<128x16xf32, #tpu.memory_space<vmem>>, vector<1x16xf32>,
        %mul3A_156 = arith.constant 8 : i32
        %mul3A_157 = arith.muli %mul3A_156, %scan3A_85 : i32
        %add3A_158 = arith.constant 4 : i32
        %add3A_159 = arith.addi %mul3A_157, %add3A_158 : i32
        %get3A_160 = arith.index_cast %add3A_159 : i32 to index
        %get3A_161 = arith.constant 0 : index
        %get3A_162 = tpu.vector_load %arg8[%get3A_160, %get3A_161] {strides = array<i32>} : memref<128x128xf32, #tpu.memory_space<vmem>>, vector<1x16xf32>,
        %get3A_163 = vector.shape_cast %get3A_162 : vector<1x16xf32> to vector<16xf32>
        %get3A_164 = arith.index_cast %add3A_159 : i32 to index
        %get3A_165 = arith.constant 16 : index
        %get3A_166 = tpu.vector_load %arg9[%get3A_164, %get3A_165] {strides = array<i32>} : memref<128x128xf32, #tpu.memory_space<vmem>>, vector<1x16xf32>,
        %get3A_167 = vector.shape_cast %get3A_166 : vector<1x16xf32> to vector<16xf32>
        %add3A_168 = arith.addf %get3A_163, %get3A_167 : vector<16xf32>
        %swap3A_169 = arith.index_cast %add3A_159 : i32 to index
        %swap3A_170 = arith.constant 0 : index
        %swap3A_171 = tpu.vector_load %arg12[%swap3A_169, %swap3A_170] {strides = array<i32>} : memref<128x16xf32, #tpu.memory_space<vmem>>, vector<1x16xf32>,
        %swap3A_172 = vector.shape_cast %swap3A_171 : vector<1x16xf32> to vector<16xf32>
        %swap3A_173 = vector.shape_cast %add3A_168 : vector<16xf32> to vector<1x16xf32>
        tpu.vector_store %arg12[%swap3A_169, %swap3A_170], %swap3A_173 {strides = array<i32>} : memref<128x16xf32, #tpu.memory_space<vmem>>, vector<1x16xf32>,
        %mul3A_174 = arith.constant 8 : i32
        %mul3A_175 = arith.muli %mul3A_174, %scan3A_85 : i32
        %add3A_176 = arith.constant 5 : i32
        %add3A_177 = arith.addi %mul3A_175, %add3A_176 : i32
        %get3A_178 = arith.index_cast %add3A_177 : i32 to index
        %get3A_179 = arith.constant 0 : index
        %get3A_180 = tpu.vector_load %arg8[%get3A_178, %get3A_179] {strides = array<i32>} : memref<128x128xf32, #tpu.memory_space<vmem>>, vector<1x16xf32>,
        %get3A_181 = vector.shape_cast %get3A_180 : vector<1x16xf32> to vector<16xf32>
        %get3A_182 = arith.index_cast %add3A_177 : i32 to index
        %get3A_183 = arith.constant 16 : index
        %get3A_184 = tpu.vector_load %arg9[%get3A_182, %get3A_183] {strides = array<i32>} : memref<128x128xf32, #tpu.memory_space<vmem>>, vector<1x16xf32>,
        %get3A_185 = vector.shape_cast %get3A_184 : vector<1x16xf32> to vector<16xf32>
        %add3A_186 = arith.addf %get3A_181, %get3A_185 : vector<16xf32>
        %swap3A_187 = arith.index_cast %add3A_177 : i32 to index
        %swap3A_188 = arith.constant 0 : index
        %swap3A_189 = tpu.vector_load %arg12[%swap3A_187, %swap3A_188] {strides = array<i32>} : memref<128x16xf32, #tpu.memory_space<vmem>>, vector<1x16xf32>,
        %swap3A_190 = vector.shape_cast %swap3A_189 : vector<1x16xf32> to vector<16xf32>
        %swap3A_191 = vector.shape_cast %add3A_186 : vector<16xf32> to vector<1x16xf32>
        tpu.vector_store %arg12[%swap3A_187, %swap3A_188], %swap3A_191 {strides = array<i32>} : memref<128x16xf32, #tpu.memory_space<vmem>>, vector<1x16xf32>,
        %mul3A_192 = arith.constant 8 : i32
        %mul3A_193 = arith.muli %mul3A_192, %scan3A_85 : i32
        %add3A_194 = arith.constant 6 : i32
        %add3A_195 = arith.addi %mul3A_193, %add3A_194 : i32
        %get3A_196 = arith.index_cast %add3A_195 : i32 to index
        %get3A_197 = arith.constant 0 : index
        %get3A_198 = tpu.vector_load %arg8[%get3A_196, %get3A_197] {strides = array<i32>} : memref<128x128xf32, #tpu.memory_space<vmem>>, vector<1x16xf32>,
        %get3A_199 = vector.shape_cast %get3A_198 : vector<1x16xf32> to vector<16xf32>
        %get3A_200 = arith.index_cast %add3A_195 : i32 to index
        %get3A_201 = arith.constant 16 : index
        %get3A_202 = tpu.vector_load %arg9[%get3A_200, %get3A_201] {strides = array<i32>} : memref<128x128xf32, #tpu.memory_space<vmem>>, vector<1x16xf32>,
        %get3A_203 = vector.shape_cast %get3A_202 : vector<1x16xf32> to vector<16xf32>
        %add3A_204 = arith.addf %get3A_199, %get3A_203 : vector<16xf32>
        %swap3A_205 = arith.index_cast %add3A_195 : i32 to index
        %swap3A_206 = arith.constant 0 : index
        %swap3A_207 = tpu.vector_load %arg12[%swap3A_205, %swap3A_206] {strides = array<i32>} : memref<128x16xf32, #tpu.memory_space<vmem>>, vector<1x16xf32>,
        %swap3A_208 = vector.shape_cast %swap3A_207 : vector<1x16xf32> to vector<16xf32>
        %swap3A_209 = vector.shape_cast %add3A_204 : vector<16xf32> to vector<1x16xf32>
        tpu.vector_store %arg12[%swap3A_205, %swap3A_206], %swap3A_209 {strides = array<i32>} : memref<128x16xf32, #tpu.memory_space<vmem>>, vector<1x16xf32>,
        %mul3A_210 = arith.constant 8 : i32
        %mul3A_211 = arith.muli %mul3A_210, %scan3A_85 : i32
        %add3A_212 = arith.constant 7 : i32
        %add3A_213 = arith.addi %mul3A_211, %add3A_212 : i32
        %get3A_214 = arith.index_cast %add3A_213 : i32 to index
        %get3A_215 = arith.constant 0 : index
        %get3A_216 = tpu.vector_load %arg8[%get3A_214, %get3A_215] {strides = array<i32>} : memref<128x128xf32, #tpu.memory_space<vmem>>, vector<1x16xf32>,
        %get3A_217 = vector.shape_cast %get3A_216 : vector<1x16xf32> to vector<16xf32>
        %get3A_218 = arith.index_cast %add3A_213 : i32 to index
        %get3A_219 = arith.constant 16 : index
        %get3A_220 = tpu.vector_load %arg9[%get3A_218, %get3A_219] {strides = array<i32>} : memref<128x128xf32, #tpu.memory_space<vmem>>, vector<1x16xf32>,
        %get3A_221 = vector.shape_cast %get3A_220 : vector<1x16xf32> to vector<16xf32>
        %add3A_222 = arith.addf %get3A_217, %get3A_221 : vector<16xf32>
        %swap3A_223 = arith.index_cast %add3A_213 : i32 to index
        %swap3A_224 = arith.constant 0 : index
        %swap3A_225 = tpu.vector_load %arg12[%swap3A_223, %swap3A_224] {strides = array<i32>} : memref<128x16xf32, #tpu.memory_space<vmem>>, vector<1x16xf32>,
        %swap3A_226 = vector.shape_cast %swap3A_225 : vector<1x16xf32> to vector<16xf32>
        %swap3A_227 = vector.shape_cast %add3A_222 : vector<16xf32> to vector<1x16xf32>
        tpu.vector_store %arg12[%swap3A_223, %swap3A_224], %swap3A_227 {strides = array<i32>} : memref<128x16xf32, #tpu.memory_space<vmem>>, vector<1x16xf32>,
      }
      %scan3A_80 = arith.constant 16 : i32
      %add3A_81 = arith.constant 40 : i32
      %add3A_82 = arith.addi %add3A_5, %add3A_81 : i32
      %mul3A_83 = arith.constant 128 : i32
      %mul3A_84 = arith.muli %mul3A_83, %add3A_82 : i32
      "tpu.region"() ({
        %run_scoped3A = tpu.sem_alloc : memref<!tpu.dma_semaphore, #tpu.memory_space<semaphore_mem>>
        %dma_start3A_85 = arith.constant 0 : i32
        %dma_start3A_86 = tpu.memref_slice %arg5[%mul3A_84, %dma_start3A_85] : memref<163840x16xf32, #tpu.memory_space<hbm>> -> memref<128x16xf32, #tpu.memory_space<hbm>>
        %dma_start3A_87 = arith.constant 0 : i32
        %dma_start3A_88 = tpu.memref_slice %arg5[%mul3A_84, %dma_start3A_87] : memref<163840x16xf32, #tpu.memory_space<hbm>> -> memref<128x16xf32, #tpu.memory_space<hbm>>
        tpu.enqueue_dma source(%arg12 : memref<128x16xf32, #tpu.memory_space<vmem>>) target(%dma_start3A_88 : memref<128x16xf32, #tpu.memory_space<hbm>>) target_semaphore(%run_scoped3A : memref<!tpu.dma_semaphore, #tpu.memory_space<semaphore_mem>>)
        %dma_wait3A_89 = arith.constant 0 : i32
        %dma_wait3A_90 = tpu.memref_slice %arg5[%mul3A_84, %dma_wait3A_89] : memref<163840x16xf32, #tpu.memory_space<hbm>> -> memref<128x16xf32, #tpu.memory_space<hbm>>
        %dma_wait3A_91 = arith.constant 0 : i32
        %dma_wait3A_92 = tpu.memref_slice %arg5[%mul3A_84, %dma_wait3A_91] : memref<163840x16xf32, #tpu.memory_space<hbm>> -> memref<128x16xf32, #tpu.memory_space<hbm>>
        tpu.wait_dma2 semaphore(%run_scoped3A : memref<!tpu.dma_semaphore, #tpu.memory_space<semaphore_mem>>) src(%arg12 : memref<128x16xf32, #tpu.memory_space<vmem>>) dst(%dma_wait3A_92 : memref<128x16xf32, #tpu.memory_space<hbm>>)
        tpu.yield
      }) : () -> ()
    } else {
    }
    return
  }
}

#map = affine_map<(d0, d1) -> (0)>
#map1 = affine_map<(d0, d1) -> (0, 0)>
module attributes {stable_mosaic.version = 14 : i64} {
  func.func @_gather_body(%arg0: i32, %arg1: i32, %arg2: memref<320000xi32, #tpu.memory_space<hbm>>, %arg3: memref<320000xi32, #tpu.memory_space<hbm>>, %arg4: memref<10000x128xf32, #tpu.memory_space<hbm>>, %arg5: memref<156160x16xf32, #tpu.memory_space<hbm>>, %arg6: memref<4992xi32, #tpu.memory_space<vmem>>, %arg7: memref<4992xi32, #tpu.memory_space<vmem>>, %arg8: memref<128x128xf32, #tpu.memory_space<vmem>>, %arg9: memref<128x128xf32, #tpu.memory_space<vmem>>, %arg10: memref<128x128xf32, #tpu.memory_space<vmem>>, %arg11: memref<128x128xf32, #tpu.memory_space<vmem>>, %arg12: memref<128x16xf32, #tpu.memory_space<vmem>>, %arg13: memref<128x16xf32, #tpu.memory_space<vmem>>, %arg14: memref<!tpu.dma_semaphore, #tpu.memory_space<semaphore_mem>>, %arg15: memref<!tpu.dma_semaphore, #tpu.memory_space<semaphore_mem>>, %arg16: memref<!tpu.dma_semaphore, #tpu.memory_space<semaphore_mem>>, %arg17: memref<!tpu.dma_semaphore, #tpu.memory_space<semaphore_mem>>) attributes {dimension_semantics = [#tpu.dimension_semantics<core_parallel>, #tpu.dimension_semantics<subcore_parallel>], iteration_bounds = array<i64: 2, 16>, scalar_prefetch = 0 : i64, scratch_operands = 12 : i64, tpu.core_type = #tpu.core_type<sc_vector_subcore>, window_params = [{transform_indices = #map}, {transform_indices = #map}, {transform_indices = #map1}, {transform_indices = #map1}]} {
    %mul3A = arith.constant 2 : i32
    %mul3A_0 = arith.muli %arg1, %mul3A : i32
    %add3A = arith.addi %mul3A_0, %arg0 : i32
    %lt3A = arith.constant 4 : i32
    %lt3A_1 = arith.cmpi slt, %add3A, %lt3A : i32
    %mul3A_2 = arith.constant 38 : i32
    %mul3A_3 = arith.muli %add3A, %mul3A_2 : i32
    %min3A = arith.constant 4 : i32
    %min3A_4 = arith.minsi %add3A, %min3A : i32
    %add3A_5 = arith.addi %mul3A_3, %min3A_4 : i32
    %add3A_6 = arith.constant 1280 : i32
    %add3A_7 = arith.addi %add3A_6, %add3A_5 : i32
    %mul3A_8 = arith.constant 128 : i32
    %mul3A_9 = arith.muli %add3A_7, %mul3A_8 : i32
    "tpu.region"() ({
      %run_scoped3A = tpu.sem_alloc : memref<!tpu.dma_semaphore, #tpu.memory_space<semaphore_mem>>
      %dma_start3A_53 = arith.constant 0 : i32
      %dma_start3A_54 = tpu.memref_slice %arg6[%dma_start3A_53] : memref<4992xi32, #tpu.memory_space<vmem>> -> memref<4864xi32, #tpu.memory_space<vmem>>
      %dma_start3A_55 = tpu.memref_slice %arg2[%mul3A_9] : memref<320000xi32, #tpu.memory_space<hbm>> -> memref<4864xi32, #tpu.memory_space<hbm>>
      %dma_start3A_56 = arith.constant 0 : i32
      %dma_start3A_57 = tpu.memref_slice %arg6[%dma_start3A_56] : memref<4992xi32, #tpu.memory_space<vmem>> -> memref<4864xi32, #tpu.memory_space<vmem>>
      %dma_start3A_58 = tpu.memref_slice %arg2[%mul3A_9] : memref<320000xi32, #tpu.memory_space<hbm>> -> memref<4864xi32, #tpu.memory_space<hbm>>
      tpu.enqueue_dma source(%dma_start3A_58 : memref<4864xi32, #tpu.memory_space<hbm>>) target(%dma_start3A_57 : memref<4864xi32, #tpu.memory_space<vmem>>) target_semaphore(%run_scoped3A : memref<!tpu.dma_semaphore, #tpu.memory_space<semaphore_mem>>)
      %dma_wait3A_59 = arith.constant 0 : i32
      %dma_wait3A_60 = tpu.memref_slice %arg6[%dma_wait3A_59] : memref<4992xi32, #tpu.memory_space<vmem>> -> memref<4864xi32, #tpu.memory_space<vmem>>
      %dma_wait3A_61 = tpu.memref_slice %arg2[%mul3A_9] : memref<320000xi32, #tpu.memory_space<hbm>> -> memref<4864xi32, #tpu.memory_space<hbm>>
      %dma_wait3A_62 = arith.constant 0 : i32
      %dma_wait3A_63 = tpu.memref_slice %arg6[%dma_wait3A_62] : memref<4992xi32, #tpu.memory_space<vmem>> -> memref<4864xi32, #tpu.memory_space<vmem>>
      %dma_wait3A_64 = tpu.memref_slice %arg2[%mul3A_9] : memref<320000xi32, #tpu.memory_space<hbm>> -> memref<4864xi32, #tpu.memory_space<hbm>>
      tpu.wait_dma2 semaphore(%run_scoped3A : memref<!tpu.dma_semaphore, #tpu.memory_space<semaphore_mem>>) src(%dma_wait3A_64 : memref<4864xi32, #tpu.memory_space<hbm>>) dst(%dma_wait3A_63 : memref<4864xi32, #tpu.memory_space<vmem>>)
      tpu.yield
    }) : () -> ()
    %mul3A_10 = arith.constant 128 : i32
    %mul3A_11 = arith.muli %add3A_7, %mul3A_10 : i32
    "tpu.region"() ({
      %run_scoped3A = tpu.sem_alloc : memref<!tpu.dma_semaphore, #tpu.memory_space<semaphore_mem>>
      %dma_start3A_53 = arith.constant 0 : i32
      %dma_start3A_54 = tpu.memref_slice %arg7[%dma_start3A_53] : memref<4992xi32, #tpu.memory_space<vmem>> -> memref<4864xi32, #tpu.memory_space<vmem>>
      %dma_start3A_55 = tpu.memref_slice %arg3[%mul3A_11] : memref<320000xi32, #tpu.memory_space<hbm>> -> memref<4864xi32, #tpu.memory_space<hbm>>
      %dma_start3A_56 = arith.constant 0 : i32
      %dma_start3A_57 = tpu.memref_slice %arg7[%dma_start3A_56] : memref<4992xi32, #tpu.memory_space<vmem>> -> memref<4864xi32, #tpu.memory_space<vmem>>
      %dma_start3A_58 = tpu.memref_slice %arg3[%mul3A_11] : memref<320000xi32, #tpu.memory_space<hbm>> -> memref<4864xi32, #tpu.memory_space<hbm>>
      tpu.enqueue_dma source(%dma_start3A_58 : memref<4864xi32, #tpu.memory_space<hbm>>) target(%dma_start3A_57 : memref<4864xi32, #tpu.memory_space<vmem>>) target_semaphore(%run_scoped3A : memref<!tpu.dma_semaphore, #tpu.memory_space<semaphore_mem>>)
      %dma_wait3A_59 = arith.constant 0 : i32
      %dma_wait3A_60 = tpu.memref_slice %arg7[%dma_wait3A_59] : memref<4992xi32, #tpu.memory_space<vmem>> -> memref<4864xi32, #tpu.memory_space<vmem>>
      %dma_wait3A_61 = tpu.memref_slice %arg3[%mul3A_11] : memref<320000xi32, #tpu.memory_space<hbm>> -> memref<4864xi32, #tpu.memory_space<hbm>>
      %dma_wait3A_62 = arith.constant 0 : i32
      %dma_wait3A_63 = tpu.memref_slice %arg7[%dma_wait3A_62] : memref<4992xi32, #tpu.memory_space<vmem>> -> memref<4864xi32, #tpu.memory_space<vmem>>
      %dma_wait3A_64 = tpu.memref_slice %arg3[%mul3A_11] : memref<320000xi32, #tpu.memory_space<hbm>> -> memref<4864xi32, #tpu.memory_space<hbm>>
      tpu.wait_dma2 semaphore(%run_scoped3A : memref<!tpu.dma_semaphore, #tpu.memory_space<semaphore_mem>>) src(%dma_wait3A_64 : memref<4864xi32, #tpu.memory_space<hbm>>) dst(%dma_wait3A_63 : memref<4864xi32, #tpu.memory_space<vmem>>)
      tpu.yield
    }) : () -> ()
    %convert_element_type3A = arith.extui %lt3A_1 : i1 to i32
    %cond3A = arith.constant 0 : i32
    %cond3A_12 = arith.cmpi ne, %convert_element_type3A, %cond3A : i32
    scf.if %cond3A_12 {
      %add3A_53 = arith.constant 38 : i32
      %add3A_54 = arith.addi %add3A_7, %add3A_53 : i32
      %mul3A_55 = arith.constant 128 : i32
      %mul3A_56 = arith.muli %add3A_54, %mul3A_55 : i32
      "tpu.region"() ({
        %run_scoped3A = tpu.sem_alloc : memref<!tpu.dma_semaphore, #tpu.memory_space<semaphore_mem>>
        %dma_start3A_61 = arith.constant 4864 : i32
        %dma_start3A_62 = tpu.memref_slice %arg6[%dma_start3A_61] : memref<4992xi32, #tpu.memory_space<vmem>> -> memref<128xi32, #tpu.memory_space<vmem>>
        %dma_start3A_63 = tpu.memref_slice %arg2[%mul3A_56] : memref<320000xi32, #tpu.memory_space<hbm>> -> memref<128xi32, #tpu.memory_space<hbm>>
        %dma_start3A_64 = arith.constant 4864 : i32
        %dma_start3A_65 = tpu.memref_slice %arg6[%dma_start3A_64] : memref<4992xi32, #tpu.memory_space<vmem>> -> memref<128xi32, #tpu.memory_space<vmem>>
        %dma_start3A_66 = tpu.memref_slice %arg2[%mul3A_56] : memref<320000xi32, #tpu.memory_space<hbm>> -> memref<128xi32, #tpu.memory_space<hbm>>
        tpu.enqueue_dma source(%dma_start3A_66 : memref<128xi32, #tpu.memory_space<hbm>>) target(%dma_start3A_65 : memref<128xi32, #tpu.memory_space<vmem>>) target_semaphore(%run_scoped3A : memref<!tpu.dma_semaphore, #tpu.memory_space<semaphore_mem>>)
        %dma_wait3A_67 = arith.constant 4864 : i32
        %dma_wait3A_68 = tpu.memref_slice %arg6[%dma_wait3A_67] : memref<4992xi32, #tpu.memory_space<vmem>> -> memref<128xi32, #tpu.memory_space<vmem>>
        %dma_wait3A_69 = tpu.memref_slice %arg2[%mul3A_56] : memref<320000xi32, #tpu.memory_space<hbm>> -> memref<128xi32, #tpu.memory_space<hbm>>
        %dma_wait3A_70 = arith.constant 4864 : i32
        %dma_wait3A_71 = tpu.memref_slice %arg6[%dma_wait3A_70] : memref<4992xi32, #tpu.memory_space<vmem>> -> memref<128xi32, #tpu.memory_space<vmem>>
        %dma_wait3A_72 = tpu.memref_slice %arg2[%mul3A_56] : memref<320000xi32, #tpu.memory_space<hbm>> -> memref<128xi32, #tpu.memory_space<hbm>>
        tpu.wait_dma2 semaphore(%run_scoped3A : memref<!tpu.dma_semaphore, #tpu.memory_space<semaphore_mem>>) src(%dma_wait3A_72 : memref<128xi32, #tpu.memory_space<hbm>>) dst(%dma_wait3A_71 : memref<128xi32, #tpu.memory_space<vmem>>)
        tpu.yield
      }) : () -> ()
      %add3A_57 = arith.constant 38 : i32
      %add3A_58 = arith.addi %add3A_7, %add3A_57 : i32
      %mul3A_59 = arith.constant 128 : i32
      %mul3A_60 = arith.muli %add3A_58, %mul3A_59 : i32
      "tpu.region"() ({
        %run_scoped3A = tpu.sem_alloc : memref<!tpu.dma_semaphore, #tpu.memory_space<semaphore_mem>>
        %dma_start3A_61 = arith.constant 4864 : i32
        %dma_start3A_62 = tpu.memref_slice %arg7[%dma_start3A_61] : memref<4992xi32, #tpu.memory_space<vmem>> -> memref<128xi32, #tpu.memory_space<vmem>>
        %dma_start3A_63 = tpu.memref_slice %arg3[%mul3A_60] : memref<320000xi32, #tpu.memory_space<hbm>> -> memref<128xi32, #tpu.memory_space<hbm>>
        %dma_start3A_64 = arith.constant 4864 : i32
        %dma_start3A_65 = tpu.memref_slice %arg7[%dma_start3A_64] : memref<4992xi32, #tpu.memory_space<vmem>> -> memref<128xi32, #tpu.memory_space<vmem>>
        %dma_start3A_66 = tpu.memref_slice %arg3[%mul3A_60] : memref<320000xi32, #tpu.memory_space<hbm>> -> memref<128xi32, #tpu.memory_space<hbm>>
        tpu.enqueue_dma source(%dma_start3A_66 : memref<128xi32, #tpu.memory_space<hbm>>) target(%dma_start3A_65 : memref<128xi32, #tpu.memory_space<vmem>>) target_semaphore(%run_scoped3A : memref<!tpu.dma_semaphore, #tpu.memory_space<semaphore_mem>>)
        %dma_wait3A_67 = arith.constant 4864 : i32
        %dma_wait3A_68 = tpu.memref_slice %arg7[%dma_wait3A_67] : memref<4992xi32, #tpu.memory_space<vmem>> -> memref<128xi32, #tpu.memory_space<vmem>>
        %dma_wait3A_69 = tpu.memref_slice %arg3[%mul3A_60] : memref<320000xi32, #tpu.memory_space<hbm>> -> memref<128xi32, #tpu.memory_space<hbm>>
        %dma_wait3A_70 = arith.constant 4864 : i32
        %dma_wait3A_71 = tpu.memref_slice %arg7[%dma_wait3A_70] : memref<4992xi32, #tpu.memory_space<vmem>> -> memref<128xi32, #tpu.memory_space<vmem>>
        %dma_wait3A_72 = tpu.memref_slice %arg3[%mul3A_60] : memref<320000xi32, #tpu.memory_space<hbm>> -> memref<128xi32, #tpu.memory_space<hbm>>
        tpu.wait_dma2 semaphore(%run_scoped3A : memref<!tpu.dma_semaphore, #tpu.memory_space<semaphore_mem>>) src(%dma_wait3A_72 : memref<128xi32, #tpu.memory_space<hbm>>) dst(%dma_wait3A_71 : memref<128xi32, #tpu.memory_space<vmem>>)
        tpu.yield
      }) : () -> ()
    } else {
    }
    %dma_start3A = arith.constant 0 : i32
    %dma_start3A_13 = tpu.memref_slice %arg6[%dma_start3A] : memref<4992xi32, #tpu.memory_space<vmem>> -> memref<128xi32, #tpu.memory_space<vmem>>
    %dma_start3A_14 = arith.constant 0 : i32
    %dma_start3A_15 = arith.constant 0 : i32
    %dma_start3A_16 = tpu.memref_slice %arg4[%dma_start3A_14, %dma_start3A_15] : memref<10000x128xf32, #tpu.memory_space<hbm>> -> memref<10000x128xf32, #tpu.memory_space<hbm>>
    tpu.enqueue_indirect_dma source(%dma_start3A_16 : memref<10000x128xf32, #tpu.memory_space<hbm>>) target(%arg8 : memref<128x128xf32, #tpu.memory_space<vmem>>) offsets(%dma_start3A_13 : memref<128xi32, #tpu.memory_space<vmem>>) semaphore(%arg14 : memref<!tpu.dma_semaphore, #tpu.memory_space<semaphore_mem>>)
    %dma_start3A_17 = arith.constant 0 : i32
    %dma_start3A_18 = tpu.memref_slice %arg7[%dma_start3A_17] : memref<4992xi32, #tpu.memory_space<vmem>> -> memref<128xi32, #tpu.memory_space<vmem>>
    %dma_start3A_19 = arith.constant 0 : i32
    %dma_start3A_20 = arith.constant 0 : i32
    %dma_start3A_21 = tpu.memref_slice %arg4[%dma_start3A_19, %dma_start3A_20] : memref<10000x128xf32, #tpu.memory_space<hbm>> -> memref<10000x128xf32, #tpu.memory_space<hbm>>
    tpu.enqueue_indirect_dma source(%dma_start3A_21 : memref<10000x128xf32, #tpu.memory_space<hbm>>) target(%arg9 : memref<128x128xf32, #tpu.memory_space<vmem>>) offsets(%dma_start3A_18 : memref<128xi32, #tpu.memory_space<vmem>>) semaphore(%arg14 : memref<!tpu.dma_semaphore, #tpu.memory_space<semaphore_mem>>)
    %scan3A = arith.constant 0 : i32
    %scan3A_22 = arith.constant 0 : i32
    %scan3A_23 = arith.constant 19 : i32
    %scan3A_24 = arith.addi %scan3A_22, %scan3A_23 : i32
    %scan3A_25 = arith.constant 1 : i32
    scf.for %scan3A_53 = %scan3A_22 to %scan3A_24 step %scan3A_25  : i32 {
      %mul3A_54 = arith.constant 2 : i32
      %mul3A_55 = arith.muli %mul3A_54, %scan3A_53 : i32
      %add3A_56 = arith.constant 1 : i32
      %add3A_57 = arith.addi %mul3A_55, %add3A_56 : i32
      %mul3A_58 = arith.constant 128 : i32
      %mul3A_59 = arith.muli %mul3A_58, %add3A_57 : i32
      %dma_start3A_60 = tpu.memref_slice %arg6[%mul3A_59] : memref<4992xi32, #tpu.memory_space<vmem>> -> memref<128xi32, #tpu.memory_space<vmem>>
      %dma_start3A_61 = arith.constant 0 : i32
      %dma_start3A_62 = arith.constant 0 : i32
      %dma_start3A_63 = tpu.memref_slice %arg4[%dma_start3A_61, %dma_start3A_62] : memref<10000x128xf32, #tpu.memory_space<hbm>> -> memref<10000x128xf32, #tpu.memory_space<hbm>>
      tpu.enqueue_indirect_dma source(%dma_start3A_63 : memref<10000x128xf32, #tpu.memory_space<hbm>>) target(%arg10 : memref<128x128xf32, #tpu.memory_space<vmem>>) offsets(%dma_start3A_60 : memref<128xi32, #tpu.memory_space<vmem>>) semaphore(%arg15 : memref<!tpu.dma_semaphore, #tpu.memory_space<semaphore_mem>>)
      %mul3A_64 = arith.constant 128 : i32
      %mul3A_65 = arith.muli %mul3A_64, %add3A_57 : i32
      %dma_start3A_66 = tpu.memref_slice %arg7[%mul3A_65] : memref<4992xi32, #tpu.memory_space<vmem>> -> memref<128xi32, #tpu.memory_space<vmem>>
      %dma_start3A_67 = arith.constant 0 : i32
      %dma_start3A_68 = arith.constant 0 : i32
      %dma_start3A_69 = tpu.memref_slice %arg4[%dma_start3A_67, %dma_start3A_68] : memref<10000x128xf32, #tpu.memory_space<hbm>> -> memref<10000x128xf32, #tpu.memory_space<hbm>>
      tpu.enqueue_indirect_dma source(%dma_start3A_69 : memref<10000x128xf32, #tpu.memory_space<hbm>>) target(%arg11 : memref<128x128xf32, #tpu.memory_space<vmem>>) offsets(%dma_start3A_66 : memref<128xi32, #tpu.memory_space<vmem>>) semaphore(%arg15 : memref<!tpu.dma_semaphore, #tpu.memory_space<semaphore_mem>>)
      %dma_wait3A_70 = arith.constant 0 : i32
      %dma_wait3A_71 = arith.constant 0 : i32
      %dma_wait3A_72 = tpu.memref_slice %arg4[%dma_wait3A_70, %dma_wait3A_71] : memref<10000x128xf32, #tpu.memory_space<hbm>> -> memref<128x128xf32, #tpu.memory_space<hbm>>
      %dma_wait3A_73 = arith.constant 0 : i32
      %dma_wait3A_74 = arith.constant 0 : i32
      %dma_wait3A_75 = tpu.memref_slice %arg4[%dma_wait3A_73, %dma_wait3A_74] : memref<10000x128xf32, #tpu.memory_space<hbm>> -> memref<128x128xf32, #tpu.memory_space<hbm>>
      tpu.wait_dma2 semaphore(%arg14 : memref<!tpu.dma_semaphore, #tpu.memory_space<semaphore_mem>>) src(%dma_wait3A_75 : memref<128x128xf32, #tpu.memory_space<hbm>>) dst(%arg8 : memref<128x128xf32, #tpu.memory_space<vmem>>)
      %dma_wait3A_76 = arith.constant 0 : i32
      %dma_wait3A_77 = arith.constant 0 : i32
      %dma_wait3A_78 = tpu.memref_slice %arg4[%dma_wait3A_76, %dma_wait3A_77] : memref<10000x128xf32, #tpu.memory_space<hbm>> -> memref<128x128xf32, #tpu.memory_space<hbm>>
      %dma_wait3A_79 = arith.constant 0 : i32
      %dma_wait3A_80 = arith.constant 0 : i32
      %dma_wait3A_81 = tpu.memref_slice %arg4[%dma_wait3A_79, %dma_wait3A_80] : memref<10000x128xf32, #tpu.memory_space<hbm>> -> memref<128x128xf32, #tpu.memory_space<hbm>>
      tpu.wait_dma2 semaphore(%arg14 : memref<!tpu.dma_semaphore, #tpu.memory_space<semaphore_mem>>) src(%dma_wait3A_81 : memref<128x128xf32, #tpu.memory_space<hbm>>) dst(%arg9 : memref<128x128xf32, #tpu.memory_space<vmem>>)
      %scan3A_82 = arith.constant 0 : i32
      %scan3A_83 = arith.constant 0 : i32
      %scan3A_84 = arith.constant 16 : i32
      %scan3A_85 = arith.addi %scan3A_83, %scan3A_84 : i32
      %scan3A_86 = arith.constant 1 : i32
      scf.for %scan3A_147 = %scan3A_83 to %scan3A_85 step %scan3A_86  : i32 {
        %mul3A_148 = arith.constant 8 : i32
        %mul3A_149 = arith.muli %mul3A_148, %scan3A_147 : i32
        %add3A_150 = arith.constant 0 : i32
        %add3A_151 = arith.addi %mul3A_149, %add3A_150 : i32
        %get3A = arith.index_cast %add3A_151 : i32 to index
        %get3A_152 = arith.constant 0 : index
        %get3A_153 = tpu.vector_load %arg8[%get3A, %get3A_152] {strides = array<i32>} : memref<128x128xf32, #tpu.memory_space<vmem>>, vector<1x16xf32>,
        %get3A_154 = vector.shape_cast %get3A_153 : vector<1x16xf32> to vector<16xf32>
        %get3A_155 = arith.index_cast %add3A_151 : i32 to index
        %get3A_156 = arith.constant 16 : index
        %get3A_157 = tpu.vector_load %arg9[%get3A_155, %get3A_156] {strides = array<i32>} : memref<128x128xf32, #tpu.memory_space<vmem>>, vector<1x16xf32>,
        %get3A_158 = vector.shape_cast %get3A_157 : vector<1x16xf32> to vector<16xf32>
        %add3A_159 = arith.addf %get3A_154, %get3A_158 : vector<16xf32>
        %swap3A = arith.index_cast %add3A_151 : i32 to index
        %swap3A_160 = arith.constant 0 : index
        %swap3A_161 = tpu.vector_load %arg12[%swap3A, %swap3A_160] {strides = array<i32>} : memref<128x16xf32, #tpu.memory_space<vmem>>, vector<1x16xf32>,
        %swap3A_162 = vector.shape_cast %swap3A_161 : vector<1x16xf32> to vector<16xf32>
        %swap3A_163 = vector.shape_cast %add3A_159 : vector<16xf32> to vector<1x16xf32>
        tpu.vector_store %arg12[%swap3A, %swap3A_160], %swap3A_163 {strides = array<i32>} : memref<128x16xf32, #tpu.memory_space<vmem>>, vector<1x16xf32>,
        %mul3A_164 = arith.constant 8 : i32
        %mul3A_165 = arith.muli %mul3A_164, %scan3A_147 : i32
        %add3A_166 = arith.constant 1 : i32
        %add3A_167 = arith.addi %mul3A_165, %add3A_166 : i32
        %get3A_168 = arith.index_cast %add3A_167 : i32 to index
        %get3A_169 = arith.constant 0 : index
        %get3A_170 = tpu.vector_load %arg8[%get3A_168, %get3A_169] {strides = array<i32>} : memref<128x128xf32, #tpu.memory_space<vmem>>, vector<1x16xf32>,
        %get3A_171 = vector.shape_cast %get3A_170 : vector<1x16xf32> to vector<16xf32>
        %get3A_172 = arith.index_cast %add3A_167 : i32 to index
        %get3A_173 = arith.constant 16 : index
        %get3A_174 = tpu.vector_load %arg9[%get3A_172, %get3A_173] {strides = array<i32>} : memref<128x128xf32, #tpu.memory_space<vmem>>, vector<1x16xf32>,
        %get3A_175 = vector.shape_cast %get3A_174 : vector<1x16xf32> to vector<16xf32>
        %add3A_176 = arith.addf %get3A_171, %get3A_175 : vector<16xf32>
        %swap3A_177 = arith.index_cast %add3A_167 : i32 to index
        %swap3A_178 = arith.constant 0 : index
        %swap3A_179 = tpu.vector_load %arg12[%swap3A_177, %swap3A_178] {strides = array<i32>} : memref<128x16xf32, #tpu.memory_space<vmem>>, vector<1x16xf32>,
        %swap3A_180 = vector.shape_cast %swap3A_179 : vector<1x16xf32> to vector<16xf32>
        %swap3A_181 = vector.shape_cast %add3A_176 : vector<16xf32> to vector<1x16xf32>
        tpu.vector_store %arg12[%swap3A_177, %swap3A_178], %swap3A_181 {strides = array<i32>} : memref<128x16xf32, #tpu.memory_space<vmem>>, vector<1x16xf32>,
        %mul3A_182 = arith.constant 8 : i32
        %mul3A_183 = arith.muli %mul3A_182, %scan3A_147 : i32
        %add3A_184 = arith.constant 2 : i32
        %add3A_185 = arith.addi %mul3A_183, %add3A_184 : i32
        %get3A_186 = arith.index_cast %add3A_185 : i32 to index
        %get3A_187 = arith.constant 0 : index
        %get3A_188 = tpu.vector_load %arg8[%get3A_186, %get3A_187] {strides = array<i32>} : memref<128x128xf32, #tpu.memory_space<vmem>>, vector<1x16xf32>,
        %get3A_189 = vector.shape_cast %get3A_188 : vector<1x16xf32> to vector<16xf32>
        %get3A_190 = arith.index_cast %add3A_185 : i32 to index
        %get3A_191 = arith.constant 16 : index
        %get3A_192 = tpu.vector_load %arg9[%get3A_190, %get3A_191] {strides = array<i32>} : memref<128x128xf32, #tpu.memory_space<vmem>>, vector<1x16xf32>,
        %get3A_193 = vector.shape_cast %get3A_192 : vector<1x16xf32> to vector<16xf32>
        %add3A_194 = arith.addf %get3A_189, %get3A_193 : vector<16xf32>
        %swap3A_195 = arith.index_cast %add3A_185 : i32 to index
        %swap3A_196 = arith.constant 0 : index
        %swap3A_197 = tpu.vector_load %arg12[%swap3A_195, %swap3A_196] {strides = array<i32>} : memref<128x16xf32, #tpu.memory_space<vmem>>, vector<1x16xf32>,
        %swap3A_198 = vector.shape_cast %swap3A_197 : vector<1x16xf32> to vector<16xf32>
        %swap3A_199 = vector.shape_cast %add3A_194 : vector<16xf32> to vector<1x16xf32>
        tpu.vector_store %arg12[%swap3A_195, %swap3A_196], %swap3A_199 {strides = array<i32>} : memref<128x16xf32, #tpu.memory_space<vmem>>, vector<1x16xf32>,
        %mul3A_200 = arith.constant 8 : i32
        %mul3A_201 = arith.muli %mul3A_200, %scan3A_147 : i32
        %add3A_202 = arith.constant 3 : i32
        %add3A_203 = arith.addi %mul3A_201, %add3A_202 : i32
        %get3A_204 = arith.index_cast %add3A_203 : i32 to index
        %get3A_205 = arith.constant 0 : index
        %get3A_206 = tpu.vector_load %arg8[%get3A_204, %get3A_205] {strides = array<i32>} : memref<128x128xf32, #tpu.memory_space<vmem>>, vector<1x16xf32>,
        %get3A_207 = vector.shape_cast %get3A_206 : vector<1x16xf32> to vector<16xf32>
        %get3A_208 = arith.index_cast %add3A_203 : i32 to index
        %get3A_209 = arith.constant 16 : index
        %get3A_210 = tpu.vector_load %arg9[%get3A_208, %get3A_209] {strides = array<i32>} : memref<128x128xf32, #tpu.memory_space<vmem>>, vector<1x16xf32>,
        %get3A_211 = vector.shape_cast %get3A_210 : vector<1x16xf32> to vector<16xf32>
        %add3A_212 = arith.addf %get3A_207, %get3A_211 : vector<16xf32>
        %swap3A_213 = arith.index_cast %add3A_203 : i32 to index
        %swap3A_214 = arith.constant 0 : index
        %swap3A_215 = tpu.vector_load %arg12[%swap3A_213, %swap3A_214] {strides = array<i32>} : memref<128x16xf32, #tpu.memory_space<vmem>>, vector<1x16xf32>,
        %swap3A_216 = vector.shape_cast %swap3A_215 : vector<1x16xf32> to vector<16xf32>
        %swap3A_217 = vector.shape_cast %add3A_212 : vector<16xf32> to vector<1x16xf32>
        tpu.vector_store %arg12[%swap3A_213, %swap3A_214], %swap3A_217 {strides = array<i32>} : memref<128x16xf32, #tpu.memory_space<vmem>>, vector<1x16xf32>,
        %mul3A_218 = arith.constant 8 : i32
        %mul3A_219 = arith.muli %mul3A_218, %scan3A_147 : i32
        %add3A_220 = arith.constant 4 : i32
        %add3A_221 = arith.addi %mul3A_219, %add3A_220 : i32
        %get3A_222 = arith.index_cast %add3A_221 : i32 to index
        %get3A_223 = arith.constant 0 : index
        %get3A_224 = tpu.vector_load %arg8[%get3A_222, %get3A_223] {strides = array<i32>} : memref<128x128xf32, #tpu.memory_space<vmem>>, vector<1x16xf32>,
        %get3A_225 = vector.shape_cast %get3A_224 : vector<1x16xf32> to vector<16xf32>
        %get3A_226 = arith.index_cast %add3A_221 : i32 to index
        %get3A_227 = arith.constant 16 : index
        %get3A_228 = tpu.vector_load %arg9[%get3A_226, %get3A_227] {strides = array<i32>} : memref<128x128xf32, #tpu.memory_space<vmem>>, vector<1x16xf32>,
        %get3A_229 = vector.shape_cast %get3A_228 : vector<1x16xf32> to vector<16xf32>
        %add3A_230 = arith.addf %get3A_225, %get3A_229 : vector<16xf32>
        %swap3A_231 = arith.index_cast %add3A_221 : i32 to index
        %swap3A_232 = arith.constant 0 : index
        %swap3A_233 = tpu.vector_load %arg12[%swap3A_231, %swap3A_232] {strides = array<i32>} : memref<128x16xf32, #tpu.memory_space<vmem>>, vector<1x16xf32>,
        %swap3A_234 = vector.shape_cast %swap3A_233 : vector<1x16xf32> to vector<16xf32>
        %swap3A_235 = vector.shape_cast %add3A_230 : vector<16xf32> to vector<1x16xf32>
        tpu.vector_store %arg12[%swap3A_231, %swap3A_232], %swap3A_235 {strides = array<i32>} : memref<128x16xf32, #tpu.memory_space<vmem>>, vector<1x16xf32>,
        %mul3A_236 = arith.constant 8 : i32
        %mul3A_237 = arith.muli %mul3A_236, %scan3A_147 : i32
        %add3A_238 = arith.constant 5 : i32
        %add3A_239 = arith.addi %mul3A_237, %add3A_238 : i32
        %get3A_240 = arith.index_cast %add3A_239 : i32 to index
        %get3A_241 = arith.constant 0 : index
        %get3A_242 = tpu.vector_load %arg8[%get3A_240, %get3A_241] {strides = array<i32>} : memref<128x128xf32, #tpu.memory_space<vmem>>, vector<1x16xf32>,
        %get3A_243 = vector.shape_cast %get3A_242 : vector<1x16xf32> to vector<16xf32>
        %get3A_244 = arith.index_cast %add3A_239 : i32 to index
        %get3A_245 = arith.constant 16 : index
        %get3A_246 = tpu.vector_load %arg9[%get3A_244, %get3A_245] {strides = array<i32>} : memref<128x128xf32, #tpu.memory_space<vmem>>, vector<1x16xf32>,
        %get3A_247 = vector.shape_cast %get3A_246 : vector<1x16xf32> to vector<16xf32>
        %add3A_248 = arith.addf %get3A_243, %get3A_247 : vector<16xf32>
        %swap3A_249 = arith.index_cast %add3A_239 : i32 to index
        %swap3A_250 = arith.constant 0 : index
        %swap3A_251 = tpu.vector_load %arg12[%swap3A_249, %swap3A_250] {strides = array<i32>} : memref<128x16xf32, #tpu.memory_space<vmem>>, vector<1x16xf32>,
        %swap3A_252 = vector.shape_cast %swap3A_251 : vector<1x16xf32> to vector<16xf32>
        %swap3A_253 = vector.shape_cast %add3A_248 : vector<16xf32> to vector<1x16xf32>
        tpu.vector_store %arg12[%swap3A_249, %swap3A_250], %swap3A_253 {strides = array<i32>} : memref<128x16xf32, #tpu.memory_space<vmem>>, vector<1x16xf32>,
        %mul3A_254 = arith.constant 8 : i32
        %mul3A_255 = arith.muli %mul3A_254, %scan3A_147 : i32
        %add3A_256 = arith.constant 6 : i32
        %add3A_257 = arith.addi %mul3A_255, %add3A_256 : i32
        %get3A_258 = arith.index_cast %add3A_257 : i32 to index
        %get3A_259 = arith.constant 0 : index
        %get3A_260 = tpu.vector_load %arg8[%get3A_258, %get3A_259] {strides = array<i32>} : memref<128x128xf32, #tpu.memory_space<vmem>>, vector<1x16xf32>,
        %get3A_261 = vector.shape_cast %get3A_260 : vector<1x16xf32> to vector<16xf32>
        %get3A_262 = arith.index_cast %add3A_257 : i32 to index
        %get3A_263 = arith.constant 16 : index
        %get3A_264 = tpu.vector_load %arg9[%get3A_262, %get3A_263] {strides = array<i32>} : memref<128x128xf32, #tpu.memory_space<vmem>>, vector<1x16xf32>,
        %get3A_265 = vector.shape_cast %get3A_264 : vector<1x16xf32> to vector<16xf32>
        %add3A_266 = arith.addf %get3A_261, %get3A_265 : vector<16xf32>
        %swap3A_267 = arith.index_cast %add3A_257 : i32 to index
        %swap3A_268 = arith.constant 0 : index
        %swap3A_269 = tpu.vector_load %arg12[%swap3A_267, %swap3A_268] {strides = array<i32>} : memref<128x16xf32, #tpu.memory_space<vmem>>, vector<1x16xf32>,
        %swap3A_270 = vector.shape_cast %swap3A_269 : vector<1x16xf32> to vector<16xf32>
        %swap3A_271 = vector.shape_cast %add3A_266 : vector<16xf32> to vector<1x16xf32>
        tpu.vector_store %arg12[%swap3A_267, %swap3A_268], %swap3A_271 {strides = array<i32>} : memref<128x16xf32, #tpu.memory_space<vmem>>, vector<1x16xf32>,
        %mul3A_272 = arith.constant 8 : i32
        %mul3A_273 = arith.muli %mul3A_272, %scan3A_147 : i32
        %add3A_274 = arith.constant 7 : i32
        %add3A_275 = arith.addi %mul3A_273, %add3A_274 : i32
        %get3A_276 = arith.index_cast %add3A_275 : i32 to index
        %get3A_277 = arith.constant 0 : index
        %get3A_278 = tpu.vector_load %arg8[%get3A_276, %get3A_277] {strides = array<i32>} : memref<128x128xf32, #tpu.memory_space<vmem>>, vector<1x16xf32>,
        %get3A_279 = vector.shape_cast %get3A_278 : vector<1x16xf32> to vector<16xf32>
        %get3A_280 = arith.index_cast %add3A_275 : i32 to index
        %get3A_281 = arith.constant 16 : index
        %get3A_282 = tpu.vector_load %arg9[%get3A_280, %get3A_281] {strides = array<i32>} : memref<128x128xf32, #tpu.memory_space<vmem>>, vector<1x16xf32>,
        %get3A_283 = vector.shape_cast %get3A_282 : vector<1x16xf32> to vector<16xf32>
        %add3A_284 = arith.addf %get3A_279, %get3A_283 : vector<16xf32>
        %swap3A_285 = arith.index_cast %add3A_275 : i32 to index
        %swap3A_286 = arith.constant 0 : index
        %swap3A_287 = tpu.vector_load %arg12[%swap3A_285, %swap3A_286] {strides = array<i32>} : memref<128x16xf32, #tpu.memory_space<vmem>>, vector<1x16xf32>,
        %swap3A_288 = vector.shape_cast %swap3A_287 : vector<1x16xf32> to vector<16xf32>
        %swap3A_289 = vector.shape_cast %add3A_284 : vector<16xf32> to vector<1x16xf32>
        tpu.vector_store %arg12[%swap3A_285, %swap3A_286], %swap3A_289 {strides = array<i32>} : memref<128x16xf32, #tpu.memory_space<vmem>>, vector<1x16xf32>,
      }
      %scan3A_87 = arith.constant 16 : i32
      %gt3A = arith.constant 0 : i32
      %gt3A_88 = arith.cmpi sgt, %scan3A_53, %gt3A : i32
      %convert_element_type3A_89 = arith.extui %gt3A_88 : i1 to i32
      %cond3A_90 = arith.constant 0 : i32
      %cond3A_91 = arith.cmpi ne, %convert_element_type3A_89, %cond3A_90 : i32
      scf.if %cond3A_91 {
        %dma_wait3A_147 = arith.constant 0 : i32
        %dma_wait3A_148 = arith.constant 0 : i32
        %dma_wait3A_149 = tpu.memref_slice %arg5[%dma_wait3A_147, %dma_wait3A_148] : memref<156160x16xf32, #tpu.memory_space<hbm>> -> memref<128x16xf32, #tpu.memory_space<hbm>>
        %dma_wait3A_150 = arith.constant 0 : i32
        %dma_wait3A_151 = arith.constant 0 : i32
        %dma_wait3A_152 = tpu.memref_slice %arg5[%dma_wait3A_150, %dma_wait3A_151] : memref<156160x16xf32, #tpu.memory_space<hbm>> -> memref<128x16xf32, #tpu.memory_space<hbm>>
        tpu.wait_dma2 semaphore(%arg16 : memref<!tpu.dma_semaphore, #tpu.memory_space<semaphore_mem>>) src(%dma_wait3A_152 : memref<128x16xf32, #tpu.memory_space<hbm>>) dst(%arg12 : memref<128x16xf32, #tpu.memory_space<vmem>>)
      } else {
      }
      %add3A_92 = arith.addi %add3A_5, %mul3A_55 : i32
      %mul3A_93 = arith.constant 128 : i32
      %mul3A_94 = arith.muli %mul3A_93, %add3A_92 : i32
      %dma_start3A_95 = arith.constant 0 : i32
      %dma_start3A_96 = tpu.memref_slice %arg5[%mul3A_94, %dma_start3A_95] : memref<156160x16xf32, #tpu.memory_space<hbm>> -> memref<128x16xf32, #tpu.memory_space<hbm>>
      %dma_start3A_97 = arith.constant 0 : i32
      %dma_start3A_98 = tpu.memref_slice %arg5[%mul3A_94, %dma_start3A_97] : memref<156160x16xf32, #tpu.memory_space<hbm>> -> memref<128x16xf32, #tpu.memory_space<hbm>>
      tpu.enqueue_dma source(%arg12 : memref<128x16xf32, #tpu.memory_space<vmem>>) target(%dma_start3A_98 : memref<128x16xf32, #tpu.memory_space<hbm>>) target_semaphore(%arg16 : memref<!tpu.dma_semaphore, #tpu.memory_space<semaphore_mem>>)
      %add3A_99 = arith.constant 2 : i32
      %add3A_100 = arith.addi %mul3A_55, %add3A_99 : i32
      %min3A_101 = arith.constant 37 : i32
      %min3A_102 = arith.minsi %add3A_100, %min3A_101 : i32
      %mul3A_103 = arith.constant 128 : i32
      %mul3A_104 = arith.muli %mul3A_103, %min3A_102 : i32
      %dma_start3A_105 = tpu.memref_slice %arg6[%mul3A_104] : memref<4992xi32, #tpu.memory_space<vmem>> -> memref<128xi32, #tpu.memory_space<vmem>>
      %dma_start3A_106 = arith.constant 0 : i32
      %dma_start3A_107 = arith.constant 0 : i32
      %dma_start3A_108 = tpu.memref_slice %arg4[%dma_start3A_106, %dma_start3A_107] : memref<10000x128xf32, #tpu.memory_space<hbm>> -> memref<10000x128xf32, #tpu.memory_space<hbm>>
      tpu.enqueue_indirect_dma source(%dma_start3A_108 : memref<10000x128xf32, #tpu.memory_space<hbm>>) target(%arg8 : memref<128x128xf32, #tpu.memory_space<vmem>>) offsets(%dma_start3A_105 : memref<128xi32, #tpu.memory_space<vmem>>) semaphore(%arg14 : memref<!tpu.dma_semaphore, #tpu.memory_space<semaphore_mem>>)
      %mul3A_109 = arith.constant 128 : i32
      %mul3A_110 = arith.muli %mul3A_109, %min3A_102 : i32
      %dma_start3A_111 = tpu.memref_slice %arg7[%mul3A_110] : memref<4992xi32, #tpu.memory_space<vmem>> -> memref<128xi32, #tpu.memory_space<vmem>>
      %dma_start3A_112 = arith.constant 0 : i32
      %dma_start3A_113 = arith.constant 0 : i32
      %dma_start3A_114 = tpu.memref_slice %arg4[%dma_start3A_112, %dma_start3A_113] : memref<10000x128xf32, #tpu.memory_space<hbm>> -> memref<10000x128xf32, #tpu.memory_space<hbm>>
      tpu.enqueue_indirect_dma source(%dma_start3A_114 : memref<10000x128xf32, #tpu.memory_space<hbm>>) target(%arg9 : memref<128x128xf32, #tpu.memory_space<vmem>>) offsets(%dma_start3A_111 : memref<128xi32, #tpu.memory_space<vmem>>) semaphore(%arg14 : memref<!tpu.dma_semaphore, #tpu.memory_space<semaphore_mem>>)
      %dma_wait3A_115 = arith.constant 0 : i32
      %dma_wait3A_116 = arith.constant 0 : i32
      %dma_wait3A_117 = tpu.memref_slice %arg4[%dma_wait3A_115, %dma_wait3A_116] : memref<10000x128xf32, #tpu.memory_space<hbm>> -> memref<128x128xf32, #tpu.memory_space<hbm>>
      %dma_wait3A_118 = arith.constant 0 : i32
      %dma_wait3A_119 = arith.constant 0 : i32
      %dma_wait3A_120 = tpu.memref_slice %arg4[%dma_wait3A_118, %dma_wait3A_119] : memref<10000x128xf32, #tpu.memory_space<hbm>> -> memref<128x128xf32, #tpu.memory_space<hbm>>
      tpu.wait_dma2 semaphore(%arg15 : memref<!tpu.dma_semaphore, #tpu.memory_space<semaphore_mem>>) src(%dma_wait3A_120 : memref<128x128xf32, #tpu.memory_space<hbm>>) dst(%arg10 : memref<128x128xf32, #tpu.memory_space<vmem>>)
      %dma_wait3A_121 = arith.constant 0 : i32
      %dma_wait3A_122 = arith.constant 0 : i32
      %dma_wait3A_123 = tpu.memref_slice %arg4[%dma_wait3A_121, %dma_wait3A_122] : memref<10000x128xf32, #tpu.memory_space<hbm>> -> memref<128x128xf32, #tpu.memory_space<hbm>>
      %dma_wait3A_124 = arith.constant 0 : i32
      %dma_wait3A_125 = arith.constant 0 : i32
      %dma_wait3A_126 = tpu.memref_slice %arg4[%dma_wait3A_124, %dma_wait3A_125] : memref<10000x128xf32, #tpu.memory_space<hbm>> -> memref<128x128xf32, #tpu.memory_space<hbm>>
      tpu.wait_dma2 semaphore(%arg15 : memref<!tpu.dma_semaphore, #tpu.memory_space<semaphore_mem>>) src(%dma_wait3A_126 : memref<128x128xf32, #tpu.memory_space<hbm>>) dst(%arg11 : memref<128x128xf32, #tpu.memory_space<vmem>>)
      %scan3A_127 = arith.constant 0 : i32
      %scan3A_128 = arith.constant 0 : i32
      %scan3A_129 = arith.constant 16 : i32
      %scan3A_130 = arith.addi %scan3A_128, %scan3A_129 : i32
      %scan3A_131 = arith.constant 1 : i32
      scf.for %scan3A_147 = %scan3A_128 to %scan3A_130 step %scan3A_131  : i32 {
        %mul3A_148 = arith.constant 8 : i32
        %mul3A_149 = arith.muli %mul3A_148, %scan3A_147 : i32
        %add3A_150 = arith.constant 0 : i32
        %add3A_151 = arith.addi %mul3A_149, %add3A_150 : i32
        %get3A = arith.index_cast %add3A_151 : i32 to index
        %get3A_152 = arith.constant 0 : index
        %get3A_153 = tpu.vector_load %arg10[%get3A, %get3A_152] {strides = array<i32>} : memref<128x128xf32, #tpu.memory_space<vmem>>, vector<1x16xf32>,
        %get3A_154 = vector.shape_cast %get3A_153 : vector<1x16xf32> to vector<16xf32>
        %get3A_155 = arith.index_cast %add3A_151 : i32 to index
        %get3A_156 = arith.constant 16 : index
        %get3A_157 = tpu.vector_load %arg11[%get3A_155, %get3A_156] {strides = array<i32>} : memref<128x128xf32, #tpu.memory_space<vmem>>, vector<1x16xf32>,
        %get3A_158 = vector.shape_cast %get3A_157 : vector<1x16xf32> to vector<16xf32>
        %add3A_159 = arith.addf %get3A_154, %get3A_158 : vector<16xf32>
        %swap3A = arith.index_cast %add3A_151 : i32 to index
        %swap3A_160 = arith.constant 0 : index
        %swap3A_161 = tpu.vector_load %arg13[%swap3A, %swap3A_160] {strides = array<i32>} : memref<128x16xf32, #tpu.memory_space<vmem>>, vector<1x16xf32>,
        %swap3A_162 = vector.shape_cast %swap3A_161 : vector<1x16xf32> to vector<16xf32>
        %swap3A_163 = vector.shape_cast %add3A_159 : vector<16xf32> to vector<1x16xf32>
        tpu.vector_store %arg13[%swap3A, %swap3A_160], %swap3A_163 {strides = array<i32>} : memref<128x16xf32, #tpu.memory_space<vmem>>, vector<1x16xf32>,
        %mul3A_164 = arith.constant 8 : i32
        %mul3A_165 = arith.muli %mul3A_164, %scan3A_147 : i32
        %add3A_166 = arith.constant 1 : i32
        %add3A_167 = arith.addi %mul3A_165, %add3A_166 : i32
        %get3A_168 = arith.index_cast %add3A_167 : i32 to index
        %get3A_169 = arith.constant 0 : index
        %get3A_170 = tpu.vector_load %arg10[%get3A_168, %get3A_169] {strides = array<i32>} : memref<128x128xf32, #tpu.memory_space<vmem>>, vector<1x16xf32>,
        %get3A_171 = vector.shape_cast %get3A_170 : vector<1x16xf32> to vector<16xf32>
        %get3A_172 = arith.index_cast %add3A_167 : i32 to index
        %get3A_173 = arith.constant 16 : index
        %get3A_174 = tpu.vector_load %arg11[%get3A_172, %get3A_173] {strides = array<i32>} : memref<128x128xf32, #tpu.memory_space<vmem>>, vector<1x16xf32>,
        %get3A_175 = vector.shape_cast %get3A_174 : vector<1x16xf32> to vector<16xf32>
        %add3A_176 = arith.addf %get3A_171, %get3A_175 : vector<16xf32>
        %swap3A_177 = arith.index_cast %add3A_167 : i32 to index
        %swap3A_178 = arith.constant 0 : index
        %swap3A_179 = tpu.vector_load %arg13[%swap3A_177, %swap3A_178] {strides = array<i32>} : memref<128x16xf32, #tpu.memory_space<vmem>>, vector<1x16xf32>,
        %swap3A_180 = vector.shape_cast %swap3A_179 : vector<1x16xf32> to vector<16xf32>
        %swap3A_181 = vector.shape_cast %add3A_176 : vector<16xf32> to vector<1x16xf32>
        tpu.vector_store %arg13[%swap3A_177, %swap3A_178], %swap3A_181 {strides = array<i32>} : memref<128x16xf32, #tpu.memory_space<vmem>>, vector<1x16xf32>,
        %mul3A_182 = arith.constant 8 : i32
        %mul3A_183 = arith.muli %mul3A_182, %scan3A_147 : i32
        %add3A_184 = arith.constant 2 : i32
        %add3A_185 = arith.addi %mul3A_183, %add3A_184 : i32
        %get3A_186 = arith.index_cast %add3A_185 : i32 to index
        %get3A_187 = arith.constant 0 : index
        %get3A_188 = tpu.vector_load %arg10[%get3A_186, %get3A_187] {strides = array<i32>} : memref<128x128xf32, #tpu.memory_space<vmem>>, vector<1x16xf32>,
        %get3A_189 = vector.shape_cast %get3A_188 : vector<1x16xf32> to vector<16xf32>
        %get3A_190 = arith.index_cast %add3A_185 : i32 to index
        %get3A_191 = arith.constant 16 : index
        %get3A_192 = tpu.vector_load %arg11[%get3A_190, %get3A_191] {strides = array<i32>} : memref<128x128xf32, #tpu.memory_space<vmem>>, vector<1x16xf32>,
        %get3A_193 = vector.shape_cast %get3A_192 : vector<1x16xf32> to vector<16xf32>
        %add3A_194 = arith.addf %get3A_189, %get3A_193 : vector<16xf32>
        %swap3A_195 = arith.index_cast %add3A_185 : i32 to index
        %swap3A_196 = arith.constant 0 : index
        %swap3A_197 = tpu.vector_load %arg13[%swap3A_195, %swap3A_196] {strides = array<i32>} : memref<128x16xf32, #tpu.memory_space<vmem>>, vector<1x16xf32>,
        %swap3A_198 = vector.shape_cast %swap3A_197 : vector<1x16xf32> to vector<16xf32>
        %swap3A_199 = vector.shape_cast %add3A_194 : vector<16xf32> to vector<1x16xf32>
        tpu.vector_store %arg13[%swap3A_195, %swap3A_196], %swap3A_199 {strides = array<i32>} : memref<128x16xf32, #tpu.memory_space<vmem>>, vector<1x16xf32>,
        %mul3A_200 = arith.constant 8 : i32
        %mul3A_201 = arith.muli %mul3A_200, %scan3A_147 : i32
        %add3A_202 = arith.constant 3 : i32
        %add3A_203 = arith.addi %mul3A_201, %add3A_202 : i32
        %get3A_204 = arith.index_cast %add3A_203 : i32 to index
        %get3A_205 = arith.constant 0 : index
        %get3A_206 = tpu.vector_load %arg10[%get3A_204, %get3A_205] {strides = array<i32>} : memref<128x128xf32, #tpu.memory_space<vmem>>, vector<1x16xf32>,
        %get3A_207 = vector.shape_cast %get3A_206 : vector<1x16xf32> to vector<16xf32>
        %get3A_208 = arith.index_cast %add3A_203 : i32 to index
        %get3A_209 = arith.constant 16 : index
        %get3A_210 = tpu.vector_load %arg11[%get3A_208, %get3A_209] {strides = array<i32>} : memref<128x128xf32, #tpu.memory_space<vmem>>, vector<1x16xf32>,
        %get3A_211 = vector.shape_cast %get3A_210 : vector<1x16xf32> to vector<16xf32>
        %add3A_212 = arith.addf %get3A_207, %get3A_211 : vector<16xf32>
        %swap3A_213 = arith.index_cast %add3A_203 : i32 to index
        %swap3A_214 = arith.constant 0 : index
        %swap3A_215 = tpu.vector_load %arg13[%swap3A_213, %swap3A_214] {strides = array<i32>} : memref<128x16xf32, #tpu.memory_space<vmem>>, vector<1x16xf32>,
        %swap3A_216 = vector.shape_cast %swap3A_215 : vector<1x16xf32> to vector<16xf32>
        %swap3A_217 = vector.shape_cast %add3A_212 : vector<16xf32> to vector<1x16xf32>
        tpu.vector_store %arg13[%swap3A_213, %swap3A_214], %swap3A_217 {strides = array<i32>} : memref<128x16xf32, #tpu.memory_space<vmem>>, vector<1x16xf32>,
        %mul3A_218 = arith.constant 8 : i32
        %mul3A_219 = arith.muli %mul3A_218, %scan3A_147 : i32
        %add3A_220 = arith.constant 4 : i32
        %add3A_221 = arith.addi %mul3A_219, %add3A_220 : i32
        %get3A_222 = arith.index_cast %add3A_221 : i32 to index
        %get3A_223 = arith.constant 0 : index
        %get3A_224 = tpu.vector_load %arg10[%get3A_222, %get3A_223] {strides = array<i32>} : memref<128x128xf32, #tpu.memory_space<vmem>>, vector<1x16xf32>,
        %get3A_225 = vector.shape_cast %get3A_224 : vector<1x16xf32> to vector<16xf32>
        %get3A_226 = arith.index_cast %add3A_221 : i32 to index
        %get3A_227 = arith.constant 16 : index
        %get3A_228 = tpu.vector_load %arg11[%get3A_226, %get3A_227] {strides = array<i32>} : memref<128x128xf32, #tpu.memory_space<vmem>>, vector<1x16xf32>,
        %get3A_229 = vector.shape_cast %get3A_228 : vector<1x16xf32> to vector<16xf32>
        %add3A_230 = arith.addf %get3A_225, %get3A_229 : vector<16xf32>
        %swap3A_231 = arith.index_cast %add3A_221 : i32 to index
        %swap3A_232 = arith.constant 0 : index
        %swap3A_233 = tpu.vector_load %arg13[%swap3A_231, %swap3A_232] {strides = array<i32>} : memref<128x16xf32, #tpu.memory_space<vmem>>, vector<1x16xf32>,
        %swap3A_234 = vector.shape_cast %swap3A_233 : vector<1x16xf32> to vector<16xf32>
        %swap3A_235 = vector.shape_cast %add3A_230 : vector<16xf32> to vector<1x16xf32>
        tpu.vector_store %arg13[%swap3A_231, %swap3A_232], %swap3A_235 {strides = array<i32>} : memref<128x16xf32, #tpu.memory_space<vmem>>, vector<1x16xf32>,
        %mul3A_236 = arith.constant 8 : i32
        %mul3A_237 = arith.muli %mul3A_236, %scan3A_147 : i32
        %add3A_238 = arith.constant 5 : i32
        %add3A_239 = arith.addi %mul3A_237, %add3A_238 : i32
        %get3A_240 = arith.index_cast %add3A_239 : i32 to index
        %get3A_241 = arith.constant 0 : index
        %get3A_242 = tpu.vector_load %arg10[%get3A_240, %get3A_241] {strides = array<i32>} : memref<128x128xf32, #tpu.memory_space<vmem>>, vector<1x16xf32>,
        %get3A_243 = vector.shape_cast %get3A_242 : vector<1x16xf32> to vector<16xf32>
        %get3A_244 = arith.index_cast %add3A_239 : i32 to index
        %get3A_245 = arith.constant 16 : index
        %get3A_246 = tpu.vector_load %arg11[%get3A_244, %get3A_245] {strides = array<i32>} : memref<128x128xf32, #tpu.memory_space<vmem>>, vector<1x16xf32>,
        %get3A_247 = vector.shape_cast %get3A_246 : vector<1x16xf32> to vector<16xf32>
        %add3A_248 = arith.addf %get3A_243, %get3A_247 : vector<16xf32>
        %swap3A_249 = arith.index_cast %add3A_239 : i32 to index
        %swap3A_250 = arith.constant 0 : index
        %swap3A_251 = tpu.vector_load %arg13[%swap3A_249, %swap3A_250] {strides = array<i32>} : memref<128x16xf32, #tpu.memory_space<vmem>>, vector<1x16xf32>,
        %swap3A_252 = vector.shape_cast %swap3A_251 : vector<1x16xf32> to vector<16xf32>
        %swap3A_253 = vector.shape_cast %add3A_248 : vector<16xf32> to vector<1x16xf32>
        tpu.vector_store %arg13[%swap3A_249, %swap3A_250], %swap3A_253 {strides = array<i32>} : memref<128x16xf32, #tpu.memory_space<vmem>>, vector<1x16xf32>,
        %mul3A_254 = arith.constant 8 : i32
        %mul3A_255 = arith.muli %mul3A_254, %scan3A_147 : i32
        %add3A_256 = arith.constant 6 : i32
        %add3A_257 = arith.addi %mul3A_255, %add3A_256 : i32
        %get3A_258 = arith.index_cast %add3A_257 : i32 to index
        %get3A_259 = arith.constant 0 : index
        %get3A_260 = tpu.vector_load %arg10[%get3A_258, %get3A_259] {strides = array<i32>} : memref<128x128xf32, #tpu.memory_space<vmem>>, vector<1x16xf32>,
        %get3A_261 = vector.shape_cast %get3A_260 : vector<1x16xf32> to vector<16xf32>
        %get3A_262 = arith.index_cast %add3A_257 : i32 to index
        %get3A_263 = arith.constant 16 : index
        %get3A_264 = tpu.vector_load %arg11[%get3A_262, %get3A_263] {strides = array<i32>} : memref<128x128xf32, #tpu.memory_space<vmem>>, vector<1x16xf32>,
        %get3A_265 = vector.shape_cast %get3A_264 : vector<1x16xf32> to vector<16xf32>
        %add3A_266 = arith.addf %get3A_261, %get3A_265 : vector<16xf32>
        %swap3A_267 = arith.index_cast %add3A_257 : i32 to index
        %swap3A_268 = arith.constant 0 : index
        %swap3A_269 = tpu.vector_load %arg13[%swap3A_267, %swap3A_268] {strides = array<i32>} : memref<128x16xf32, #tpu.memory_space<vmem>>, vector<1x16xf32>,
        %swap3A_270 = vector.shape_cast %swap3A_269 : vector<1x16xf32> to vector<16xf32>
        %swap3A_271 = vector.shape_cast %add3A_266 : vector<16xf32> to vector<1x16xf32>
        tpu.vector_store %arg13[%swap3A_267, %swap3A_268], %swap3A_271 {strides = array<i32>} : memref<128x16xf32, #tpu.memory_space<vmem>>, vector<1x16xf32>,
        %mul3A_272 = arith.constant 8 : i32
        %mul3A_273 = arith.muli %mul3A_272, %scan3A_147 : i32
        %add3A_274 = arith.constant 7 : i32
        %add3A_275 = arith.addi %mul3A_273, %add3A_274 : i32
        %get3A_276 = arith.index_cast %add3A_275 : i32 to index
        %get3A_277 = arith.constant 0 : index
        %get3A_278 = tpu.vector_load %arg10[%get3A_276, %get3A_277] {strides = array<i32>} : memref<128x128xf32, #tpu.memory_space<vmem>>, vector<1x16xf32>,
        %get3A_279 = vector.shape_cast %get3A_278 : vector<1x16xf32> to vector<16xf32>
        %get3A_280 = arith.index_cast %add3A_275 : i32 to index
        %get3A_281 = arith.constant 16 : index
        %get3A_282 = tpu.vector_load %arg11[%get3A_280, %get3A_281] {strides = array<i32>} : memref<128x128xf32, #tpu.memory_space<vmem>>, vector<1x16xf32>,
        %get3A_283 = vector.shape_cast %get3A_282 : vector<1x16xf32> to vector<16xf32>
        %add3A_284 = arith.addf %get3A_279, %get3A_283 : vector<16xf32>
        %swap3A_285 = arith.index_cast %add3A_275 : i32 to index
        %swap3A_286 = arith.constant 0 : index
        %swap3A_287 = tpu.vector_load %arg13[%swap3A_285, %swap3A_286] {strides = array<i32>} : memref<128x16xf32, #tpu.memory_space<vmem>>, vector<1x16xf32>,
        %swap3A_288 = vector.shape_cast %swap3A_287 : vector<1x16xf32> to vector<16xf32>
        %swap3A_289 = vector.shape_cast %add3A_284 : vector<16xf32> to vector<1x16xf32>
        tpu.vector_store %arg13[%swap3A_285, %swap3A_286], %swap3A_289 {strides = array<i32>} : memref<128x16xf32, #tpu.memory_space<vmem>>, vector<1x16xf32>,
      }
      %scan3A_132 = arith.constant 16 : i32
      %add3A_133 = arith.constant 1 : i32
      %add3A_134 = arith.addi %mul3A_55, %add3A_133 : i32
      %gt3A_135 = arith.constant 0 : i32
      %gt3A_136 = arith.cmpi sgt, %scan3A_53, %gt3A_135 : i32
      %convert_element_type3A_137 = arith.extui %gt3A_136 : i1 to i32
      %cond3A_138 = arith.constant 0 : i32
      %cond3A_139 = arith.cmpi ne, %convert_element_type3A_137, %cond3A_138 : i32
      scf.if %cond3A_139 {
        %dma_wait3A_147 = arith.constant 0 : i32
        %dma_wait3A_148 = arith.constant 0 : i32
        %dma_wait3A_149 = tpu.memref_slice %arg5[%dma_wait3A_147, %dma_wait3A_148] : memref<156160x16xf32, #tpu.memory_space<hbm>> -> memref<128x16xf32, #tpu.memory_space<hbm>>
        %dma_wait3A_150 = arith.constant 0 : i32
        %dma_wait3A_151 = arith.constant 0 : i32
        %dma_wait3A_152 = tpu.memref_slice %arg5[%dma_wait3A_150, %dma_wait3A_151] : memref<156160x16xf32, #tpu.memory_space<hbm>> -> memref<128x16xf32, #tpu.memory_space<hbm>>
        tpu.wait_dma2 semaphore(%arg17 : memref<!tpu.dma_semaphore, #tpu.memory_space<semaphore_mem>>) src(%dma_wait3A_152 : memref<128x16xf32, #tpu.memory_space<hbm>>) dst(%arg13 : memref<128x16xf32, #tpu.memory_space<vmem>>)
      } else {
      }
      %add3A_140 = arith.addi %add3A_5, %add3A_134 : i32
      %mul3A_141 = arith.constant 128 : i32
      %mul3A_142 = arith.muli %mul3A_141, %add3A_140 : i32
      %dma_start3A_143 = arith.constant 0 : i32
      %dma_start3A_144 = tpu.memref_slice %arg5[%mul3A_142, %dma_start3A_143] : memref<156160x16xf32, #tpu.memory_space<hbm>> -> memref<128x16xf32, #tpu.memory_space<hbm>>
      %dma_start3A_145 = arith.constant 0 : i32
      %dma_start3A_146 = tpu.memref_slice %arg5[%mul3A_142, %dma_start3A_145] : memref<156160x16xf32, #tpu.memory_space<hbm>> -> memref<128x16xf32, #tpu.memory_space<hbm>>
      tpu.enqueue_dma source(%arg13 : memref<128x16xf32, #tpu.memory_space<vmem>>) target(%dma_start3A_146 : memref<128x16xf32, #tpu.memory_space<hbm>>) target_semaphore(%arg17 : memref<!tpu.dma_semaphore, #tpu.memory_space<semaphore_mem>>)
    }
    %scan3A_26 = arith.constant 19 : i32
    %dma_wait3A = arith.constant 0 : i32
    %dma_wait3A_27 = arith.constant 0 : i32
    %dma_wait3A_28 = tpu.memref_slice %arg4[%dma_wait3A, %dma_wait3A_27] : memref<10000x128xf32, #tpu.memory_space<hbm>> -> memref<128x128xf32, #tpu.memory_space<hbm>>
    %dma_wait3A_29 = arith.constant 0 : i32
    %dma_wait3A_30 = arith.constant 0 : i32
    %dma_wait3A_31 = tpu.memref_slice %arg4[%dma_wait3A_29, %dma_wait3A_30] : memref<10000x128xf32, #tpu.memory_space<hbm>> -> memref<128x128xf32, #tpu.memory_space<hbm>>
    tpu.wait_dma2 semaphore(%arg14 : memref<!tpu.dma_semaphore, #tpu.memory_space<semaphore_mem>>) src(%dma_wait3A_31 : memref<128x128xf32, #tpu.memory_space<hbm>>) dst(%arg8 : memref<128x128xf32, #tpu.memory_space<vmem>>)
    %dma_wait3A_32 = arith.constant 0 : i32
    %dma_wait3A_33 = arith.constant 0 : i32
    %dma_wait3A_34 = tpu.memref_slice %arg4[%dma_wait3A_32, %dma_wait3A_33] : memref<10000x128xf32, #tpu.memory_space<hbm>> -> memref<128x128xf32, #tpu.memory_space<hbm>>
    %dma_wait3A_35 = arith.constant 0 : i32
    %dma_wait3A_36 = arith.constant 0 : i32
    %dma_wait3A_37 = tpu.memref_slice %arg4[%dma_wait3A_35, %dma_wait3A_36] : memref<10000x128xf32, #tpu.memory_space<hbm>> -> memref<128x128xf32, #tpu.memory_space<hbm>>
    tpu.wait_dma2 semaphore(%arg14 : memref<!tpu.dma_semaphore, #tpu.memory_space<semaphore_mem>>) src(%dma_wait3A_37 : memref<128x128xf32, #tpu.memory_space<hbm>>) dst(%arg9 : memref<128x128xf32, #tpu.memory_space<vmem>>)
    %dma_wait3A_38 = arith.constant 0 : i32
    %dma_wait3A_39 = arith.constant 0 : i32
    %dma_wait3A_40 = tpu.memref_slice %arg5[%dma_wait3A_38, %dma_wait3A_39] : memref<156160x16xf32, #tpu.memory_space<hbm>> -> memref<128x16xf32, #tpu.memory_space<hbm>>
    %dma_wait3A_41 = arith.constant 0 : i32
    %dma_wait3A_42 = arith.constant 0 : i32
    %dma_wait3A_43 = tpu.memref_slice %arg5[%dma_wait3A_41, %dma_wait3A_42] : memref<156160x16xf32, #tpu.memory_space<hbm>> -> memref<128x16xf32, #tpu.memory_space<hbm>>
    tpu.wait_dma2 semaphore(%arg16 : memref<!tpu.dma_semaphore, #tpu.memory_space<semaphore_mem>>) src(%dma_wait3A_43 : memref<128x16xf32, #tpu.memory_space<hbm>>) dst(%arg12 : memref<128x16xf32, #tpu.memory_space<vmem>>)
    %dma_wait3A_44 = arith.constant 0 : i32
    %dma_wait3A_45 = arith.constant 0 : i32
    %dma_wait3A_46 = tpu.memref_slice %arg5[%dma_wait3A_44, %dma_wait3A_45] : memref<156160x16xf32, #tpu.memory_space<hbm>> -> memref<128x16xf32, #tpu.memory_space<hbm>>
    %dma_wait3A_47 = arith.constant 0 : i32
    %dma_wait3A_48 = arith.constant 0 : i32
    %dma_wait3A_49 = tpu.memref_slice %arg5[%dma_wait3A_47, %dma_wait3A_48] : memref<156160x16xf32, #tpu.memory_space<hbm>> -> memref<128x16xf32, #tpu.memory_space<hbm>>
    tpu.wait_dma2 semaphore(%arg17 : memref<!tpu.dma_semaphore, #tpu.memory_space<semaphore_mem>>) src(%dma_wait3A_49 : memref<128x16xf32, #tpu.memory_space<hbm>>) dst(%arg13 : memref<128x16xf32, #tpu.memory_space<vmem>>)
    %convert_element_type3A_50 = arith.extui %lt3A_1 : i1 to i32
    %cond3A_51 = arith.constant 0 : i32
    %cond3A_52 = arith.cmpi ne, %convert_element_type3A_50, %cond3A_51 : i32
    scf.if %cond3A_52 {
      %dma_start3A_53 = arith.constant 4864 : i32
      %dma_start3A_54 = tpu.memref_slice %arg6[%dma_start3A_53] : memref<4992xi32, #tpu.memory_space<vmem>> -> memref<128xi32, #tpu.memory_space<vmem>>
      %dma_start3A_55 = arith.constant 0 : i32
      %dma_start3A_56 = arith.constant 0 : i32
      %dma_start3A_57 = tpu.memref_slice %arg4[%dma_start3A_55, %dma_start3A_56] : memref<10000x128xf32, #tpu.memory_space<hbm>> -> memref<10000x128xf32, #tpu.memory_space<hbm>>
      tpu.enqueue_indirect_dma source(%dma_start3A_57 : memref<10000x128xf32, #tpu.memory_space<hbm>>) target(%arg8 : memref<128x128xf32, #tpu.memory_space<vmem>>) offsets(%dma_start3A_54 : memref<128xi32, #tpu.memory_space<vmem>>) semaphore(%arg14 : memref<!tpu.dma_semaphore, #tpu.memory_space<semaphore_mem>>)
      %dma_start3A_58 = arith.constant 4864 : i32
      %dma_start3A_59 = tpu.memref_slice %arg7[%dma_start3A_58] : memref<4992xi32, #tpu.memory_space<vmem>> -> memref<128xi32, #tpu.memory_space<vmem>>
      %dma_start3A_60 = arith.constant 0 : i32
      %dma_start3A_61 = arith.constant 0 : i32
      %dma_start3A_62 = tpu.memref_slice %arg4[%dma_start3A_60, %dma_start3A_61] : memref<10000x128xf32, #tpu.memory_space<hbm>> -> memref<10000x128xf32, #tpu.memory_space<hbm>>
      tpu.enqueue_indirect_dma source(%dma_start3A_62 : memref<10000x128xf32, #tpu.memory_space<hbm>>) target(%arg9 : memref<128x128xf32, #tpu.memory_space<vmem>>) offsets(%dma_start3A_59 : memref<128xi32, #tpu.memory_space<vmem>>) semaphore(%arg14 : memref<!tpu.dma_semaphore, #tpu.memory_space<semaphore_mem>>)
      %dma_wait3A_63 = arith.constant 0 : i32
      %dma_wait3A_64 = arith.constant 0 : i32
      %dma_wait3A_65 = tpu.memref_slice %arg4[%dma_wait3A_63, %dma_wait3A_64] : memref<10000x128xf32, #tpu.memory_space<hbm>> -> memref<128x128xf32, #tpu.memory_space<hbm>>
      %dma_wait3A_66 = arith.constant 0 : i32
      %dma_wait3A_67 = arith.constant 0 : i32
      %dma_wait3A_68 = tpu.memref_slice %arg4[%dma_wait3A_66, %dma_wait3A_67] : memref<10000x128xf32, #tpu.memory_space<hbm>> -> memref<128x128xf32, #tpu.memory_space<hbm>>
      tpu.wait_dma2 semaphore(%arg14 : memref<!tpu.dma_semaphore, #tpu.memory_space<semaphore_mem>>) src(%dma_wait3A_68 : memref<128x128xf32, #tpu.memory_space<hbm>>) dst(%arg8 : memref<128x128xf32, #tpu.memory_space<vmem>>)
      %dma_wait3A_69 = arith.constant 0 : i32
      %dma_wait3A_70 = arith.constant 0 : i32
      %dma_wait3A_71 = tpu.memref_slice %arg4[%dma_wait3A_69, %dma_wait3A_70] : memref<10000x128xf32, #tpu.memory_space<hbm>> -> memref<128x128xf32, #tpu.memory_space<hbm>>
      %dma_wait3A_72 = arith.constant 0 : i32
      %dma_wait3A_73 = arith.constant 0 : i32
      %dma_wait3A_74 = tpu.memref_slice %arg4[%dma_wait3A_72, %dma_wait3A_73] : memref<10000x128xf32, #tpu.memory_space<hbm>> -> memref<128x128xf32, #tpu.memory_space<hbm>>
      tpu.wait_dma2 semaphore(%arg14 : memref<!tpu.dma_semaphore, #tpu.memory_space<semaphore_mem>>) src(%dma_wait3A_74 : memref<128x128xf32, #tpu.memory_space<hbm>>) dst(%arg9 : memref<128x128xf32, #tpu.memory_space<vmem>>)
      %scan3A_75 = arith.constant 0 : i32
      %scan3A_76 = arith.constant 0 : i32
      %scan3A_77 = arith.constant 16 : i32
      %scan3A_78 = arith.addi %scan3A_76, %scan3A_77 : i32
      %scan3A_79 = arith.constant 1 : i32
      scf.for %scan3A_85 = %scan3A_76 to %scan3A_78 step %scan3A_79  : i32 {
        %mul3A_86 = arith.constant 8 : i32
        %mul3A_87 = arith.muli %mul3A_86, %scan3A_85 : i32
        %add3A_88 = arith.constant 0 : i32
        %add3A_89 = arith.addi %mul3A_87, %add3A_88 : i32
        %get3A = arith.index_cast %add3A_89 : i32 to index
        %get3A_90 = arith.constant 0 : index
        %get3A_91 = tpu.vector_load %arg8[%get3A, %get3A_90] {strides = array<i32>} : memref<128x128xf32, #tpu.memory_space<vmem>>, vector<1x16xf32>,
        %get3A_92 = vector.shape_cast %get3A_91 : vector<1x16xf32> to vector<16xf32>
        %get3A_93 = arith.index_cast %add3A_89 : i32 to index
        %get3A_94 = arith.constant 16 : index
        %get3A_95 = tpu.vector_load %arg9[%get3A_93, %get3A_94] {strides = array<i32>} : memref<128x128xf32, #tpu.memory_space<vmem>>, vector<1x16xf32>,
        %get3A_96 = vector.shape_cast %get3A_95 : vector<1x16xf32> to vector<16xf32>
        %add3A_97 = arith.addf %get3A_92, %get3A_96 : vector<16xf32>
        %swap3A = arith.index_cast %add3A_89 : i32 to index
        %swap3A_98 = arith.constant 0 : index
        %swap3A_99 = tpu.vector_load %arg12[%swap3A, %swap3A_98] {strides = array<i32>} : memref<128x16xf32, #tpu.memory_space<vmem>>, vector<1x16xf32>,
        %swap3A_100 = vector.shape_cast %swap3A_99 : vector<1x16xf32> to vector<16xf32>
        %swap3A_101 = vector.shape_cast %add3A_97 : vector<16xf32> to vector<1x16xf32>
        tpu.vector_store %arg12[%swap3A, %swap3A_98], %swap3A_101 {strides = array<i32>} : memref<128x16xf32, #tpu.memory_space<vmem>>, vector<1x16xf32>,
        %mul3A_102 = arith.constant 8 : i32
        %mul3A_103 = arith.muli %mul3A_102, %scan3A_85 : i32
        %add3A_104 = arith.constant 1 : i32
        %add3A_105 = arith.addi %mul3A_103, %add3A_104 : i32
        %get3A_106 = arith.index_cast %add3A_105 : i32 to index
        %get3A_107 = arith.constant 0 : index
        %get3A_108 = tpu.vector_load %arg8[%get3A_106, %get3A_107] {strides = array<i32>} : memref<128x128xf32, #tpu.memory_space<vmem>>, vector<1x16xf32>,
        %get3A_109 = vector.shape_cast %get3A_108 : vector<1x16xf32> to vector<16xf32>
        %get3A_110 = arith.index_cast %add3A_105 : i32 to index
        %get3A_111 = arith.constant 16 : index
        %get3A_112 = tpu.vector_load %arg9[%get3A_110, %get3A_111] {strides = array<i32>} : memref<128x128xf32, #tpu.memory_space<vmem>>, vector<1x16xf32>,
        %get3A_113 = vector.shape_cast %get3A_112 : vector<1x16xf32> to vector<16xf32>
        %add3A_114 = arith.addf %get3A_109, %get3A_113 : vector<16xf32>
        %swap3A_115 = arith.index_cast %add3A_105 : i32 to index
        %swap3A_116 = arith.constant 0 : index
        %swap3A_117 = tpu.vector_load %arg12[%swap3A_115, %swap3A_116] {strides = array<i32>} : memref<128x16xf32, #tpu.memory_space<vmem>>, vector<1x16xf32>,
        %swap3A_118 = vector.shape_cast %swap3A_117 : vector<1x16xf32> to vector<16xf32>
        %swap3A_119 = vector.shape_cast %add3A_114 : vector<16xf32> to vector<1x16xf32>
        tpu.vector_store %arg12[%swap3A_115, %swap3A_116], %swap3A_119 {strides = array<i32>} : memref<128x16xf32, #tpu.memory_space<vmem>>, vector<1x16xf32>,
        %mul3A_120 = arith.constant 8 : i32
        %mul3A_121 = arith.muli %mul3A_120, %scan3A_85 : i32
        %add3A_122 = arith.constant 2 : i32
        %add3A_123 = arith.addi %mul3A_121, %add3A_122 : i32
        %get3A_124 = arith.index_cast %add3A_123 : i32 to index
        %get3A_125 = arith.constant 0 : index
        %get3A_126 = tpu.vector_load %arg8[%get3A_124, %get3A_125] {strides = array<i32>} : memref<128x128xf32, #tpu.memory_space<vmem>>, vector<1x16xf32>,
        %get3A_127 = vector.shape_cast %get3A_126 : vector<1x16xf32> to vector<16xf32>
        %get3A_128 = arith.index_cast %add3A_123 : i32 to index
        %get3A_129 = arith.constant 16 : index
        %get3A_130 = tpu.vector_load %arg9[%get3A_128, %get3A_129] {strides = array<i32>} : memref<128x128xf32, #tpu.memory_space<vmem>>, vector<1x16xf32>,
        %get3A_131 = vector.shape_cast %get3A_130 : vector<1x16xf32> to vector<16xf32>
        %add3A_132 = arith.addf %get3A_127, %get3A_131 : vector<16xf32>
        %swap3A_133 = arith.index_cast %add3A_123 : i32 to index
        %swap3A_134 = arith.constant 0 : index
        %swap3A_135 = tpu.vector_load %arg12[%swap3A_133, %swap3A_134] {strides = array<i32>} : memref<128x16xf32, #tpu.memory_space<vmem>>, vector<1x16xf32>,
        %swap3A_136 = vector.shape_cast %swap3A_135 : vector<1x16xf32> to vector<16xf32>
        %swap3A_137 = vector.shape_cast %add3A_132 : vector<16xf32> to vector<1x16xf32>
        tpu.vector_store %arg12[%swap3A_133, %swap3A_134], %swap3A_137 {strides = array<i32>} : memref<128x16xf32, #tpu.memory_space<vmem>>, vector<1x16xf32>,
        %mul3A_138 = arith.constant 8 : i32
        %mul3A_139 = arith.muli %mul3A_138, %scan3A_85 : i32
        %add3A_140 = arith.constant 3 : i32
        %add3A_141 = arith.addi %mul3A_139, %add3A_140 : i32
        %get3A_142 = arith.index_cast %add3A_141 : i32 to index
        %get3A_143 = arith.constant 0 : index
        %get3A_144 = tpu.vector_load %arg8[%get3A_142, %get3A_143] {strides = array<i32>} : memref<128x128xf32, #tpu.memory_space<vmem>>, vector<1x16xf32>,
        %get3A_145 = vector.shape_cast %get3A_144 : vector<1x16xf32> to vector<16xf32>
        %get3A_146 = arith.index_cast %add3A_141 : i32 to index
        %get3A_147 = arith.constant 16 : index
        %get3A_148 = tpu.vector_load %arg9[%get3A_146, %get3A_147] {strides = array<i32>} : memref<128x128xf32, #tpu.memory_space<vmem>>, vector<1x16xf32>,
        %get3A_149 = vector.shape_cast %get3A_148 : vector<1x16xf32> to vector<16xf32>
        %add3A_150 = arith.addf %get3A_145, %get3A_149 : vector<16xf32>
        %swap3A_151 = arith.index_cast %add3A_141 : i32 to index
        %swap3A_152 = arith.constant 0 : index
        %swap3A_153 = tpu.vector_load %arg12[%swap3A_151, %swap3A_152] {strides = array<i32>} : memref<128x16xf32, #tpu.memory_space<vmem>>, vector<1x16xf32>,
        %swap3A_154 = vector.shape_cast %swap3A_153 : vector<1x16xf32> to vector<16xf32>
        %swap3A_155 = vector.shape_cast %add3A_150 : vector<16xf32> to vector<1x16xf32>
        tpu.vector_store %arg12[%swap3A_151, %swap3A_152], %swap3A_155 {strides = array<i32>} : memref<128x16xf32, #tpu.memory_space<vmem>>, vector<1x16xf32>,
        %mul3A_156 = arith.constant 8 : i32
        %mul3A_157 = arith.muli %mul3A_156, %scan3A_85 : i32
        %add3A_158 = arith.constant 4 : i32
        %add3A_159 = arith.addi %mul3A_157, %add3A_158 : i32
        %get3A_160 = arith.index_cast %add3A_159 : i32 to index
        %get3A_161 = arith.constant 0 : index
        %get3A_162 = tpu.vector_load %arg8[%get3A_160, %get3A_161] {strides = array<i32>} : memref<128x128xf32, #tpu.memory_space<vmem>>, vector<1x16xf32>,
        %get3A_163 = vector.shape_cast %get3A_162 : vector<1x16xf32> to vector<16xf32>
        %get3A_164 = arith.index_cast %add3A_159 : i32 to index
        %get3A_165 = arith.constant 16 : index
        %get3A_166 = tpu.vector_load %arg9[%get3A_164, %get3A_165] {strides = array<i32>} : memref<128x128xf32, #tpu.memory_space<vmem>>, vector<1x16xf32>,
        %get3A_167 = vector.shape_cast %get3A_166 : vector<1x16xf32> to vector<16xf32>
        %add3A_168 = arith.addf %get3A_163, %get3A_167 : vector<16xf32>
        %swap3A_169 = arith.index_cast %add3A_159 : i32 to index
        %swap3A_170 = arith.constant 0 : index
        %swap3A_171 = tpu.vector_load %arg12[%swap3A_169, %swap3A_170] {strides = array<i32>} : memref<128x16xf32, #tpu.memory_space<vmem>>, vector<1x16xf32>,
        %swap3A_172 = vector.shape_cast %swap3A_171 : vector<1x16xf32> to vector<16xf32>
        %swap3A_173 = vector.shape_cast %add3A_168 : vector<16xf32> to vector<1x16xf32>
        tpu.vector_store %arg12[%swap3A_169, %swap3A_170], %swap3A_173 {strides = array<i32>} : memref<128x16xf32, #tpu.memory_space<vmem>>, vector<1x16xf32>,
        %mul3A_174 = arith.constant 8 : i32
        %mul3A_175 = arith.muli %mul3A_174, %scan3A_85 : i32
        %add3A_176 = arith.constant 5 : i32
        %add3A_177 = arith.addi %mul3A_175, %add3A_176 : i32
        %get3A_178 = arith.index_cast %add3A_177 : i32 to index
        %get3A_179 = arith.constant 0 : index
        %get3A_180 = tpu.vector_load %arg8[%get3A_178, %get3A_179] {strides = array<i32>} : memref<128x128xf32, #tpu.memory_space<vmem>>, vector<1x16xf32>,
        %get3A_181 = vector.shape_cast %get3A_180 : vector<1x16xf32> to vector<16xf32>
        %get3A_182 = arith.index_cast %add3A_177 : i32 to index
        %get3A_183 = arith.constant 16 : index
        %get3A_184 = tpu.vector_load %arg9[%get3A_182, %get3A_183] {strides = array<i32>} : memref<128x128xf32, #tpu.memory_space<vmem>>, vector<1x16xf32>,
        %get3A_185 = vector.shape_cast %get3A_184 : vector<1x16xf32> to vector<16xf32>
        %add3A_186 = arith.addf %get3A_181, %get3A_185 : vector<16xf32>
        %swap3A_187 = arith.index_cast %add3A_177 : i32 to index
        %swap3A_188 = arith.constant 0 : index
        %swap3A_189 = tpu.vector_load %arg12[%swap3A_187, %swap3A_188] {strides = array<i32>} : memref<128x16xf32, #tpu.memory_space<vmem>>, vector<1x16xf32>,
        %swap3A_190 = vector.shape_cast %swap3A_189 : vector<1x16xf32> to vector<16xf32>
        %swap3A_191 = vector.shape_cast %add3A_186 : vector<16xf32> to vector<1x16xf32>
        tpu.vector_store %arg12[%swap3A_187, %swap3A_188], %swap3A_191 {strides = array<i32>} : memref<128x16xf32, #tpu.memory_space<vmem>>, vector<1x16xf32>,
        %mul3A_192 = arith.constant 8 : i32
        %mul3A_193 = arith.muli %mul3A_192, %scan3A_85 : i32
        %add3A_194 = arith.constant 6 : i32
        %add3A_195 = arith.addi %mul3A_193, %add3A_194 : i32
        %get3A_196 = arith.index_cast %add3A_195 : i32 to index
        %get3A_197 = arith.constant 0 : index
        %get3A_198 = tpu.vector_load %arg8[%get3A_196, %get3A_197] {strides = array<i32>} : memref<128x128xf32, #tpu.memory_space<vmem>>, vector<1x16xf32>,
        %get3A_199 = vector.shape_cast %get3A_198 : vector<1x16xf32> to vector<16xf32>
        %get3A_200 = arith.index_cast %add3A_195 : i32 to index
        %get3A_201 = arith.constant 16 : index
        %get3A_202 = tpu.vector_load %arg9[%get3A_200, %get3A_201] {strides = array<i32>} : memref<128x128xf32, #tpu.memory_space<vmem>>, vector<1x16xf32>,
        %get3A_203 = vector.shape_cast %get3A_202 : vector<1x16xf32> to vector<16xf32>
        %add3A_204 = arith.addf %get3A_199, %get3A_203 : vector<16xf32>
        %swap3A_205 = arith.index_cast %add3A_195 : i32 to index
        %swap3A_206 = arith.constant 0 : index
        %swap3A_207 = tpu.vector_load %arg12[%swap3A_205, %swap3A_206] {strides = array<i32>} : memref<128x16xf32, #tpu.memory_space<vmem>>, vector<1x16xf32>,
        %swap3A_208 = vector.shape_cast %swap3A_207 : vector<1x16xf32> to vector<16xf32>
        %swap3A_209 = vector.shape_cast %add3A_204 : vector<16xf32> to vector<1x16xf32>
        tpu.vector_store %arg12[%swap3A_205, %swap3A_206], %swap3A_209 {strides = array<i32>} : memref<128x16xf32, #tpu.memory_space<vmem>>, vector<1x16xf32>,
        %mul3A_210 = arith.constant 8 : i32
        %mul3A_211 = arith.muli %mul3A_210, %scan3A_85 : i32
        %add3A_212 = arith.constant 7 : i32
        %add3A_213 = arith.addi %mul3A_211, %add3A_212 : i32
        %get3A_214 = arith.index_cast %add3A_213 : i32 to index
        %get3A_215 = arith.constant 0 : index
        %get3A_216 = tpu.vector_load %arg8[%get3A_214, %get3A_215] {strides = array<i32>} : memref<128x128xf32, #tpu.memory_space<vmem>>, vector<1x16xf32>,
        %get3A_217 = vector.shape_cast %get3A_216 : vector<1x16xf32> to vector<16xf32>
        %get3A_218 = arith.index_cast %add3A_213 : i32 to index
        %get3A_219 = arith.constant 16 : index
        %get3A_220 = tpu.vector_load %arg9[%get3A_218, %get3A_219] {strides = array<i32>} : memref<128x128xf32, #tpu.memory_space<vmem>>, vector<1x16xf32>,
        %get3A_221 = vector.shape_cast %get3A_220 : vector<1x16xf32> to vector<16xf32>
        %add3A_222 = arith.addf %get3A_217, %get3A_221 : vector<16xf32>
        %swap3A_223 = arith.index_cast %add3A_213 : i32 to index
        %swap3A_224 = arith.constant 0 : index
        %swap3A_225 = tpu.vector_load %arg12[%swap3A_223, %swap3A_224] {strides = array<i32>} : memref<128x16xf32, #tpu.memory_space<vmem>>, vector<1x16xf32>,
        %swap3A_226 = vector.shape_cast %swap3A_225 : vector<1x16xf32> to vector<16xf32>
        %swap3A_227 = vector.shape_cast %add3A_222 : vector<16xf32> to vector<1x16xf32>
        tpu.vector_store %arg12[%swap3A_223, %swap3A_224], %swap3A_227 {strides = array<i32>} : memref<128x16xf32, #tpu.memory_space<vmem>>, vector<1x16xf32>,
      }
      %scan3A_80 = arith.constant 16 : i32
      %add3A_81 = arith.constant 38 : i32
      %add3A_82 = arith.addi %add3A_5, %add3A_81 : i32
      %mul3A_83 = arith.constant 128 : i32
      %mul3A_84 = arith.muli %mul3A_83, %add3A_82 : i32
      "tpu.region"() ({
        %run_scoped3A = tpu.sem_alloc : memref<!tpu.dma_semaphore, #tpu.memory_space<semaphore_mem>>
        %dma_start3A_85 = arith.constant 0 : i32
        %dma_start3A_86 = tpu.memref_slice %arg5[%mul3A_84, %dma_start3A_85] : memref<156160x16xf32, #tpu.memory_space<hbm>> -> memref<128x16xf32, #tpu.memory_space<hbm>>
        %dma_start3A_87 = arith.constant 0 : i32
        %dma_start3A_88 = tpu.memref_slice %arg5[%mul3A_84, %dma_start3A_87] : memref<156160x16xf32, #tpu.memory_space<hbm>> -> memref<128x16xf32, #tpu.memory_space<hbm>>
        tpu.enqueue_dma source(%arg12 : memref<128x16xf32, #tpu.memory_space<vmem>>) target(%dma_start3A_88 : memref<128x16xf32, #tpu.memory_space<hbm>>) target_semaphore(%run_scoped3A : memref<!tpu.dma_semaphore, #tpu.memory_space<semaphore_mem>>)
        %dma_wait3A_89 = arith.constant 0 : i32
        %dma_wait3A_90 = tpu.memref_slice %arg5[%mul3A_84, %dma_wait3A_89] : memref<156160x16xf32, #tpu.memory_space<hbm>> -> memref<128x16xf32, #tpu.memory_space<hbm>>
        %dma_wait3A_91 = arith.constant 0 : i32
        %dma_wait3A_92 = tpu.memref_slice %arg5[%mul3A_84, %dma_wait3A_91] : memref<156160x16xf32, #tpu.memory_space<hbm>> -> memref<128x16xf32, #tpu.memory_space<hbm>>
        tpu.wait_dma2 semaphore(%run_scoped3A : memref<!tpu.dma_semaphore, #tpu.memory_space<semaphore_mem>>) src(%arg12 : memref<128x16xf32, #tpu.memory_space<vmem>>) dst(%dma_wait3A_92 : memref<128x16xf32, #tpu.memory_space<hbm>>)
        tpu.yield
      }) : () -> ()
    } else {
    }
    return
  }
}

#map = affine_map<(d0, d1) -> (0, 0)>
#map1 = affine_map<(d0, d1) -> (0)>
module attributes {stable_mosaic.version = 14 : i64} {
  func.func @_scatter_body(%arg0: i32, %arg1: i32, %arg2: memref<2500x128xi32, #tpu.memory_space<hbm>>, %arg3: memref<320000x128xf32, #tpu.memory_space<hbm>>, %arg4: memref<128x128xf32, #tpu.memory_space<hbm>>, %arg5: memref<1024xf32, #tpu.memory_space<hbm>>, %arg6: memref<128xf32, #tpu.memory_space<hbm>>, %arg7: memref<10240x128xf32, #tpu.memory_space<hbm>>, %arg8: memref<10240x128xf32, #tpu.memory_space<hbm>>, %arg9: memref<10240xf32, #tpu.memory_space<hbm>>, %arg10: memref<10240xf32, #tpu.memory_space<hbm>>, %arg11: memref<10240x128xf32, #tpu.memory_space<vmem_shared>>, %arg12: memref<10240xf32, #tpu.memory_space<vmem_shared>>, %arg13: memref<2x128xi32, #tpu.memory_space<vmem>>, %arg14: memref<128x128xf32, #tpu.memory_space<vmem>>, %arg15: memref<128x128xf32, #tpu.memory_space<vmem>>, %arg16: memref<128xf32, #tpu.memory_space<vmem>>, %arg17: memref<1024xf32, #tpu.memory_space<vmem>>, %arg18: memref<!tpu.dma_semaphore, #tpu.memory_space<semaphore_mem>>, %arg19: memref<!tpu.dma_semaphore, #tpu.memory_space<semaphore_mem>>) attributes {dimension_semantics = [#tpu.dimension_semantics<core_parallel>, #tpu.dimension_semantics<subcore_parallel>], iteration_bounds = array<i64: 2, 16>, scalar_prefetch = 0 : i64, scratch_operands = 9 : i64, tpu.core_type = #tpu.core_type<sc_vector_subcore>, window_params = [{transform_indices = #map}, {transform_indices = #map}, {transform_indices = #map}, {transform_indices = #map1}, {transform_indices = #map1}, {transform_indices = #map}, {transform_indices = #map}, {transform_indices = #map1}, {transform_indices = #map1}]} {
    %mul3A = arith.constant 2 : i32
    %mul3A_0 = arith.muli %arg1, %mul3A : i32
    %add3A = arith.addi %mul3A_0, %arg0 : i32
    %lt3A = arith.constant 4 : i32
    %lt3A_1 = arith.cmpi slt, %add3A, %lt3A : i32
    %mul3A_2 = arith.constant 78 : i32
    %mul3A_3 = arith.muli %add3A, %mul3A_2 : i32
    %min3A = arith.constant 4 : i32
    %min3A_4 = arith.minsi %add3A, %min3A : i32
    %add3A_5 = arith.addi %mul3A_3, %min3A_4 : i32
    %mul3A_6 = arith.constant 640 : i32
    %mul3A_7 = arith.muli %mul3A_6, %arg1 : i32
    %add3A_8 = arith.constant 0 : i32
    %add3A_9 = arith.addi %mul3A_7, %add3A_8 : i32
    "tpu.region"() ({
      %run_scoped3A = tpu.sem_alloc : memref<!tpu.dma_semaphore, #tpu.memory_space<semaphore_mem>>
      %dma_start3A_81 = arith.constant 0 : i32
      %dma_start3A_82 = tpu.memref_slice %arg11[%add3A_9, %dma_start3A_81] : memref<10240x128xf32, #tpu.memory_space<vmem_shared>> -> memref<128x128xf32, #tpu.memory_space<vmem_shared>>
      tpu.enqueue_dma source(%arg4 : memref<128x128xf32, #tpu.memory_space<hbm>>) target(%dma_start3A_82 : memref<128x128xf32, #tpu.memory_space<vmem_shared>>) target_semaphore(%run_scoped3A : memref<!tpu.dma_semaphore, #tpu.memory_space<semaphore_mem>>)
      %dma_wait3A_83 = arith.constant 0 : i32
      %dma_wait3A_84 = tpu.memref_slice %arg11[%add3A_9, %dma_wait3A_83] : memref<10240x128xf32, #tpu.memory_space<vmem_shared>> -> memref<128x128xf32, #tpu.memory_space<vmem_shared>>
      tpu.wait_dma2 semaphore(%run_scoped3A : memref<!tpu.dma_semaphore, #tpu.memory_space<semaphore_mem>>) src(%arg4 : memref<128x128xf32, #tpu.memory_space<hbm>>) dst(%dma_wait3A_84 : memref<128x128xf32, #tpu.memory_space<vmem_shared>>)
      tpu.yield
    }) : () -> ()
    %mul3A_10 = arith.constant 640 : i32
    %mul3A_11 = arith.muli %mul3A_10, %arg1 : i32
    %add3A_12 = arith.constant 128 : i32
    %add3A_13 = arith.addi %mul3A_11, %add3A_12 : i32
    "tpu.region"() ({
      %run_scoped3A = tpu.sem_alloc : memref<!tpu.dma_semaphore, #tpu.memory_space<semaphore_mem>>
      %dma_start3A_81 = arith.constant 0 : i32
      %dma_start3A_82 = tpu.memref_slice %arg11[%add3A_13, %dma_start3A_81] : memref<10240x128xf32, #tpu.memory_space<vmem_shared>> -> memref<128x128xf32, #tpu.memory_space<vmem_shared>>
      tpu.enqueue_dma source(%arg4 : memref<128x128xf32, #tpu.memory_space<hbm>>) target(%dma_start3A_82 : memref<128x128xf32, #tpu.memory_space<vmem_shared>>) target_semaphore(%run_scoped3A : memref<!tpu.dma_semaphore, #tpu.memory_space<semaphore_mem>>)
      %dma_wait3A_83 = arith.constant 0 : i32
      %dma_wait3A_84 = tpu.memref_slice %arg11[%add3A_13, %dma_wait3A_83] : memref<10240x128xf32, #tpu.memory_space<vmem_shared>> -> memref<128x128xf32, #tpu.memory_space<vmem_shared>>
      tpu.wait_dma2 semaphore(%run_scoped3A : memref<!tpu.dma_semaphore, #tpu.memory_space<semaphore_mem>>) src(%arg4 : memref<128x128xf32, #tpu.memory_space<hbm>>) dst(%dma_wait3A_84 : memref<128x128xf32, #tpu.memory_space<vmem_shared>>)
      tpu.yield
    }) : () -> ()
    %mul3A_14 = arith.constant 640 : i32
    %mul3A_15 = arith.muli %mul3A_14, %arg1 : i32
    %add3A_16 = arith.constant 256 : i32
    %add3A_17 = arith.addi %mul3A_15, %add3A_16 : i32
    "tpu.region"() ({
      %run_scoped3A = tpu.sem_alloc : memref<!tpu.dma_semaphore, #tpu.memory_space<semaphore_mem>>
      %dma_start3A_81 = arith.constant 0 : i32
      %dma_start3A_82 = tpu.memref_slice %arg11[%add3A_17, %dma_start3A_81] : memref<10240x128xf32, #tpu.memory_space<vmem_shared>> -> memref<128x128xf32, #tpu.memory_space<vmem_shared>>
      tpu.enqueue_dma source(%arg4 : memref<128x128xf32, #tpu.memory_space<hbm>>) target(%dma_start3A_82 : memref<128x128xf32, #tpu.memory_space<vmem_shared>>) target_semaphore(%run_scoped3A : memref<!tpu.dma_semaphore, #tpu.memory_space<semaphore_mem>>)
      %dma_wait3A_83 = arith.constant 0 : i32
      %dma_wait3A_84 = tpu.memref_slice %arg11[%add3A_17, %dma_wait3A_83] : memref<10240x128xf32, #tpu.memory_space<vmem_shared>> -> memref<128x128xf32, #tpu.memory_space<vmem_shared>>
      tpu.wait_dma2 semaphore(%run_scoped3A : memref<!tpu.dma_semaphore, #tpu.memory_space<semaphore_mem>>) src(%arg4 : memref<128x128xf32, #tpu.memory_space<hbm>>) dst(%dma_wait3A_84 : memref<128x128xf32, #tpu.memory_space<vmem_shared>>)
      tpu.yield
    }) : () -> ()
    %mul3A_18 = arith.constant 640 : i32
    %mul3A_19 = arith.muli %mul3A_18, %arg1 : i32
    %add3A_20 = arith.constant 384 : i32
    %add3A_21 = arith.addi %mul3A_19, %add3A_20 : i32
    "tpu.region"() ({
      %run_scoped3A = tpu.sem_alloc : memref<!tpu.dma_semaphore, #tpu.memory_space<semaphore_mem>>
      %dma_start3A_81 = arith.constant 0 : i32
      %dma_start3A_82 = tpu.memref_slice %arg11[%add3A_21, %dma_start3A_81] : memref<10240x128xf32, #tpu.memory_space<vmem_shared>> -> memref<128x128xf32, #tpu.memory_space<vmem_shared>>
      tpu.enqueue_dma source(%arg4 : memref<128x128xf32, #tpu.memory_space<hbm>>) target(%dma_start3A_82 : memref<128x128xf32, #tpu.memory_space<vmem_shared>>) target_semaphore(%run_scoped3A : memref<!tpu.dma_semaphore, #tpu.memory_space<semaphore_mem>>)
      %dma_wait3A_83 = arith.constant 0 : i32
      %dma_wait3A_84 = tpu.memref_slice %arg11[%add3A_21, %dma_wait3A_83] : memref<10240x128xf32, #tpu.memory_space<vmem_shared>> -> memref<128x128xf32, #tpu.memory_space<vmem_shared>>
      tpu.wait_dma2 semaphore(%run_scoped3A : memref<!tpu.dma_semaphore, #tpu.memory_space<semaphore_mem>>) src(%arg4 : memref<128x128xf32, #tpu.memory_space<hbm>>) dst(%dma_wait3A_84 : memref<128x128xf32, #tpu.memory_space<vmem_shared>>)
      tpu.yield
    }) : () -> ()
    %mul3A_22 = arith.constant 640 : i32
    %mul3A_23 = arith.muli %mul3A_22, %arg1 : i32
    %add3A_24 = arith.constant 512 : i32
    %add3A_25 = arith.addi %mul3A_23, %add3A_24 : i32
    "tpu.region"() ({
      %run_scoped3A = tpu.sem_alloc : memref<!tpu.dma_semaphore, #tpu.memory_space<semaphore_mem>>
      %dma_start3A_81 = arith.constant 0 : i32
      %dma_start3A_82 = tpu.memref_slice %arg11[%add3A_25, %dma_start3A_81] : memref<10240x128xf32, #tpu.memory_space<vmem_shared>> -> memref<128x128xf32, #tpu.memory_space<vmem_shared>>
      tpu.enqueue_dma source(%arg4 : memref<128x128xf32, #tpu.memory_space<hbm>>) target(%dma_start3A_82 : memref<128x128xf32, #tpu.memory_space<vmem_shared>>) target_semaphore(%run_scoped3A : memref<!tpu.dma_semaphore, #tpu.memory_space<semaphore_mem>>)
      %dma_wait3A_83 = arith.constant 0 : i32
      %dma_wait3A_84 = tpu.memref_slice %arg11[%add3A_25, %dma_wait3A_83] : memref<10240x128xf32, #tpu.memory_space<vmem_shared>> -> memref<128x128xf32, #tpu.memory_space<vmem_shared>>
      tpu.wait_dma2 semaphore(%run_scoped3A : memref<!tpu.dma_semaphore, #tpu.memory_space<semaphore_mem>>) src(%arg4 : memref<128x128xf32, #tpu.memory_space<hbm>>) dst(%dma_wait3A_84 : memref<128x128xf32, #tpu.memory_space<vmem_shared>>)
      tpu.yield
    }) : () -> ()
    "tpu.region"() ({
      %run_scoped3A = tpu.sem_alloc : memref<!tpu.dma_semaphore, #tpu.memory_space<semaphore_mem>>
      tpu.enqueue_dma source(%arg5 : memref<1024xf32, #tpu.memory_space<hbm>>) target(%arg17 : memref<1024xf32, #tpu.memory_space<vmem>>) target_semaphore(%run_scoped3A : memref<!tpu.dma_semaphore, #tpu.memory_space<semaphore_mem>>)
      tpu.wait_dma2 semaphore(%run_scoped3A : memref<!tpu.dma_semaphore, #tpu.memory_space<semaphore_mem>>) src(%arg5 : memref<1024xf32, #tpu.memory_space<hbm>>) dst(%arg17 : memref<1024xf32, #tpu.memory_space<vmem>>)
      tpu.yield
    }) : () -> ()
    %mul3A_26 = arith.constant 640 : i32
    %mul3A_27 = arith.muli %mul3A_26, %arg1 : i32
    "tpu.region"() ({
      %run_scoped3A = tpu.sem_alloc : memref<!tpu.dma_semaphore, #tpu.memory_space<semaphore_mem>>
      %dma_start3A_81 = arith.constant 0 : i32
      %dma_start3A_82 = tpu.memref_slice %arg17[%dma_start3A_81] : memref<1024xf32, #tpu.memory_space<vmem>> -> memref<640xf32, #tpu.memory_space<vmem>>
      %dma_start3A_83 = tpu.memref_slice %arg12[%mul3A_27] : memref<10240xf32, #tpu.memory_space<vmem_shared>> -> memref<640xf32, #tpu.memory_space<vmem_shared>>
      %dma_start3A_84 = tpu.memref_slice %arg12[%mul3A_27] : memref<10240xf32, #tpu.memory_space<vmem_shared>> -> memref<640xf32, #tpu.memory_space<vmem_shared>>
      %dma_start3A_85 = arith.constant 0 : i32
      %dma_start3A_86 = tpu.memref_slice %arg17[%dma_start3A_85] : memref<1024xf32, #tpu.memory_space<vmem>> -> memref<640xf32, #tpu.memory_space<vmem>>
      tpu.enqueue_dma source(%dma_start3A_86 : memref<640xf32, #tpu.memory_space<vmem>>) target(%dma_start3A_84 : memref<640xf32, #tpu.memory_space<vmem_shared>>) target_semaphore(%run_scoped3A : memref<!tpu.dma_semaphore, #tpu.memory_space<semaphore_mem>>)
      %dma_wait3A_87 = arith.constant 0 : i32
      %dma_wait3A_88 = tpu.memref_slice %arg17[%dma_wait3A_87] : memref<1024xf32, #tpu.memory_space<vmem>> -> memref<640xf32, #tpu.memory_space<vmem>>
      %dma_wait3A_89 = tpu.memref_slice %arg12[%mul3A_27] : memref<10240xf32, #tpu.memory_space<vmem_shared>> -> memref<640xf32, #tpu.memory_space<vmem_shared>>
      %dma_wait3A_90 = tpu.memref_slice %arg12[%mul3A_27] : memref<10240xf32, #tpu.memory_space<vmem_shared>> -> memref<640xf32, #tpu.memory_space<vmem_shared>>
      %dma_wait3A_91 = arith.constant 0 : i32
      %dma_wait3A_92 = tpu.memref_slice %arg17[%dma_wait3A_91] : memref<1024xf32, #tpu.memory_space<vmem>> -> memref<640xf32, #tpu.memory_space<vmem>>
      tpu.wait_dma2 semaphore(%run_scoped3A : memref<!tpu.dma_semaphore, #tpu.memory_space<semaphore_mem>>) src(%dma_wait3A_92 : memref<640xf32, #tpu.memory_space<vmem>>) dst(%dma_wait3A_90 : memref<640xf32, #tpu.memory_space<vmem_shared>>)
      tpu.yield
    }) : () -> ()
    "tpu.region"() ({
      %run_scoped3A = tpu.sem_alloc : memref<!tpu.dma_semaphore, #tpu.memory_space<semaphore_mem>>
      tpu.enqueue_dma source(%arg6 : memref<128xf32, #tpu.memory_space<hbm>>) target(%arg16 : memref<128xf32, #tpu.memory_space<vmem>>) target_semaphore(%run_scoped3A : memref<!tpu.dma_semaphore, #tpu.memory_space<semaphore_mem>>)
      tpu.wait_dma2 semaphore(%run_scoped3A : memref<!tpu.dma_semaphore, #tpu.memory_space<semaphore_mem>>) src(%arg6 : memref<128xf32, #tpu.memory_space<hbm>>) dst(%arg16 : memref<128xf32, #tpu.memory_space<vmem>>)
      tpu.yield
    }) : () -> ()
    %barrier3A = arith.constant 0 : index
    tpu.barrier barrier_id(%barrier3A)
    %add3A_28 = arith.constant 0 : i32
    %add3A_29 = arith.addi %add3A_5, %add3A_28 : i32
    %dma_start3A = arith.constant 0 : i32
    %dma_start3A_30 = arith.constant 0 : i32
    %dma_start3A_31 = tpu.memref_slice %arg13[%dma_start3A, %dma_start3A_30] : memref<2x128xi32, #tpu.memory_space<vmem>> -> memref<1x128xi32, #tpu.memory_space<vmem>>
    %dma_start3A_32 = tpu.memref_squeeze %dma_start3A_31 : memref<1x128xi32, #tpu.memory_space<vmem>> -> memref<128xi32, #tpu.memory_space<vmem>>
    %dma_start3A_33 = arith.constant 0 : i32
    %dma_start3A_34 = tpu.memref_slice %arg2[%add3A_29, %dma_start3A_33] : memref<2500x128xi32, #tpu.memory_space<hbm>> -> memref<1x128xi32, #tpu.memory_space<hbm>>
    %dma_start3A_35 = tpu.memref_squeeze %dma_start3A_34 : memref<1x128xi32, #tpu.memory_space<hbm>> -> memref<128xi32, #tpu.memory_space<hbm>>
    %dma_start3A_36 = arith.constant 0 : i32
    %dma_start3A_37 = tpu.memref_slice %arg13[%dma_start3A, %dma_start3A_36] : memref<2x128xi32, #tpu.memory_space<vmem>> -> memref<1x128xi32, #tpu.memory_space<vmem>>
    %dma_start3A_38 = tpu.memref_squeeze %dma_start3A_37 : memref<1x128xi32, #tpu.memory_space<vmem>> -> memref<128xi32, #tpu.memory_space<vmem>>
    %dma_start3A_39 = arith.constant 0 : i32
    %dma_start3A_40 = tpu.memref_slice %arg2[%add3A_29, %dma_start3A_39] : memref<2500x128xi32, #tpu.memory_space<hbm>> -> memref<1x128xi32, #tpu.memory_space<hbm>>
    %dma_start3A_41 = tpu.memref_squeeze %dma_start3A_40 : memref<1x128xi32, #tpu.memory_space<hbm>> -> memref<128xi32, #tpu.memory_space<hbm>>
    tpu.enqueue_dma source(%dma_start3A_41 : memref<128xi32, #tpu.memory_space<hbm>>) target(%dma_start3A_38 : memref<128xi32, #tpu.memory_space<vmem>>) target_semaphore(%arg18 : memref<!tpu.dma_semaphore, #tpu.memory_space<semaphore_mem>>)
    %add3A_42 = arith.constant 0 : i32
    %add3A_43 = arith.addi %add3A_5, %add3A_42 : i32
    %mul3A_44 = arith.constant 128 : i32
    %mul3A_45 = arith.muli %mul3A_44, %add3A_43 : i32
    %dma_start3A_46 = arith.constant 0 : i32
    %dma_start3A_47 = tpu.memref_slice %arg3[%mul3A_45, %dma_start3A_46] : memref<320000x128xf32, #tpu.memory_space<hbm>> -> memref<128x128xf32, #tpu.memory_space<hbm>>
    %dma_start3A_48 = arith.constant 0 : i32
    %dma_start3A_49 = tpu.memref_slice %arg3[%mul3A_45, %dma_start3A_48] : memref<320000x128xf32, #tpu.memory_space<hbm>> -> memref<128x128xf32, #tpu.memory_space<hbm>>
    tpu.enqueue_dma source(%dma_start3A_49 : memref<128x128xf32, #tpu.memory_space<hbm>>) target(%arg14 : memref<128x128xf32, #tpu.memory_space<vmem>>) target_semaphore(%arg18 : memref<!tpu.dma_semaphore, #tpu.memory_space<semaphore_mem>>)
    %scan3A = arith.constant 0 : i32
    %scan3A_50 = arith.constant 0 : i32
    %scan3A_51 = arith.constant 39 : i32
    %scan3A_52 = arith.addi %scan3A_50, %scan3A_51 : i32
    %scan3A_53 = arith.constant 1 : i32
    scf.for %scan3A_81 = %scan3A_50 to %scan3A_52 step %scan3A_53  : i32 {
      %mul3A_82 = arith.constant 2 : i32
      %mul3A_83 = arith.muli %mul3A_82, %scan3A_81 : i32
      %add3A_84 = arith.constant 1 : i32
      %add3A_85 = arith.addi %mul3A_83, %add3A_84 : i32
      %add3A_86 = arith.addi %add3A_5, %add3A_85 : i32
      %dma_start3A_87 = arith.constant 1 : i32
      %dma_start3A_88 = arith.constant 0 : i32
      %dma_start3A_89 = tpu.memref_slice %arg13[%dma_start3A_87, %dma_start3A_88] : memref<2x128xi32, #tpu.memory_space<vmem>> -> memref<1x128xi32, #tpu.memory_space<vmem>>
      %dma_start3A_90 = tpu.memref_squeeze %dma_start3A_89 : memref<1x128xi32, #tpu.memory_space<vmem>> -> memref<128xi32, #tpu.memory_space<vmem>>
      %dma_start3A_91 = arith.constant 0 : i32
      %dma_start3A_92 = tpu.memref_slice %arg2[%add3A_86, %dma_start3A_91] : memref<2500x128xi32, #tpu.memory_space<hbm>> -> memref<1x128xi32, #tpu.memory_space<hbm>>
      %dma_start3A_93 = tpu.memref_squeeze %dma_start3A_92 : memref<1x128xi32, #tpu.memory_space<hbm>> -> memref<128xi32, #tpu.memory_space<hbm>>
      %dma_start3A_94 = arith.constant 0 : i32
      %dma_start3A_95 = tpu.memref_slice %arg13[%dma_start3A_87, %dma_start3A_94] : memref<2x128xi32, #tpu.memory_space<vmem>> -> memref<1x128xi32, #tpu.memory_space<vmem>>
      %dma_start3A_96 = tpu.memref_squeeze %dma_start3A_95 : memref<1x128xi32, #tpu.memory_space<vmem>> -> memref<128xi32, #tpu.memory_space<vmem>>
      %dma_start3A_97 = arith.constant 0 : i32
      %dma_start3A_98 = tpu.memref_slice %arg2[%add3A_86, %dma_start3A_97] : memref<2500x128xi32, #tpu.memory_space<hbm>> -> memref<1x128xi32, #tpu.memory_space<hbm>>
      %dma_start3A_99 = tpu.memref_squeeze %dma_start3A_98 : memref<1x128xi32, #tpu.memory_space<hbm>> -> memref<128xi32, #tpu.memory_space<hbm>>
      tpu.enqueue_dma source(%dma_start3A_99 : memref<128xi32, #tpu.memory_space<hbm>>) target(%dma_start3A_96 : memref<128xi32, #tpu.memory_space<vmem>>) target_semaphore(%arg19 : memref<!tpu.dma_semaphore, #tpu.memory_space<semaphore_mem>>)
      %add3A_100 = arith.addi %add3A_5, %add3A_85 : i32
      %mul3A_101 = arith.constant 128 : i32
      %mul3A_102 = arith.muli %mul3A_101, %add3A_100 : i32
      %dma_start3A_103 = arith.constant 0 : i32
      %dma_start3A_104 = tpu.memref_slice %arg3[%mul3A_102, %dma_start3A_103] : memref<320000x128xf32, #tpu.memory_space<hbm>> -> memref<128x128xf32, #tpu.memory_space<hbm>>
      %dma_start3A_105 = arith.constant 0 : i32
      %dma_start3A_106 = tpu.memref_slice %arg3[%mul3A_102, %dma_start3A_105] : memref<320000x128xf32, #tpu.memory_space<hbm>> -> memref<128x128xf32, #tpu.memory_space<hbm>>
      tpu.enqueue_dma source(%dma_start3A_106 : memref<128x128xf32, #tpu.memory_space<hbm>>) target(%arg15 : memref<128x128xf32, #tpu.memory_space<vmem>>) target_semaphore(%arg19 : memref<!tpu.dma_semaphore, #tpu.memory_space<semaphore_mem>>)
      %dma_wait3A_107 = arith.constant 0 : i32
      %dma_wait3A_108 = arith.constant 0 : i32
      %dma_wait3A_109 = arith.constant 0 : i32
      %dma_wait3A_110 = tpu.memref_slice %arg13[%dma_wait3A_108, %dma_wait3A_109] : memref<2x128xi32, #tpu.memory_space<vmem>> -> memref<1x128xi32, #tpu.memory_space<vmem>>
      %dma_wait3A_111 = tpu.memref_squeeze %dma_wait3A_110 : memref<1x128xi32, #tpu.memory_space<vmem>> -> memref<128xi32, #tpu.memory_space<vmem>>
      %dma_wait3A_112 = arith.constant 0 : i32
      %dma_wait3A_113 = tpu.memref_slice %arg2[%dma_wait3A_107, %dma_wait3A_112] : memref<2500x128xi32, #tpu.memory_space<hbm>> -> memref<1x128xi32, #tpu.memory_space<hbm>>
      %dma_wait3A_114 = tpu.memref_squeeze %dma_wait3A_113 : memref<1x128xi32, #tpu.memory_space<hbm>> -> memref<128xi32, #tpu.memory_space<hbm>>
      %dma_wait3A_115 = arith.constant 0 : i32
      %dma_wait3A_116 = tpu.memref_slice %arg13[%dma_wait3A_108, %dma_wait3A_115] : memref<2x128xi32, #tpu.memory_space<vmem>> -> memref<1x128xi32, #tpu.memory_space<vmem>>
      %dma_wait3A_117 = tpu.memref_squeeze %dma_wait3A_116 : memref<1x128xi32, #tpu.memory_space<vmem>> -> memref<128xi32, #tpu.memory_space<vmem>>
      %dma_wait3A_118 = arith.constant 0 : i32
      %dma_wait3A_119 = tpu.memref_slice %arg2[%dma_wait3A_107, %dma_wait3A_118] : memref<2500x128xi32, #tpu.memory_space<hbm>> -> memref<1x128xi32, #tpu.memory_space<hbm>>
      %dma_wait3A_120 = tpu.memref_squeeze %dma_wait3A_119 : memref<1x128xi32, #tpu.memory_space<hbm>> -> memref<128xi32, #tpu.memory_space<hbm>>
      tpu.wait_dma2 semaphore(%arg18 : memref<!tpu.dma_semaphore, #tpu.memory_space<semaphore_mem>>) src(%dma_wait3A_120 : memref<128xi32, #tpu.memory_space<hbm>>) dst(%dma_wait3A_117 : memref<128xi32, #tpu.memory_space<vmem>>)
      %dma_wait3A_121 = arith.constant 0 : i32
      %dma_wait3A_122 = arith.constant 0 : i32
      %dma_wait3A_123 = tpu.memref_slice %arg3[%dma_wait3A_121, %dma_wait3A_122] : memref<320000x128xf32, #tpu.memory_space<hbm>> -> memref<128x128xf32, #tpu.memory_space<hbm>>
      %dma_wait3A_124 = arith.constant 0 : i32
      %dma_wait3A_125 = arith.constant 0 : i32
      %dma_wait3A_126 = tpu.memref_slice %arg3[%dma_wait3A_124, %dma_wait3A_125] : memref<320000x128xf32, #tpu.memory_space<hbm>> -> memref<128x128xf32, #tpu.memory_space<hbm>>
      tpu.wait_dma2 semaphore(%arg18 : memref<!tpu.dma_semaphore, #tpu.memory_space<semaphore_mem>>) src(%dma_wait3A_126 : memref<128x128xf32, #tpu.memory_space<hbm>>) dst(%arg14 : memref<128x128xf32, #tpu.memory_space<vmem>>)
      %run_scoped3A = arith.constant 0 : i32
      "tpu.region"() ({
        %run_scoped3A_175 = tpu.sem_alloc : memref<!tpu.dma_semaphore, #tpu.memory_space<semaphore_mem>>
        %dma_start3A_176 = arith.constant 0 : i32
        %dma_start3A_177 = tpu.memref_slice %arg13[%run_scoped3A, %dma_start3A_176] : memref<2x128xi32, #tpu.memory_space<vmem>> -> memref<1x128xi32, #tpu.memory_space<vmem>>
        %dma_start3A_178 = tpu.memref_squeeze %dma_start3A_177 : memref<1x128xi32, #tpu.memory_space<vmem>> -> memref<128xi32, #tpu.memory_space<vmem>>
        %dma_start3A_179 = arith.constant 0 : i32
        %dma_start3A_180 = arith.constant 0 : i32
        %dma_start3A_181 = tpu.memref_slice %arg11[%dma_start3A_179, %dma_start3A_180] : memref<10240x128xf32, #tpu.memory_space<vmem_shared>> -> memref<10240x128xf32, #tpu.memory_space<vmem_shared>>
        tpu.enqueue_indirect_dma source(%arg14 : memref<128x128xf32, #tpu.memory_space<vmem>>) target(%dma_start3A_181 : memref<10240x128xf32, #tpu.memory_space<vmem_shared>>) offsets(%dma_start3A_178 : memref<128xi32, #tpu.memory_space<vmem>>) semaphore(%run_scoped3A_175 : memref<!tpu.dma_semaphore, #tpu.memory_space<semaphore_mem>>) {add = true}
        %dma_wait3A_182 = arith.constant 0 : i32
        %dma_wait3A_183 = tpu.memref_slice %arg13[%run_scoped3A, %dma_wait3A_182] : memref<2x128xi32, #tpu.memory_space<vmem>> -> memref<1x128xi32, #tpu.memory_space<vmem>>
        %dma_wait3A_184 = tpu.memref_squeeze %dma_wait3A_183 : memref<1x128xi32, #tpu.memory_space<vmem>> -> memref<128xi32, #tpu.memory_space<vmem>>
        %dma_wait3A_185 = arith.constant 0 : i32
        %dma_wait3A_186 = arith.constant 0 : i32
        %dma_wait3A_187 = tpu.memref_slice %arg11[%dma_wait3A_185, %dma_wait3A_186] : memref<10240x128xf32, #tpu.memory_space<vmem_shared>> -> memref<10240x128xf32, #tpu.memory_space<vmem_shared>>
        tpu.wait_indirect_dma semaphore(%run_scoped3A_175 : memref<!tpu.dma_semaphore, #tpu.memory_space<semaphore_mem>>) src(%arg14 : memref<128x128xf32, #tpu.memory_space<vmem>>) dst(%dma_wait3A_187 : memref<10240x128xf32, #tpu.memory_space<vmem_shared>>)
        tpu.yield
      }) : () -> ()
      %run_scoped3A_127 = arith.constant 0 : i32
      "tpu.region"() ({
        %run_scoped3A_175 = tpu.sem_alloc : memref<!tpu.dma_semaphore, #tpu.memory_space<semaphore_mem>>
        %dma_start3A_176 = arith.constant 0 : i32
        %dma_start3A_177 = tpu.memref_slice %arg13[%run_scoped3A_127, %dma_start3A_176] : memref<2x128xi32, #tpu.memory_space<vmem>> -> memref<1x128xi32, #tpu.memory_space<vmem>>
        %dma_start3A_178 = tpu.memref_squeeze %dma_start3A_177 : memref<1x128xi32, #tpu.memory_space<vmem>> -> memref<128xi32, #tpu.memory_space<vmem>>
        %dma_start3A_179 = arith.constant 0 : i32
        %dma_start3A_180 = tpu.memref_slice %arg12[%dma_start3A_179] : memref<10240xf32, #tpu.memory_space<vmem_shared>> -> memref<10240xf32, #tpu.memory_space<vmem_shared>>
        tpu.enqueue_indirect_dma source(%arg16 : memref<128xf32, #tpu.memory_space<vmem>>) target(%dma_start3A_180 : memref<10240xf32, #tpu.memory_space<vmem_shared>>) offsets(%dma_start3A_178 : memref<128xi32, #tpu.memory_space<vmem>>) semaphore(%run_scoped3A_175 : memref<!tpu.dma_semaphore, #tpu.memory_space<semaphore_mem>>) {add = true}
        %dma_wait3A_181 = arith.constant 0 : i32
        %dma_wait3A_182 = tpu.memref_slice %arg13[%run_scoped3A_127, %dma_wait3A_181] : memref<2x128xi32, #tpu.memory_space<vmem>> -> memref<1x128xi32, #tpu.memory_space<vmem>>
        %dma_wait3A_183 = tpu.memref_squeeze %dma_wait3A_182 : memref<1x128xi32, #tpu.memory_space<vmem>> -> memref<128xi32, #tpu.memory_space<vmem>>
        %dma_wait3A_184 = arith.constant 0 : i32
        %dma_wait3A_185 = tpu.memref_slice %arg12[%dma_wait3A_184] : memref<10240xf32, #tpu.memory_space<vmem_shared>> -> memref<10240xf32, #tpu.memory_space<vmem_shared>>
        tpu.wait_indirect_dma semaphore(%run_scoped3A_175 : memref<!tpu.dma_semaphore, #tpu.memory_space<semaphore_mem>>) src(%arg16 : memref<128xf32, #tpu.memory_space<vmem>>) dst(%dma_wait3A_185 : memref<10240xf32, #tpu.memory_space<vmem_shared>>)
        tpu.yield
      }) : () -> ()
      %add3A_128 = arith.constant 2 : i32
      %add3A_129 = arith.addi %mul3A_83, %add3A_128 : i32
      %min3A_130 = arith.constant 77 : i32
      %min3A_131 = arith.minsi %add3A_129, %min3A_130 : i32
      %add3A_132 = arith.addi %add3A_5, %min3A_131 : i32
      %dma_start3A_133 = arith.constant 0 : i32
      %dma_start3A_134 = arith.constant 0 : i32
      %dma_start3A_135 = tpu.memref_slice %arg13[%dma_start3A_133, %dma_start3A_134] : memref<2x128xi32, #tpu.memory_space<vmem>> -> memref<1x128xi32, #tpu.memory_space<vmem>>
      %dma_start3A_136 = tpu.memref_squeeze %dma_start3A_135 : memref<1x128xi32, #tpu.memory_space<vmem>> -> memref<128xi32, #tpu.memory_space<vmem>>
      %dma_start3A_137 = arith.constant 0 : i32
      %dma_start3A_138 = tpu.memref_slice %arg2[%add3A_132, %dma_start3A_137] : memref<2500x128xi32, #tpu.memory_space<hbm>> -> memref<1x128xi32, #tpu.memory_space<hbm>>
      %dma_start3A_139 = tpu.memref_squeeze %dma_start3A_138 : memref<1x128xi32, #tpu.memory_space<hbm>> -> memref<128xi32, #tpu.memory_space<hbm>>
      %dma_start3A_140 = arith.constant 0 : i32
      %dma_start3A_141 = tpu.memref_slice %arg13[%dma_start3A_133, %dma_start3A_140] : memref<2x128xi32, #tpu.memory_space<vmem>> -> memref<1x128xi32, #tpu.memory_space<vmem>>
      %dma_start3A_142 = tpu.memref_squeeze %dma_start3A_141 : memref<1x128xi32, #tpu.memory_space<vmem>> -> memref<128xi32, #tpu.memory_space<vmem>>
      %dma_start3A_143 = arith.constant 0 : i32
      %dma_start3A_144 = tpu.memref_slice %arg2[%add3A_132, %dma_start3A_143] : memref<2500x128xi32, #tpu.memory_space<hbm>> -> memref<1x128xi32, #tpu.memory_space<hbm>>
      %dma_start3A_145 = tpu.memref_squeeze %dma_start3A_144 : memref<1x128xi32, #tpu.memory_space<hbm>> -> memref<128xi32, #tpu.memory_space<hbm>>
      tpu.enqueue_dma source(%dma_start3A_145 : memref<128xi32, #tpu.memory_space<hbm>>) target(%dma_start3A_142 : memref<128xi32, #tpu.memory_space<vmem>>) target_semaphore(%arg18 : memref<!tpu.dma_semaphore, #tpu.memory_space<semaphore_mem>>)
      %add3A_146 = arith.addi %add3A_5, %min3A_131 : i32
      %mul3A_147 = arith.constant 128 : i32
      %mul3A_148 = arith.muli %mul3A_147, %add3A_146 : i32
      %dma_start3A_149 = arith.constant 0 : i32
      %dma_start3A_150 = tpu.memref_slice %arg3[%mul3A_148, %dma_start3A_149] : memref<320000x128xf32, #tpu.memory_space<hbm>> -> memref<128x128xf32, #tpu.memory_space<hbm>>
      %dma_start3A_151 = arith.constant 0 : i32
      %dma_start3A_152 = tpu.memref_slice %arg3[%mul3A_148, %dma_start3A_151] : memref<320000x128xf32, #tpu.memory_space<hbm>> -> memref<128x128xf32, #tpu.memory_space<hbm>>
      tpu.enqueue_dma source(%dma_start3A_152 : memref<128x128xf32, #tpu.memory_space<hbm>>) target(%arg14 : memref<128x128xf32, #tpu.memory_space<vmem>>) target_semaphore(%arg18 : memref<!tpu.dma_semaphore, #tpu.memory_space<semaphore_mem>>)
      %dma_wait3A_153 = arith.constant 0 : i32
      %dma_wait3A_154 = arith.constant 1 : i32
      %dma_wait3A_155 = arith.constant 0 : i32
      %dma_wait3A_156 = tpu.memref_slice %arg13[%dma_wait3A_154, %dma_wait3A_155] : memref<2x128xi32, #tpu.memory_space<vmem>> -> memref<1x128xi32, #tpu.memory_space<vmem>>
      %dma_wait3A_157 = tpu.memref_squeeze %dma_wait3A_156 : memref<1x128xi32, #tpu.memory_space<vmem>> -> memref<128xi32, #tpu.memory_space<vmem>>
      %dma_wait3A_158 = arith.constant 0 : i32
      %dma_wait3A_159 = tpu.memref_slice %arg2[%dma_wait3A_153, %dma_wait3A_158] : memref<2500x128xi32, #tpu.memory_space<hbm>> -> memref<1x128xi32, #tpu.memory_space<hbm>>
      %dma_wait3A_160 = tpu.memref_squeeze %dma_wait3A_159 : memref<1x128xi32, #tpu.memory_space<hbm>> -> memref<128xi32, #tpu.memory_space<hbm>>
      %dma_wait3A_161 = arith.constant 0 : i32
      %dma_wait3A_162 = tpu.memref_slice %arg13[%dma_wait3A_154, %dma_wait3A_161] : memref<2x128xi32, #tpu.memory_space<vmem>> -> memref<1x128xi32, #tpu.memory_space<vmem>>
      %dma_wait3A_163 = tpu.memref_squeeze %dma_wait3A_162 : memref<1x128xi32, #tpu.memory_space<vmem>> -> memref<128xi32, #tpu.memory_space<vmem>>
      %dma_wait3A_164 = arith.constant 0 : i32
      %dma_wait3A_165 = tpu.memref_slice %arg2[%dma_wait3A_153, %dma_wait3A_164] : memref<2500x128xi32, #tpu.memory_space<hbm>> -> memref<1x128xi32, #tpu.memory_space<hbm>>
      %dma_wait3A_166 = tpu.memref_squeeze %dma_wait3A_165 : memref<1x128xi32, #tpu.memory_space<hbm>> -> memref<128xi32, #tpu.memory_space<hbm>>
      tpu.wait_dma2 semaphore(%arg19 : memref<!tpu.dma_semaphore, #tpu.memory_space<semaphore_mem>>) src(%dma_wait3A_166 : memref<128xi32, #tpu.memory_space<hbm>>) dst(%dma_wait3A_163 : memref<128xi32, #tpu.memory_space<vmem>>)
      %dma_wait3A_167 = arith.constant 0 : i32
      %dma_wait3A_168 = arith.constant 0 : i32
      %dma_wait3A_169 = tpu.memref_slice %arg3[%dma_wait3A_167, %dma_wait3A_168] : memref<320000x128xf32, #tpu.memory_space<hbm>> -> memref<128x128xf32, #tpu.memory_space<hbm>>
      %dma_wait3A_170 = arith.constant 0 : i32
      %dma_wait3A_171 = arith.constant 0 : i32
      %dma_wait3A_172 = tpu.memref_slice %arg3[%dma_wait3A_170, %dma_wait3A_171] : memref<320000x128xf32, #tpu.memory_space<hbm>> -> memref<128x128xf32, #tpu.memory_space<hbm>>
      tpu.wait_dma2 semaphore(%arg19 : memref<!tpu.dma_semaphore, #tpu.memory_space<semaphore_mem>>) src(%dma_wait3A_172 : memref<128x128xf32, #tpu.memory_space<hbm>>) dst(%arg15 : memref<128x128xf32, #tpu.memory_space<vmem>>)
      %run_scoped3A_173 = arith.constant 1 : i32
      "tpu.region"() ({
        %run_scoped3A_175 = tpu.sem_alloc : memref<!tpu.dma_semaphore, #tpu.memory_space<semaphore_mem>>
        %dma_start3A_176 = arith.constant 0 : i32
        %dma_start3A_177 = tpu.memref_slice %arg13[%run_scoped3A_173, %dma_start3A_176] : memref<2x128xi32, #tpu.memory_space<vmem>> -> memref<1x128xi32, #tpu.memory_space<vmem>>
        %dma_start3A_178 = tpu.memref_squeeze %dma_start3A_177 : memref<1x128xi32, #tpu.memory_space<vmem>> -> memref<128xi32, #tpu.memory_space<vmem>>
        %dma_start3A_179 = arith.constant 0 : i32
        %dma_start3A_180 = arith.constant 0 : i32
        %dma_start3A_181 = tpu.memref_slice %arg11[%dma_start3A_179, %dma_start3A_180] : memref<10240x128xf32, #tpu.memory_space<vmem_shared>> -> memref<10240x128xf32, #tpu.memory_space<vmem_shared>>
        tpu.enqueue_indirect_dma source(%arg15 : memref<128x128xf32, #tpu.memory_space<vmem>>) target(%dma_start3A_181 : memref<10240x128xf32, #tpu.memory_space<vmem_shared>>) offsets(%dma_start3A_178 : memref<128xi32, #tpu.memory_space<vmem>>) semaphore(%run_scoped3A_175 : memref<!tpu.dma_semaphore, #tpu.memory_space<semaphore_mem>>) {add = true}
        %dma_wait3A_182 = arith.constant 0 : i32
        %dma_wait3A_183 = tpu.memref_slice %arg13[%run_scoped3A_173, %dma_wait3A_182] : memref<2x128xi32, #tpu.memory_space<vmem>> -> memref<1x128xi32, #tpu.memory_space<vmem>>
        %dma_wait3A_184 = tpu.memref_squeeze %dma_wait3A_183 : memref<1x128xi32, #tpu.memory_space<vmem>> -> memref<128xi32, #tpu.memory_space<vmem>>
        %dma_wait3A_185 = arith.constant 0 : i32
        %dma_wait3A_186 = arith.constant 0 : i32
        %dma_wait3A_187 = tpu.memref_slice %arg11[%dma_wait3A_185, %dma_wait3A_186] : memref<10240x128xf32, #tpu.memory_space<vmem_shared>> -> memref<10240x128xf32, #tpu.memory_space<vmem_shared>>
        tpu.wait_indirect_dma semaphore(%run_scoped3A_175 : memref<!tpu.dma_semaphore, #tpu.memory_space<semaphore_mem>>) src(%arg15 : memref<128x128xf32, #tpu.memory_space<vmem>>) dst(%dma_wait3A_187 : memref<10240x128xf32, #tpu.memory_space<vmem_shared>>)
        tpu.yield
      }) : () -> ()
      %run_scoped3A_174 = arith.constant 1 : i32
      "tpu.region"() ({
        %run_scoped3A_175 = tpu.sem_alloc : memref<!tpu.dma_semaphore, #tpu.memory_space<semaphore_mem>>
        %dma_start3A_176 = arith.constant 0 : i32
        %dma_start3A_177 = tpu.memref_slice %arg13[%run_scoped3A_174, %dma_start3A_176] : memref<2x128xi32, #tpu.memory_space<vmem>> -> memref<1x128xi32, #tpu.memory_space<vmem>>
        %dma_start3A_178 = tpu.memref_squeeze %dma_start3A_177 : memref<1x128xi32, #tpu.memory_space<vmem>> -> memref<128xi32, #tpu.memory_space<vmem>>
        %dma_start3A_179 = arith.constant 0 : i32
        %dma_start3A_180 = tpu.memref_slice %arg12[%dma_start3A_179] : memref<10240xf32, #tpu.memory_space<vmem_shared>> -> memref<10240xf32, #tpu.memory_space<vmem_shared>>
        tpu.enqueue_indirect_dma source(%arg16 : memref<128xf32, #tpu.memory_space<vmem>>) target(%dma_start3A_180 : memref<10240xf32, #tpu.memory_space<vmem_shared>>) offsets(%dma_start3A_178 : memref<128xi32, #tpu.memory_space<vmem>>) semaphore(%run_scoped3A_175 : memref<!tpu.dma_semaphore, #tpu.memory_space<semaphore_mem>>) {add = true}
        %dma_wait3A_181 = arith.constant 0 : i32
        %dma_wait3A_182 = tpu.memref_slice %arg13[%run_scoped3A_174, %dma_wait3A_181] : memref<2x128xi32, #tpu.memory_space<vmem>> -> memref<1x128xi32, #tpu.memory_space<vmem>>
        %dma_wait3A_183 = tpu.memref_squeeze %dma_wait3A_182 : memref<1x128xi32, #tpu.memory_space<vmem>> -> memref<128xi32, #tpu.memory_space<vmem>>
        %dma_wait3A_184 = arith.constant 0 : i32
        %dma_wait3A_185 = tpu.memref_slice %arg12[%dma_wait3A_184] : memref<10240xf32, #tpu.memory_space<vmem_shared>> -> memref<10240xf32, #tpu.memory_space<vmem_shared>>
        tpu.wait_indirect_dma semaphore(%run_scoped3A_175 : memref<!tpu.dma_semaphore, #tpu.memory_space<semaphore_mem>>) src(%arg16 : memref<128xf32, #tpu.memory_space<vmem>>) dst(%dma_wait3A_185 : memref<10240xf32, #tpu.memory_space<vmem_shared>>)
        tpu.yield
      }) : () -> ()
    }
    %scan3A_54 = arith.constant 39 : i32
    %dma_wait3A = arith.constant 0 : i32
    %dma_wait3A_55 = arith.constant 0 : i32
    %dma_wait3A_56 = arith.constant 0 : i32
    %dma_wait3A_57 = tpu.memref_slice %arg13[%dma_wait3A_55, %dma_wait3A_56] : memref<2x128xi32, #tpu.memory_space<vmem>> -> memref<1x128xi32, #tpu.memory_space<vmem>>
    %dma_wait3A_58 = tpu.memref_squeeze %dma_wait3A_57 : memref<1x128xi32, #tpu.memory_space<vmem>> -> memref<128xi32, #tpu.memory_space<vmem>>
    %dma_wait3A_59 = arith.constant 0 : i32
    %dma_wait3A_60 = tpu.memref_slice %arg2[%dma_wait3A, %dma_wait3A_59] : memref<2500x128xi32, #tpu.memory_space<hbm>> -> memref<1x128xi32, #tpu.memory_space<hbm>>
    %dma_wait3A_61 = tpu.memref_squeeze %dma_wait3A_60 : memref<1x128xi32, #tpu.memory_space<hbm>> -> memref<128xi32, #tpu.memory_space<hbm>>
    %dma_wait3A_62 = arith.constant 0 : i32
    %dma_wait3A_63 = tpu.memref_slice %arg13[%dma_wait3A_55, %dma_wait3A_62] : memref<2x128xi32, #tpu.memory_space<vmem>> -> memref<1x128xi32, #tpu.memory_space<vmem>>
    %dma_wait3A_64 = tpu.memref_squeeze %dma_wait3A_63 : memref<1x128xi32, #tpu.memory_space<vmem>> -> memref<128xi32, #tpu.memory_space<vmem>>
    %dma_wait3A_65 = arith.constant 0 : i32
    %dma_wait3A_66 = tpu.memref_slice %arg2[%dma_wait3A, %dma_wait3A_65] : memref<2500x128xi32, #tpu.memory_space<hbm>> -> memref<1x128xi32, #tpu.memory_space<hbm>>
    %dma_wait3A_67 = tpu.memref_squeeze %dma_wait3A_66 : memref<1x128xi32, #tpu.memory_space<hbm>> -> memref<128xi32, #tpu.memory_space<hbm>>
    tpu.wait_dma2 semaphore(%arg18 : memref<!tpu.dma_semaphore, #tpu.memory_space<semaphore_mem>>) src(%dma_wait3A_67 : memref<128xi32, #tpu.memory_space<hbm>>) dst(%dma_wait3A_64 : memref<128xi32, #tpu.memory_space<vmem>>)
    %dma_wait3A_68 = arith.constant 0 : i32
    %dma_wait3A_69 = arith.constant 0 : i32
    %dma_wait3A_70 = tpu.memref_slice %arg3[%dma_wait3A_68, %dma_wait3A_69] : memref<320000x128xf32, #tpu.memory_space<hbm>> -> memref<128x128xf32, #tpu.memory_space<hbm>>
    %dma_wait3A_71 = arith.constant 0 : i32
    %dma_wait3A_72 = arith.constant 0 : i32
    %dma_wait3A_73 = tpu.memref_slice %arg3[%dma_wait3A_71, %dma_wait3A_72] : memref<320000x128xf32, #tpu.memory_space<hbm>> -> memref<128x128xf32, #tpu.memory_space<hbm>>
    tpu.wait_dma2 semaphore(%arg18 : memref<!tpu.dma_semaphore, #tpu.memory_space<semaphore_mem>>) src(%dma_wait3A_73 : memref<128x128xf32, #tpu.memory_space<hbm>>) dst(%arg14 : memref<128x128xf32, #tpu.memory_space<vmem>>)
    %convert_element_type3A = arith.extui %lt3A_1 : i1 to i32
    %cond3A = arith.constant 0 : i32
    %cond3A_74 = arith.cmpi ne, %convert_element_type3A, %cond3A : i32
    scf.if %cond3A_74 {
      %add3A_81 = arith.constant 78 : i32
      %add3A_82 = arith.addi %add3A_5, %add3A_81 : i32
      %dma_start3A_83 = arith.constant 0 : i32
      %dma_start3A_84 = arith.constant 0 : i32
      %dma_start3A_85 = tpu.memref_slice %arg13[%dma_start3A_83, %dma_start3A_84] : memref<2x128xi32, #tpu.memory_space<vmem>> -> memref<1x128xi32, #tpu.memory_space<vmem>>
      %dma_start3A_86 = tpu.memref_squeeze %dma_start3A_85 : memref<1x128xi32, #tpu.memory_space<vmem>> -> memref<128xi32, #tpu.memory_space<vmem>>
      %dma_start3A_87 = arith.constant 0 : i32
      %dma_start3A_88 = tpu.memref_slice %arg2[%add3A_82, %dma_start3A_87] : memref<2500x128xi32, #tpu.memory_space<hbm>> -> memref<1x128xi32, #tpu.memory_space<hbm>>
      %dma_start3A_89 = tpu.memref_squeeze %dma_start3A_88 : memref<1x128xi32, #tpu.memory_space<hbm>> -> memref<128xi32, #tpu.memory_space<hbm>>
      %dma_start3A_90 = arith.constant 0 : i32
      %dma_start3A_91 = tpu.memref_slice %arg13[%dma_start3A_83, %dma_start3A_90] : memref<2x128xi32, #tpu.memory_space<vmem>> -> memref<1x128xi32, #tpu.memory_space<vmem>>
      %dma_start3A_92 = tpu.memref_squeeze %dma_start3A_91 : memref<1x128xi32, #tpu.memory_space<vmem>> -> memref<128xi32, #tpu.memory_space<vmem>>
      %dma_start3A_93 = arith.constant 0 : i32
      %dma_start3A_94 = tpu.memref_slice %arg2[%add3A_82, %dma_start3A_93] : memref<2500x128xi32, #tpu.memory_space<hbm>> -> memref<1x128xi32, #tpu.memory_space<hbm>>
      %dma_start3A_95 = tpu.memref_squeeze %dma_start3A_94 : memref<1x128xi32, #tpu.memory_space<hbm>> -> memref<128xi32, #tpu.memory_space<hbm>>
      tpu.enqueue_dma source(%dma_start3A_95 : memref<128xi32, #tpu.memory_space<hbm>>) target(%dma_start3A_92 : memref<128xi32, #tpu.memory_space<vmem>>) target_semaphore(%arg18 : memref<!tpu.dma_semaphore, #tpu.memory_space<semaphore_mem>>)
      %add3A_96 = arith.constant 78 : i32
      %add3A_97 = arith.addi %add3A_5, %add3A_96 : i32
      %mul3A_98 = arith.constant 128 : i32
      %mul3A_99 = arith.muli %mul3A_98, %add3A_97 : i32
      %dma_start3A_100 = arith.constant 0 : i32
      %dma_start3A_101 = tpu.memref_slice %arg3[%mul3A_99, %dma_start3A_100] : memref<320000x128xf32, #tpu.memory_space<hbm>> -> memref<128x128xf32, #tpu.memory_space<hbm>>
      %dma_start3A_102 = arith.constant 0 : i32
      %dma_start3A_103 = tpu.memref_slice %arg3[%mul3A_99, %dma_start3A_102] : memref<320000x128xf32, #tpu.memory_space<hbm>> -> memref<128x128xf32, #tpu.memory_space<hbm>>
      tpu.enqueue_dma source(%dma_start3A_103 : memref<128x128xf32, #tpu.memory_space<hbm>>) target(%arg14 : memref<128x128xf32, #tpu.memory_space<vmem>>) target_semaphore(%arg18 : memref<!tpu.dma_semaphore, #tpu.memory_space<semaphore_mem>>)
      %dma_wait3A_104 = arith.constant 0 : i32
      %dma_wait3A_105 = arith.constant 0 : i32
      %dma_wait3A_106 = arith.constant 0 : i32
      %dma_wait3A_107 = tpu.memref_slice %arg13[%dma_wait3A_105, %dma_wait3A_106] : memref<2x128xi32, #tpu.memory_space<vmem>> -> memref<1x128xi32, #tpu.memory_space<vmem>>
      %dma_wait3A_108 = tpu.memref_squeeze %dma_wait3A_107 : memref<1x128xi32, #tpu.memory_space<vmem>> -> memref<128xi32, #tpu.memory_space<vmem>>
      %dma_wait3A_109 = arith.constant 0 : i32
      %dma_wait3A_110 = tpu.memref_slice %arg2[%dma_wait3A_104, %dma_wait3A_109] : memref<2500x128xi32, #tpu.memory_space<hbm>> -> memref<1x128xi32, #tpu.memory_space<hbm>>
      %dma_wait3A_111 = tpu.memref_squeeze %dma_wait3A_110 : memref<1x128xi32, #tpu.memory_space<hbm>> -> memref<128xi32, #tpu.memory_space<hbm>>
      %dma_wait3A_112 = arith.constant 0 : i32
      %dma_wait3A_113 = tpu.memref_slice %arg13[%dma_wait3A_105, %dma_wait3A_112] : memref<2x128xi32, #tpu.memory_space<vmem>> -> memref<1x128xi32, #tpu.memory_space<vmem>>
      %dma_wait3A_114 = tpu.memref_squeeze %dma_wait3A_113 : memref<1x128xi32, #tpu.memory_space<vmem>> -> memref<128xi32, #tpu.memory_space<vmem>>
      %dma_wait3A_115 = arith.constant 0 : i32
      %dma_wait3A_116 = tpu.memref_slice %arg2[%dma_wait3A_104, %dma_wait3A_115] : memref<2500x128xi32, #tpu.memory_space<hbm>> -> memref<1x128xi32, #tpu.memory_space<hbm>>
      %dma_wait3A_117 = tpu.memref_squeeze %dma_wait3A_116 : memref<1x128xi32, #tpu.memory_space<hbm>> -> memref<128xi32, #tpu.memory_space<hbm>>
      tpu.wait_dma2 semaphore(%arg18 : memref<!tpu.dma_semaphore, #tpu.memory_space<semaphore_mem>>) src(%dma_wait3A_117 : memref<128xi32, #tpu.memory_space<hbm>>) dst(%dma_wait3A_114 : memref<128xi32, #tpu.memory_space<vmem>>)
      %dma_wait3A_118 = arith.constant 0 : i32
      %dma_wait3A_119 = arith.constant 0 : i32
      %dma_wait3A_120 = tpu.memref_slice %arg3[%dma_wait3A_118, %dma_wait3A_119] : memref<320000x128xf32, #tpu.memory_space<hbm>> -> memref<128x128xf32, #tpu.memory_space<hbm>>
      %dma_wait3A_121 = arith.constant 0 : i32
      %dma_wait3A_122 = arith.constant 0 : i32
      %dma_wait3A_123 = tpu.memref_slice %arg3[%dma_wait3A_121, %dma_wait3A_122] : memref<320000x128xf32, #tpu.memory_space<hbm>> -> memref<128x128xf32, #tpu.memory_space<hbm>>
      tpu.wait_dma2 semaphore(%arg18 : memref<!tpu.dma_semaphore, #tpu.memory_space<semaphore_mem>>) src(%dma_wait3A_123 : memref<128x128xf32, #tpu.memory_space<hbm>>) dst(%arg14 : memref<128x128xf32, #tpu.memory_space<vmem>>)
      %run_scoped3A = arith.constant 0 : i32
      "tpu.region"() ({
        %run_scoped3A_125 = tpu.sem_alloc : memref<!tpu.dma_semaphore, #tpu.memory_space<semaphore_mem>>
        %dma_start3A_126 = arith.constant 0 : i32
        %dma_start3A_127 = tpu.memref_slice %arg13[%run_scoped3A, %dma_start3A_126] : memref<2x128xi32, #tpu.memory_space<vmem>> -> memref<1x128xi32, #tpu.memory_space<vmem>>
        %dma_start3A_128 = tpu.memref_squeeze %dma_start3A_127 : memref<1x128xi32, #tpu.memory_space<vmem>> -> memref<128xi32, #tpu.memory_space<vmem>>
        %dma_start3A_129 = arith.constant 0 : i32
        %dma_start3A_130 = arith.constant 0 : i32
        %dma_start3A_131 = tpu.memref_slice %arg11[%dma_start3A_129, %dma_start3A_130] : memref<10240x128xf32, #tpu.memory_space<vmem_shared>> -> memref<10240x128xf32, #tpu.memory_space<vmem_shared>>
        tpu.enqueue_indirect_dma source(%arg14 : memref<128x128xf32, #tpu.memory_space<vmem>>) target(%dma_start3A_131 : memref<10240x128xf32, #tpu.memory_space<vmem_shared>>) offsets(%dma_start3A_128 : memref<128xi32, #tpu.memory_space<vmem>>) semaphore(%run_scoped3A_125 : memref<!tpu.dma_semaphore, #tpu.memory_space<semaphore_mem>>) {add = true}
        %dma_wait3A_132 = arith.constant 0 : i32
        %dma_wait3A_133 = tpu.memref_slice %arg13[%run_scoped3A, %dma_wait3A_132] : memref<2x128xi32, #tpu.memory_space<vmem>> -> memref<1x128xi32, #tpu.memory_space<vmem>>
        %dma_wait3A_134 = tpu.memref_squeeze %dma_wait3A_133 : memref<1x128xi32, #tpu.memory_space<vmem>> -> memref<128xi32, #tpu.memory_space<vmem>>
        %dma_wait3A_135 = arith.constant 0 : i32
        %dma_wait3A_136 = arith.constant 0 : i32
        %dma_wait3A_137 = tpu.memref_slice %arg11[%dma_wait3A_135, %dma_wait3A_136] : memref<10240x128xf32, #tpu.memory_space<vmem_shared>> -> memref<10240x128xf32, #tpu.memory_space<vmem_shared>>
        tpu.wait_indirect_dma semaphore(%run_scoped3A_125 : memref<!tpu.dma_semaphore, #tpu.memory_space<semaphore_mem>>) src(%arg14 : memref<128x128xf32, #tpu.memory_space<vmem>>) dst(%dma_wait3A_137 : memref<10240x128xf32, #tpu.memory_space<vmem_shared>>)
        tpu.yield
      }) : () -> ()
      %run_scoped3A_124 = arith.constant 0 : i32
      "tpu.region"() ({
        %run_scoped3A_125 = tpu.sem_alloc : memref<!tpu.dma_semaphore, #tpu.memory_space<semaphore_mem>>
        %dma_start3A_126 = arith.constant 0 : i32
        %dma_start3A_127 = tpu.memref_slice %arg13[%run_scoped3A_124, %dma_start3A_126] : memref<2x128xi32, #tpu.memory_space<vmem>> -> memref<1x128xi32, #tpu.memory_space<vmem>>
        %dma_start3A_128 = tpu.memref_squeeze %dma_start3A_127 : memref<1x128xi32, #tpu.memory_space<vmem>> -> memref<128xi32, #tpu.memory_space<vmem>>
        %dma_start3A_129 = arith.constant 0 : i32
        %dma_start3A_130 = tpu.memref_slice %arg12[%dma_start3A_129] : memref<10240xf32, #tpu.memory_space<vmem_shared>> -> memref<10240xf32, #tpu.memory_space<vmem_shared>>
        tpu.enqueue_indirect_dma source(%arg16 : memref<128xf32, #tpu.memory_space<vmem>>) target(%dma_start3A_130 : memref<10240xf32, #tpu.memory_space<vmem_shared>>) offsets(%dma_start3A_128 : memref<128xi32, #tpu.memory_space<vmem>>) semaphore(%run_scoped3A_125 : memref<!tpu.dma_semaphore, #tpu.memory_space<semaphore_mem>>) {add = true}
        %dma_wait3A_131 = arith.constant 0 : i32
        %dma_wait3A_132 = tpu.memref_slice %arg13[%run_scoped3A_124, %dma_wait3A_131] : memref<2x128xi32, #tpu.memory_space<vmem>> -> memref<1x128xi32, #tpu.memory_space<vmem>>
        %dma_wait3A_133 = tpu.memref_squeeze %dma_wait3A_132 : memref<1x128xi32, #tpu.memory_space<vmem>> -> memref<128xi32, #tpu.memory_space<vmem>>
        %dma_wait3A_134 = arith.constant 0 : i32
        %dma_wait3A_135 = tpu.memref_slice %arg12[%dma_wait3A_134] : memref<10240xf32, #tpu.memory_space<vmem_shared>> -> memref<10240xf32, #tpu.memory_space<vmem_shared>>
        tpu.wait_indirect_dma semaphore(%run_scoped3A_125 : memref<!tpu.dma_semaphore, #tpu.memory_space<semaphore_mem>>) src(%arg16 : memref<128xf32, #tpu.memory_space<vmem>>) dst(%dma_wait3A_135 : memref<10240xf32, #tpu.memory_space<vmem_shared>>)
        tpu.yield
      }) : () -> ()
    } else {
    }
    %barrier3A_75 = arith.constant 0 : index
    tpu.barrier barrier_id(%barrier3A_75)
    %lt3A_76 = arith.constant 10 : i32
    %lt3A_77 = arith.cmpi slt, %arg1, %lt3A_76 : i32
    %convert_element_type3A_78 = arith.extui %lt3A_77 : i1 to i32
    %cond3A_79 = arith.constant 0 : i32
    %cond3A_80 = arith.cmpi ne, %convert_element_type3A_78, %cond3A_79 : i32
    scf.if %cond3A_80 {
      %mul3A_81 = arith.constant 1024 : i32
      %mul3A_82 = arith.muli %mul3A_81, %arg1 : i32
      "tpu.region"() ({
        %run_scoped3A = tpu.sem_alloc : memref<!tpu.dma_semaphore, #tpu.memory_space<semaphore_mem>>
        %dma_start3A_92 = tpu.memref_slice %arg12[%mul3A_82] : memref<10240xf32, #tpu.memory_space<vmem_shared>> -> memref<1024xf32, #tpu.memory_space<vmem_shared>>
        %dma_start3A_93 = tpu.memref_slice %arg12[%mul3A_82] : memref<10240xf32, #tpu.memory_space<vmem_shared>> -> memref<1024xf32, #tpu.memory_space<vmem_shared>>
        tpu.enqueue_dma source(%dma_start3A_93 : memref<1024xf32, #tpu.memory_space<vmem_shared>>) target(%arg17 : memref<1024xf32, #tpu.memory_space<vmem>>) target_semaphore(%run_scoped3A : memref<!tpu.dma_semaphore, #tpu.memory_space<semaphore_mem>>)
        %dma_wait3A_94 = tpu.memref_slice %arg12[%mul3A_82] : memref<10240xf32, #tpu.memory_space<vmem_shared>> -> memref<1024xf32, #tpu.memory_space<vmem_shared>>
        %dma_wait3A_95 = tpu.memref_slice %arg12[%mul3A_82] : memref<10240xf32, #tpu.memory_space<vmem_shared>> -> memref<1024xf32, #tpu.memory_space<vmem_shared>>
        tpu.wait_dma2 semaphore(%run_scoped3A : memref<!tpu.dma_semaphore, #tpu.memory_space<semaphore_mem>>) src(%dma_wait3A_95 : memref<1024xf32, #tpu.memory_space<vmem_shared>>) dst(%arg17 : memref<1024xf32, #tpu.memory_space<vmem>>)
        tpu.yield
      }) : () -> ()
      %eq3A = arith.constant 0 : i32
      %eq3A_83 = arith.cmpi eq, %arg0, %eq3A : i32
      %convert_element_type3A_84 = arith.extui %eq3A_83 : i1 to i32
      %cond3A_85 = arith.constant 0 : i32
      %cond3A_86 = arith.cmpi ne, %convert_element_type3A_84, %cond3A_85 : i32
      scf.if %cond3A_86 {
        %mul3A_92 = arith.constant 1024 : i32
        %mul3A_93 = arith.muli %mul3A_92, %arg1 : i32
        %mul3A_94 = arith.constant 1024 : i32
        %mul3A_95 = arith.muli %mul3A_94, %arg1 : i32
        "tpu.region"() ({
          %run_scoped3A = tpu.sem_alloc : memref<!tpu.dma_semaphore, #tpu.memory_space<semaphore_mem>>
          %dma_start3A_98 = arith.constant 0 : i32
          %dma_start3A_99 = tpu.memref_slice %arg7[%mul3A_95, %dma_start3A_98] : memref<10240x128xf32, #tpu.memory_space<hbm>> -> memref<1024x128xf32, #tpu.memory_space<hbm>>
          %dma_start3A_100 = arith.constant 0 : i32
          %dma_start3A_101 = tpu.memref_slice %arg11[%mul3A_93, %dma_start3A_100] : memref<10240x128xf32, #tpu.memory_space<vmem_shared>> -> memref<1024x128xf32, #tpu.memory_space<vmem_shared>>
          tpu.enqueue_dma source(%dma_start3A_101 : memref<1024x128xf32, #tpu.memory_space<vmem_shared>>) target(%dma_start3A_99 : memref<1024x128xf32, #tpu.memory_space<hbm>>) target_semaphore(%run_scoped3A : memref<!tpu.dma_semaphore, #tpu.memory_space<semaphore_mem>>)
          %dma_wait3A_102 = arith.constant 0 : i32
          %dma_wait3A_103 = tpu.memref_slice %arg7[%mul3A_95, %dma_wait3A_102] : memref<10240x128xf32, #tpu.memory_space<hbm>> -> memref<1024x128xf32, #tpu.memory_space<hbm>>
          %dma_wait3A_104 = arith.constant 0 : i32
          %dma_wait3A_105 = tpu.memref_slice %arg11[%mul3A_93, %dma_wait3A_104] : memref<10240x128xf32, #tpu.memory_space<vmem_shared>> -> memref<1024x128xf32, #tpu.memory_space<vmem_shared>>
          tpu.wait_dma2 semaphore(%run_scoped3A : memref<!tpu.dma_semaphore, #tpu.memory_space<semaphore_mem>>) src(%dma_wait3A_105 : memref<1024x128xf32, #tpu.memory_space<vmem_shared>>) dst(%dma_wait3A_103 : memref<1024x128xf32, #tpu.memory_space<hbm>>)
          tpu.yield
        }) : () -> ()
        %mul3A_96 = arith.constant 1024 : i32
        %mul3A_97 = arith.muli %mul3A_96, %arg1 : i32
        "tpu.region"() ({
          %run_scoped3A = tpu.sem_alloc : memref<!tpu.dma_semaphore, #tpu.memory_space<semaphore_mem>>
          %dma_start3A_98 = tpu.memref_slice %arg9[%mul3A_97] : memref<10240xf32, #tpu.memory_space<hbm>> -> memref<1024xf32, #tpu.memory_space<hbm>>
          %dma_start3A_99 = tpu.memref_slice %arg9[%mul3A_97] : memref<10240xf32, #tpu.memory_space<hbm>> -> memref<1024xf32, #tpu.memory_space<hbm>>
          tpu.enqueue_dma source(%arg17 : memref<1024xf32, #tpu.memory_space<vmem>>) target(%dma_start3A_99 : memref<1024xf32, #tpu.memory_space<hbm>>) target_semaphore(%run_scoped3A : memref<!tpu.dma_semaphore, #tpu.memory_space<semaphore_mem>>)
          %dma_wait3A_100 = tpu.memref_slice %arg9[%mul3A_97] : memref<10240xf32, #tpu.memory_space<hbm>> -> memref<1024xf32, #tpu.memory_space<hbm>>
          %dma_wait3A_101 = tpu.memref_slice %arg9[%mul3A_97] : memref<10240xf32, #tpu.memory_space<hbm>> -> memref<1024xf32, #tpu.memory_space<hbm>>
          tpu.wait_dma2 semaphore(%run_scoped3A : memref<!tpu.dma_semaphore, #tpu.memory_space<semaphore_mem>>) src(%arg17 : memref<1024xf32, #tpu.memory_space<vmem>>) dst(%dma_wait3A_101 : memref<1024xf32, #tpu.memory_space<hbm>>)
          tpu.yield
        }) : () -> ()
      } else {
      }
      %eq3A_87 = arith.constant 1 : i32
      %eq3A_88 = arith.cmpi eq, %arg0, %eq3A_87 : i32
      %convert_element_type3A_89 = arith.extui %eq3A_88 : i1 to i32
      %cond3A_90 = arith.constant 0 : i32
      %cond3A_91 = arith.cmpi ne, %convert_element_type3A_89, %cond3A_90 : i32
      scf.if %cond3A_91 {
        %mul3A_92 = arith.constant 1024 : i32
        %mul3A_93 = arith.muli %mul3A_92, %arg1 : i32
        %mul3A_94 = arith.constant 1024 : i32
        %mul3A_95 = arith.muli %mul3A_94, %arg1 : i32
        "tpu.region"() ({
          %run_scoped3A = tpu.sem_alloc : memref<!tpu.dma_semaphore, #tpu.memory_space<semaphore_mem>>
          %dma_start3A_98 = arith.constant 0 : i32
          %dma_start3A_99 = tpu.memref_slice %arg8[%mul3A_95, %dma_start3A_98] : memref<10240x128xf32, #tpu.memory_space<hbm>> -> memref<1024x128xf32, #tpu.memory_space<hbm>>
          %dma_start3A_100 = arith.constant 0 : i32
          %dma_start3A_101 = tpu.memref_slice %arg11[%mul3A_93, %dma_start3A_100] : memref<10240x128xf32, #tpu.memory_space<vmem_shared>> -> memref<1024x128xf32, #tpu.memory_space<vmem_shared>>
          tpu.enqueue_dma source(%dma_start3A_101 : memref<1024x128xf32, #tpu.memory_space<vmem_shared>>) target(%dma_start3A_99 : memref<1024x128xf32, #tpu.memory_space<hbm>>) target_semaphore(%run_scoped3A : memref<!tpu.dma_semaphore, #tpu.memory_space<semaphore_mem>>)
          %dma_wait3A_102 = arith.constant 0 : i32
          %dma_wait3A_103 = tpu.memref_slice %arg8[%mul3A_95, %dma_wait3A_102] : memref<10240x128xf32, #tpu.memory_space<hbm>> -> memref<1024x128xf32, #tpu.memory_space<hbm>>
          %dma_wait3A_104 = arith.constant 0 : i32
          %dma_wait3A_105 = tpu.memref_slice %arg11[%mul3A_93, %dma_wait3A_104] : memref<10240x128xf32, #tpu.memory_space<vmem_shared>> -> memref<1024x128xf32, #tpu.memory_space<vmem_shared>>
          tpu.wait_dma2 semaphore(%run_scoped3A : memref<!tpu.dma_semaphore, #tpu.memory_space<semaphore_mem>>) src(%dma_wait3A_105 : memref<1024x128xf32, #tpu.memory_space<vmem_shared>>) dst(%dma_wait3A_103 : memref<1024x128xf32, #tpu.memory_space<hbm>>)
          tpu.yield
        }) : () -> ()
        %mul3A_96 = arith.constant 1024 : i32
        %mul3A_97 = arith.muli %mul3A_96, %arg1 : i32
        "tpu.region"() ({
          %run_scoped3A = tpu.sem_alloc : memref<!tpu.dma_semaphore, #tpu.memory_space<semaphore_mem>>
          %dma_start3A_98 = tpu.memref_slice %arg10[%mul3A_97] : memref<10240xf32, #tpu.memory_space<hbm>> -> memref<1024xf32, #tpu.memory_space<hbm>>
          %dma_start3A_99 = tpu.memref_slice %arg10[%mul3A_97] : memref<10240xf32, #tpu.memory_space<hbm>> -> memref<1024xf32, #tpu.memory_space<hbm>>
          tpu.enqueue_dma source(%arg17 : memref<1024xf32, #tpu.memory_space<vmem>>) target(%dma_start3A_99 : memref<1024xf32, #tpu.memory_space<hbm>>) target_semaphore(%run_scoped3A : memref<!tpu.dma_semaphore, #tpu.memory_space<semaphore_mem>>)
          %dma_wait3A_100 = tpu.memref_slice %arg10[%mul3A_97] : memref<10240xf32, #tpu.memory_space<hbm>> -> memref<1024xf32, #tpu.memory_space<hbm>>
          %dma_wait3A_101 = tpu.memref_slice %arg10[%mul3A_97] : memref<10240xf32, #tpu.memory_space<hbm>> -> memref<1024xf32, #tpu.memory_space<hbm>>
          tpu.wait_dma2 semaphore(%run_scoped3A : memref<!tpu.dma_semaphore, #tpu.memory_space<semaphore_mem>>) src(%arg17 : memref<1024xf32, #tpu.memory_space<vmem>>) dst(%dma_wait3A_101 : memref<1024xf32, #tpu.memory_space<hbm>>)
          tpu.yield
        }) : () -> ()
      } else {
      }
    } else {
    }
    return
  }
}

module attributes {stable_mosaic.version = 14 : i64} {
  func.func @_prep_body(%arg0: i32, %arg1: memref<10000x128xf32, #tpu.memory_space<vmem>>, %arg2: memref<128x128xf32, #tpu.memory_space<vmem>>, %arg3: memref<1x128xf32, #tpu.memory_space<vmem>>, %arg4: memref<10000x128xf32, #tpu.memory_space<vmem>>) attributes {dimension_semantics = [#tpu.dimension_semantics<arbitrary>], iteration_bounds = array<i64: 1>, scalar_prefetch = 0 : i64, scratch_operands = 0 : i64, tpu.core_type = #tpu.core_type<tc>, window_params = [{pipeline_mode = #tpu.pipeline_mode<synchronous>, transform_indices = @transform_0, window_bounds = array<i64: 10000, 128>}, {pipeline_mode = #tpu.pipeline_mode<synchronous>, transform_indices = @transform_1, window_bounds = array<i64: 128, 128>}, {pipeline_mode = #tpu.pipeline_mode<synchronous>, transform_indices = @transform_2, window_bounds = array<i64: 1, 128>}, {pipeline_mode = #tpu.pipeline_mode<synchronous>, transform_indices = @transform_3, window_bounds = array<i64: 10000, 128>}]} {
    %get3A = arith.constant 0 : index
    %get3A_0 = arith.constant 0 : index
    %get3A_1 = vector.load %arg1[%get3A, %get3A_0] : memref<10000x128xf32, #tpu.memory_space<vmem>>, vector<10000x128xf32>
    %get3A_2 = arith.constant 0 : index
    %get3A_3 = arith.constant 0 : index
    %get3A_4 = vector.load %arg2[%get3A_2, %get3A_3] : memref<128x128xf32, #tpu.memory_space<vmem>>, vector<128x128xf32>
    %dot_general3A = arith.constant dense<0.000000e+00> : vector<10000x128xf32>
    %dot_general3A_5 = tpu.matmul %get3A_1, %get3A_4, %dot_general3A {dimension_numbers = #tpu.dot_dimension_numbers<[1], [0], [0], [1], [0, 0, 1, 1], [], []>, transpose_lhs_hint = false} : vector<10000x128xf32>, vector<128x128xf32>, vector<10000x128xf32> -> vector<10000x128xf32>
    %get3A_6 = arith.constant 0 : index
    %get3A_7 = arith.constant 0 : index
    %get3A_8 = vector.load %arg3[%get3A_6, %get3A_7] : memref<1x128xf32, #tpu.memory_space<vmem>>, vector<1x128xf32>
    %add3A = vector.broadcast %get3A_8 : vector<1x128xf32> to vector<10000x128xf32>
    %add3A_9 = arith.addf %dot_general3A_5, %add3A : vector<10000x128xf32>
    %swap3A = arith.constant 0 : index
    %swap3A_10 = arith.constant 0 : index
    %swap3A_11 = vector.load %arg4[%swap3A, %swap3A_10] : memref<10000x128xf32, #tpu.memory_space<vmem>>, vector<10000x128xf32>
    tpu.vector_store %arg4[%swap3A, %swap3A_10], %add3A_9 {strides = array<i32>} : memref<10000x128xf32, #tpu.memory_space<vmem>>, vector<10000x128xf32>,
    return
  }
  func.func @transform_0(%arg0: i32) -> (i32, i32) {
    %c0_i32 = arith.constant 0 : i32
    %c0_i32_0 = arith.constant 0 : i32
    %c0_i32_1 = arith.constant 0 : i32
    return %c0_i32, %c0_i32_0 : i32, i32
  }
  func.func @transform_1(%arg0: i32) -> (i32, i32) {
    %c0_i32 = arith.constant 0 : i32
    %c0_i32_0 = arith.constant 0 : i32
    %c0_i32_1 = arith.constant 0 : i32
    return %c0_i32, %c0_i32_0 : i32, i32
  }
  func.func @transform_2(%arg0: i32) -> (i32, i32) {
    %c0_i32 = arith.constant 0 : i32
    %c0_i32_0 = arith.constant 0 : i32
    %c0_i32_1 = arith.constant 0 : i32
    return %c0_i32, %c0_i32_0 : i32, i32
  }
  func.func @transform_3(%arg0: i32) -> (i32, i32) {
    %c0_i32 = arith.constant 0 : i32
    %c0_i32_0 = arith.constant 0 : i32
    %c0_i32_1 = arith.constant 0 : i32
    return %c0_i32, %c0_i32_0 : i32, i32
  }
}

module attributes {stable_mosaic.version = 14 : i64} {
  func.func @_emlp_body(%arg0: i32, %arg1: memref<2560x16xf32, #tpu.memory_space<vmem>>, %arg2: memref<2560x16xf32, #tpu.memory_space<vmem>>, %arg3: memref<16x16xf32, #tpu.memory_space<vmem>>, %arg4: memref<16x16xf32, #tpu.memory_space<vmem>>, %arg5: memref<1x16xf32, #tpu.memory_space<vmem>>, %arg6: memref<16x128xf32, #tpu.memory_space<vmem>>, %arg7: memref<1x128xf32, #tpu.memory_space<vmem>>, %arg8: memref<2560x128xf32, #tpu.memory_space<vmem>>) attributes {dimension_semantics = [#tpu.dimension_semantics<arbitrary>], iteration_bounds = array<i64: 64>, scalar_prefetch = 0 : i64, scratch_operands = 0 : i64, tpu.core_type = #tpu.core_type<tc>, window_params = [{transform_indices = @transform_0, window_bounds = array<i64: 2560, 16>}, {transform_indices = @transform_1, window_bounds = array<i64: 2560, 16>}, {pipeline_mode = #tpu.pipeline_mode<synchronous>, transform_indices = @transform_2, window_bounds = array<i64: 16, 16>}, {pipeline_mode = #tpu.pipeline_mode<synchronous>, transform_indices = @transform_3, window_bounds = array<i64: 16, 16>}, {pipeline_mode = #tpu.pipeline_mode<synchronous>, transform_indices = @transform_4, window_bounds = array<i64: 1, 16>}, {pipeline_mode = #tpu.pipeline_mode<synchronous>, transform_indices = @transform_5, window_bounds = array<i64: 16, 128>}, {pipeline_mode = #tpu.pipeline_mode<synchronous>, transform_indices = @transform_6, window_bounds = array<i64: 1, 128>}, {transform_indices = @transform_7, window_bounds = array<i64: 2560, 128>}]} {
    %get3A = arith.constant 0 : index
    %get3A_0 = arith.constant 0 : index
    %get3A_1 = vector.load %arg1[%get3A, %get3A_0] : memref<2560x16xf32, #tpu.memory_space<vmem>>, vector<2560x16xf32>
    %get3A_2 = arith.constant 0 : index
    %get3A_3 = arith.constant 0 : index
    %get3A_4 = vector.load %arg3[%get3A_2, %get3A_3] : memref<16x16xf32, #tpu.memory_space<vmem>>, vector<16x16xf32>
    %dot_general3A = arith.constant dense<0.000000e+00> : vector<2560x16xf32>
    %dot_general3A_5 = tpu.matmul %get3A_1, %get3A_4, %dot_general3A {dimension_numbers = #tpu.dot_dimension_numbers<[1], [0], [0], [1], [0, 0, 1, 1], [], []>, transpose_lhs_hint = false} : vector<2560x16xf32>, vector<16x16xf32>, vector<2560x16xf32> -> vector<2560x16xf32>
    %get3A_6 = arith.constant 0 : index
    %get3A_7 = arith.constant 0 : index
    %get3A_8 = vector.load %arg2[%get3A_6, %get3A_7] : memref<2560x16xf32, #tpu.memory_space<vmem>>, vector<2560x16xf32>
    %add3A = arith.addf %dot_general3A_5, %get3A_8 : vector<2560x16xf32>
    %max3A = arith.constant 0.000000e+00 : f32
    %max3A_9 = vector.broadcast %max3A : f32 to vector<2560x16xf32>
    %max3A_10 = arith.maximumf %add3A, %max3A_9 : vector<2560x16xf32>
    %get3A_11 = arith.constant 0 : index
    %get3A_12 = arith.constant 0 : index
    %get3A_13 = vector.load %arg4[%get3A_11, %get3A_12] : memref<16x16xf32, #tpu.memory_space<vmem>>, vector<16x16xf32>
    %dot_general3A_14 = arith.constant dense<0.000000e+00> : vector<2560x16xf32>
    %dot_general3A_15 = tpu.matmul %max3A_10, %get3A_13, %dot_general3A_14 {dimension_numbers = #tpu.dot_dimension_numbers<[1], [0], [0], [1], [0, 0, 1, 1], [], []>, transpose_lhs_hint = false} : vector<2560x16xf32>, vector<16x16xf32>, vector<2560x16xf32> -> vector<2560x16xf32>
    %get3A_16 = arith.constant 0 : index
    %get3A_17 = arith.constant 0 : index
    %get3A_18 = vector.load %arg5[%get3A_16, %get3A_17] : memref<1x16xf32, #tpu.memory_space<vmem>>, vector<1x16xf32>
    %add3A_19 = vector.broadcast %get3A_18 : vector<1x16xf32> to vector<2560x16xf32>
    %add3A_20 = arith.addf %dot_general3A_15, %add3A_19 : vector<2560x16xf32>
    %max3A_21 = arith.constant 0.000000e+00 : f32
    %max3A_22 = vector.broadcast %max3A_21 : f32 to vector<2560x16xf32>
    %max3A_23 = arith.maximumf %add3A_20, %max3A_22 : vector<2560x16xf32>
    %get3A_24 = arith.constant 0 : index
    %get3A_25 = arith.constant 0 : index
    %get3A_26 = vector.load %arg6[%get3A_24, %get3A_25] : memref<16x128xf32, #tpu.memory_space<vmem>>, vector<16x128xf32>
    %dot_general3A_27 = arith.constant dense<0.000000e+00> : vector<2560x128xf32>
    %dot_general3A_28 = tpu.matmul %max3A_23, %get3A_26, %dot_general3A_27 {dimension_numbers = #tpu.dot_dimension_numbers<[1], [0], [0], [1], [0, 0, 1, 1], [], []>, transpose_lhs_hint = false} : vector<2560x16xf32>, vector<16x128xf32>, vector<2560x128xf32> -> vector<2560x128xf32>
    %get3A_29 = arith.constant 0 : index
    %get3A_30 = arith.constant 0 : index
    %get3A_31 = vector.load %arg7[%get3A_29, %get3A_30] : memref<1x128xf32, #tpu.memory_space<vmem>>, vector<1x128xf32>
    %add3A_32 = vector.broadcast %get3A_31 : vector<1x128xf32> to vector<2560x128xf32>
    %add3A_33 = arith.addf %dot_general3A_28, %add3A_32 : vector<2560x128xf32>
    %logistic3A = arith.negf %add3A_33 : vector<2560x128xf32>
    %logistic3A_34 = math.exp %logistic3A : vector<2560x128xf32>
    %logistic3A_35 = arith.constant 1.000000e+00 : f32
    %logistic3A_36 = vector.broadcast %logistic3A_35 : f32 to vector<2560x128xf32>
    %logistic3A_37 = arith.addf %logistic3A_36, %logistic3A_34 : vector<2560x128xf32>
    %logistic3A_38 = arith.divf %logistic3A_36, %logistic3A_37 : vector<2560x128xf32>
    %swap3A = arith.constant 0 : index
    %swap3A_39 = arith.constant 0 : index
    %swap3A_40 = vector.load %arg8[%swap3A, %swap3A_39] : memref<2560x128xf32, #tpu.memory_space<vmem>>, vector<2560x128xf32>
    tpu.vector_store %arg8[%swap3A, %swap3A_39], %logistic3A_38 {strides = array<i32>} : memref<2560x128xf32, #tpu.memory_space<vmem>>, vector<2560x128xf32>,
    return
  }
  func.func @transform_0(%arg0: i32) -> (i32, i32) {
    %c0_i32 = arith.constant 0 : i32
    %c0_i32_0 = arith.constant 0 : i32
    return %arg0, %c0_i32 : i32, i32
  }
  func.func @transform_1(%arg0: i32) -> (i32, i32) {
    %c0_i32 = arith.constant 0 : i32
    %c0_i32_0 = arith.constant 0 : i32
    return %arg0, %c0_i32 : i32, i32
  }
  func.func @transform_2(%arg0: i32) -> (i32, i32) {
    %c0_i32 = arith.constant 0 : i32
    %c0_i32_0 = arith.constant 0 : i32
    %c0_i32_1 = arith.constant 0 : i32
    return %c0_i32, %c0_i32_0 : i32, i32
  }
  func.func @transform_3(%arg0: i32) -> (i32, i32) {
    %c0_i32 = arith.constant 0 : i32
    %c0_i32_0 = arith.constant 0 : i32
    %c0_i32_1 = arith.constant 0 : i32
    return %c0_i32, %c0_i32_0 : i32, i32
  }
  func.func @transform_4(%arg0: i32) -> (i32, i32) {
    %c0_i32 = arith.constant 0 : i32
    %c0_i32_0 = arith.constant 0 : i32
    %c0_i32_1 = arith.constant 0 : i32
    return %c0_i32, %c0_i32_0 : i32, i32
  }
  func.func @transform_5(%arg0: i32) -> (i32, i32) {
    %c0_i32 = arith.constant 0 : i32
    %c0_i32_0 = arith.constant 0 : i32
    %c0_i32_1 = arith.constant 0 : i32
    return %c0_i32, %c0_i32_0 : i32, i32
  }
  func.func @transform_6(%arg0: i32) -> (i32, i32) {
    %c0_i32 = arith.constant 0 : i32
    %c0_i32_0 = arith.constant 0 : i32
    %c0_i32_1 = arith.constant 0 : i32
    return %c0_i32, %c0_i32_0 : i32, i32
  }
  func.func @transform_7(%arg0: i32) -> (i32, i32) {
    %c0_i32 = arith.constant 0 : i32
    %c0_i32_0 = arith.constant 0 : i32
    return %arg0, %c0_i32 : i32, i32
  }
}

module attributes {stable_mosaic.version = 14 : i64} {
  func.func @_emlp_b_body(%arg0: i32, %arg1: memref<2560x16xf32, #tpu.memory_space<vmem>>, %arg2: memref<2560x16xf32, #tpu.memory_space<vmem>>, %arg3: memref<8x128xf32, #tpu.memory_space<vmem>>, %arg4: memref<16x16xf32, #tpu.memory_space<vmem>>, %arg5: memref<16x16xf32, #tpu.memory_space<vmem>>, %arg6: memref<1x16xf32, #tpu.memory_space<vmem>>, %arg7: memref<16x128xf32, #tpu.memory_space<vmem>>, %arg8: memref<1x128xf32, #tpu.memory_space<vmem>>, %arg9: memref<2560x128xf32, #tpu.memory_space<vmem>>) attributes {dimension_semantics = [#tpu.dimension_semantics<arbitrary>], iteration_bounds = array<i64: 61>, scalar_prefetch = 0 : i64, scratch_operands = 0 : i64, tpu.core_type = #tpu.core_type<tc>, window_params = [{transform_indices = @transform_0, window_bounds = array<i64: 2560, 16>}, {transform_indices = @transform_1, window_bounds = array<i64: 2560, 16>}, {transform_indices = @transform_2, window_bounds = array<i64: 8, 128>}, {pipeline_mode = #tpu.pipeline_mode<synchronous>, transform_indices = @transform_3, window_bounds = array<i64: 16, 16>}, {pipeline_mode = #tpu.pipeline_mode<synchronous>, transform_indices = @transform_4, window_bounds = array<i64: 16, 16>}, {pipeline_mode = #tpu.pipeline_mode<synchronous>, transform_indices = @transform_5, window_bounds = array<i64: 1, 16>}, {pipeline_mode = #tpu.pipeline_mode<synchronous>, transform_indices = @transform_6, window_bounds = array<i64: 16, 128>}, {pipeline_mode = #tpu.pipeline_mode<synchronous>, transform_indices = @transform_7, window_bounds = array<i64: 1, 128>}, {transform_indices = @transform_8, window_bounds = array<i64: 2560, 128>}]} {
    %get3A = arith.constant 0 : index
    %get3A_0 = arith.constant 0 : index
    %get3A_1 = vector.load %arg1[%get3A, %get3A_0] : memref<2560x16xf32, #tpu.memory_space<vmem>>, vector<2560x16xf32>
    %get3A_2 = arith.constant 0 : index
    %get3A_3 = arith.constant 0 : index
    %get3A_4 = vector.load %arg4[%get3A_2, %get3A_3] : memref<16x16xf32, #tpu.memory_space<vmem>>, vector<16x16xf32>
    %dot_general3A = arith.constant dense<0.000000e+00> : vector<2560x16xf32>
    %dot_general3A_5 = tpu.matmul %get3A_1, %get3A_4, %dot_general3A {dimension_numbers = #tpu.dot_dimension_numbers<[1], [0], [0], [1], [0, 0, 1, 1], [], []>, transpose_lhs_hint = false} : vector<2560x16xf32>, vector<16x16xf32>, vector<2560x16xf32> -> vector<2560x16xf32>
    %get3A_6 = arith.constant 0 : index
    %get3A_7 = arith.constant 0 : index
    %get3A_8 = vector.load %arg2[%get3A_6, %get3A_7] : memref<2560x16xf32, #tpu.memory_space<vmem>>, vector<2560x16xf32>
    %add3A = arith.addf %dot_general3A_5, %get3A_8 : vector<2560x16xf32>
    %max3A = arith.constant 0.000000e+00 : f32
    %max3A_9 = vector.broadcast %max3A : f32 to vector<2560x16xf32>
    %max3A_10 = arith.maximumf %add3A, %max3A_9 : vector<2560x16xf32>
    %get3A_11 = arith.constant 0 : index
    %get3A_12 = arith.constant 0 : index
    %get3A_13 = vector.load %arg5[%get3A_11, %get3A_12] : memref<16x16xf32, #tpu.memory_space<vmem>>, vector<16x16xf32>
    %dot_general3A_14 = arith.constant dense<0.000000e+00> : vector<2560x16xf32>
    %dot_general3A_15 = tpu.matmul %max3A_10, %get3A_13, %dot_general3A_14 {dimension_numbers = #tpu.dot_dimension_numbers<[1], [0], [0], [1], [0, 0, 1, 1], [], []>, transpose_lhs_hint = false} : vector<2560x16xf32>, vector<16x16xf32>, vector<2560x16xf32> -> vector<2560x16xf32>
    %get3A_16 = arith.constant 0 : index
    %get3A_17 = arith.constant 0 : index
    %get3A_18 = vector.load %arg6[%get3A_16, %get3A_17] : memref<1x16xf32, #tpu.memory_space<vmem>>, vector<1x16xf32>
    %add3A_19 = vector.broadcast %get3A_18 : vector<1x16xf32> to vector<2560x16xf32>
    %add3A_20 = arith.addf %dot_general3A_15, %add3A_19 : vector<2560x16xf32>
    %max3A_21 = arith.constant 0.000000e+00 : f32
    %max3A_22 = vector.broadcast %max3A_21 : f32 to vector<2560x16xf32>
    %max3A_23 = arith.maximumf %add3A_20, %max3A_22 : vector<2560x16xf32>
    %get3A_24 = arith.constant 0 : index
    %get3A_25 = arith.constant 0 : index
    %get3A_26 = vector.load %arg7[%get3A_24, %get3A_25] : memref<16x128xf32, #tpu.memory_space<vmem>>, vector<16x128xf32>
    %dot_general3A_27 = arith.constant dense<0.000000e+00> : vector<2560x128xf32>
    %dot_general3A_28 = tpu.matmul %max3A_23, %get3A_26, %dot_general3A_27 {dimension_numbers = #tpu.dot_dimension_numbers<[1], [0], [0], [1], [0, 0, 1, 1], [], []>, transpose_lhs_hint = false} : vector<2560x16xf32>, vector<16x128xf32>, vector<2560x128xf32> -> vector<2560x128xf32>
    %get3A_29 = arith.constant 0 : index
    %get3A_30 = arith.constant 0 : index
    %get3A_31 = vector.load %arg8[%get3A_29, %get3A_30] : memref<1x128xf32, #tpu.memory_space<vmem>>, vector<1x128xf32>
    %add3A_32 = vector.broadcast %get3A_31 : vector<1x128xf32> to vector<2560x128xf32>
    %add3A_33 = arith.addf %dot_general3A_28, %add3A_32 : vector<2560x128xf32>
    %logistic3A = arith.negf %add3A_33 : vector<2560x128xf32>
    %logistic3A_34 = math.exp %logistic3A : vector<2560x128xf32>
    %logistic3A_35 = arith.constant 1.000000e+00 : f32
    %logistic3A_36 = vector.broadcast %logistic3A_35 : f32 to vector<2560x128xf32>
    %logistic3A_37 = arith.addf %logistic3A_36, %logistic3A_34 : vector<2560x128xf32>
    %logistic3A_38 = arith.divf %logistic3A_36, %logistic3A_37 : vector<2560x128xf32>
    %swap3A = arith.constant 0 : index
    %swap3A_39 = arith.constant 0 : index
    %swap3A_40 = vector.load %arg9[%swap3A, %swap3A_39] : memref<2560x128xf32, #tpu.memory_space<vmem>>, vector<2560x128xf32>
    tpu.vector_store %arg9[%swap3A, %swap3A_39], %logistic3A_38 {strides = array<i32>} : memref<2560x128xf32, #tpu.memory_space<vmem>>, vector<2560x128xf32>,
    return
  }
  func.func @transform_0(%arg0: i32) -> (i32, i32) {
    %add3A = arith.constant 64 : i32
    %add3A_0 = arith.addi %arg0, %add3A : i32
    %c0_i32 = arith.constant 0 : i32
    %c0_i32_1 = arith.constant 0 : i32
    return %add3A_0, %c0_i32 : i32, i32
  }
  func.func @transform_1(%arg0: i32) -> (i32, i32) {
    %c0_i32 = arith.constant 0 : i32
    %c0_i32_0 = arith.constant 0 : i32
    return %arg0, %c0_i32 : i32, i32
  }
  func.func @transform_2(%arg0: i32) -> (i32, i32) {
    %c0_i32 = arith.constant 0 : i32
    %c0_i32_0 = arith.constant 0 : i32
    %c0_i32_1 = arith.constant 0 : i32
    return %c0_i32, %c0_i32_0 : i32, i32
  }
  func.func @transform_3(%arg0: i32) -> (i32, i32) {
    %c0_i32 = arith.constant 0 : i32
    %c0_i32_0 = arith.constant 0 : i32
    %c0_i32_1 = arith.constant 0 : i32
    return %c0_i32, %c0_i32_0 : i32, i32
  }
  func.func @transform_4(%arg0: i32) -> (i32, i32) {
    %c0_i32 = arith.constant 0 : i32
    %c0_i32_0 = arith.constant 0 : i32
    %c0_i32_1 = arith.constant 0 : i32
    return %c0_i32, %c0_i32_0 : i32, i32
  }
  func.func @transform_5(%arg0: i32) -> (i32, i32) {
    %c0_i32 = arith.constant 0 : i32
    %c0_i32_0 = arith.constant 0 : i32
    %c0_i32_1 = arith.constant 0 : i32
    return %c0_i32, %c0_i32_0 : i32, i32
  }
  func.func @transform_6(%arg0: i32) -> (i32, i32) {
    %c0_i32 = arith.constant 0 : i32
    %c0_i32_0 = arith.constant 0 : i32
    %c0_i32_1 = arith.constant 0 : i32
    return %c0_i32, %c0_i32_0 : i32, i32
  }
  func.func @transform_7(%arg0: i32) -> (i32, i32) {
    %c0_i32 = arith.constant 0 : i32
    %c0_i32_0 = arith.constant 0 : i32
    %c0_i32_1 = arith.constant 0 : i32
    return %c0_i32, %c0_i32_0 : i32, i32
  }
  func.func @transform_8(%arg0: i32) -> (i32, i32) {
    %add3A = arith.constant 64 : i32
    %add3A_0 = arith.addi %arg0, %add3A : i32
    %c0_i32 = arith.constant 0 : i32
    %c0_i32_1 = arith.constant 0 : i32
    return %add3A_0, %c0_i32 : i32, i32
  }
}

module attributes {stable_mosaic.version = 14 : i64} {
  func.func @_nmlp_body(%arg0: i32, %arg1: memref<2048x128xf32, #tpu.memory_space<vmem>>, %arg2: memref<2048x128xf32, #tpu.memory_space<vmem>>, %arg3: memref<2048x128xf32, #tpu.memory_space<vmem>>, %arg4: memref<2048xf32, #tpu.memory_space<vmem>>, %arg5: memref<2048xf32, #tpu.memory_space<vmem>>, %arg6: memref<128x16xf32, #tpu.memory_space<vmem>>, %arg7: memref<128x16xf32, #tpu.memory_space<vmem>>, %arg8: memref<1x16xf32, #tpu.memory_space<vmem>>, %arg9: memref<16x16xf32, #tpu.memory_space<vmem>>, %arg10: memref<1x16xf32, #tpu.memory_space<vmem>>, %arg11: memref<16x128xf32, #tpu.memory_space<vmem>>, %arg12: memref<1x128xf32, #tpu.memory_space<vmem>>, %arg13: memref<2048x128xf32, #tpu.memory_space<vmem>>) attributes {dimension_semantics = [#tpu.dimension_semantics<arbitrary>], iteration_bounds = array<i64: 5>, scalar_prefetch = 0 : i64, scratch_operands = 0 : i64, tpu.core_type = #tpu.core_type<tc>, window_params = [{transform_indices = @transform_0, window_bounds = array<i64: 2048, 128>}, {transform_indices = @transform_1, window_bounds = array<i64: 2048, 128>}, {transform_indices = @transform_2, window_bounds = array<i64: 2048, 128>}, {transform_indices = @transform_3, window_bounds = array<i64: 2048>}, {transform_indices = @transform_4, window_bounds = array<i64: 2048>}, {pipeline_mode = #tpu.pipeline_mode<synchronous>, transform_indices = @transform_5, window_bounds = array<i64: 128, 16>}, {pipeline_mode = #tpu.pipeline_mode<synchronous>, transform_indices = @transform_6, window_bounds = array<i64: 128, 16>}, {pipeline_mode = #tpu.pipeline_mode<synchronous>, transform_indices = @transform_7, window_bounds = array<i64: 1, 16>}, {pipeline_mode = #tpu.pipeline_mode<synchronous>, transform_indices = @transform_8, window_bounds = array<i64: 16, 16>}, {pipeline_mode = #tpu.pipeline_mode<synchronous>, transform_indices = @transform_9, window_bounds = array<i64: 1, 16>}, {pipeline_mode = #tpu.pipeline_mode<synchronous>, transform_indices = @transform_10, window_bounds = array<i64: 16, 128>}, {pipeline_mode = #tpu.pipeline_mode<synchronous>, transform_indices = @transform_11, window_bounds = array<i64: 1, 128>}, {transform_indices = @transform_12, window_bounds = array<i64: 2048, 128>}]} {
    %get3A = arith.constant 0 : index
    %get3A_0 = arith.constant 0 : index
    %get3A_1 = vector.load %arg2[%get3A, %get3A_0] : memref<2048x128xf32, #tpu.memory_space<vmem>>, vector<2048x128xf32>
    %get3A_2 = arith.constant 0 : index
    %get3A_3 = arith.constant 0 : index
    %get3A_4 = vector.load %arg3[%get3A_2, %get3A_3] : memref<2048x128xf32, #tpu.memory_space<vmem>>, vector<2048x128xf32>
    %add3A = arith.addf %get3A_1, %get3A_4 : vector<2048x128xf32>
    %get3A_5 = arith.constant 0 : index
    %get3A_6 = vector.load %arg4[%get3A_5] : memref<2048xf32, #tpu.memory_space<vmem>>, vector<2048xf32>
    %get3A_7 = arith.constant 0 : index
    %get3A_8 = vector.load %arg5[%get3A_7] : memref<2048xf32, #tpu.memory_space<vmem>>, vector<2048xf32>
    %add3A_9 = arith.addf %get3A_6, %get3A_8 : vector<2048xf32>
    %max3A = arith.constant 1.000000e+00 : f32
    %max3A_10 = vector.broadcast %max3A : f32 to vector<2048xf32>
    %max3A_11 = arith.maximumf %add3A_9, %max3A_10 : vector<2048xf32>
    %div3A = arith.constant 1.000000e+00 : f32
    %div3A_12 = vector.broadcast %div3A : f32 to vector<2048xf32>
    %div3A_13 = arith.divf %div3A_12, %max3A_11 : vector<2048xf32>
    %broadcast_in_dim3A = vector.shape_cast %div3A_13 : vector<2048xf32> to vector<2048x1xf32>
    %broadcast_in_dim3A_14 = vector.broadcast %broadcast_in_dim3A : vector<2048x1xf32> to vector<2048x128xf32>
    %mul3A = arith.mulf %add3A, %broadcast_in_dim3A_14 : vector<2048x128xf32>
    %get3A_15 = arith.constant 0 : index
    %get3A_16 = arith.constant 0 : index
    %get3A_17 = vector.load %arg1[%get3A_15, %get3A_16] : memref<2048x128xf32, #tpu.memory_space<vmem>>, vector<2048x128xf32>
    %get3A_18 = arith.constant 0 : index
    %get3A_19 = arith.constant 0 : index
    %get3A_20 = vector.load %arg6[%get3A_18, %get3A_19] : memref<128x16xf32, #tpu.memory_space<vmem>>, vector<128x16xf32>
    %dot_general3A = arith.constant dense<0.000000e+00> : vector<2048x16xf32>
    %dot_general3A_21 = tpu.matmul %get3A_17, %get3A_20, %dot_general3A {dimension_numbers = #tpu.dot_dimension_numbers<[1], [0], [0], [1], [0, 0, 1, 1], [], []>, transpose_lhs_hint = false} : vector<2048x128xf32>, vector<128x16xf32>, vector<2048x16xf32> -> vector<2048x16xf32>
    %get3A_22 = arith.constant 0 : index
    %get3A_23 = arith.constant 0 : index
    %get3A_24 = vector.load %arg7[%get3A_22, %get3A_23] : memref<128x16xf32, #tpu.memory_space<vmem>>, vector<128x16xf32>
    %dot_general3A_25 = arith.constant dense<0.000000e+00> : vector<2048x16xf32>
    %dot_general3A_26 = tpu.matmul %mul3A, %get3A_24, %dot_general3A_25 {dimension_numbers = #tpu.dot_dimension_numbers<[1], [0], [0], [1], [0, 0, 1, 1], [], []>, transpose_lhs_hint = false} : vector<2048x128xf32>, vector<128x16xf32>, vector<2048x16xf32> -> vector<2048x16xf32>
    %add3A_27 = arith.addf %dot_general3A_21, %dot_general3A_26 : vector<2048x16xf32>
    %get3A_28 = arith.constant 0 : index
    %get3A_29 = arith.constant 0 : index
    %get3A_30 = vector.load %arg8[%get3A_28, %get3A_29] : memref<1x16xf32, #tpu.memory_space<vmem>>, vector<1x16xf32>
    %add3A_31 = vector.broadcast %get3A_30 : vector<1x16xf32> to vector<2048x16xf32>
    %add3A_32 = arith.addf %add3A_27, %add3A_31 : vector<2048x16xf32>
    %max3A_33 = arith.constant 0.000000e+00 : f32
    %max3A_34 = vector.broadcast %max3A_33 : f32 to vector<2048x16xf32>
    %max3A_35 = arith.maximumf %add3A_32, %max3A_34 : vector<2048x16xf32>
    %get3A_36 = arith.constant 0 : index
    %get3A_37 = arith.constant 0 : index
    %get3A_38 = vector.load %arg9[%get3A_36, %get3A_37] : memref<16x16xf32, #tpu.memory_space<vmem>>, vector<16x16xf32>
    %dot_general3A_39 = arith.constant dense<0.000000e+00> : vector<2048x16xf32>
    %dot_general3A_40 = tpu.matmul %max3A_35, %get3A_38, %dot_general3A_39 {dimension_numbers = #tpu.dot_dimension_numbers<[1], [0], [0], [1], [0, 0, 1, 1], [], []>, transpose_lhs_hint = false} : vector<2048x16xf32>, vector<16x16xf32>, vector<2048x16xf32> -> vector<2048x16xf32>
    %get3A_41 = arith.constant 0 : index
    %get3A_42 = arith.constant 0 : index
    %get3A_43 = vector.load %arg10[%get3A_41, %get3A_42] : memref<1x16xf32, #tpu.memory_space<vmem>>, vector<1x16xf32>
    %add3A_44 = vector.broadcast %get3A_43 : vector<1x16xf32> to vector<2048x16xf32>
    %add3A_45 = arith.addf %dot_general3A_40, %add3A_44 : vector<2048x16xf32>
    %max3A_46 = arith.constant 0.000000e+00 : f32
    %max3A_47 = vector.broadcast %max3A_46 : f32 to vector<2048x16xf32>
    %max3A_48 = arith.maximumf %add3A_45, %max3A_47 : vector<2048x16xf32>
    %get3A_49 = arith.constant 0 : index
    %get3A_50 = arith.constant 0 : index
    %get3A_51 = vector.load %arg11[%get3A_49, %get3A_50] : memref<16x128xf32, #tpu.memory_space<vmem>>, vector<16x128xf32>
    %dot_general3A_52 = arith.constant dense<0.000000e+00> : vector<2048x128xf32>
    %dot_general3A_53 = tpu.matmul %max3A_48, %get3A_51, %dot_general3A_52 {dimension_numbers = #tpu.dot_dimension_numbers<[1], [0], [0], [1], [0, 0, 1, 1], [], []>, transpose_lhs_hint = false} : vector<2048x16xf32>, vector<16x128xf32>, vector<2048x128xf32> -> vector<2048x128xf32>
    %get3A_54 = arith.constant 0 : index
    %get3A_55 = arith.constant 0 : index
    %get3A_56 = vector.load %arg12[%get3A_54, %get3A_55] : memref<1x128xf32, #tpu.memory_space<vmem>>, vector<1x128xf32>
    %add3A_57 = vector.broadcast %get3A_56 : vector<1x128xf32> to vector<2048x128xf32>
    %add3A_58 = arith.addf %dot_general3A_53, %add3A_57 : vector<2048x128xf32>
    %neg3A = arith.constant 0.000000e+00 : f32
    %neg3A_59 = vector.broadcast %neg3A : f32 to vector<2048x128xf32>
    %neg3A_60 = arith.subf %neg3A_59, %add3A_58 : vector<2048x128xf32>
    %exp3A = math.exp %neg3A_60 : vector<2048x128xf32>
    %add3A_61 = arith.constant 1.000000e+00 : f32
    %add3A_62 = vector.broadcast %add3A_61 : f32 to vector<2048x128xf32>
    %add3A_63 = arith.addf %add3A_62, %exp3A : vector<2048x128xf32>
    %div3A_64 = arith.constant 1.000000e+00 : f32
    %div3A_65 = vector.broadcast %div3A_64 : f32 to vector<2048x128xf32>
    %div3A_66 = arith.divf %div3A_65, %add3A_63 : vector<2048x128xf32>
    %swap3A = arith.constant 0 : index
    %swap3A_67 = arith.constant 0 : index
    %swap3A_68 = vector.load %arg13[%swap3A, %swap3A_67] : memref<2048x128xf32, #tpu.memory_space<vmem>>, vector<2048x128xf32>
    tpu.vector_store %arg13[%swap3A, %swap3A_67], %div3A_66 {strides = array<i32>} : memref<2048x128xf32, #tpu.memory_space<vmem>>, vector<2048x128xf32>,
    return
  }
  func.func @transform_0(%arg0: i32) -> (i32, i32) {
    %c0_i32 = arith.constant 0 : i32
    %c0_i32_0 = arith.constant 0 : i32
    return %arg0, %c0_i32 : i32, i32
  }
  func.func @transform_1(%arg0: i32) -> (i32, i32) {
    %c0_i32 = arith.constant 0 : i32
    %c0_i32_0 = arith.constant 0 : i32
    return %arg0, %c0_i32 : i32, i32
  }
  func.func @transform_2(%arg0: i32) -> (i32, i32) {
    %c0_i32 = arith.constant 0 : i32
    %c0_i32_0 = arith.constant 0 : i32
    return %arg0, %c0_i32 : i32, i32
  }
  func.func @transform_3(%arg0: i32) -> i32 {
    %c0_i32 = arith.constant 0 : i32
    return %arg0 : i32
  }
  func.func @transform_4(%arg0: i32) -> i32 {
    %c0_i32 = arith.constant 0 : i32
    return %arg0 : i32
  }
  func.func @transform_5(%arg0: i32) -> (i32, i32) {
    %c0_i32 = arith.constant 0 : i32
    %c0_i32_0 = arith.constant 0 : i32
    %c0_i32_1 = arith.constant 0 : i32
    return %c0_i32, %c0_i32_0 : i32, i32
  }
  func.func @transform_6(%arg0: i32) -> (i32, i32) {
    %c0_i32 = arith.constant 0 : i32
    %c0_i32_0 = arith.constant 0 : i32
    %c0_i32_1 = arith.constant 0 : i32
    return %c0_i32, %c0_i32_0 : i32, i32
  }
  func.func @transform_7(%arg0: i32) -> (i32, i32) {
    %c0_i32 = arith.constant 0 : i32
    %c0_i32_0 = arith.constant 0 : i32
    %c0_i32_1 = arith.constant 0 : i32
    return %c0_i32, %c0_i32_0 : i32, i32
  }
  func.func @transform_8(%arg0: i32) -> (i32, i32) {
    %c0_i32 = arith.constant 0 : i32
    %c0_i32_0 = arith.constant 0 : i32
    %c0_i32_1 = arith.constant 0 : i32
    return %c0_i32, %c0_i32_0 : i32, i32
  }
  func.func @transform_9(%arg0: i32) -> (i32, i32) {
    %c0_i32 = arith.constant 0 : i32
    %c0_i32_0 = arith.constant 0 : i32
    %c0_i32_1 = arith.constant 0 : i32
    return %c0_i32, %c0_i32_0 : i32, i32
  }
  func.func @transform_10(%arg0: i32) -> (i32, i32) {
    %c0_i32 = arith.constant 0 : i32
    %c0_i32_0 = arith.constant 0 : i32
    %c0_i32_1 = arith.constant 0 : i32
    return %c0_i32, %c0_i32_0 : i32, i32
  }
  func.func @transform_11(%arg0: i32) -> (i32, i32) {
    %c0_i32 = arith.constant 0 : i32
    %c0_i32_0 = arith.constant 0 : i32
    %c0_i32_1 = arith.constant 0 : i32
    return %c0_i32, %c0_i32_0 : i32, i32
  }
  func.func @transform_12(%arg0: i32) -> (i32, i32) {
    %c0_i32 = arith.constant 0 : i32
    %c0_i32_0 = arith.constant 0 : i32
    return %arg0, %c0_i32 : i32, i32
  }
}

</mosaic_0001>

<sc_bundles>
// kernel: kernel.12.cloned.1.call-start
scs
__scs_entry_jumppad:
0x0: {  	(pc) =	sbr.rel $0x88, $3  }
0x1: {  	(tag) =	ssettag $0x0;
	lr =	simm.s32 $0x1  }
0x2: {  	[smem:$0x3F92] =	sst lr;
	_ =	strace $0xD0000000  }
0x3: {  	_ = 	snop  }
0x4: {  	_ = 	snop  }
0x5: {  	_ = 	snop  }
0x6: {  	_ = 	snop  }
0x7: {  	_ = 	snop  }
__scs_overlays_trampoline_lowered:
0x8: {  	[smem:$0x3FA1] =	sst s0  }
0x9: {  	[smem:$0x3FA2] =	sst s1  }
0xa: {  	[smem:$0x3FA3] =	sst s2  }
0xb: {  	[smem:$0x3FA4] =	sst s3  }
0xc: {  	[smem:$0x3FA5] =	sst s4  }
0xd: {  	[smem:$0x3FA6] =	sst s5  }
0xe: {  	[smem:$0x3FA7] =	sst s6  }
0xf: {  	[smem:$0x3FA8] =	sst s7  }
0x10: {  	[smem:$0x3FA9] =	sst s8  }
0x11: {  	[smem:$0x3FAA] =	sst s9;
	s0 =	simm.s32 @!p0 $0x0  }
0x12: {  	s1 =	sld [smem:$0x3F90];
	s0 =	simm.s32 @p0 $0x1  }
0x13: {  	[smem:$0x3FAB] =	sst s0;
	s0 =	simm.s32 @!p1 $0x0  }
0x14: {  	s2 =	sld [smem:$0x3F8F];
	s0 =	simm.s32 @p1 $0x1  }
0x15: {  	[smem:$0x3FAC] =	sst s0;
	s0 =	simm.s32 @!p2 $0x0  }
0x16: {  	s3 =	sld [smem:$0x3FDB];
	s0 =	simm.s32 @p2 $0x1  }
0x17: {  	s4 =	simm.s32 $0x1BF5;
	[smem:$0x3FAE] =	sst s0  }
0x18: {  	s0 =	sld [smem:$0x3F91];
	_ =	swait.ge [sflag:s4], $0x0  }
0x19: {  	s7 =	sld [smem:$0x3F92]  }
0x1a: {  	s8 =	sadd.s32 $0xFFFFE003, lr  }
0x1b: {  	s9 =	sadd.s32 $0xFFFFFEF7, lr;
	s5 =	simm.s32 $0xFFFFFFFF;
	p2 =	slt.u32 s8, $0xFFFFF086  }
0x1c: {  	p1 =	slt.u32 s9, $0xF7A;
	s5 =	simm.s32 @!p2 $0x0  }
0x1d: {  	s5 =	simm.s32 @p1 $0x1;
	p0 =	seq.s32 s7, s2  }
0x1e: {  	s7 =	smul.u32 @!p0 $0xF7A, s2;
	p2 =	seq.s32 @!p0 s5, $0x0  }
0x1f: {  	s9 =	smul.u32 $0xF7A, s1;
	s8 =	simm.s32 @!p0 $0x1BF5;
	p2 =	por !p2, p0  }
0x20: {  	[sflag:s8] =	ssyncset.s32 @!p0 $0xFFFFF086;
	s6 =	sadd.s32 @!p0 s3, s7;
	s7 =	simm.s32 @!p0 $0x108  }
0x21: {  	s3 =	sadd.s32 s3, s9;
	s6 =	sadd.s32 @!p0 $0x88, s6;
	s7 =	simm.s32 @p2 $0x1082  }
0x22: {  	[simem:s7], [sflag:s8] =	dma.local @!p0 [hbm:s6], $0xF7A  }
0x23: {  	s9 =	sor.u32 $0xD0000000, s2;
	s6 =	simm.s32 $0x108;
	_ =	swait.ge @!p0 [sflag:s8], $0x0  }
0x24: {  	s3 =	sadd.s32 $0x88, s3;
	s6 =	simm.s32 @!p1 $0x1082;
	[sflag:s4] =	ssyncset.s32 $0xFFFFF086  }
0x25: {  	[simem:s6], [sflag:s4] =	dma.local [hbm:s3], $0xF7A  }
0x26: {  	[smem:$0x3F92] =	sst s1;
	(tag) =	ssettag s2;
	_ =	strace s9  }
0x27: {  	s1 =	sld [smem:$0x3FA2]  }
0x28: {  	s2 =	sld [smem:$0x3FA3]  }
0x29: {  	s4 =	sld [smem:$0x3FA5]  }
0x2a: {  	p0 =	seq.s32 s5, $0x0;
	s5 =	sld [smem:$0x3FA6]  }
0x2b: {  	s6 =	sld [smem:$0x3FA7]  }
0x2c: {  	s7 =	sld [smem:$0x3FA8]  }
0x2d: {  	s3 =	simm.s32 $0x108;
	s8 =	sld [smem:$0x3FA9]  }
0x2e: {  	s3 =	simm.s32 @!p0 $0x1082;
	s9 =	sld [smem:$0x3FAA]  }
0x2f: {  	lr =	sadd.s32 s0, s3;
	s0 =	sld [smem:$0x3FA1]  }
0x30: {  	s3 =	sld [smem:$0x3FA4]  }
0x31: {  	[smem:$0x3FAD] =	sst s10  }
0x32: {  	s10 =	sld [smem:$0x3FAB];
	_ =	sdelay $0x3  }
0x33: {  	p0 =	seq.s32 s10, $0x1;
	s10 =	sld [smem:$0x3FAD];
	_ =	sdelay $0x3  }
0x34: {  	[smem:$0x3FAD] =	sst s10  }
0x35: {  	s10 =	sld [smem:$0x3FAC];
	_ =	sdelay $0x3  }
0x36: {  	p1 =	seq.s32 s10, $0x1;
	s10 =	sld [smem:$0x3FAD];
	_ =	sdelay $0x3  }
0x37: {  	[smem:$0x3FAD] =	sst s10  }
0x38: {  	s10 =	sld [smem:$0x3FAE]  }
0x39: {  	_ = 	snop;
	(pc) =	sbr.ind lr, $3  }
0x3a: {  	_ = 	snop  }
0x3b: {  	_ = 	snop  }
0x3c: {  	p2 =	seq.s32 s10, $0x1;
	s10 =	sld [smem:$0x3FAD]  }
0x3d: {  	_ =	shalt  }
0x3e: {  	_ =	shalt  }
0x3f: {  	_ =	shalt  }
0x40: {  	_ =	shalt  }
0x41: {  	_ =	shalt  }
0x42: {  	_ =	shalt  }
0x43: {  	_ =	shalt  }
0x44: {  	_ =	shalt  }
0x45: {  	_ =	shalt  }
0x46: {  	_ =	shalt  }
0x47: {  	_ =	shalt  }
0x48: {  	_ =	shalt  }
0x49: {  	_ =	shalt  }
0x4a: {  	_ =	shalt  }
0x4b: {  	_ =	shalt  }
0x4c: {  	_ =	shalt  }
0x4d: {  	_ =	shalt  }
0x4e: {  	_ =	shalt  }
0x4f: {  	_ =	shalt  }
0x50: {  	_ =	shalt  }
0x51: {  	_ =	shalt  }
0x52: {  	_ =	shalt  }
0x53: {  	_ =	shalt  }
0x54: {  	_ =	shalt  }
0x55: {  	_ =	shalt  }
0x56: {  	_ =	shalt  }
0x57: {  	_ =	shalt  }
0x58: {  	_ =	shalt  }
0x59: {  	_ =	shalt  }
0x5a: {  	_ =	shalt  }
0x5b: {  	_ =	shalt  }
0x5c: {  	_ =	shalt  }
0x5d: {  	_ =	shalt  }
0x5e: {  	_ =	shalt  }
0x5f: {  	_ =	shalt  }
0x60: {  	_ =	shalt  }
0x61: {  	_ =	shalt  }
0x62: {  	_ =	shalt  }
0x63: {  	_ =	shalt  }
0x64: {  	_ =	shalt  }
0x65: {  	_ =	shalt  }
0x66: {  	_ =	shalt  }
0x67: {  	_ =	shalt  }
0x68: {  	_ =	shalt  }
0x69: {  	_ =	shalt  }
0x6a: {  	_ =	shalt  }
0x6b: {  	_ =	shalt  }
0x6c: {  	_ =	shalt  }
0x6d: {  	_ =	shalt  }
0x6e: {  	_ =	shalt  }
0x6f: {  	_ =	shalt  }
0x70: {  	_ =	shalt  }
0x71: {  	_ =	shalt  }
0x72: {  	_ =	shalt  }
0x73: {  	_ =	shalt  }
0x74: {  	_ =	shalt  }
0x75: {  	_ =	shalt  }
0x76: {  	_ =	shalt  }
0x77: {  	_ =	shalt  }
0x78: {  	_ =	shalt  }
0x79: {  	_ =	shalt  }
0x7a: {  	_ =	shalt  }
0x7b: {  	_ =	shalt  }
0x7c: {  	_ =	shalt  }
0x7d: {  	_ =	shalt  }
0x7e: {  	_ =	shalt  }
0x7f: {  	_ =	shalt  }
0x80: {  	_ =	shalt  }
0x81: {  	_ =	shalt  }
0x82: {  	_ =	shalt  }
0x83: {  	_ =	shalt  }
0x84: {  	_ =	shalt  }
0x85: {  	_ =	shalt  }
0x86: {  	_ =	shalt  }
0x87: {  	_ =	shalt  }
.Lfunc_end0:
.L_simem_size_0:
called_computation.1_lowered:
.L_overlay_start_0:
0x88: {  	s2 =	sld [smem:$0x3FD9]  }
0x89: {  	s3 =	sld [smem:$0x3FFE];
	_ =	sdelay $0x1  }
0x8a: {  	s1 =	srdreg.scid  }
0x8b: {  	s0 =	sand.u32 $0x1, s1  }
0x8c: {  	s15 =	sshll.u32 s0, $0xA;
	s2 =	sadd.s32 s3, s2  }
0x8d: {  	s2 =	sadd.s32 s2, s15  }
0x8e: {  	[smem:$0x3FB9] =	sst s2  }
0x8f: {  	_ = 	snop  }
0x90: {  	s2 =	sld [smem:$0x3FD0];
	_ =	sdelay $0x2  }
0x91: {  	s16 =	simm.s32 $0xB;
	s4 =	simm.s32 $0x10  }
0x92: {  	[smem:s4], [sflag:s16] =	dma.local [hbm:s2], $0x1  }
0x93: {  	_ =	swait.eq [sflag:s16], $0x1  }
0x94: {  	[sflag:s16] =	ssyncset.done $0x0  }
0x95: {  	[sflag:s16] =	ssyncadd.s32 $0xFFFFFFFF  }
0x96: {  	s17 =	sld [smem:$0x10];
	(tm) =	ssettm $0x1  }
0x97: {  	s18 =	sld [smem:$0x3FFB];
	_ =	sdelay $0x3  }
0x98: {  	_ =	strace s18  }
0x99: {  	s2 =	sld [smem:$0x3FFC];
	_ =	sdelay $0x3  }
0x9a: {  	_ =	strace s2  }
0x9b: {  	s2 =	sld [smem:$0x3FFD];
	_ =	sdelay $0x3  }
0x9c: {  	_ =	strace s2  }
0x9d: {  	_ =	strace $0x8FFFFFFF  }
0x9e: {  	s19 =	sld [smem:$0x3FDB];
	_ =	sdelay $0x1  }
0x9f: {  	s20 =	simm.s32 $_scs_section_size  }
0xa0: {  	s5 =	simm.s32 $_size__tile_overlayer_lowered;
	s6 =	simm.s32 $_tile_overlayer_lowered  }
0xa1: {  	s7 =	simm.s32 $0x1BFF;
	s21 =	sshll.u32 s6, $0x1;
	s4 =	sadd.s32 s20, s19  }
0xa2: {  	s22 =	simm.s32 $0x0;
	s5 =	sshll.u32 s5, $0x1;
	s6 =	sadd.s32 s21, s4  }
0xa3: {  	[timem:s22], [sflag:s7] =	dma.local [hbm:s6], s5  }
0xa4: {  	_ =	swait.ge [sflag:s7], s5  }
0xa5: {  	s5 =	ssub.s32 $0x0, s5;
	[sflag:s7] =	ssyncset.done $0x0  }
0xa6: {  	[sflag:s7] =	ssyncadd.s32 s5;
	_ =	sdelay $0x1  }
0xa7: {  	s23 =	simm.s32 $0x1B8B  }
0xa8: {  	_ =	swait.ge [sflag:s23], $0x1  }
0xa9: {  	[sflag:s23] =	ssyncset.done $0x0  }
0xaa: {  	[sflag:s23] =	ssyncadd.s32 $0xFFFFFFFF  }
0xab: {  	s5 =	sld [smem:$0x0]  }
0xac: {  	s6 =	sand.u32 $0xFFFFFFFE, s1  }
0xad: {  	p0 =	sne.s32 s1, s6  }
0xae: {  	s6 =	sshll.u32 @p0 s6, $0xE  }
0xaf: {  	s6 =	sadd.s32 @p0 $0x11B8D, s6;
	s7 =	sshll.u32 @p0 s5, $0x11  }
0xb0: {  	s6 =	sor.u32 @p0 s7, s6  }
0xb1: {  	[sflag:s6] =	ssyncadd.remote.s32 @p0 $0x1;
	_ =	sdelay $0x1  }
0xb2: {  	s6 =	simm.s32 @p0 $0x1B8D  }
0xb3: {  	_ =	swait.eq @p0 [sflag:s6], $0x1  }
0xb4: {  	[sflag:s6] =	ssyncadd.s32 @p0 $0xFFFFFFFF  }
0xb5: {  	s7 =	sshll.u32 @!p0 s1, $0xE  }
0xb6: {  	s7 =	sor.u32 @!p0 $0x4000, s7;
	s6 =	simm.s32 @!p0 $0x1B8D  }
0xb7: {  	s5 =	sshll.u32 @!p0 s5, $0x11;
	s7 =	sadd.s32 @!p0 $0x11B8D, s7;
	_ =	swait.eq @!p0 [sflag:s6], $0x1  }
0xb8: {  	s5 =	sor.u32 @!p0 s5, s7;
	[sflag:s6] =	ssyncadd.s32 @!p0 $0xFFFFFFFF  }
0xb9: {  	s25 =	simm.s32 $0x1B8E;
	s24 =	sld [smem:$0x3FFE];
	[sflag:s5] =	ssyncadd.remote.s32 @!p0 $0x1  }
0xba: {  	s26 =	simm.s32 $execute0_lowered;
	[smem:$0x3FD2] =	sst s25  }
0xbb: {  	s6 =	sshll.u32 s26, $0x1;
	_ =	strace $0x80000049;
	[dreg:$0x1] =	wrdreg $0xFFFFFFFF  }
0xbc: {  	s28 =	simm.s32 $_size_execute0_lowered;
	s4 =	sadd.s32 s4, s6;
	[dreg:$0x0] =	wrdreg $0x0  }
0xbd: {  	s6 =	sshll.u32 s28, $0x1;
	[dreg:$0x2] =	wrdreg s4  }
0xbe: {  	[dreg:$0x3] =	wrdreg s6  }
0xbf: {  	[dreg:$0x4] =	wrdreg $0xC0  }
0xc0: {  	_ =	task [dreg:s22], $0x5FFFF  }
0xc1: {  	[dreg:$0x1] =	wrdreg $0xFFFFFFFF  }
0xc2: {  	[dreg:$0x0] =	wrdreg $0x60  }
0xc3: {  	[dreg:$0x2] =	wrdreg s24  }
0xc4: {  	[dreg:$0x3] =	wrdreg s17  }
0xc5: {  	[dreg:$0x4] =	wrdreg $0xA  }
0xc6: {  	_ =	task.clear_ibuf [dreg:s22], $0x5FFFF;
	_ =	strace $0x90000049  }
0xc7: {  	s29 =	simm.s32 $0xA;
	_ =	strace $0x8000004B  }
0xc8: {  	_ =	swait.ge [sflag:s29], $0x1  }
0xc9: {  	[sflag:s29] =	ssyncadd.s32 $0xFFFFFFFF  }
0xca: {  	_ =	strace $0x9000004B  }
0xcb: {  	_ =	sfence  }
0xcc: {  	s30 =	sld [smem:$0x0];
	_ =	sdelay $0x2  }
0xcd: {  	s31 =	sshll.u32 s1, $0xD;
	s1 =	sshrl.u32 s1, $0x2  }
0xce: {  	s4 =	sand.u32 $0x4000, s31;
	s1 =	sadd.s32 s1, s30  }
0xcf: {  	s0 =	sor.u32 s4, s0;
	s1 =	sshll.u32 s1, $0x11  }
0xd0: {  	s0 =	sor.u32 s1, s0  }
0xd1: {  	s0 =	sadd.s32 $0x8F2B, s0  }
0xd2: {  	[sflag:s0] =	ssyncadd.remote.s32 $0x1  }
0xd3: {  	_ =	sfence.sel $0xFFFF  }
0xd4: {  	[dreg:$0x0] =	wrdreg $0xFFFFFFFF;
	(pc) =	sbr.abs _section_cstart, $3  }
0xd5: {  	[dreg:$0x1] =	wrdreg $0xFFFFFFFF  }
0xd6: {  	_ =	task.clear_ibuf [dreg:s22], $0x2FFFF;
	_ =	strace $0x9FFFFFFF  }
0xd7: {  	(tm) =	ssettm $0x7FFFFFFF  }
tec
execute0_lowered:
.L_overlay_start_1:
0x0: {  	(tag) =	ssettag $0x1  }
0x1: {  	s0 =	srdreg.scid;
	s1 =	rddreg [dreg:$0x0]  }
0x2: {  	s12 =	stileid.u32;
	s2 =	rddreg [dreg:$0x1];
	s13 =	simm.s32 $0x1380  }
0x3: {  	s14 =	simm.s32 $0x80;
	s15 =	simm.s32 $0x2700;
	s16 =	simm.s32 $0x6700  }
0x4: {  	s17 =	simm.s32 $0xA700;
	s18 =	simm.s32 $0xE700;
	s19 =	simm.s32 $0x1  }
0x5: {  	s20 =	simm.s32 $0x12700;
	s21 =	simm.s32 $0x2;
	s22 =	simm.s32 $0x16700  }
0x6: {  	s23 =	simm.s32 $0x3;
	s24 =	simm.s32 $0x4;
	s26 =	simm.s32 $0x2680  }
0x7: {  	s28 =	simm.s32 $0x0;
	s0 =	sand.u32 $0x1, s0;
	s3 =	sshll.u32 s12, $0x1  }
0x8: {  	s8 =	sadd.s32 $0x4A00, s1;
	s9 =	sadd.s32 $0xE800, s1;
	p0 =	sgt.u32 s12, $0x1  }
0x9: {  	s12 =	simm.s32 $0x5;
	s4 =	sor.u32 s0, s3;
	s3 =	simm.s32 $0x0  }
0xa: {  	s0 =	ssub.s32 $0x2, s0;
	s5 =	smul.u32 $0x26, s4;
	[smem:$0x7FF] =	sst s3  }
0xb: {  	s4 =	smin.u32 s4, $0x4;
	s30 =	sshrl.u32 s0, $0x1;
	_ =	strace $0x8000004A  }
.Ltmp0:
0xc: {  	s0 =	ssub.s32 s0, s30;
	s4 =	sadd.s32 s4, s5;
	(pc) =	sbr.rel .LBB2_1-.Ltmp0, $4  }
0xd: {  	s5 =	sadd.s32 $0x298600, s1;
	s11 =	smax.u32 s0, $0x1;
	s10 =	sshll.u32 s4, $0x4  }
0xe: {  	s31 =	sshll.u32 s4, $0xB;
	s7 =	sadd.s32 $0x5000, s10;
	s10 =	sadd.s32 $0x5260, s10  }
0xf: {  	s1 =	sadd.s32 s31, s5;
	s6 =	sadd.s32 s8, s7;
	s7 =	sadd.s32 s9, s7  }
0x10: {  	s8 =	sadd.s32 s8, s10;
	s9 =	sadd.s32 s9, s10;
	s10 =	sadd.s32 $0x13000, s1  }
.LBB2_11:
0x11: {  	s28 =	sadd.s32 $0x1, s28  }
0x12: {  	p1 =	sne.s32 s28, s11  }
.Ltmp1:
0x13: {  	_ = 	snop;
	(pc) =	sbr.rel @!p1 .LBB2_12-.Ltmp1, $1  }
0x14: {  	_ =	sdelay $0x3  }
.LBB2_1:
0x15: {  	[tilespmem:s3], [sflag:$0x5] =	stream.linear.gather [hbm4b:s6+s3], $0x1300, $0x38;
	[tilespmem:$0x1A700] =	vst v63  }
0x16: {  	_ =	swait.ge [sflag:s12], $0x1300  }
0x17: {  	[sflag:s12] =	ssyncset.done $0x0  }
0x18: {  	[sflag:s12] =	ssyncadd.s32 $0xFFFFED00  }
0x19: {  	[tilespmem:s13], [sflag:$0x5] =	stream.linear.gather [hbm4b:s7+s3], $0x1300, $0x38;
	[tilespmem:$0x1A700] =	vst v63  }
0x1a: {  	_ =	swait.ge [sflag:s12], $0x1300  }
0x1b: {  	[sflag:s12] =	ssyncset.done $0x0  }
0x1c: {  	s0 =	simm.s32 @!p0 $0x0;
	s1 =	simm.s32 @!p0 $0x1300;
	[sflag:s12] =	ssyncadd.s32 $0xFFFFED00  }
0x1d: {  	[tilespmem:s1], [sflag:$0x5] =	stream.linear.gather @!p0 [hbm4b:s8+s0], $0x80, $0x38;
	[tilespmem:$0x1A700] =	vst v63  }
0x1e: {  	s1 =	simm.s32 @!p0 $0x5  }
0x1f: {  	_ =	swait.ge @!p0 [sflag:s1], $0x80  }
0x20: {  	[sflag:s1] =	ssyncset.done @!p0 $0x0  }
0x21: {  	s25 =	simm.s32 @!p0 $0x2680;
	[sflag:s1] =	ssyncadd.s32 @!p0 $0xFFFFFF80  }
0x22: {  	[tilespmem:s25], [sflag:$0x5] =	stream.linear.gather @!p0 [hbm4b:s9+s0], $0x80, $0x38;
	[tilespmem:$0x1A700] =	vst v63  }
0x23: {  	_ =	swait.ge @!p0 [sflag:s1], $0x80  }
0x24: {  	[sflag:s1] =	ssyncset.done @!p0 $0x0  }
0x25: {  	[sflag:s1] =	ssyncadd.s32 @!p0 $0xFFFFFF80  }
0x26: {  	[tilespmem:s15], [sflag:$0x1] =	stream.indirect.gather [hbm4b:s2+s14], $0x80, s3, s14, $0xb8;
	[tilespmem:$0x1A700] =	vst v63  }
0x27: {  	s29 =	simm.s32 $0x0  }
0x28: {  	[tilespmem:s16], [sflag:$0x1] =	stream.indirect.gather [hbm4b:s2+s14], $0x80, s13, s14, $0xb8;
	[tilespmem:$0x1A700] =	vst v63  }
.LBB2_2:
0x29: {  	s30 =	sshllo.u32 s29, $0x1  }
0x2a: {  	s0 =	sshll.u32 s30, $0x7  }
0x2b: {  	[tilespmem:s17], [sflag:$0x2] =	stream.indirect.gather [hbm4b:s2+s14], $0x80, s0, s14, $0xb8;
	[tilespmem:$0x1A700] =	vst v63  }
0x2c: {  	s0 =	sadd.s32 $0x1380, s0  }
0x2d: {  	[tilespmem:s18], [sflag:$0x2] =	stream.indirect.gather [hbm4b:s2+s14], $0x80, s0, s14, $0xb8;
	[tilespmem:$0x1A700] =	vst v63  }
0x2e: {  	_ =	swait.ge [sflag:s19], $0x4000  }
0x2f: {  	[sflag:s19] =	ssyncset.done $0x0  }
0x30: {  	[sflag:s19] =	ssyncadd.s32 $0xFFFFC000  }
0x31: {  	_ =	swait.ge [sflag:s19], $0x4000  }
0x32: {  	[sflag:s19] =	ssyncset.done $0x0  }
0x33: {  	s1 =	simm.s32 $0x0;
	[sflag:s19] =	ssyncadd.s32 $0xFFFFC000  }
0x34: {  	v0 =	vld [tilespmem:s1+$0x2A80]  }
0x35: {  	v1 =	vld [tilespmem:s1+$0x6A90]  }
0x36: {  	v2 =	vld [tilespmem:s1+$0x2700]  }
0x37: {  	v3 =	vld [tilespmem:s1+$0x6710]  }
0x38: {  	v4 =	vld [tilespmem:s1+$0x2780]  }
0x39: {  	v5 =	vld [tilespmem:s1+$0x6790]  }
0x3a: {  	v6 =	vld [tilespmem:s1+$0x2800]  }
0x3b: {  	v7 =	vld [tilespmem:s1+$0x2880]  }
0x3c: {  	v0 =	vadd.f32 v1, v0;
	v1 =	vld [tilespmem:s1+$0x6810]  }
0x3d: {  	v8 =	vld [tilespmem:s1+$0x6890]  }
0x3e: {  	v9 =	vld [tilespmem:s1+$0x6910];
	v2 =	vadd.f32 v3, v2  }
0x3f: {  	[tilespmem:s1+$0x12A80] =	vst v0;
	v0 =	vadd.f32 v5, v4;
	v5 =	vld [tilespmem:s1+$0x2900]  }
0x40: {  	v3 =	vld [tilespmem:s1+$0x6990];
	[tilespmem:s1+$0x12700] =	vst v2  }
0x41: {  	v2 =	vld [tilespmem:s1+$0x2980];
	[tilespmem:s1+$0x12780] =	vst v0;
	v0 =	vadd.f32 v1, v6  }
0x42: {  	v4 =	vld [tilespmem:s1+$0x6A10];
	v6 =	vadd.f32 v8, v7  }
0x43: {  	s0 =	simm.s32 $0x400;
	[tilespmem:s1+$0x12800] =	vst v0;
	v0 =	vld [tilespmem:s1+$0x2A00]  }
0x44: {  	s31 =	sshll.u32 s29, $0x1;
	s25 =	simm.s32 $0x2000;
	v5 =	vadd.f32 v9, v5;
	v1 =	vld [tilespmem:s0+$0x2A80];
	[tilespmem:s1+$0x12880] =	vst v6  }
.LBB2_3:
0x45: {  	p1 =	sne.s32 s25, $0xF000;
	v6 =	vld [tilespmem:s0+$0x6A90]  }
0x46: {  	v7 =	vld [tilespmem:s0+$0x2700];
	[tilespmem:s1+$0x12900] =	vst v5;
	v2 =	vadd.f32 v3, v2  }
0x47: {  	v3 =	vld [tilespmem:s0+$0x6710]  }
0x48: {  	v5 =	vld [tilespmem:s0+$0x2780];
	[tilespmem:s1+$0x12980] =	vst v2;
	v0 =	vadd.f32 v4, v0  }
0x49: {  	v2 =	vld [tilespmem:s0+$0x6790]  }
0x4a: {  	v4 =	vld [tilespmem:s0+$0x2800];
	v1 =	vadd.f32 v6, v1;
	[tilespmem:s1+$0x12A00] =	vst v0;
	s1 =	smov.u32 s0  }
0x4b: {  	v0 =	vld [tilespmem:s1+$0x6810]  }
0x4c: {  	v3 =	vadd.f32 v3, v7;
	v6 =	vld [tilespmem:s1+$0x2880];
	[tilespmem:s1+$0x12A80] =	vst v1  }
0x4d: {  	v1 =	vld [tilespmem:s1+$0x6890]  }
0x4e: {  	[tilespmem:s1+$0x12700] =	vst v3;
	v2 =	vadd.f32 v2, v5;
	v5 =	vld [tilespmem:s1+$0x2900]  }
0x4f: {  	v7 =	vld [tilespmem:s1+$0x6910]  }
.Ltmp2:
0x50: {  	[tilespmem:s1+$0x12780] =	vst v2;
	v0 =	vadd.f32 v0, v4;
	v2 =	vld [tilespmem:s1+$0x2980];
	(pc) =	sbr.rel @p1 .LBB2_3-.Ltmp2, $4  }
0x51: {  	v3 =	vld [tilespmem:s1+$0x6990]  }
0x52: {  	[tilespmem:s1+$0x12800] =	vst v0;
	v6 =	vadd.f32 v1, v6;
	v0 =	vld [tilespmem:s1+$0x2A00]  }
0x53: {  	s0 =	sshra.s32 s25, $0x2;
	v4 =	vld [tilespmem:s1+$0x6A10]  }
0x54: {  	s25 =	sadd.s32 $0x1000, s25;
	v1 =	vld [tilespmem:s0+$0x2A80];
	[tilespmem:s1+$0x12880] =	vst v6;
	v5 =	vadd.f32 v7, v5  }
0x55: {  	v6 =	vld [tilespmem:s0+$0x6A90]  }
0x56: {  	v7 =	vld [tilespmem:s0+$0x2700];
	[tilespmem:s1+$0x12900] =	vst v5;
	v2 =	vadd.f32 v3, v2  }
0x57: {  	v3 =	vld [tilespmem:s0+$0x6710]  }
0x58: {  	v5 =	vld [tilespmem:s0+$0x2780];
	[tilespmem:s1+$0x12980] =	vst v2;
	v0 =	vadd.f32 v4, v0  }
0x59: {  	v2 =	vld [tilespmem:s0+$0x6790]  }
0x5a: {  	v4 =	vld [tilespmem:s0+$0x2800];
	[tilespmem:s1+$0x12A00] =	vst v0  }
0x5b: {  	v0 =	vadd.f32 v6, v1;
	v1 =	vld [tilespmem:s0+$0x6810]  }
0x5c: {  	v6 =	vld [tilespmem:s0+$0x2880]  }
0x5d: {  	v3 =	vadd.f32 v3, v7;
	[tilespmem:s0+$0x12A80] =	vst v0;
	v0 =	vld [tilespmem:s0+$0x6890]  }
0x5e: {  	v7 =	vld [tilespmem:s0+$0x6A10]  }
0x5f: {  	[tilespmem:s0+$0x12700] =	vst v3;
	v2 =	vadd.f32 v2, v5;
	v3 =	vld [tilespmem:s0+$0x2900]  }
0x60: {  	v5 =	vld [tilespmem:s0+$0x6910]  }
0x61: {  	[tilespmem:s0+$0x12780] =	vst v2;
	v1 =	vadd.f32 v1, v4;
	v2 =	vld [tilespmem:s0+$0x2980]  }
0x62: {  	v4 =	vld [tilespmem:s0+$0x6990]  }
0x63: {  	[tilespmem:s0+$0x12800] =	vst v1;
	v1 =	vld [tilespmem:s0+$0x2A00];
	_ =	sdelay $0x1  }
0x64: {  	v0 =	vadd.f32 v0, v6  }
0x65: {  	v3 =	vadd.f32 v5, v3  }
0x66: {  	[tilespmem:s0+$0x12880] =	vst v0;
	v0 =	vadd.f32 v4, v2  }
0x67: {  	[tilespmem:s0+$0x12900] =	vst v3;
	v1 =	vadd.f32 v7, v1  }
0x68: {  	p1 =	seq.s32 s29, $0x0;
	[tilespmem:s0+$0x12980] =	vst v0  }
0x69: {  	s25 =	sadd.s32 s4, s31;
	[tilespmem:s0+$0x12A00] =	vst v1;
	s0 =	simm.s32 @!p1 $0x3  }
0x6a: {  	s1 =	sshll.u32 s25, $0xB;
	_ =	swait.ge @!p1 [sflag:s0], $0x4000  }
0x6b: {  	s1 =	sand.u32 $0x1FFFF800, s1;
	[sflag:s0] =	ssyncset.done @!p1 $0x0  }
0x6c: {  	s25 =	simm.s32 $0x0;
	s1 =	sadd.s32 s5, s1;
	[sflag:s0] =	ssyncadd.s32 @!p1 $0xFFFFC000  }
0x6d: {  	[hbm4b:s1+s25] =	stream.linear.scatter [tilespmem:s20], [sflag:$0x3], $0x4000, $0x38;
	[tilespmem:$0x1A700] =	vst v63  }
0x6e: {  	s25 =	smin.u32 s31, $0x23  }
0x6f: {  	s0 =	sshll.u32 s25, $0x7  }
0x70: {  	s31 =	sadd.s32 $0x100, s0  }
0x71: {  	[tilespmem:s15], [sflag:$0x1] =	stream.indirect.gather [hbm4b:s2+s14], $0x80, s31, s14, $0xb8;
	[tilespmem:$0x1A700] =	vst v63  }
0x72: {  	s0 =	sadd.s32 $0x1480, s0  }
0x73: {  	[tilespmem:s16], [sflag:$0x1] =	stream.indirect.gather [hbm4b:s2+s14], $0x80, s0, s14, $0xb8;
	[tilespmem:$0x1A700] =	vst v63  }
0x74: {  	_ =	swait.ge [sflag:s21], $0x4000  }
0x75: {  	[sflag:s21] =	ssyncset.done $0x0  }
0x76: {  	[sflag:s21] =	ssyncadd.s32 $0xFFFFC000  }
0x77: {  	_ =	swait.ge [sflag:s21], $0x4000  }
0x78: {  	[sflag:s21] =	ssyncset.done $0x0  }
0x79: {  	s1 =	simm.s32 $0x0;
	[sflag:s21] =	ssyncadd.s32 $0xFFFFC000  }
0x7a: {  	v0 =	vld [tilespmem:s1+$0xAA80]  }
0x7b: {  	v1 =	vld [tilespmem:s1+$0xEA90]  }
0x7c: {  	v2 =	vld [tilespmem:s1+$0xA700]  }
0x7d: {  	v3 =	vld [tilespmem:s1+$0xE710]  }
0x7e: {  	v4 =	vld [tilespmem:s1+$0xA780]  }
0x7f: {  	v5 =	vld [tilespmem:s1+$0xE790]  }
0x80: {  	v6 =	vld [tilespmem:s1+$0xA800]  }
0x81: {  	v7 =	vld [tilespmem:s1+$0xA880]  }
0x82: {  	v0 =	vadd.f32 v1, v0;
	v1 =	vld [tilespmem:s1+$0xE810]  }
0x83: {  	v8 =	vld [tilespmem:s1+$0xE890]  }
0x84: {  	v9 =	vld [tilespmem:s1+$0xE910];
	v2 =	vadd.f32 v3, v2  }
0x85: {  	[tilespmem:s1+$0x16A80] =	vst v0;
	v0 =	vadd.f32 v5, v4;
	v5 =	vld [tilespmem:s1+$0xA900]  }
0x86: {  	v3 =	vld [tilespmem:s1+$0xE990];
	[tilespmem:s1+$0x16700] =	vst v2  }
0x87: {  	v2 =	vld [tilespmem:s1+$0xA980];
	[tilespmem:s1+$0x16780] =	vst v0;
	v0 =	vadd.f32 v1, v6  }
0x88: {  	v4 =	vld [tilespmem:s1+$0xEA10];
	v6 =	vadd.f32 v8, v7  }
0x89: {  	s0 =	simm.s32 $0x400;
	[tilespmem:s1+$0x16800] =	vst v0;
	v0 =	vld [tilespmem:s1+$0xAA00]  }
0x8a: {  	s25 =	simm.s32 $0x2000;
	v5 =	vadd.f32 v9, v5;
	v1 =	vld [tilespmem:s0+$0xAA80];
	[tilespmem:s1+$0x16880] =	vst v6  }
.LBB2_5:
0x8b: {  	p2 =	sne.s32 s25, $0xF000;
	v6 =	vld [tilespmem:s0+$0xEA90]  }
0x8c: {  	v7 =	vld [tilespmem:s0+$0xA700];
	[tilespmem:s1+$0x16900] =	vst v5;
	v2 =	vadd.f32 v3, v2  }
0x8d: {  	v3 =	vld [tilespmem:s0+$0xE710]  }
0x8e: {  	v5 =	vld [tilespmem:s0+$0xA780];
	[tilespmem:s1+$0x16980] =	vst v2;
	v0 =	vadd.f32 v4, v0  }
0x8f: {  	v2 =	vld [tilespmem:s0+$0xE790]  }
0x90: {  	v4 =	vld [tilespmem:s0+$0xA800];
	v1 =	vadd.f32 v6, v1;
	[tilespmem:s1+$0x16A00] =	vst v0;
	s1 =	smov.u32 s0  }
0x91: {  	v0 =	vld [tilespmem:s1+$0xE810]  }
0x92: {  	v3 =	vadd.f32 v3, v7;
	v6 =	vld [tilespmem:s1+$0xA880];
	[tilespmem:s1+$0x16A80] =	vst v1  }
0x93: {  	v1 =	vld [tilespmem:s1+$0xE890]  }
0x94: {  	[tilespmem:s1+$0x16700] =	vst v3;
	v2 =	vadd.f32 v2, v5;
	v5 =	vld [tilespmem:s1+$0xA900]  }
0x95: {  	v7 =	vld [tilespmem:s1+$0xE910]  }
.Ltmp3:
0x96: {  	[tilespmem:s1+$0x16780] =	vst v2;
	v0 =	vadd.f32 v0, v4;
	v2 =	vld [tilespmem:s1+$0xA980];
	(pc) =	sbr.rel @p2 .LBB2_5-.Ltmp3, $4  }
0x97: {  	v3 =	vld [tilespmem:s1+$0xE990]  }
0x98: {  	[tilespmem:s1+$0x16800] =	vst v0;
	v6 =	vadd.f32 v1, v6;
	v0 =	vld [tilespmem:s1+$0xAA00]  }
0x99: {  	s0 =	sshra.s32 s25, $0x2;
	v4 =	vld [tilespmem:s1+$0xEA10]  }
0x9a: {  	s25 =	sadd.s32 $0x1000, s25;
	v1 =	vld [tilespmem:s0+$0xAA80];
	[tilespmem:s1+$0x16880] =	vst v6;
	v5 =	vadd.f32 v7, v5  }
0x9b: {  	v6 =	vld [tilespmem:s0+$0xEA90]  }
0x9c: {  	v7 =	vld [tilespmem:s0+$0xA700];
	[tilespmem:s1+$0x16900] =	vst v5;
	v2 =	vadd.f32 v3, v2  }
0x9d: {  	v51 =	vld [tilespmem:s0+$0xE710]  }
0x9e: {  	v5 =	vld [tilespmem:s0+$0xA780];
	[tilespmem:s1+$0x16980] =	vst v2;
	v0 =	vadd.f32 v4, v0  }
0x9f: {  	v2 =	vld [tilespmem:s0+$0xE790]  }
0xa0: {  	v52 =	vld [tilespmem:s0+$0xA800];
	[tilespmem:s1+$0x16A00] =	vst v0  }
0xa1: {  	v54 =	vld [tilespmem:s0+$0xE810]  }
0xa2: {  	v55 =	vld [tilespmem:s0+$0xA880]  }
0xa3: {  	v56 =	vld [tilespmem:s0+$0xE890]  }
0xa4: {  	v57 =	vld [tilespmem:s0+$0xA900]  }
0xa5: {  	v58 =	vld [tilespmem:s0+$0xE910]  }
0xa6: {  	v59 =	vld [tilespmem:s0+$0xA980]  }
0xa7: {  	v53 =	vadd.f32 v6, v1;
	v60 =	vld [tilespmem:s0+$0xE990]  }
0xa8: {  	v61 =	vld [tilespmem:s0+$0xAA00];
	v3 =	vadd.f32 v51, v7  }
0xa9: {  	v62 =	vld [tilespmem:s0+$0xEA10];
	[tilespmem:s0+$0x16A80] =	vst v53;
	v2 =	vadd.f32 v2, v5  }
0xaa: {  	[tilespmem:s0+$0x16700] =	vst v3;
	v1 =	vadd.f32 v54, v52  }
0xab: {  	[tilespmem:s0+$0x16780] =	vst v2;
	v0 =	vadd.f32 v56, v55  }
0xac: {  	v3 =	vadd.f32 v58, v57;
	[tilespmem:s0+$0x16800] =	vst v1  }
0xad: {  	v63 =	vadd.f32 v60, v59;
	[tilespmem:s0+$0x16880] =	vst v0  }
0xae: {  	[tilespmem:s0+$0x16900] =	vst v3;
	v1 =	vadd.f32 v62, v61  }
0xaf: {  	[tilespmem:s0+$0x16980] =	vst v63  }
0xb0: {  	[tilespmem:s0+$0x16A00] =	vst v1;
	s0 =	simm.s32 @!p1 $0x4  }
0xb1: {  	_ =	swait.ge @!p1 [sflag:s0], $0x4000  }
0xb2: {  	s29 =	sadd.s32 $0x1, s29;
	[sflag:s0] =	ssyncset.done @!p1 $0x0  }
0xb3: {  	[sflag:s0] =	ssyncadd.s32 @!p1 $0xFFFFC000;
	p1 =	sne.s32 s29, $0x13  }
.Ltmp4:
0xb4: {  	s30 =	sadd.s32 s4, s30;
	(pc) =	sbr.rel @p1 .LBB2_2-.Ltmp4, $4  }
0xb5: {  	s1 =	sshll.u32 s30, $0xB  }
0xb6: {  	s1 =	sand.u32 $0x1FFFF800, s1  }
0xb7: {  	s31 =	sadd.s32 s5, s1  }
0xb8: {  	[hbm4b:s31+s3] =	stream.linear.scatter [tilespmem:s22], [sflag:$0x4], $0x4000, $0x38;
	[tilespmem:$0x1A700] =	vst v63  }
0xb9: {  	_ =	swait.ge [sflag:s19], $0x4000  }
0xba: {  	[sflag:s19] =	ssyncset.done $0x0  }
0xbb: {  	[sflag:s19] =	ssyncadd.s32 $0xFFFFC000  }
0xbc: {  	_ =	swait.ge [sflag:s19], $0x4000  }
0xbd: {  	[sflag:s19] =	ssyncset.done $0x0  }
0xbe: {  	[sflag:s19] =	ssyncadd.s32 $0xFFFFC000  }
0xbf: {  	_ =	swait.ge [sflag:s23], $0x4000  }
.Ltmp5:
0xc0: {  	[sflag:s23] =	ssyncset.done $0x0;
	(pc) =	sbr.rel @p0 .LBB2_11-.Ltmp5, $4  }
0xc1: {  	[sflag:s23] =	ssyncadd.s32 $0xFFFFC000  }
0xc2: {  	_ =	swait.ge [sflag:s24], $0x4000  }
0xc3: {  	[sflag:s24] =	ssyncset.done $0x0  }
0xc4: {  	[sflag:s24] =	ssyncadd.s32 $0xFFFFC000  }
0xc5: {  	s0 =	simm.s32 $0x1300  }
0xc6: {  	[tilespmem:s15], [sflag:$0x1] =	stream.indirect.gather [hbm4b:s2+s14], $0x80, s0, s14, $0xb8;
	[tilespmem:$0x1A700] =	vst v63  }
0xc7: {  	_ = 	snop  }
0xc8: {  	[tilespmem:s16], [sflag:$0x1] =	stream.indirect.gather [hbm4b:s2+s14], $0x80, s26, s14, $0xb8;
	[tilespmem:$0x1A700] =	vst v63  }
0xc9: {  	_ =	swait.ge [sflag:s19], $0x4000  }
0xca: {  	[sflag:s19] =	ssyncset.done $0x0  }
0xcb: {  	[sflag:s19] =	ssyncadd.s32 $0xFFFFC000  }
0xcc: {  	_ =	swait.ge [sflag:s19], $0x4000  }
0xcd: {  	[sflag:s19] =	ssyncset.done $0x0  }
0xce: {  	s1 =	simm.s32 $0x0;
	[sflag:s19] =	ssyncadd.s32 $0xFFFFC000  }
0xcf: {  	v0 =	vld [tilespmem:s1+$0x2A80]  }
0xd0: {  	v1 =	vld [tilespmem:s1+$0x6A90]  }
0xd1: {  	v2 =	vld [tilespmem:s1+$0x2700]  }
0xd2: {  	v3 =	vld [tilespmem:s1+$0x6710]  }
0xd3: {  	v4 =	vld [tilespmem:s1+$0x2780]  }
0xd4: {  	v5 =	vld [tilespmem:s1+$0x6790]  }
0xd5: {  	v6 =	vld [tilespmem:s1+$0x2800]  }
0xd6: {  	v7 =	vld [tilespmem:s1+$0x2880]  }
0xd7: {  	v0 =	vadd.f32 v1, v0;
	v1 =	vld [tilespmem:s1+$0x6810]  }
0xd8: {  	v8 =	vld [tilespmem:s1+$0x6890]  }
0xd9: {  	v9 =	vld [tilespmem:s1+$0x6910];
	v2 =	vadd.f32 v3, v2  }
0xda: {  	[tilespmem:s1+$0x12A80] =	vst v0;
	v0 =	vadd.f32 v5, v4;
	v5 =	vld [tilespmem:s1+$0x2900]  }
0xdb: {  	v3 =	vld [tilespmem:s1+$0x6990];
	[tilespmem:s1+$0x12700] =	vst v2  }
0xdc: {  	v2 =	vld [tilespmem:s1+$0x2980];
	[tilespmem:s1+$0x12780] =	vst v0;
	v0 =	vadd.f32 v1, v6  }
0xdd: {  	v4 =	vld [tilespmem:s1+$0x6A10];
	v6 =	vadd.f32 v8, v7  }
0xde: {  	s0 =	simm.s32 $0x400;
	[tilespmem:s1+$0x12800] =	vst v0;
	v0 =	vld [tilespmem:s1+$0x2A00]  }
0xdf: {  	s25 =	simm.s32 $0x2000;
	v5 =	vadd.f32 v9, v5;
	v1 =	vld [tilespmem:s0+$0x2A80];
	[tilespmem:s1+$0x12880] =	vst v6  }
.LBB2_9:
0xe0: {  	p1 =	sne.s32 s25, $0xF000;
	v6 =	vld [tilespmem:s0+$0x6A90]  }
0xe1: {  	v7 =	vld [tilespmem:s0+$0x2700];
	[tilespmem:s1+$0x12900] =	vst v5;
	v2 =	vadd.f32 v3, v2  }
0xe2: {  	v3 =	vld [tilespmem:s0+$0x6710]  }
0xe3: {  	v5 =	vld [tilespmem:s0+$0x2780];
	[tilespmem:s1+$0x12980] =	vst v2;
	v0 =	vadd.f32 v4, v0  }
0xe4: {  	v2 =	vld [tilespmem:s0+$0x6790]  }
0xe5: {  	v4 =	vld [tilespmem:s0+$0x2800];
	v1 =	vadd.f32 v6, v1;
	[tilespmem:s1+$0x12A00] =	vst v0;
	s1 =	smov.u32 s0  }
0xe6: {  	v0 =	vld [tilespmem:s1+$0x6810]  }
0xe7: {  	v3 =	vadd.f32 v3, v7;
	v6 =	vld [tilespmem:s1+$0x2880];
	[tilespmem:s1+$0x12A80] =	vst v1  }
0xe8: {  	v1 =	vld [tilespmem:s1+$0x6890]  }
0xe9: {  	[tilespmem:s1+$0x12700] =	vst v3;
	v2 =	vadd.f32 v2, v5;
	v5 =	vld [tilespmem:s1+$0x2900]  }
0xea: {  	v7 =	vld [tilespmem:s1+$0x6910]  }
.Ltmp6:
0xeb: {  	[tilespmem:s1+$0x12780] =	vst v2;
	v0 =	vadd.f32 v0, v4;
	v2 =	vld [tilespmem:s1+$0x2980];
	(pc) =	sbr.rel @p1 .LBB2_9-.Ltmp6, $4  }
0xec: {  	v3 =	vld [tilespmem:s1+$0x6990]  }
0xed: {  	[tilespmem:s1+$0x12800] =	vst v0;
	v6 =	vadd.f32 v1, v6;
	v0 =	vld [tilespmem:s1+$0x2A00]  }
0xee: {  	s0 =	sshra.s32 s25, $0x2;
	v4 =	vld [tilespmem:s1+$0x6A10]  }
0xef: {  	s25 =	sadd.s32 $0x1000, s25;
	v1 =	vld [tilespmem:s0+$0x2A80];
	[tilespmem:s1+$0x12880] =	vst v6;
	v5 =	vadd.f32 v7, v5  }
0xf0: {  	v6 =	vld [tilespmem:s0+$0x6A90]  }
0xf1: {  	v7 =	vld [tilespmem:s0+$0x2700];
	[tilespmem:s1+$0x12900] =	vst v5;
	v2 =	vadd.f32 v3, v2  }
0xf2: {  	v51 =	vld [tilespmem:s0+$0x6710]  }
0xf3: {  	v5 =	vld [tilespmem:s0+$0x2780];
	[tilespmem:s1+$0x12980] =	vst v2;
	v0 =	vadd.f32 v4, v0  }
0xf4: {  	v2 =	vld [tilespmem:s0+$0x6790]  }
0xf5: {  	v52 =	vld [tilespmem:s0+$0x2800];
	[tilespmem:s1+$0x12A00] =	vst v0  }
0xf6: {  	v54 =	vld [tilespmem:s0+$0x6810]  }
0xf7: {  	v55 =	vld [tilespmem:s0+$0x2880]  }
0xf8: {  	v56 =	vld [tilespmem:s0+$0x6890]  }
0xf9: {  	v57 =	vld [tilespmem:s0+$0x2900]  }
0xfa: {  	v58 =	vld [tilespmem:s0+$0x6910]  }
0xfb: {  	v59 =	vld [tilespmem:s0+$0x2980]  }
0xfc: {  	v53 =	vadd.f32 v6, v1;
	v60 =	vld [tilespmem:s0+$0x6990]  }
0xfd: {  	v61 =	vld [tilespmem:s0+$0x2A00];
	v3 =	vadd.f32 v51, v7  }
0xfe: {  	v62 =	vld [tilespmem:s0+$0x6A10];
	[tilespmem:s0+$0x12A80] =	vst v53;
	v2 =	vadd.f32 v2, v5  }
0xff: {  	[tilespmem:s0+$0x12700] =	vst v3;
	v1 =	vadd.f32 v54, v52  }
0x100: {  	[tilespmem:s0+$0x12780] =	vst v2;
	v0 =	vadd.f32 v56, v55  }
0x101: {  	v3 =	vadd.f32 v58, v57;
	[tilespmem:s0+$0x12800] =	vst v1  }
0x102: {  	v63 =	vadd.f32 v60, v59;
	[tilespmem:s0+$0x12880] =	vst v0  }
0x103: {  	[tilespmem:s0+$0x12900] =	vst v3;
	v1 =	vadd.f32 v62, v61  }
0x104: {  	[tilespmem:s0+$0x12980] =	vst v63  }
.Ltmp7:
0x105: {  	[tilespmem:s0+$0x12A00] =	vst v1;
	(pc) =	sbr.rel .LBB2_11-.Ltmp7, $4  }
0x106: {  	[hbm4b:s10+s3] =	stream.linear.scatter [tilespmem:s20], [sflag:$0x5], $0x4000, $0x38;
	[tilespmem:$0x1A700] =	vst v63  }
0x107: {  	_ =	swait.ge [sflag:s12], $0x4000  }
0x108: {  	[sflag:s12] =	ssyncset.done $0x0  }
0x109: {  	[sflag:s12] =	ssyncadd.s32 $0xFFFFC000  }
.LBB2_12:
0x10a: {  	_ =	sfence.sel $0x180000  }
0x10b: {  	[bflag:$0x0] =	sbarrier.arrive $0xFFFF  }
0x10c: {  	_ =	strace $0x9000004A  }
0x10d: {  	s0 =	stileid.u32;
	[bflag:$0x2] =	sbarrier.arrive $0xFFFF  }
0x10e: {  	p0 =	sne.s32 s0, $0x0;
	s0 =	rddreg [dreg:$0x2]  }
0x10f: {  	s0 =	sadd.s32 @!p0 $0x100000, s0  }
0x110: {  	[sflag:s0] =	ssyncadd.tile.s32 @!p0 $0x1;
	_ =	shalt  }
.Lfunc_end2:
_tile_overlayer_lowered:
.L_overlay_start_2:
0x111: {  	(tag) =	ssettag $0x2  }
0x112: {  	s0 =	rddreg [dreg:$0x0];
	s2 =	stileid.u32  }
0x113: {  	s1 =	rddreg [dreg:$0x1];
	p0 =	sne.s32 s2, $0x0  }
0x114: {  	s3 =	rddreg [dreg:$0x2];
	[bflag:$0x3] =	sbarrier.arrive $0xFFFF;
	s2 =	simm.s32 @!p0 $0x1C05  }
0x115: {  	[timem:s3], [sflag:s2] =	dma.local @!p0 [hbm:s0], s1  }
0x116: {  	s0 =	simm.s32 @!p0 $0x5  }
0x117: {  	_ =	swait.ge @!p0 [sflag:s0], s1  }
0x118: {  	s1 =	ssub.s32 @!p0 $0x0, s1;
	[sflag:s0] =	ssyncset.done @!p0 $0x0  }
0x119: {  	[sflag:s0] =	ssyncadd.s32 @!p0 s1  }
0x11a: {  	[bflag:$0x3] =	sbarrier.arrive $0xFFFF  }
0x11b: {  	_ =	shalt  }

// kernel: kernel.15.cloned.1.call-start
scs
__scs_entry_jumppad:
0x0: {  	(pc) =	sbr.rel $0x88, $3  }
0x1: {  	(tag) =	ssettag $0x0;
	lr =	simm.s32 $0x1  }
0x2: {  	[smem:$0x3F92] =	sst lr;
	_ =	strace $0xD0000000  }
0x3: {  	_ = 	snop  }
0x4: {  	_ = 	snop  }
0x5: {  	_ = 	snop  }
0x6: {  	_ = 	snop  }
0x7: {  	_ = 	snop  }
__scs_overlays_trampoline_lowered:
0x8: {  	[smem:$0x3FA1] =	sst s0  }
0x9: {  	[smem:$0x3FA2] =	sst s1  }
0xa: {  	[smem:$0x3FA3] =	sst s2  }
0xb: {  	[smem:$0x3FA4] =	sst s3  }
0xc: {  	[smem:$0x3FA5] =	sst s4  }
0xd: {  	[smem:$0x3FA6] =	sst s5  }
0xe: {  	[smem:$0x3FA7] =	sst s6  }
0xf: {  	[smem:$0x3FA8] =	sst s7  }
0x10: {  	[smem:$0x3FA9] =	sst s8  }
0x11: {  	[smem:$0x3FAA] =	sst s9;
	s0 =	simm.s32 @!p0 $0x0  }
0x12: {  	s1 =	sld [smem:$0x3F90];
	s0 =	simm.s32 @p0 $0x1  }
0x13: {  	[smem:$0x3FAB] =	sst s0;
	s0 =	simm.s32 @!p1 $0x0  }
0x14: {  	s2 =	sld [smem:$0x3F8F];
	s0 =	simm.s32 @p1 $0x1  }
0x15: {  	[smem:$0x3FAC] =	sst s0;
	s0 =	simm.s32 @!p2 $0x0  }
0x16: {  	s3 =	sld [smem:$0x3FDB];
	s0 =	simm.s32 @p2 $0x1  }
0x17: {  	s4 =	simm.s32 $0x1BF5;
	[smem:$0x3FAE] =	sst s0  }
0x18: {  	s0 =	sld [smem:$0x3F91];
	_ =	swait.ge [sflag:s4], $0x0  }
0x19: {  	s7 =	sld [smem:$0x3F92]  }
0x1a: {  	s8 =	sadd.s32 $0xFFFFE003, lr  }
0x1b: {  	s9 =	sadd.s32 $0xFFFFFEF7, lr;
	s5 =	simm.s32 $0xFFFFFFFF;
	p2 =	slt.u32 s8, $0xFFFFF086  }
0x1c: {  	p1 =	slt.u32 s9, $0xF7A;
	s5 =	simm.s32 @!p2 $0x0  }
0x1d: {  	s5 =	simm.s32 @p1 $0x1;
	p0 =	seq.s32 s7, s2  }
0x1e: {  	s7 =	smul.u32 @!p0 $0xF7A, s2;
	p2 =	seq.s32 @!p0 s5, $0x0  }
0x1f: {  	s9 =	smul.u32 $0xF7A, s1;
	s8 =	simm.s32 @!p0 $0x1BF5;
	p2 =	por !p2, p0  }
0x20: {  	[sflag:s8] =	ssyncset.s32 @!p0 $0xFFFFF086;
	s6 =	sadd.s32 @!p0 s3, s7;
	s7 =	simm.s32 @!p0 $0x108  }
0x21: {  	s3 =	sadd.s32 s3, s9;
	s6 =	sadd.s32 @!p0 $0x88, s6;
	s7 =	simm.s32 @p2 $0x1082  }
0x22: {  	[simem:s7], [sflag:s8] =	dma.local @!p0 [hbm:s6], $0xF7A  }
0x23: {  	s9 =	sor.u32 $0xD0000000, s2;
	s6 =	simm.s32 $0x108;
	_ =	swait.ge @!p0 [sflag:s8], $0x0  }
0x24: {  	s3 =	sadd.s32 $0x88, s3;
	s6 =	simm.s32 @!p1 $0x1082;
	[sflag:s4] =	ssyncset.s32 $0xFFFFF086  }
0x25: {  	[simem:s6], [sflag:s4] =	dma.local [hbm:s3], $0xF7A  }
0x26: {  	[smem:$0x3F92] =	sst s1;
	(tag) =	ssettag s2;
	_ =	strace s9  }
0x27: {  	s1 =	sld [smem:$0x3FA2]  }
0x28: {  	s2 =	sld [smem:$0x3FA3]  }
0x29: {  	s4 =	sld [smem:$0x3FA5]  }
0x2a: {  	p0 =	seq.s32 s5, $0x0;
	s5 =	sld [smem:$0x3FA6]  }
0x2b: {  	s6 =	sld [smem:$0x3FA7]  }
0x2c: {  	s7 =	sld [smem:$0x3FA8]  }
0x2d: {  	s3 =	simm.s32 $0x108;
	s8 =	sld [smem:$0x3FA9]  }
0x2e: {  	s3 =	simm.s32 @!p0 $0x1082;
	s9 =	sld [smem:$0x3FAA]  }
0x2f: {  	lr =	sadd.s32 s0, s3;
	s0 =	sld [smem:$0x3FA1]  }
0x30: {  	s3 =	sld [smem:$0x3FA4]  }
0x31: {  	[smem:$0x3FAD] =	sst s10  }
0x32: {  	s10 =	sld [smem:$0x3FAB];
	_ =	sdelay $0x3  }
0x33: {  	p0 =	seq.s32 s10, $0x1;
	s10 =	sld [smem:$0x3FAD];
	_ =	sdelay $0x3  }
0x34: {  	[smem:$0x3FAD] =	sst s10  }
0x35: {  	s10 =	sld [smem:$0x3FAC];
	_ =	sdelay $0x3  }
0x36: {  	p1 =	seq.s32 s10, $0x1;
	s10 =	sld [smem:$0x3FAD];
	_ =	sdelay $0x3  }
0x37: {  	[smem:$0x3FAD] =	sst s10  }
0x38: {  	s10 =	sld [smem:$0x3FAE]  }
0x39: {  	_ = 	snop;
	(pc) =	sbr.ind lr, $3  }
0x3a: {  	_ = 	snop  }
0x3b: {  	_ = 	snop  }
0x3c: {  	p2 =	seq.s32 s10, $0x1;
	s10 =	sld [smem:$0x3FAD]  }
0x3d: {  	_ =	shalt  }
0x3e: {  	_ =	shalt  }
0x3f: {  	_ =	shalt  }
0x40: {  	_ =	shalt  }
0x41: {  	_ =	shalt  }
0x42: {  	_ =	shalt  }
0x43: {  	_ =	shalt  }
0x44: {  	_ =	shalt  }
0x45: {  	_ =	shalt  }
0x46: {  	_ =	shalt  }
0x47: {  	_ =	shalt  }
0x48: {  	_ =	shalt  }
0x49: {  	_ =	shalt  }
0x4a: {  	_ =	shalt  }
0x4b: {  	_ =	shalt  }
0x4c: {  	_ =	shalt  }
0x4d: {  	_ =	shalt  }
0x4e: {  	_ =	shalt  }
0x4f: {  	_ =	shalt  }
0x50: {  	_ =	shalt  }
0x51: {  	_ =	shalt  }
0x52: {  	_ =	shalt  }
0x53: {  	_ =	shalt  }
0x54: {  	_ =	shalt  }
0x55: {  	_ =	shalt  }
0x56: {  	_ =	shalt  }
0x57: {  	_ =	shalt  }
0x58: {  	_ =	shalt  }
0x59: {  	_ =	shalt  }
0x5a: {  	_ =	shalt  }
0x5b: {  	_ =	shalt  }
0x5c: {  	_ =	shalt  }
0x5d: {  	_ =	shalt  }
0x5e: {  	_ =	shalt  }
0x5f: {  	_ =	shalt  }
0x60: {  	_ =	shalt  }
0x61: {  	_ =	shalt  }
0x62: {  	_ =	shalt  }
0x63: {  	_ =	shalt  }
0x64: {  	_ =	shalt  }
0x65: {  	_ =	shalt  }
0x66: {  	_ =	shalt  }
0x67: {  	_ =	shalt  }
0x68: {  	_ =	shalt  }
0x69: {  	_ =	shalt  }
0x6a: {  	_ =	shalt  }
0x6b: {  	_ =	shalt  }
0x6c: {  	_ =	shalt  }
0x6d: {  	_ =	shalt  }
0x6e: {  	_ =	shalt  }
0x6f: {  	_ =	shalt  }
0x70: {  	_ =	shalt  }
0x71: {  	_ =	shalt  }
0x72: {  	_ =	shalt  }
0x73: {  	_ =	shalt  }
0x74: {  	_ =	shalt  }
0x75: {  	_ =	shalt  }
0x76: {  	_ =	shalt  }
0x77: {  	_ =	shalt  }
0x78: {  	_ =	shalt  }
0x79: {  	_ =	shalt  }
0x7a: {  	_ =	shalt  }
0x7b: {  	_ =	shalt  }
0x7c: {  	_ =	shalt  }
0x7d: {  	_ =	shalt  }
0x7e: {  	_ =	shalt  }
0x7f: {  	_ =	shalt  }
0x80: {  	_ =	shalt  }
0x81: {  	_ =	shalt  }
0x82: {  	_ =	shalt  }
0x83: {  	_ =	shalt  }
0x84: {  	_ =	shalt  }
0x85: {  	_ =	shalt  }
0x86: {  	_ =	shalt  }
0x87: {  	_ =	shalt  }
.Lfunc_end0:
.L_simem_size_0:
called_computation.2_lowered:
.L_overlay_start_0:
0x88: {  	s2 =	sld [smem:$0x3FD9]  }
0x89: {  	s3 =	sld [smem:$0x3FFE];
	_ =	sdelay $0x1  }
0x8a: {  	s1 =	srdreg.scid  }
0x8b: {  	s0 =	sand.u32 $0x1, s1  }
0x8c: {  	s14 =	sshll.u32 s0, $0xA;
	s2 =	sadd.s32 s3, s2  }
0x8d: {  	s2 =	sadd.s32 s2, s14  }
0x8e: {  	[smem:$0x3FB9] =	sst s2  }
0x8f: {  	_ = 	snop  }
0x90: {  	s2 =	sld [smem:$0x3FD0];
	_ =	sdelay $0x2  }
0x91: {  	s15 =	simm.s32 $0xB;
	s4 =	simm.s32 $0x10  }
0x92: {  	[smem:s4], [sflag:s15] =	dma.local [hbm:s2], $0x1  }
0x93: {  	_ =	swait.eq [sflag:s15], $0x1  }
0x94: {  	[sflag:s15] =	ssyncset.done $0x0  }
0x95: {  	s16 =	sld [smem:$0x10];
	[sflag:s15] =	ssyncadd.s32 $0xFFFFFFFF  }
0x96: {  	s17 =	sld [smem:$0x11];
	(tm) =	ssettm $0x1  }
0x97: {  	s18 =	sld [smem:$0x3FFB];
	_ =	sdelay $0x3  }
0x98: {  	_ =	strace s18  }
0x99: {  	s4 =	sld [smem:$0x3FFC];
	_ =	sdelay $0x3  }
0x9a: {  	_ =	strace s4  }
0x9b: {  	s4 =	sld [smem:$0x3FFD];
	_ =	sdelay $0x3  }
0x9c: {  	_ =	strace s4  }
0x9d: {  	_ =	strace $0x8FFFFFFF  }
0x9e: {  	s19 =	sld [smem:$0x3FDB];
	_ =	sdelay $0x1  }
0x9f: {  	s5 =	simm.s32 $_scs_section_size  }
0xa0: {  	s6 =	simm.s32 $_size__tile_overlayer_lowered;
	s7 =	simm.s32 $_tile_overlayer_lowered  }
0xa1: {  	s22 =	simm.s32 $0x1BFF;
	s21 =	sshll.u32 s7, $0x1;
	s4 =	sadd.s32 s5, s19  }
0xa2: {  	s8 =	simm.s32 $0x0;
	s20 =	sshll.u32 s6, $0x1;
	s6 =	sadd.s32 s21, s4  }
0xa3: {  	[timem:s8], [sflag:s22] =	dma.local [hbm:s6], s20  }
0xa4: {  	_ =	swait.ge [sflag:s22], s20  }
0xa5: {  	s5 =	ssub.s32 $0x0, s20;
	[sflag:s22] =	ssyncset.done $0x0  }
0xa6: {  	[sflag:s22] =	ssyncadd.s32 s5;
	_ =	sdelay $0x1  }
0xa7: {  	s23 =	simm.s32 $0x1B8B  }
0xa8: {  	_ =	swait.ge [sflag:s23], $0x1  }
0xa9: {  	[sflag:s23] =	ssyncset.done $0x0  }
0xaa: {  	s25 =	simm.s32 $0x1B8E;
	s24 =	sld [smem:$0x3FFE];
	[sflag:s23] =	ssyncadd.s32 $0xFFFFFFFF  }
0xab: {  	s26 =	simm.s32 $execute0_lowered;
	[smem:$0x3FD2] =	sst s25  }
0xac: {  	s6 =	sshll.u32 s26, $0x1;
	_ =	strace $0x8000004C;
	[dreg:$0x1] =	wrdreg $0xFFFFFFFF  }
0xad: {  	s28 =	simm.s32 $_size_execute0_lowered;
	s4 =	sadd.s32 s4, s6;
	[dreg:$0x0] =	wrdreg $0x0  }
0xae: {  	s6 =	sshll.u32 s28, $0x1;
	[dreg:$0x2] =	wrdreg s4  }
0xaf: {  	[dreg:$0x3] =	wrdreg s6  }
0xb0: {  	[dreg:$0x4] =	wrdreg $0xC0  }
0xb1: {  	_ =	task [dreg:s8], $0x5FFFF  }
0xb2: {  	[dreg:$0x1] =	wrdreg $0xFFFFFFFF  }
0xb3: {  	[dreg:$0x0] =	wrdreg $0x60  }
0xb4: {  	[dreg:$0x2] =	wrdreg s24  }
0xb5: {  	[dreg:$0x3] =	wrdreg s17  }
0xb6: {  	[dreg:$0x4] =	wrdreg s16  }
0xb7: {  	[dreg:$0x5] =	wrdreg $0x0  }
0xb8: {  	[dreg:$0x6] =	wrdreg $0x140000  }
0xb9: {  	[dreg:$0x7] =	wrdreg $0x9  }
0xba: {  	_ =	task.clear_ibuf [dreg:s8], $0x8FFFF;
	_ =	strace $0x9000004C  }
0xbb: {  	s29 =	simm.s32 $0x9;
	_ =	strace $0x8000004E  }
0xbc: {  	_ =	swait.ge [sflag:s29], $0x1  }
0xbd: {  	[sflag:s29] =	ssyncadd.s32 $0xFFFFFFFF  }
0xbe: {  	_ =	strace $0x9000004E  }
0xbf: {  	_ =	sfence  }
0xc0: {  	s30 =	sld [smem:$0x0];
	_ =	sdelay $0x2  }
0xc1: {  	s31 =	sshll.u32 s1, $0xD;
	s1 =	sshrl.u32 s1, $0x2  }
0xc2: {  	s3 =	sand.u32 $0x4000, s31;
	s1 =	sadd.s32 s1, s30  }
0xc3: {  	s0 =	sor.u32 s3, s0;
	s1 =	sshll.u32 s1, $0x11  }
0xc4: {  	s0 =	sor.u32 s1, s0  }
0xc5: {  	s0 =	sadd.s32 $0x8F2B, s0  }
0xc6: {  	[sflag:s0] =	ssyncadd.remote.s32 $0x1  }
0xc7: {  	_ =	sfence.sel $0xFFFF  }
0xc8: {  	[dreg:$0x0] =	wrdreg $0xFFFFFFFF;
	(pc) =	sbr.abs _section_cstart, $3  }
0xc9: {  	[dreg:$0x1] =	wrdreg $0xFFFFFFFF  }
0xca: {  	_ =	task.clear_ibuf [dreg:s8], $0x2FFFF;
	_ =	strace $0x9FFFFFFF  }
0xcb: {  	(tm) =	ssettm $0x7FFFFFFF  }
tec
execute0_lowered:
.L_overlay_start_1:
0x0: {  	(tag) =	ssettag $0x1  }
0x1: {  	s4 =	rddreg [dreg:$0x0]  }
0x2: {  	s0 =	rddreg [dreg:$0x1]  }
0x3: {  	s1 =	rddreg [dreg:$0x2]  }
0x4: {  	s2 =	rddreg [dreg:$0x3]  }
0x5: {  	s3 =	rddreg [dreg:$0x4];
	s5 =	simm.s32 $0x0  }
0x6: {  	s6 =	srdreg.scid;
	s18 =	stileid.u32;
	s31 =	simm.s32 $0x3  }
0x7: {  	s30 =	simm.s32 $0x80;
	[smem:$0x7FF] =	sst s5;
	s7 =	sadd.s32 $0xE800, s4  }
0x8: {  	s6 =	sand.u32 $0x1, s6;
	s8 =	sshll.u32 s18, $0x1;
	s9 =	sadd.s32 $0x4A00, s4  }
0x9: {  	s23 =	sadd.s32 $0x4C00, s4;
	s10 =	sadd.s32 $0x18600, s4;
	s14 =	smul.u32 $0x50000, s18  }
0xa: {  	s11 =	sadd.s32 $0x40600, s4;
	s12 =	sadd.s32 $0x4E00, s4;
	s16 =	smul.u32 $0xA00, s18  }
0xb: {  	s4 =	sadd.s32 $0x5400, s4;
	_ =	strace $0x8000004D;
	[dreg:$0x6] =	wrdreg s9  }
0xc: {  	s26 =	sshll.u32 s18, $0x6;
	p1 =	sgt.u32 s18, $0x9;
	[dreg:$0x7] =	wrdreg s23  }
0xd: {  	s8 =	sor.u32 s6, s8;
	s9 =	sor.u32 $0x1C03, s26;
	s26 =	smul.u32 $0x9C, s18  }
0xe: {  	s13 =	ssub.s32 $0x2, s6;
	p0 =	seq.s32 s6, $0x1;
	s6 =	smul.u32 $0x4E, s6  }
0xf: {  	s24 =	smul.u32 $0x4E, s8;
	s15 =	sshrl.u32 s13, $0x1;
	s8 =	smin.u32 s8, $0x4  }
0x10: {  	s25 =	sshrl.u32 s14, $0x2;
	s16 =	sshrl.u32 s16, $0x2;
	s10 =	smov.u32 @p0 s11  }
0x11: {  	s12 =	smov.u32 @p0 s4;
	p0 =	sgt.u32 s18, $0x1;
	s13 =	ssub.s32 s13, s15  }
0x12: {  	s20 =	sadd.s32 s25, s2;
	s17 =	sadd.s32 s16, s3;
	s25 =	sshll.u32 s18, $0xE  }
0x13: {  	s6 =	sadd.s32 s6, s26;
	s15 =	sadd.s32 s8, s24;
	[dreg:$0x8] =	wrdreg s17  }
0x14: {  	s10 =	sadd.s32 s10, s25;
	s6 =	sadd.s32 s8, s6;
	s26 =	smax.u32 s13, $0x1  }
0x15: {  	s13 =	sadd.s32 $0x4000, s20;
	s28 =	smov.u32 s20;
	s19 =	sshll.u32 s15, $0x4  }
0x16: {  	s21 =	sshll.u32 s15, $0xB;
	s17 =	sadd.s32 $0x4E, s15;
	[dreg:$0xb] =	wrdreg s10  }
0x17: {  	[dreg:$0xf] =	wrdreg s26;
	s14 =	sadd.s32 s7, s19;
	s22 =	sadd.s32 s0, s21  }
0x18: {  	s23 =	sshll.u32 s17, $0xB;
	s24 =	sshll.u32 s17, $0x4;
	s17 =	sshll.u32 s18, $0xA  }
0x19: {  	s19 =	sshll.u32 s18, $0x11;
	s21 =	sadd.s32 $0x4D, s15;
	[dreg:$0x9] =	wrdreg s14  }
0x1a: {  	s15 =	sadd.s32 $0xC000, s20;
	[dreg:$0xa] =	wrdreg s22;
	s14 =	sand.u32 $0x1FFFF800, s23  }
0x1b: {  	s16 =	sadd.s32 s7, s24;
	s10 =	sadd.s32 s17, s3;
	s22 =	sshll.u32 s21, $0xB  }
0x1c: {  	s23 =	sshll.u32 s6, $0xB;
	s11 =	sshll.u32 s21, $0x4;
	s24 =	sshll.u32 s18, $0x7  }
0x1d: {  	s6 =	sshll.u32 s6, $0x4;
	[dreg:$0xc] =	wrdreg s16;
	s14 =	sadd.s32 s0, s14  }
0x1e: {  	[dreg:$0xe] =	wrdreg s10;
	s10 =	sadd.s32 s19, s2;
	s8 =	sand.u32 $0x1FFFF800, s22  }
0x1f: {  	s25 =	sand.u32 $0xFFFFFF0, s11;
	s6 =	sadd.s32 s6, s7;
	s4 =	sadd.s32 s12, s24  }
0x20: {  	s16 =	sshrl.u32 s15, $0x3;
	s15 =	simm.s32 $0x14380;
	[dreg:$0xd] =	wrdreg s14  }
0x21: {  	s17 =	sadd.s32 s0, s8;
	s0 =	sadd.s32 s23, s0;
	s19 =	sadd.s32 s7, s25  }
0x22: {  	[dreg:$0x10] =	wrdreg s4;
	s22 =	sadd.s32 $0x20, s6;
	s24 =	sadd.s32 $0x10, s6  }
0x23: {  	s14 =	sadd.s32 $0x8000, s20;
	[dreg:$0x13] =	wrdreg s16;
	s25 =	sadd.s32 $0x10000, s20  }
0x24: {  	s26 =	sshrl.u32 s10, $0x3;
	s4 =	simm.s32 $0x1C380;
	s16 =	simm.s32 $0x18380  }
.Ltmp0:
0x25: {  	s20 =	simm.s32 $0x1;
	s6 =	simm.s32 $0x2;
	(pc) =	sbr.rel .LBB2_1-.Ltmp0, $4  }
0x26: {  	s7 =	simm.s32 $0x0;
	s21 =	sadd.s32 $0x1000, s0;
	s23 =	sadd.s32 $0x800, s0  }
0x27: {  	s0 =	sshrl.u32 s13, $0x3;
	s29 =	sshrl.u32 s25, $0x3;
	[dreg:$0x14] =	wrdreg s26  }
0x28: {  	s13 =	simm.s32 $0x14300;
	[dreg:$0x11] =	wrdreg s0;
	s0 =	sshrl.u32 s14, $0x3  }
0x29: {  	s14 =	simm.s32 $0x14280;
	[dreg:$0x12] =	wrdreg s0;
	s0 =	simm.s32 $0x1C400  }
.LBB2_4:
0x2a: {  	s8 =	rddreg [dreg:$0xc]  }
0x2b: {  	[tilespmem:s14], [sflag:$0x1] =	stream.linear.gather [hbm4b:s8+s5], $0x80, $0x38;
	[tilespmem:$0x1C800] =	vst v63  }
0x2c: {  	s26 =	rddreg [dreg:$0xd]  }
0x2d: {  	[tilespmem:s15], [sflag:$0x1] =	stream.linear.gather [hbm4b:s26+s5], $0x4000, $0x38;
	[tilespmem:$0x1C800] =	vst v63  }
0x2e: {  	_ =	swait.ge [sflag:s20], $0x80  }
0x2f: {  	[sflag:s20] =	ssyncset.done $0x0  }
0x30: {  	[sflag:s20] =	ssyncadd.s32 $0xFFFFFF80  }
0x31: {  	_ =	swait.ge [sflag:s20], $0x4000  }
0x32: {  	[sflag:s20] =	ssyncset.done $0x0  }
0x33: {  	[sflag:s20] =	ssyncadd.s32 $0xFFFFC000  }
0x34: {  	[spmem:s2] =	stream.indirect.scatter.add.f32 [tilespmem:s15], [sflag:$0x3], $0x80, s14, s30, $0xb8;
	[tilespmem:$0x1C800] =	vst v63  }
0x35: {  	_ =	swait.ge [sflag:s31], $0x4000  }
0x36: {  	[sflag:s31] =	ssyncset.done $0x0  }
0x37: {  	[sflag:s31] =	ssyncadd.s32 $0xFFFFC000  }
0x38: {  	[spmem:s3] =	stream.indirect.scatter.add.f32 [tilespmem:s4], [sflag:$0x3], $0x1, s14, s30, $0xb8;
	[tilespmem:$0x1C800] =	vst v63  }
0x39: {  	_ =	swait.ge [sflag:s31], $0x80  }
0x3a: {  	[sflag:s31] =	ssyncset.done $0x0  }
0x3b: {  	[sflag:s31] =	ssyncadd.s32 $0xFFFFFF80  }
0x3c: {  	[bflag:$0x0] =	sbarrier.arrive $0xFFFF  }
.LBB2_6:
0x3d: {  	s8 =	rddreg [dreg:$0xe]  }
0x3e: {  	[tilespmem:s0], [sflag:$0x3] =	stream.linear.gather [spmem:s8], $0x400, $0x38;
	[tilespmem:$0x1C800] =	vst v63  }
0x3f: {  	_ =	swait.ge [sflag:s31], $0x400  }
0x40: {  	[sflag:s31] =	ssyncset.done $0x0;
	s25 =	rddreg [dreg:$0xb]  }
0x41: {  	s10 =	rddreg [dreg:$0x14];
	[sflag:s31] =	ssyncadd.s32 $0xFFFFFC00  }
0x42: {  	[hbm:s25], [sflag:s9] =	dma.local [spmem:s10], $0x4000  }
0x43: {  	_ =	swait.ge [sflag:s31], $0x4000  }
0x44: {  	[sflag:s31] =	ssyncset.done $0x0  }
0x45: {  	s26 =	rddreg [dreg:$0x10];
	[sflag:s31] =	ssyncadd.s32 $0xFFFFC000  }
0x46: {  	[hbm4b:s26+s5] =	stream.linear.scatter [tilespmem:s0], [sflag:$0x3], $0x400, $0x38;
	[tilespmem:$0x1C800] =	vst v63  }
0x47: {  	_ =	swait.ge [sflag:s31], $0x400  }
0x48: {  	[sflag:s31] =	ssyncset.done $0x0  }
0x49: {  	[sflag:s31] =	ssyncadd.s32 $0xFFFFFC00  }
.LBB2_7:
0x4a: {  	s7 =	sadd.s32 $0x1, s7;
	s8 =	rddreg [dreg:$0xf]  }
0x4b: {  	p2 =	sne.s32 s7, s8  }
.Ltmp1:
0x4c: {  	_ = 	snop;
	(pc) =	sbr.rel @!p2 .LBB2_8-.Ltmp1, $1  }
0x4d: {  	_ =	sdelay $0x3  }
.LBB2_1:
0x4e: {  	s8 =	sshrl.u32 s28, $0x3  }
0x4f: {  	[spmem:s8], [sflag:s9] =	dma.local [hbm:s1], $0x800  }
0x50: {  	_ =	swait.ge [sflag:s31], $0x800  }
0x51: {  	[sflag:s31] =	ssyncset.done $0x0  }
0x52: {  	s12 =	rddreg [dreg:$0x11];
	[sflag:s31] =	ssyncadd.s32 $0xFFFFF800  }
0x53: {  	[spmem:s12], [sflag:s9] =	dma.local [hbm:s1], $0x800  }
0x54: {  	_ =	swait.ge [sflag:s31], $0x800  }
0x55: {  	[sflag:s31] =	ssyncset.done $0x0  }
0x56: {  	s18 =	rddreg [dreg:$0x12];
	[sflag:s31] =	ssyncadd.s32 $0xFFFFF800  }
0x57: {  	[spmem:s18], [sflag:s9] =	dma.local [hbm:s1], $0x800  }
0x58: {  	_ =	swait.ge [sflag:s31], $0x800  }
0x59: {  	[sflag:s31] =	ssyncset.done $0x0  }
0x5a: {  	s25 =	rddreg [dreg:$0x13];
	[sflag:s31] =	ssyncadd.s32 $0xFFFFF800  }
0x5b: {  	[spmem:s25], [sflag:s9] =	dma.local [hbm:s1], $0x800  }
0x5c: {  	_ =	swait.ge [sflag:s31], $0x800  }
0x5d: {  	[sflag:s31] =	ssyncset.done $0x0  }
0x5e: {  	[sflag:s31] =	ssyncadd.s32 $0xFFFFF800  }
0x5f: {  	[spmem:s29], [sflag:s9] =	dma.local [hbm:s1], $0x800  }
0x60: {  	_ =	swait.ge [sflag:s31], $0x800  }
0x61: {  	[sflag:s31] =	ssyncset.done $0x0  }
0x62: {  	s26 =	rddreg [dreg:$0x6];
	[sflag:s31] =	ssyncadd.s32 $0xFFFFF800  }
0x63: {  	[tilespmem:s0], [sflag:$0x3] =	stream.linear.gather [hbm4b:s26+s5], $0x400, $0x38;
	[tilespmem:$0x1C800] =	vst v63  }
0x64: {  	_ =	swait.ge [sflag:s31], $0x400  }
0x65: {  	[sflag:s31] =	ssyncset.done $0x0  }
0x66: {  	s10 =	rddreg [dreg:$0x8];
	[sflag:s31] =	ssyncadd.s32 $0xFFFFFC00  }
0x67: {  	[spmem:s10] =	stream.linear.scatter [tilespmem:s0], [sflag:$0x3], $0x280, $0x38;
	[tilespmem:$0x1C800] =	vst v63  }
0x68: {  	_ =	swait.ge [sflag:s31], $0x280  }
0x69: {  	[sflag:s31] =	ssyncset.done $0x0  }
0x6a: {  	s11 =	rddreg [dreg:$0x7];
	[sflag:s31] =	ssyncadd.s32 $0xFFFFFD80  }
0x6b: {  	[tilespmem:s4], [sflag:$0x3] =	stream.linear.gather [hbm4b:s11+s5], $0x80, $0x38;
	[tilespmem:$0x1C800] =	vst v63  }
0x6c: {  	_ =	swait.ge [sflag:s31], $0x80  }
0x6d: {  	[sflag:s31] =	ssyncset.done $0x0  }
0x6e: {  	[sflag:s31] =	ssyncadd.s32 $0xFFFFFF80  }
0x6f: {  	[bflag:$0x0] =	sbarrier.arrive $0xFFFF  }
0x70: {  	s12 =	rddreg [dreg:$0x9]  }
0x71: {  	[tilespmem:s14], [sflag:$0x1] =	stream.linear.gather [hbm4b:s12+s5], $0x80, $0x38;
	[tilespmem:$0x1C800] =	vst v63  }
0x72: {  	s18 =	rddreg [dreg:$0xa]  }
0x73: {  	[tilespmem:s15], [sflag:$0x1] =	stream.linear.gather [hbm4b:s18+s5], $0x4000, $0x38;
	[tilespmem:$0x1C800] =	vst v63  }
0x74: {  	s25 =	sadd.s32 $0x0, s24  }
0x75: {  	[tilespmem:s13], [sflag:$0x2] =	stream.linear.gather [hbm4b:s25+s5], $0x80, $0x38;
	[tilespmem:$0x1C800] =	vst v63  }
0x76: {  	_ = 	snop  }
0x77: {  	[tilespmem:s16], [sflag:$0x2] =	stream.linear.gather [hbm4b:s23+s5], $0x4000, $0x38;
	[tilespmem:$0x1C800] =	vst v63  }
0x78: {  	_ =	swait.ge [sflag:s20], $0x80  }
0x79: {  	[sflag:s20] =	ssyncset.done $0x0  }
0x7a: {  	[sflag:s20] =	ssyncadd.s32 $0xFFFFFF80  }
0x7b: {  	_ =	swait.ge [sflag:s20], $0x4000  }
0x7c: {  	[sflag:s20] =	ssyncset.done $0x0  }
0x7d: {  	[sflag:s20] =	ssyncadd.s32 $0xFFFFC000  }
0x7e: {  	[spmem:s2] =	stream.indirect.scatter.add.f32 [tilespmem:s15], [sflag:$0x3], $0x80, s14, s30, $0xb8;
	[tilespmem:$0x1C800] =	vst v63  }
0x7f: {  	_ =	swait.ge [sflag:s31], $0x4000  }
0x80: {  	[sflag:s31] =	ssyncset.done $0x0  }
0x81: {  	[sflag:s31] =	ssyncadd.s32 $0xFFFFC000  }
0x82: {  	[spmem:s3] =	stream.indirect.scatter.add.f32 [tilespmem:s4], [sflag:$0x3], $0x1, s14, s30, $0xb8;
	[tilespmem:$0x1C800] =	vst v63  }
0x83: {  	_ =	swait.ge [sflag:s31], $0x80  }
0x84: {  	[sflag:s31] =	ssyncset.done $0x0  }
0x85: {  	s26 =	sadd.s32 $0x0, s22;
	[sflag:s31] =	ssyncadd.s32 $0xFFFFFF80  }
0x86: {  	[tilespmem:s14], [sflag:$0x1] =	stream.linear.gather [hbm4b:s26+s5], $0x80, $0x38;
	[tilespmem:$0x1C800] =	vst v63  }
0x87: {  	_ = 	snop  }
0x88: {  	[tilespmem:s15], [sflag:$0x1] =	stream.linear.gather [hbm4b:s21+s5], $0x4000, $0x38;
	[tilespmem:$0x1C800] =	vst v63  }
0x89: {  	_ =	swait.ge [sflag:s6], $0x80  }
0x8a: {  	[sflag:s6] =	ssyncset.done $0x0  }
0x8b: {  	[sflag:s6] =	ssyncadd.s32 $0xFFFFFF80  }
0x8c: {  	_ =	swait.ge [sflag:s6], $0x4000  }
0x8d: {  	[sflag:s6] =	ssyncset.done $0x0  }
0x8e: {  	[sflag:s6] =	ssyncadd.s32 $0xFFFFC000  }
0x8f: {  	[spmem:s2] =	stream.indirect.scatter.add.f32 [tilespmem:s16], [sflag:$0x3], $0x80, s13, s30, $0xb8;
	[tilespmem:$0x1C800] =	vst v63  }
0x90: {  	_ =	swait.ge [sflag:s31], $0x4000  }
0x91: {  	[sflag:s31] =	ssyncset.done $0x0  }
0x92: {  	[sflag:s31] =	ssyncadd.s32 $0xFFFFC000  }
0x93: {  	[spmem:s3] =	stream.indirect.scatter.add.f32 [tilespmem:s4], [sflag:$0x3], $0x1, s13, s30, $0xb8;
	[tilespmem:$0x1C800] =	vst v63  }
0x94: {  	s10 =	simm.s32 $0x20;
	s11 =	sadd.s32 $0x1000, s21;
	_ =	swait.ge [sflag:s31], $0x80  }
0x95: {  	s12 =	sadd.s32 $0x1000, s23;
	s18 =	simm.s32 $0x40;
	[sflag:s31] =	ssyncset.done $0x0  }
.LBB2_2:
0x96: {  	s25 =	sadd.s32 s10, s24  }
0x97: {  	[sflag:s31] =	ssyncadd.s32 $0xFFFFFF80;
	s26 =	smov.u32 s18;
	s8 =	sadd.s32 $0x20, s18  }
0x98: {  	[tilespmem:s13], [sflag:$0x2] =	stream.linear.gather [hbm4b:s25+s5], $0x80, $0x38;
	[tilespmem:$0x1C800] =	vst v63  }
0x99: {  	p2 =	sne.s32 s18, $0x4A0  }
0x9a: {  	[tilespmem:s16], [sflag:$0x2] =	stream.linear.gather [hbm4b:s12+s5], $0x4000, $0x38;
	[tilespmem:$0x1C800] =	vst v63  }
0x9b: {  	_ =	swait.ge [sflag:s20], $0x80  }
0x9c: {  	[sflag:s20] =	ssyncset.done $0x0  }
0x9d: {  	[sflag:s20] =	ssyncadd.s32 $0xFFFFFF80  }
0x9e: {  	_ =	swait.ge [sflag:s20], $0x4000  }
0x9f: {  	[sflag:s20] =	ssyncset.done $0x0  }
0xa0: {  	[sflag:s20] =	ssyncadd.s32 $0xFFFFC000  }
0xa1: {  	[spmem:s2] =	stream.indirect.scatter.add.f32 [tilespmem:s15], [sflag:$0x3], $0x80, s14, s30, $0xb8;
	[tilespmem:$0x1C800] =	vst v63  }
0xa2: {  	_ =	swait.ge [sflag:s31], $0x4000  }
0xa3: {  	[sflag:s31] =	ssyncset.done $0x0  }
0xa4: {  	[sflag:s31] =	ssyncadd.s32 $0xFFFFC000  }
0xa5: {  	[spmem:s3] =	stream.indirect.scatter.add.f32 [tilespmem:s4], [sflag:$0x3], $0x1, s14, s30, $0xb8;
	[tilespmem:$0x1C800] =	vst v63  }
0xa6: {  	_ =	swait.ge [sflag:s31], $0x80  }
0xa7: {  	[sflag:s31] =	ssyncset.done $0x0  }
0xa8: {  	s18 =	sadd.s32 s10, s22;
	s10 =	smov.u32 s26;
	[sflag:s31] =	ssyncadd.s32 $0xFFFFFF80  }
0xa9: {  	[tilespmem:s14], [sflag:$0x1] =	stream.linear.gather [hbm4b:s18+s5], $0x80, $0x38;
	[tilespmem:$0x1C800] =	vst v63  }
0xaa: {  	_ = 	snop  }
0xab: {  	[tilespmem:s15], [sflag:$0x1] =	stream.linear.gather [hbm4b:s11+s5], $0x4000, $0x38;
	[tilespmem:$0x1C800] =	vst v63  }
0xac: {  	_ =	swait.ge [sflag:s6], $0x80  }
0xad: {  	[sflag:s6] =	ssyncset.done $0x0  }
0xae: {  	[sflag:s6] =	ssyncadd.s32 $0xFFFFFF80  }
0xaf: {  	_ =	swait.ge [sflag:s6], $0x4000  }
0xb0: {  	[sflag:s6] =	ssyncset.done $0x0  }
0xb1: {  	[sflag:s6] =	ssyncadd.s32 $0xFFFFC000  }
0xb2: {  	[spmem:s2] =	stream.indirect.scatter.add.f32 [tilespmem:s16], [sflag:$0x3], $0x80, s13, s30, $0xb8;
	[tilespmem:$0x1C800] =	vst v63  }
0xb3: {  	_ =	swait.ge [sflag:s31], $0x4000  }
.Ltmp2:
0xb4: {  	[sflag:s31] =	ssyncset.done $0x0;
	(pc) =	sbr.rel @p2 .LBB2_2-.Ltmp2, $4  }
0xb5: {  	[sflag:s31] =	ssyncadd.s32 $0xFFFFC000  }
0xb6: {  	[spmem:s3] =	stream.indirect.scatter.add.f32 [tilespmem:s4], [sflag:$0x3], $0x1, s13, s30, $0xb8;
	[tilespmem:$0x1C800] =	vst v63  }
0xb7: {  	s12 =	sadd.s32 $0x1000, s12;
	_ =	swait.ge [sflag:s31], $0x80  }
0xb8: {  	s18 =	smov.u32 s8;
	s11 =	sadd.s32 $0x1000, s11;
	[sflag:s31] =	ssyncset.done $0x0  }
0xb9: {  	s8 =	sadd.s32 s10, s24;
	[sflag:s31] =	ssyncadd.s32 $0xFFFFFF80  }
0xba: {  	[tilespmem:s13], [sflag:$0x2] =	stream.linear.gather [hbm4b:s8+s5], $0x80, $0x38;
	[tilespmem:$0x1C800] =	vst v63  }
0xbb: {  	_ = 	snop  }
0xbc: {  	[tilespmem:s16], [sflag:$0x2] =	stream.linear.gather [hbm4b:s12+s5], $0x4000, $0x38;
	[tilespmem:$0x1C800] =	vst v63  }
0xbd: {  	_ =	swait.ge [sflag:s20], $0x80  }
0xbe: {  	[sflag:s20] =	ssyncset.done $0x0  }
0xbf: {  	[sflag:s20] =	ssyncadd.s32 $0xFFFFFF80  }
0xc0: {  	_ =	swait.ge [sflag:s20], $0x4000  }
0xc1: {  	[sflag:s20] =	ssyncset.done $0x0  }
0xc2: {  	[sflag:s20] =	ssyncadd.s32 $0xFFFFC000  }
0xc3: {  	[spmem:s2] =	stream.indirect.scatter.add.f32 [tilespmem:s15], [sflag:$0x3], $0x80, s14, s30, $0xb8;
	[tilespmem:$0x1C800] =	vst v63  }
0xc4: {  	_ =	swait.ge [sflag:s31], $0x4000  }
0xc5: {  	[sflag:s31] =	ssyncset.done $0x0  }
0xc6: {  	[sflag:s31] =	ssyncadd.s32 $0xFFFFC000  }
0xc7: {  	[spmem:s3] =	stream.indirect.scatter.add.f32 [tilespmem:s4], [sflag:$0x3], $0x1, s14, s30, $0xb8;
	[tilespmem:$0x1C800] =	vst v63  }
0xc8: {  	_ =	swait.ge [sflag:s31], $0x80  }
0xc9: {  	[sflag:s31] =	ssyncset.done $0x0  }
0xca: {  	s26 =	sadd.s32 s10, s22;
	[sflag:s31] =	ssyncadd.s32 $0xFFFFFF80  }
0xcb: {  	[tilespmem:s14], [sflag:$0x1] =	stream.linear.gather [hbm4b:s26+s5], $0x80, $0x38;
	[tilespmem:$0x1C800] =	vst v63  }
0xcc: {  	_ = 	snop  }
0xcd: {  	[tilespmem:s15], [sflag:$0x1] =	stream.linear.gather [hbm4b:s11+s5], $0x4000, $0x38;
	[tilespmem:$0x1C800] =	vst v63  }
0xce: {  	_ =	swait.ge [sflag:s6], $0x80  }
0xcf: {  	[sflag:s6] =	ssyncset.done $0x0  }
0xd0: {  	[sflag:s6] =	ssyncadd.s32 $0xFFFFFF80  }
0xd1: {  	_ =	swait.ge [sflag:s6], $0x4000  }
0xd2: {  	[sflag:s6] =	ssyncset.done $0x0  }
0xd3: {  	[sflag:s6] =	ssyncadd.s32 $0xFFFFC000  }
0xd4: {  	[spmem:s2] =	stream.indirect.scatter.add.f32 [tilespmem:s16], [sflag:$0x3], $0x80, s13, s30, $0xb8;
	[tilespmem:$0x1C800] =	vst v63  }
0xd5: {  	_ =	swait.ge [sflag:s31], $0x4000  }
0xd6: {  	[sflag:s31] =	ssyncset.done $0x0  }
0xd7: {  	[sflag:s31] =	ssyncadd.s32 $0xFFFFC000  }
0xd8: {  	[spmem:s3] =	stream.indirect.scatter.add.f32 [tilespmem:s4], [sflag:$0x3], $0x1, s13, s30, $0xb8;
	[tilespmem:$0x1C800] =	vst v63  }
0xd9: {  	_ =	swait.ge [sflag:s31], $0x80  }
0xda: {  	[sflag:s31] =	ssyncset.done $0x0  }
0xdb: {  	[sflag:s31] =	ssyncadd.s32 $0xFFFFFF80  }
0xdc: {  	[tilespmem:s13], [sflag:$0x2] =	stream.linear.gather [hbm4b:s19+s5], $0x80, $0x38;
	[tilespmem:$0x1C800] =	vst v63  }
0xdd: {  	_ = 	snop  }
0xde: {  	[tilespmem:s16], [sflag:$0x2] =	stream.linear.gather [hbm4b:s17+s5], $0x4000, $0x38;
	[tilespmem:$0x1C800] =	vst v63  }
0xdf: {  	_ =	swait.ge [sflag:s20], $0x80  }
0xe0: {  	[sflag:s20] =	ssyncset.done $0x0  }
0xe1: {  	[sflag:s20] =	ssyncadd.s32 $0xFFFFFF80  }
0xe2: {  	_ =	swait.ge [sflag:s20], $0x4000  }
0xe3: {  	[sflag:s20] =	ssyncset.done $0x0  }
0xe4: {  	[sflag:s20] =	ssyncadd.s32 $0xFFFFC000  }
0xe5: {  	[spmem:s2] =	stream.indirect.scatter.add.f32 [tilespmem:s15], [sflag:$0x3], $0x80, s14, s30, $0xb8;
	[tilespmem:$0x1C800] =	vst v63  }
0xe6: {  	_ =	swait.ge [sflag:s31], $0x4000  }
0xe7: {  	[sflag:s31] =	ssyncset.done $0x0  }
0xe8: {  	[sflag:s31] =	ssyncadd.s32 $0xFFFFC000  }
0xe9: {  	[spmem:s3] =	stream.indirect.scatter.add.f32 [tilespmem:s4], [sflag:$0x3], $0x1, s14, s30, $0xb8;
	[tilespmem:$0x1C800] =	vst v63  }
0xea: {  	_ =	swait.ge [sflag:s31], $0x80  }
0xeb: {  	[sflag:s31] =	ssyncset.done $0x0  }
0xec: {  	[sflag:s31] =	ssyncadd.s32 $0xFFFFFF80  }
0xed: {  	[tilespmem:s14], [sflag:$0x1] =	stream.linear.gather [hbm4b:s19+s5], $0x80, $0x38;
	[tilespmem:$0x1C800] =	vst v63  }
0xee: {  	_ = 	snop  }
0xef: {  	[tilespmem:s15], [sflag:$0x1] =	stream.linear.gather [hbm4b:s17+s5], $0x4000, $0x38;
	[tilespmem:$0x1C800] =	vst v63  }
0xf0: {  	_ =	swait.ge [sflag:s6], $0x80  }
0xf1: {  	[sflag:s6] =	ssyncset.done $0x0  }
0xf2: {  	[sflag:s6] =	ssyncadd.s32 $0xFFFFFF80  }
0xf3: {  	_ =	swait.ge [sflag:s6], $0x4000  }
0xf4: {  	[sflag:s6] =	ssyncset.done $0x0  }
0xf5: {  	[sflag:s6] =	ssyncadd.s32 $0xFFFFC000  }
0xf6: {  	[spmem:s2] =	stream.indirect.scatter.add.f32 [tilespmem:s16], [sflag:$0x3], $0x80, s13, s30, $0xb8;
	[tilespmem:$0x1C800] =	vst v63  }
0xf7: {  	_ =	swait.ge [sflag:s31], $0x4000  }
0xf8: {  	[sflag:s31] =	ssyncset.done $0x0  }
0xf9: {  	[sflag:s31] =	ssyncadd.s32 $0xFFFFC000  }
0xfa: {  	[spmem:s3] =	stream.indirect.scatter.add.f32 [tilespmem:s4], [sflag:$0x3], $0x1, s13, s30, $0xb8;
	[tilespmem:$0x1C800] =	vst v63  }
0xfb: {  	_ =	swait.ge [sflag:s31], $0x80  }
0xfc: {  	[sflag:s31] =	ssyncset.done $0x0  }
0xfd: {  	[sflag:s31] =	ssyncadd.s32 $0xFFFFFF80  }
0xfe: {  	_ =	swait.ge [sflag:s20], $0x80  }
.Ltmp3:
0xff: {  	[sflag:s20] =	ssyncset.done $0x0;
	(pc) =	sbr.rel @!p0 .LBB2_4-.Ltmp3, $4  }
0x100: {  	[sflag:s20] =	ssyncadd.s32 $0xFFFFFF80  }
0x101: {  	_ =	swait.ge [sflag:s20], $0x4000  }
0x102: {  	[sflag:s20] =	ssyncset.done $0x0  }
0x103: {  	[sflag:s20] =	ssyncadd.s32 $0xFFFFC000  }
.Ltmp4:
0x104: {  	(pc) =	sbr.rel @p1 .LBB2_7-.Ltmp4, $4  }
.Ltmp5:
0x105: {  	(pc) =	sbr.rel @!p1 .LBB2_6-.Ltmp5, $4  }
0x106: {  	_ = 	snop  }
0x107: {  	[bflag:$0x0] =	sbarrier.arrive $0xFFFF  }
0x108: {  	_ = 	snop  }
0x109: {  	_ = 	snop  }
.LBB2_8:
0x10a: {  	_ =	sfence.sel $0x180000  }
0x10b: {  	[bflag:$0x0] =	sbarrier.arrive $0xFFFF  }
0x10c: {  	_ =	strace $0x9000004D  }
0x10d: {  	s0 =	stileid.u32;
	[bflag:$0x2] =	sbarrier.arrive $0xFFFF  }
0x10e: {  	p0 =	sne.s32 s0, $0x0;
	s0 =	rddreg [dreg:$0x5]  }
0x10f: {  	s0 =	sadd.s32 @!p0 $0x100000, s0  }
0x110: {  	[sflag:s0] =	ssyncadd.tile.s32 @!p0 $0x1;
	_ =	shalt  }
.Lfunc_end2:
_tile_overlayer_lowered:
.L_overlay_start_2:
0x111: {  	(tag) =	ssettag $0x2  }
0x112: {  	s0 =	rddreg [dreg:$0x0];
	s2 =	stileid.u32  }
0x113: {  	s1 =	rddreg [dreg:$0x1];
	p0 =	sne.s32 s2, $0x0  }
0x114: {  	s3 =	rddreg [dreg:$0x2];
	[bflag:$0x3] =	sbarrier.arrive $0xFFFF;
	s2 =	simm.s32 @!p0 $0x1C03  }
0x115: {  	[timem:s3], [sflag:s2] =	dma.local @!p0 [hbm:s0], s1  }
0x116: {  	s0 =	simm.s32 @!p0 $0x3  }
0x117: {  	_ =	swait.ge @!p0 [sflag:s0], s1  }
0x118: {  	s1 =	ssub.s32 @!p0 $0x0, s1;
	[sflag:s0] =	ssyncset.done @!p0 $0x0  }
0x119: {  	[sflag:s0] =	ssyncadd.s32 @!p0 s1  }
0x11a: {  	[bflag:$0x3] =	sbarrier.arrive $0xFFFF  }
0x11b: {  	_ =	shalt  }

// kernel: kernel.9.cloned.1.call-start
scs
__scs_entry_jumppad:
0x0: {  	(pc) =	sbr.rel $0x88, $3  }
0x1: {  	(tag) =	ssettag $0x0;
	lr =	simm.s32 $0x1  }
0x2: {  	[smem:$0x3F92] =	sst lr;
	_ =	strace $0xD0000000  }
0x3: {  	_ = 	snop  }
0x4: {  	_ = 	snop  }
0x5: {  	_ = 	snop  }
0x6: {  	_ = 	snop  }
0x7: {  	_ = 	snop  }
__scs_overlays_trampoline_lowered:
0x8: {  	[smem:$0x3FA1] =	sst s0  }
0x9: {  	[smem:$0x3FA2] =	sst s1  }
0xa: {  	[smem:$0x3FA3] =	sst s2  }
0xb: {  	[smem:$0x3FA4] =	sst s3  }
0xc: {  	[smem:$0x3FA5] =	sst s4  }
0xd: {  	[smem:$0x3FA6] =	sst s5  }
0xe: {  	[smem:$0x3FA7] =	sst s6  }
0xf: {  	[smem:$0x3FA8] =	sst s7  }
0x10: {  	[smem:$0x3FA9] =	sst s8  }
0x11: {  	[smem:$0x3FAA] =	sst s9;
	s0 =	simm.s32 @!p0 $0x0  }
0x12: {  	s1 =	sld [smem:$0x3F90];
	s0 =	simm.s32 @p0 $0x1  }
0x13: {  	[smem:$0x3FAB] =	sst s0;
	s0 =	simm.s32 @!p1 $0x0  }
0x14: {  	s2 =	sld [smem:$0x3F8F];
	s0 =	simm.s32 @p1 $0x1  }
0x15: {  	[smem:$0x3FAC] =	sst s0;
	s0 =	simm.s32 @!p2 $0x0  }
0x16: {  	s3 =	sld [smem:$0x3FDB];
	s0 =	simm.s32 @p2 $0x1  }
0x17: {  	s4 =	simm.s32 $0x1BF5;
	[smem:$0x3FAE] =	sst s0  }
0x18: {  	s0 =	sld [smem:$0x3F91];
	_ =	swait.ge [sflag:s4], $0x0  }
0x19: {  	s7 =	sld [smem:$0x3F92]  }
0x1a: {  	s8 =	sadd.s32 $0xFFFFE003, lr  }
0x1b: {  	s9 =	sadd.s32 $0xFFFFFEF7, lr;
	s5 =	simm.s32 $0xFFFFFFFF;
	p2 =	slt.u32 s8, $0xFFFFF086  }
0x1c: {  	p1 =	slt.u32 s9, $0xF7A;
	s5 =	simm.s32 @!p2 $0x0  }
0x1d: {  	s5 =	simm.s32 @p1 $0x1;
	p0 =	seq.s32 s7, s2  }
0x1e: {  	s7 =	smul.u32 @!p0 $0xF7A, s2;
	p2 =	seq.s32 @!p0 s5, $0x0  }
0x1f: {  	s9 =	smul.u32 $0xF7A, s1;
	s8 =	simm.s32 @!p0 $0x1BF5;
	p2 =	por !p2, p0  }
0x20: {  	[sflag:s8] =	ssyncset.s32 @!p0 $0xFFFFF086;
	s6 =	sadd.s32 @!p0 s3, s7;
	s7 =	simm.s32 @!p0 $0x108  }
0x21: {  	s3 =	sadd.s32 s3, s9;
	s6 =	sadd.s32 @!p0 $0x88, s6;
	s7 =	simm.s32 @p2 $0x1082  }
0x22: {  	[simem:s7], [sflag:s8] =	dma.local @!p0 [hbm:s6], $0xF7A  }
0x23: {  	s9 =	sor.u32 $0xD0000000, s2;
	s6 =	simm.s32 $0x108;
	_ =	swait.ge @!p0 [sflag:s8], $0x0  }
0x24: {  	s3 =	sadd.s32 $0x88, s3;
	s6 =	simm.s32 @!p1 $0x1082;
	[sflag:s4] =	ssyncset.s32 $0xFFFFF086  }
0x25: {  	[simem:s6], [sflag:s4] =	dma.local [hbm:s3], $0xF7A  }
0x26: {  	[smem:$0x3F92] =	sst s1;
	(tag) =	ssettag s2;
	_ =	strace s9  }
0x27: {  	s1 =	sld [smem:$0x3FA2]  }
0x28: {  	s2 =	sld [smem:$0x3FA3]  }
0x29: {  	s4 =	sld [smem:$0x3FA5]  }
0x2a: {  	p0 =	seq.s32 s5, $0x0;
	s5 =	sld [smem:$0x3FA6]  }
0x2b: {  	s6 =	sld [smem:$0x3FA7]  }
0x2c: {  	s7 =	sld [smem:$0x3FA8]  }
0x2d: {  	s3 =	simm.s32 $0x108;
	s8 =	sld [smem:$0x3FA9]  }
0x2e: {  	s3 =	simm.s32 @!p0 $0x1082;
	s9 =	sld [smem:$0x3FAA]  }
0x2f: {  	lr =	sadd.s32 s0, s3;
	s0 =	sld [smem:$0x3FA1]  }
0x30: {  	s3 =	sld [smem:$0x3FA4]  }
0x31: {  	[smem:$0x3FAD] =	sst s10  }
0x32: {  	s10 =	sld [smem:$0x3FAB];
	_ =	sdelay $0x3  }
0x33: {  	p0 =	seq.s32 s10, $0x1;
	s10 =	sld [smem:$0x3FAD];
	_ =	sdelay $0x3  }
0x34: {  	[smem:$0x3FAD] =	sst s10  }
0x35: {  	s10 =	sld [smem:$0x3FAC];
	_ =	sdelay $0x3  }
0x36: {  	p1 =	seq.s32 s10, $0x1;
	s10 =	sld [smem:$0x3FAD];
	_ =	sdelay $0x3  }
0x37: {  	[smem:$0x3FAD] =	sst s10  }
0x38: {  	s10 =	sld [smem:$0x3FAE]  }
0x39: {  	_ = 	snop;
	(pc) =	sbr.ind lr, $3  }
0x3a: {  	_ = 	snop  }
0x3b: {  	_ = 	snop  }
0x3c: {  	p2 =	seq.s32 s10, $0x1;
	s10 =	sld [smem:$0x3FAD]  }
0x3d: {  	_ =	shalt  }
0x3e: {  	_ =	shalt  }
0x3f: {  	_ =	shalt  }
0x40: {  	_ =	shalt  }
0x41: {  	_ =	shalt  }
0x42: {  	_ =	shalt  }
0x43: {  	_ =	shalt  }
0x44: {  	_ =	shalt  }
0x45: {  	_ =	shalt  }
0x46: {  	_ =	shalt  }
0x47: {  	_ =	shalt  }
0x48: {  	_ =	shalt  }
0x49: {  	_ =	shalt  }
0x4a: {  	_ =	shalt  }
0x4b: {  	_ =	shalt  }
0x4c: {  	_ =	shalt  }
0x4d: {  	_ =	shalt  }
0x4e: {  	_ =	shalt  }
0x4f: {  	_ =	shalt  }
0x50: {  	_ =	shalt  }
0x51: {  	_ =	shalt  }
0x52: {  	_ =	shalt  }
0x53: {  	_ =	shalt  }
0x54: {  	_ =	shalt  }
0x55: {  	_ =	shalt  }
0x56: {  	_ =	shalt  }
0x57: {  	_ =	shalt  }
0x58: {  	_ =	shalt  }
0x59: {  	_ =	shalt  }
0x5a: {  	_ =	shalt  }
0x5b: {  	_ =	shalt  }
0x5c: {  	_ =	shalt  }
0x5d: {  	_ =	shalt  }
0x5e: {  	_ =	shalt  }
0x5f: {  	_ =	shalt  }
0x60: {  	_ =	shalt  }
0x61: {  	_ =	shalt  }
0x62: {  	_ =	shalt  }
0x63: {  	_ =	shalt  }
0x64: {  	_ =	shalt  }
0x65: {  	_ =	shalt  }
0x66: {  	_ =	shalt  }
0x67: {  	_ =	shalt  }
0x68: {  	_ =	shalt  }
0x69: {  	_ =	shalt  }
0x6a: {  	_ =	shalt  }
0x6b: {  	_ =	shalt  }
0x6c: {  	_ =	shalt  }
0x6d: {  	_ =	shalt  }
0x6e: {  	_ =	shalt  }
0x6f: {  	_ =	shalt  }
0x70: {  	_ =	shalt  }
0x71: {  	_ =	shalt  }
0x72: {  	_ =	shalt  }
0x73: {  	_ =	shalt  }
0x74: {  	_ =	shalt  }
0x75: {  	_ =	shalt  }
0x76: {  	_ =	shalt  }
0x77: {  	_ =	shalt  }
0x78: {  	_ =	shalt  }
0x79: {  	_ =	shalt  }
0x7a: {  	_ =	shalt  }
0x7b: {  	_ =	shalt  }
0x7c: {  	_ =	shalt  }
0x7d: {  	_ =	shalt  }
0x7e: {  	_ =	shalt  }
0x7f: {  	_ =	shalt  }
0x80: {  	_ =	shalt  }
0x81: {  	_ =	shalt  }
0x82: {  	_ =	shalt  }
0x83: {  	_ =	shalt  }
0x84: {  	_ =	shalt  }
0x85: {  	_ =	shalt  }
0x86: {  	_ =	shalt  }
0x87: {  	_ =	shalt  }
.Lfunc_end0:
.L_simem_size_0:
called_computation_lowered:
.L_overlay_start_0:
0x88: {  	s2 =	sld [smem:$0x3FD9]  }
0x89: {  	s3 =	sld [smem:$0x3FFE];
	_ =	sdelay $0x1  }
0x8a: {  	s1 =	srdreg.scid  }
0x8b: {  	s0 =	sand.u32 $0x1, s1  }
0x8c: {  	s14 =	sshll.u32 s0, $0xA;
	s2 =	sadd.s32 s3, s2  }
0x8d: {  	s2 =	sadd.s32 s2, s14  }
0x8e: {  	[smem:$0x3FB9] =	sst s2  }
0x8f: {  	_ = 	snop  }
0x90: {  	s2 =	sld [smem:$0x3FD0];
	_ =	sdelay $0x2  }
0x91: {  	s15 =	simm.s32 $0xB;
	s4 =	simm.s32 $0x10  }
0x92: {  	[smem:s4], [sflag:s15] =	dma.local [hbm:s2], $0x1  }
0x93: {  	_ =	swait.eq [sflag:s15], $0x1  }
0x94: {  	[sflag:s15] =	ssyncset.done $0x0  }
0x95: {  	[sflag:s15] =	ssyncadd.s32 $0xFFFFFFFF  }
0x96: {  	s16 =	sld [smem:$0x10];
	(tm) =	ssettm $0x1  }
0x97: {  	s17 =	sld [smem:$0x3FFB];
	_ =	sdelay $0x3  }
0x98: {  	_ =	strace s17  }
0x99: {  	s3 =	sld [smem:$0x3FFC];
	_ =	sdelay $0x3  }
0x9a: {  	_ =	strace s3  }
0x9b: {  	s3 =	sld [smem:$0x3FFD];
	_ =	sdelay $0x3  }
0x9c: {  	_ =	strace s3  }
0x9d: {  	_ =	strace $0x8FFFFFFF  }
0x9e: {  	s18 =	sld [smem:$0x3FDB];
	_ =	sdelay $0x1  }
0x9f: {  	s19 =	simm.s32 $_scs_section_size  }
0xa0: {  	s5 =	simm.s32 $_size__tile_overlayer_lowered;
	s6 =	simm.s32 $_tile_overlayer_lowered  }
0xa1: {  	s22 =	simm.s32 $0x1BFF;
	s21 =	sshll.u32 s6, $0x1;
	s3 =	sadd.s32 s19, s18  }
0xa2: {  	s7 =	simm.s32 $0x0;
	s20 =	sshll.u32 s5, $0x1;
	s5 =	sadd.s32 s21, s3  }
0xa3: {  	[timem:s7], [sflag:s22] =	dma.local [hbm:s5], s20  }
0xa4: {  	_ =	swait.ge [sflag:s22], s20  }
0xa5: {  	s4 =	ssub.s32 $0x0, s20;
	[sflag:s22] =	ssyncset.done $0x0  }
0xa6: {  	[sflag:s22] =	ssyncadd.s32 s4;
	_ =	sdelay $0x1  }
0xa7: {  	s23 =	simm.s32 $0x1B8B  }
0xa8: {  	_ =	swait.ge [sflag:s23], $0x1  }
0xa9: {  	[sflag:s23] =	ssyncset.done $0x0  }
0xaa: {  	s25 =	simm.s32 $0x1B8E;
	s24 =	sld [smem:$0x3FFE];
	[sflag:s23] =	ssyncadd.s32 $0xFFFFFFFF  }
0xab: {  	s26 =	simm.s32 $execute0_lowered;
	[smem:$0x3FD2] =	sst s25  }
0xac: {  	s5 =	sshll.u32 s26, $0x1;
	_ =	strace $0x80000046;
	[dreg:$0x1] =	wrdreg $0xFFFFFFFF  }
0xad: {  	s28 =	simm.s32 $_size_execute0_lowered;
	s3 =	sadd.s32 s3, s5;
	[dreg:$0x0] =	wrdreg $0x0  }
0xae: {  	s5 =	sshll.u32 s28, $0x1;
	[dreg:$0x2] =	wrdreg s3  }
0xaf: {  	[dreg:$0x3] =	wrdreg s5  }
0xb0: {  	[dreg:$0x4] =	wrdreg $0xC0  }
0xb1: {  	_ =	task [dreg:s7], $0x5FFFF  }
0xb2: {  	[dreg:$0x1] =	wrdreg $0xFFFFFFFF  }
0xb3: {  	[dreg:$0x0] =	wrdreg $0x60  }
0xb4: {  	[dreg:$0x2] =	wrdreg s24  }
0xb5: {  	[dreg:$0x3] =	wrdreg s16  }
0xb6: {  	[dreg:$0x4] =	wrdreg $0x9  }
0xb7: {  	_ =	task.clear_ibuf [dreg:s7], $0x5FFFF;
	_ =	strace $0x90000046  }
0xb8: {  	s29 =	simm.s32 $0x9;
	_ =	strace $0x80000048  }
0xb9: {  	_ =	swait.ge [sflag:s29], $0x1  }
0xba: {  	[sflag:s29] =	ssyncadd.s32 $0xFFFFFFFF  }
0xbb: {  	_ =	strace $0x90000048  }
0xbc: {  	_ =	sfence  }
0xbd: {  	s30 =	sld [smem:$0x0];
	_ =	sdelay $0x2  }
0xbe: {  	s31 =	sshll.u32 s1, $0xD;
	s1 =	sshrl.u32 s1, $0x2  }
0xbf: {  	s3 =	sand.u32 $0x4000, s31;
	s1 =	sadd.s32 s1, s30  }
0xc0: {  	s0 =	sor.u32 s3, s0;
	s1 =	sshll.u32 s1, $0x11  }
0xc1: {  	s0 =	sor.u32 s1, s0  }
0xc2: {  	s0 =	sadd.s32 $0x8F2B, s0  }
0xc3: {  	[sflag:s0] =	ssyncadd.remote.s32 $0x1  }
0xc4: {  	_ =	sfence.sel $0xFFFF  }
0xc5: {  	[dreg:$0x0] =	wrdreg $0xFFFFFFFF;
	(pc) =	sbr.abs _section_cstart, $3  }
0xc6: {  	[dreg:$0x1] =	wrdreg $0xFFFFFFFF  }
0xc7: {  	_ =	task.clear_ibuf [dreg:s7], $0x2FFFF;
	_ =	strace $0x9FFFFFFF  }
0xc8: {  	(tm) =	ssettm $0x7FFFFFFF  }
0xc9: {  	_ =	shalt  }
tec
execute0_lowered:
.L_overlay_start_1:
0x0: {  	(tag) =	ssettag $0x1  }
0x1: {  	s4 =	rddreg [dreg:$0x0];
	s1 =	srdreg.scid  }
0x2: {  	s0 =	stileid.u32;
	s2 =	rddreg [dreg:$0x1];
	s3 =	simm.s32 $0x0  }
0x3: {  	s9 =	simm.s32 $0x5;
	s10 =	simm.s32 $0x1480;
	s11 =	simm.s32 $0x80  }
0x4: {  	s12 =	simm.s32 $0x2900;
	s13 =	simm.s32 $0x6900;
	s14 =	simm.s32 $0xA900  }
0x5: {  	s15 =	simm.s32 $0xE900;
	s16 =	simm.s32 $0x1;
	s17 =	simm.s32 $0x12900  }
0x6: {  	s18 =	simm.s32 $0x2;
	s19 =	simm.s32 $0x16900;
	s20 =	simm.s32 $0x3  }
0x7: {  	s21 =	simm.s32 $0x4;
	s5 =	sand.u32 $0x1, s1;
	s6 =	sshll.u32 s0, $0x1  }
0x8: {  	s22 =	simm.s32 $0x0;
	s6 =	sor.u32 s5, s6;
	s5 =	ssub.s32 $0x2, s5  }
0x9: {  	[smem:$0x7FF] =	sst s3;
	s7 =	smul.u32 $0x280, s6;
	s8 =	sshrl.u32 s5, $0x1  }
0xa: {  	s1 =	rddreg [dreg:$0x2];
	_ =	strace $0x80000047;
	s8 =	ssub.s32 s5, s8  }
0xb: {  	s5 =	smul.u32 $0x28, s6;
	s7 =	sadd.s32 s7, s4;
	s4 =	sadd.s32 $0x18600, s4  }
0xc: {  	s8 =	smax.u32 s8, $0x1;
	s6 =	sadd.s32 $0x4A00, s7;
	s7 =	sadd.s32 $0xE800, s7  }
.LBB2_1:
0xd: {  	[tilespmem:s3], [sflag:$0x5] =	stream.linear.gather [hbm4b:s6+s3], $0x1400, $0x38;
	[tilespmem:$0x1A900] =	vst v63  }
0xe: {  	_ =	swait.ge [sflag:s9], $0x1400  }
0xf: {  	[sflag:s9] =	ssyncset.done $0x0  }
0x10: {  	[sflag:s9] =	ssyncadd.s32 $0xFFFFEC00  }
0x11: {  	[tilespmem:s10], [sflag:$0x5] =	stream.linear.gather [hbm4b:s7+s3], $0x1400, $0x38;
	[tilespmem:$0x1A900] =	vst v63  }
0x12: {  	_ =	swait.ge [sflag:s9], $0x1400  }
0x13: {  	[sflag:s9] =	ssyncset.done $0x0  }
0x14: {  	[sflag:s9] =	ssyncadd.s32 $0xFFFFEC00  }
0x15: {  	[tilespmem:s12], [sflag:$0x1] =	stream.indirect.gather [hbm4b:s2+s11], $0x80, s3, s11, $0xb8;
	[tilespmem:$0x1A900] =	vst v63  }
0x16: {  	s23 =	simm.s32 $0x0  }
0x17: {  	[tilespmem:s13], [sflag:$0x1] =	stream.indirect.gather [hbm4b:s2+s11], $0x80, s10, s11, $0xb8;
	[tilespmem:$0x1A900] =	vst v63  }
.LBB2_2:
0x18: {  	s24 =	sshllo.u32 s23, $0x1  }
0x19: {  	s25 =	sshll.u32 s24, $0x7  }
0x1a: {  	[tilespmem:s14], [sflag:$0x2] =	stream.indirect.gather [hbm4b:s2+s11], $0x80, s25, s11, $0xb8;
	[tilespmem:$0x1A900] =	vst v63  }
0x1b: {  	s25 =	sadd.s32 $0x1480, s25  }
0x1c: {  	[tilespmem:s15], [sflag:$0x2] =	stream.indirect.gather [hbm4b:s2+s11], $0x80, s25, s11, $0xb8;
	[tilespmem:$0x1A900] =	vst v63  }
0x1d: {  	_ =	swait.ge [sflag:s16], $0x4000  }
0x1e: {  	[sflag:s16] =	ssyncset.done $0x0  }
0x1f: {  	[sflag:s16] =	ssyncadd.s32 $0xFFFFC000  }
0x20: {  	_ =	swait.ge [sflag:s16], $0x4000  }
0x21: {  	[sflag:s16] =	ssyncset.done $0x0  }
0x22: {  	s26 =	simm.s32 $0x0;
	[sflag:s16] =	ssyncadd.s32 $0xFFFFC000  }
0x23: {  	v0 =	vld [tilespmem:s26+$0x2C80]  }
0x24: {  	v1 =	vld [tilespmem:s26+$0x6C90]  }
0x25: {  	v2 =	vld [tilespmem:s26+$0x2900]  }
0x26: {  	v3 =	vld [tilespmem:s26+$0x6910]  }
0x27: {  	v4 =	vld [tilespmem:s26+$0x2980]  }
0x28: {  	v5 =	vld [tilespmem:s26+$0x6990]  }
0x29: {  	v6 =	vld [tilespmem:s26+$0x2A00]  }
0x2a: {  	v7 =	vld [tilespmem:s26+$0x2A80]  }
0x2b: {  	v0 =	vadd.f32 v1, v0;
	v1 =	vld [tilespmem:s26+$0x6A10]  }
0x2c: {  	v8 =	vld [tilespmem:s26+$0x6A90]  }
0x2d: {  	v9 =	vld [tilespmem:s26+$0x6B10];
	v2 =	vadd.f32 v3, v2  }
0x2e: {  	[tilespmem:s26+$0x12C80] =	vst v0;
	v0 =	vadd.f32 v5, v4;
	v5 =	vld [tilespmem:s26+$0x2B00]  }
0x2f: {  	v3 =	vld [tilespmem:s26+$0x6B90];
	[tilespmem:s26+$0x12900] =	vst v2  }
0x30: {  	v2 =	vld [tilespmem:s26+$0x2B80];
	[tilespmem:s26+$0x12980] =	vst v0;
	v0 =	vadd.f32 v1, v6  }
0x31: {  	v4 =	vld [tilespmem:s26+$0x6C10];
	v6 =	vadd.f32 v8, v7  }
0x32: {  	s28 =	simm.s32 $0x400;
	[tilespmem:s26+$0x12A00] =	vst v0;
	v0 =	vld [tilespmem:s26+$0x2C00]  }
0x33: {  	s29 =	simm.s32 $0x2000;
	s25 =	sshll.u32 s23, $0x1;
	v5 =	vadd.f32 v9, v5;
	v1 =	vld [tilespmem:s28+$0x2C80];
	[tilespmem:s26+$0x12A80] =	vst v6  }
.LBB2_3:
0x34: {  	p0 =	sne.s32 s29, $0xF000;
	v6 =	vld [tilespmem:s28+$0x6C90]  }
0x35: {  	v7 =	vld [tilespmem:s28+$0x2900];
	[tilespmem:s26+$0x12B00] =	vst v5;
	v2 =	vadd.f32 v3, v2  }
0x36: {  	v3 =	vld [tilespmem:s28+$0x6910]  }
0x37: {  	v5 =	vld [tilespmem:s28+$0x2980];
	[tilespmem:s26+$0x12B80] =	vst v2;
	v0 =	vadd.f32 v4, v0  }
0x38: {  	v2 =	vld [tilespmem:s28+$0x6990]  }
0x39: {  	v4 =	vld [tilespmem:s28+$0x2A00];
	v1 =	vadd.f32 v6, v1;
	[tilespmem:s26+$0x12C00] =	vst v0;
	s26 =	smov.u32 s28  }
0x3a: {  	v0 =	vld [tilespmem:s26+$0x6A10]  }
0x3b: {  	v3 =	vadd.f32 v3, v7;
	v6 =	vld [tilespmem:s26+$0x2A80];
	[tilespmem:s26+$0x12C80] =	vst v1  }
0x3c: {  	v1 =	vld [tilespmem:s26+$0x6A90]  }
0x3d: {  	[tilespmem:s26+$0x12900] =	vst v3;
	v2 =	vadd.f32 v2, v5;
	v5 =	vld [tilespmem:s26+$0x2B00]  }
0x3e: {  	v7 =	vld [tilespmem:s26+$0x6B10]  }
.Ltmp0:
0x3f: {  	[tilespmem:s26+$0x12980] =	vst v2;
	v0 =	vadd.f32 v0, v4;
	v2 =	vld [tilespmem:s26+$0x2B80];
	(pc) =	sbr.rel @p0 .LBB2_3-.Ltmp0, $4  }
0x40: {  	v3 =	vld [tilespmem:s26+$0x6B90]  }
0x41: {  	[tilespmem:s26+$0x12A00] =	vst v0;
	v6 =	vadd.f32 v1, v6;
	v0 =	vld [tilespmem:s26+$0x2C00]  }
0x42: {  	s28 =	sshra.s32 s29, $0x2;
	v4 =	vld [tilespmem:s26+$0x6C10]  }
0x43: {  	s29 =	sadd.s32 $0x1000, s29;
	v1 =	vld [tilespmem:s28+$0x2C80];
	[tilespmem:s26+$0x12A80] =	vst v6;
	v5 =	vadd.f32 v7, v5  }
0x44: {  	v6 =	vld [tilespmem:s28+$0x6C90]  }
0x45: {  	v7 =	vld [tilespmem:s28+$0x2900];
	[tilespmem:s26+$0x12B00] =	vst v5;
	v2 =	vadd.f32 v3, v2  }
0x46: {  	v3 =	vld [tilespmem:s28+$0x6910]  }
0x47: {  	v5 =	vld [tilespmem:s28+$0x2980];
	[tilespmem:s26+$0x12B80] =	vst v2;
	v0 =	vadd.f32 v4, v0  }
0x48: {  	v2 =	vld [tilespmem:s28+$0x6990]  }
0x49: {  	v4 =	vld [tilespmem:s28+$0x2A00];
	[tilespmem:s26+$0x12C00] =	vst v0  }
0x4a: {  	v0 =	vadd.f32 v6, v1;
	v1 =	vld [tilespmem:s28+$0x6A10]  }
0x4b: {  	v6 =	vld [tilespmem:s28+$0x2A80]  }
0x4c: {  	v3 =	vadd.f32 v3, v7;
	[tilespmem:s28+$0x12C80] =	vst v0;
	v0 =	vld [tilespmem:s28+$0x6A90]  }
0x4d: {  	v7 =	vld [tilespmem:s28+$0x6C10]  }
0x4e: {  	[tilespmem:s28+$0x12900] =	vst v3;
	v2 =	vadd.f32 v2, v5;
	v3 =	vld [tilespmem:s28+$0x2B00]  }
0x4f: {  	v5 =	vld [tilespmem:s28+$0x6B10]  }
0x50: {  	[tilespmem:s28+$0x12980] =	vst v2;
	v1 =	vadd.f32 v1, v4;
	v2 =	vld [tilespmem:s28+$0x2B80]  }
0x51: {  	v4 =	vld [tilespmem:s28+$0x6B90]  }
0x52: {  	[tilespmem:s28+$0x12A00] =	vst v1;
	v1 =	vld [tilespmem:s28+$0x2C00];
	_ =	sdelay $0x1  }
0x53: {  	v0 =	vadd.f32 v0, v6  }
0x54: {  	v3 =	vadd.f32 v5, v3  }
0x55: {  	[tilespmem:s28+$0x12A80] =	vst v0;
	v0 =	vadd.f32 v4, v2  }
0x56: {  	[tilespmem:s28+$0x12B00] =	vst v3;
	v1 =	vadd.f32 v7, v1  }
0x57: {  	p0 =	seq.s32 s23, $0x0;
	[tilespmem:s28+$0x12B80] =	vst v0  }
0x58: {  	s26 =	simm.s32 @!p0 $0x3;
	[tilespmem:s28+$0x12C00] =	vst v1  }
0x59: {  	s30 =	smin.u32 s25, $0x25;
	s28 =	sadd.s32 s5, s25;
	_ =	swait.ge @!p0 [sflag:s26], $0x4000  }
0x5a: {  	s25 =	sshll.u32 s30, $0x7;
	s28 =	sshll.u32 s28, $0xB;
	[sflag:s26] =	ssyncset.done @!p0 $0x0  }
0x5b: {  	s29 =	sadd.s32 s4, s28;
	s28 =	simm.s32 $0x0;
	[sflag:s26] =	ssyncadd.s32 @!p0 $0xFFFFC000  }
0x5c: {  	[hbm4b:s29+s28] =	stream.linear.scatter [tilespmem:s17], [sflag:$0x3], $0x4000, $0x38;
	[tilespmem:$0x1A900] =	vst v63  }
0x5d: {  	s31 =	sadd.s32 $0x100, s25  }
0x5e: {  	[tilespmem:s12], [sflag:$0x1] =	stream.indirect.gather [hbm4b:s2+s11], $0x80, s31, s11, $0xb8;
	[tilespmem:$0x1A900] =	vst v63  }
0x5f: {  	s25 =	sadd.s32 $0x1580, s25  }
0x60: {  	[tilespmem:s13], [sflag:$0x1] =	stream.indirect.gather [hbm4b:s2+s11], $0x80, s25, s11, $0xb8;
	[tilespmem:$0x1A900] =	vst v63  }
0x61: {  	_ =	swait.ge [sflag:s18], $0x4000  }
0x62: {  	[sflag:s18] =	ssyncset.done $0x0  }
0x63: {  	[sflag:s18] =	ssyncadd.s32 $0xFFFFC000  }
0x64: {  	_ =	swait.ge [sflag:s18], $0x4000  }
0x65: {  	[sflag:s18] =	ssyncset.done $0x0  }
0x66: {  	s25 =	simm.s32 $0x0;
	[sflag:s18] =	ssyncadd.s32 $0xFFFFC000  }
0x67: {  	v0 =	vld [tilespmem:s25+$0xAC80]  }
0x68: {  	v1 =	vld [tilespmem:s25+$0xEC90]  }
0x69: {  	v2 =	vld [tilespmem:s25+$0xA900]  }
0x6a: {  	v3 =	vld [tilespmem:s25+$0xE910]  }
0x6b: {  	v4 =	vld [tilespmem:s25+$0xA980]  }
0x6c: {  	v5 =	vld [tilespmem:s25+$0xE990]  }
0x6d: {  	v6 =	vld [tilespmem:s25+$0xAA00]  }
0x6e: {  	v7 =	vld [tilespmem:s25+$0xAA80]  }
0x6f: {  	v0 =	vadd.f32 v1, v0;
	v1 =	vld [tilespmem:s25+$0xEA10]  }
0x70: {  	v8 =	vld [tilespmem:s25+$0xEA90]  }
0x71: {  	v9 =	vld [tilespmem:s25+$0xEB10];
	v2 =	vadd.f32 v3, v2  }
0x72: {  	[tilespmem:s25+$0x16C80] =	vst v0;
	v0 =	vadd.f32 v5, v4;
	v5 =	vld [tilespmem:s25+$0xAB00]  }
0x73: {  	v3 =	vld [tilespmem:s25+$0xEB90];
	[tilespmem:s25+$0x16900] =	vst v2  }
0x74: {  	v2 =	vld [tilespmem:s25+$0xAB80];
	[tilespmem:s25+$0x16980] =	vst v0;
	v0 =	vadd.f32 v1, v6  }
0x75: {  	v4 =	vld [tilespmem:s25+$0xEC10];
	v6 =	vadd.f32 v8, v7  }
0x76: {  	s26 =	simm.s32 $0x400;
	[tilespmem:s25+$0x16A00] =	vst v0;
	v0 =	vld [tilespmem:s25+$0xAC00]  }
0x77: {  	s28 =	simm.s32 $0x2000;
	v5 =	vadd.f32 v9, v5;
	v1 =	vld [tilespmem:s26+$0xAC80];
	[tilespmem:s25+$0x16A80] =	vst v6  }
.LBB2_5:
0x78: {  	p1 =	sne.s32 s28, $0xF000;
	v6 =	vld [tilespmem:s26+$0xEC90]  }
0x79: {  	v7 =	vld [tilespmem:s26+$0xA900];
	[tilespmem:s25+$0x16B00] =	vst v5;
	v2 =	vadd.f32 v3, v2  }
0x7a: {  	v3 =	vld [tilespmem:s26+$0xE910]  }
0x7b: {  	v5 =	vld [tilespmem:s26+$0xA980];
	[tilespmem:s25+$0x16B80] =	vst v2;
	v0 =	vadd.f32 v4, v0  }
0x7c: {  	v2 =	vld [tilespmem:s26+$0xE990]  }
0x7d: {  	v4 =	vld [tilespmem:s26+$0xAA00];
	v1 =	vadd.f32 v6, v1;
	[tilespmem:s25+$0x16C00] =	vst v0;
	s25 =	smov.u32 s26  }
0x7e: {  	v0 =	vld [tilespmem:s25+$0xEA10]  }
0x7f: {  	v3 =	vadd.f32 v3, v7;
	v6 =	vld [tilespmem:s25+$0xAA80];
	[tilespmem:s25+$0x16C80] =	vst v1  }
0x80: {  	v1 =	vld [tilespmem:s25+$0xEA90]  }
0x81: {  	[tilespmem:s25+$0x16900] =	vst v3;
	v2 =	vadd.f32 v2, v5;
	v5 =	vld [tilespmem:s25+$0xAB00]  }
0x82: {  	v7 =	vld [tilespmem:s25+$0xEB10]  }
.Ltmp1:
0x83: {  	[tilespmem:s25+$0x16980] =	vst v2;
	v0 =	vadd.f32 v0, v4;
	v2 =	vld [tilespmem:s25+$0xAB80];
	(pc) =	sbr.rel @p1 .LBB2_5-.Ltmp1, $4  }
0x84: {  	v3 =	vld [tilespmem:s25+$0xEB90]  }
0x85: {  	[tilespmem:s25+$0x16A00] =	vst v0;
	v6 =	vadd.f32 v1, v6;
	v0 =	vld [tilespmem:s25+$0xAC00]  }
0x86: {  	s26 =	sshra.s32 s28, $0x2;
	v4 =	vld [tilespmem:s25+$0xEC10]  }
0x87: {  	s28 =	sadd.s32 $0x1000, s28;
	v1 =	vld [tilespmem:s26+$0xAC80];
	[tilespmem:s25+$0x16A80] =	vst v6;
	v5 =	vadd.f32 v7, v5  }
0x88: {  	v6 =	vld [tilespmem:s26+$0xEC90]  }
0x89: {  	v7 =	vld [tilespmem:s26+$0xA900];
	[tilespmem:s25+$0x16B00] =	vst v5;
	v2 =	vadd.f32 v3, v2  }
0x8a: {  	v51 =	vld [tilespmem:s26+$0xE910]  }
0x8b: {  	v5 =	vld [tilespmem:s26+$0xA980];
	[tilespmem:s25+$0x16B80] =	vst v2;
	v0 =	vadd.f32 v4, v0  }
0x8c: {  	v2 =	vld [tilespmem:s26+$0xE990]  }
0x8d: {  	v52 =	vld [tilespmem:s26+$0xAA00];
	[tilespmem:s25+$0x16C00] =	vst v0  }
0x8e: {  	v54 =	vld [tilespmem:s26+$0xEA10]  }
0x8f: {  	v55 =	vld [tilespmem:s26+$0xAA80]  }
0x90: {  	v56 =	vld [tilespmem:s26+$0xEA90]  }
0x91: {  	v57 =	vld [tilespmem:s26+$0xAB00]  }
0x92: {  	v58 =	vld [tilespmem:s26+$0xEB10]  }
0x93: {  	v59 =	vld [tilespmem:s26+$0xAB80]  }
0x94: {  	v53 =	vadd.f32 v6, v1;
	v60 =	vld [tilespmem:s26+$0xEB90]  }
0x95: {  	v61 =	vld [tilespmem:s26+$0xAC00];
	v3 =	vadd.f32 v51, v7  }
0x96: {  	v62 =	vld [tilespmem:s26+$0xEC10];
	[tilespmem:s26+$0x16C80] =	vst v53;
	v2 =	vadd.f32 v2, v5  }
0x97: {  	[tilespmem:s26+$0x16900] =	vst v3;
	v1 =	vadd.f32 v54, v52  }
0x98: {  	[tilespmem:s26+$0x16980] =	vst v2;
	v0 =	vadd.f32 v56, v55  }
0x99: {  	v3 =	vadd.f32 v58, v57;
	[tilespmem:s26+$0x16A00] =	vst v1  }
0x9a: {  	v63 =	vadd.f32 v60, v59;
	[tilespmem:s26+$0x16A80] =	vst v0  }
0x9b: {  	[tilespmem:s26+$0x16B00] =	vst v3;
	v1 =	vadd.f32 v62, v61  }
0x9c: {  	[tilespmem:s26+$0x16B80] =	vst v63  }
0x9d: {  	s25 =	simm.s32 @!p0 $0x4;
	[tilespmem:s26+$0x16C00] =	vst v1  }
0x9e: {  	_ =	swait.ge @!p0 [sflag:s25], $0x4000  }
0x9f: {  	s23 =	sadd.s32 $0x1, s23;
	[sflag:s25] =	ssyncset.done @!p0 $0x0  }
0xa0: {  	[sflag:s25] =	ssyncadd.s32 @!p0 $0xFFFFC000;
	p0 =	sne.s32 s23, $0x14  }
.Ltmp2:
0xa1: {  	s24 =	sadd.s32 s5, s24;
	(pc) =	sbr.rel @p0 .LBB2_2-.Ltmp2, $4  }
0xa2: {  	s24 =	sshll.u32 s24, $0xB  }
0xa3: {  	s24 =	sand.u32 $0x1FFFF800, s24  }
0xa4: {  	s24 =	sadd.s32 s4, s24  }
0xa5: {  	[hbm4b:s24+s3] =	stream.linear.scatter [tilespmem:s19], [sflag:$0x4], $0x4000, $0x38;
	[tilespmem:$0x1A900] =	vst v63  }
0xa6: {  	_ =	swait.ge [sflag:s16], $0x4000  }
0xa7: {  	[sflag:s16] =	ssyncset.done $0x0  }
0xa8: {  	[sflag:s16] =	ssyncadd.s32 $0xFFFFC000  }
0xa9: {  	_ =	swait.ge [sflag:s16], $0x4000  }
0xaa: {  	[sflag:s16] =	ssyncset.done $0x0  }
0xab: {  	s22 =	sadd.s32 $0x1, s22;
	[sflag:s16] =	ssyncadd.s32 $0xFFFFC000  }
0xac: {  	p0 =	sne.s32 s22, s8;
	_ =	swait.ge [sflag:s20], $0x4000  }
.Ltmp3:
0xad: {  	[sflag:s20] =	ssyncset.done $0x0;
	(pc) =	sbr.rel @p0 .LBB2_1-.Ltmp3, $4  }
0xae: {  	[sflag:s20] =	ssyncadd.s32 $0xFFFFC000  }
0xaf: {  	_ =	swait.ge [sflag:s21], $0x4000  }
0xb0: {  	[sflag:s21] =	ssyncset.done $0x0  }
0xb1: {  	[sflag:s21] =	ssyncadd.s32 $0xFFFFC000  }
0xb2: {  	_ =	sfence.sel $0x180000  }
0xb3: {  	[bflag:$0x0] =	sbarrier.arrive $0xFFFF  }
0xb4: {  	p0 =	sne.s32 s0, $0x0;
	_ =	strace $0x90000047  }
0xb5: {  	s0 =	sadd.s32 @!p0 $0x100000, s1;
	[bflag:$0x2] =	sbarrier.arrive $0xFFFF  }
0xb6: {  	[sflag:s0] =	ssyncadd.tile.s32 @!p0 $0x1;
	_ =	shalt  }
.Lfunc_end2:
_tile_overlayer_lowered:
.L_overlay_start_2:
0xb7: {  	(tag) =	ssettag $0x2  }
0xb8: {  	s0 =	rddreg [dreg:$0x0];
	s2 =	stileid.u32  }
0xb9: {  	s1 =	rddreg [dreg:$0x1];
	p0 =	sne.s32 s2, $0x0  }
0xba: {  	s3 =	rddreg [dreg:$0x2];
	[bflag:$0x3] =	sbarrier.arrive $0xFFFF;
	s2 =	simm.s32 @!p0 $0x1C05  }
0xbb: {  	[timem:s3], [sflag:s2] =	dma.local @!p0 [hbm:s0], s1  }
0xbc: {  	s0 =	simm.s32 @!p0 $0x5  }
0xbd: {  	_ =	swait.ge @!p0 [sflag:s0], s1  }
0xbe: {  	s1 =	ssub.s32 @!p0 $0x0, s1;
	[sflag:s0] =	ssyncset.done @!p0 $0x0  }
0xbf: {  	[sflag:s0] =	ssyncadd.s32 @!p0 s1  }
0xc0: {  	[bflag:$0x3] =	sbarrier.arrive $0xFFFF  }
0xc1: {  	_ =	shalt  }

</sc_bundles>
